<compile_context>
chip_gen: v7x
topology: tpu7x:2x2x1
jax: 0.10.2.dev20260603
libtpu: 0.0.44.dev20260713+nightly
codegen_flags: <defaults>
</compile_context>

<pallas_src>
import functools

import jax
import jax.numpy as jnp
from jax import lax
from jax.experimental import pallas as pl
from jax.experimental.pallas import tpu as pltpu
from jax.experimental.pallas import tpu_sc as plsc

N = 10000
E = 320000
F = 128
H = 200
G = 64

NPAD = 10240
HPAD = 256
EB = 64
EPAD = 327680
IDXROWS = EPAD // EB
BLK = 512
NBLK = NPAD // BLK
EBLK = 512
NEBLK = E // EBLK
NCORES = 2
NSUB = 16
NHI = NPAD // 128
R0 = 160
R1 = 160


def _mesh():
    return plsc.VectorSubcoreMesh(
        core_axis_name="c", subcore_axis_name="s",
        num_cores=NCORES, num_subcores=NSUB)


def _sc_partial_aggregate(table, src2d, dst2d):
    out_rows = NPAD // NSUB
    r_core = (R0, R1)
    chunk_rows = 40
    nbuf = 4

    @functools.partial(
        pl.kernel,
        out_type=jax.ShapeDtypeStruct((NCORES, NPAD, 128), jnp.float32),
        mesh=_mesh(),
        scratch_types=[
            pltpu.VMEM((chunk_rows, EB), jnp.int32),
            pltpu.VMEM((chunk_rows, EB), jnp.int32),
        ] + [pltpu.VMEM((EB, 128), jnp.float32)] * nbuf
          + [pltpu.VMEM_SHARED((NPAD, 128), jnp.float32)]
          + [pltpu.SemaphoreType.DMA] * nbuf,
        compiler_params=pltpu.CompilerParams(use_tc_tiling_on_sc=False),
    )
    def k(tab, s2d, d2d, out, srcv, dstv, *rest):
        bufs = rest[:nbuf]
        acc = rest[nbuf]
        sems = rest[nbuf + 1:]
        c = lax.axis_index("c")
        s = lax.axis_index("s")

        zv = jnp.zeros((16,), jnp.float32)

        def zfill(i, _):
            bufs[0][i // 8, pl.ds((i % 8) * 16, 16)] = zv
            return 0
        lax.fori_loop(0, EB * 8, zfill, 0)
        for kk in range(out_rows // EB):
            pltpu.async_copy(bufs[0],
                             acc.at[pl.ds(s * out_rows + kk * EB, EB)],
                             sems[kk % nbuf])
        for kk in range(out_rows // EB):
            pltpu.make_async_copy(
                bufs[0], acc.at[pl.ds(s * out_rows + kk * EB, EB)],
                sems[kk % nbuf]).wait()
        plsc.subcore_barrier()

        def run_core(tile_rows, core_base):
            def do_chunk(base, nrows):
                pltpu.sync_copy(s2d.at[pl.ds(base, nrows)], srcv.at[pl.ds(0, nrows)])
                pltpu.sync_copy(d2d.at[pl.ds(base, nrows)], dstv.at[pl.ds(0, nrows)])
                for j in range(min(nbuf, nrows)):
                    pltpu.async_copy(tab.at[srcv.at[j]], bufs[j], sems[j])

                def body(q, _):
                    for j in range(nbuf):
                        b = nbuf * q + j
                        pltpu.make_async_copy(
                            tab.at[srcv.at[b]], bufs[j], sems[j]).wait()
                        pltpu.sync_copy(bufs[j], acc.at[dstv.at[b]],
                                        add=True)

                        @pl.when(b + nbuf < nrows)
                        def _():
                            pltpu.async_copy(
                                tab.at[srcv.at[b + nbuf]], bufs[j], sems[j])
                    return 0
                lax.fori_loop(0, nrows // nbuf, body, 0)

            nchunks = tile_rows // chunk_rows
            rem = tile_rows % chunk_rows
            if nchunks:
                def chunk_body(ch, _):
                    do_chunk(core_base + s * tile_rows + ch * chunk_rows,
                             chunk_rows)
                    return 0
                lax.fori_loop(0, nchunks, chunk_body, 0)
            if rem:
                do_chunk(core_base + s * tile_rows + nchunks * chunk_rows,
                         rem)

        if r_core[0] == r_core[1]:
            run_core(r_core[0], c * NSUB * r_core[0])
        else:
            @pl.when(c == 0)
            def _():
                run_core(r_core[0], 0)

            @pl.when(c == 1)
            def _():
                run_core(r_core[1], NSUB * r_core[0])
        plsc.subcore_barrier()
        pltpu.sync_copy(acc.at[pl.ds(s * out_rows, out_rows)],
                        out.at[c, pl.ds(s * out_rows, out_rows)])

    return k(table, src2d, dst2d)


def _dot(a, b):
    return jnp.dot(a, b, precision=lax.Precision.HIGHEST,
                   preferred_element_type=jnp.float32)


def _tc_degree(dst_col):
    def body(d_ref, c_ref):
        i = pl.program_id(0)
        d = d_ref[...]
        hi = d // 128
        lo = d % 128
        oh_hi = jnp.where(
            hi == lax.broadcasted_iota(jnp.int32, (1, NHI), 1), 1.0, 0.0)
        oh_lo = jnp.where(
            lo == lax.broadcasted_iota(jnp.int32, (1, 128), 1), 1.0, 0.0)

        @pl.when(i == 0)
        def _():
            c_ref[...] = jnp.zeros_like(c_ref)
        c_ref[...] += jnp.dot(oh_hi.T, oh_lo,
                              preferred_element_type=jnp.float32)

    return pl.pallas_call(
        body,
        grid=(NEBLK,),
        in_specs=[pl.BlockSpec((EBLK, 1), lambda i: (i, 0))],
        out_specs=pl.BlockSpec((NHI, 128), lambda i: (0, 0)),
        out_shape=jax.ShapeDtypeStruct((NHI, 128), jnp.float32),
    )(dst_col)


def _tc_scale(x_pad, deg_col):
    def body(deg_ref, x_ref, xs_ref, dinv_ref):
        dinv = lax.rsqrt(deg_ref[...] + 1.0)
        xs_ref[...] = x_ref[...] * dinv
        dinv_ref[...] = dinv

    return pl.pallas_call(
        body,
        grid=(NBLK,),
        in_specs=[pl.BlockSpec((BLK, 1), lambda i: (i, 0)),
                  pl.BlockSpec((BLK, F), lambda i: (i, 0))],
        out_specs=[pl.BlockSpec((BLK, F), lambda i: (i, 0)),
                   pl.BlockSpec((BLK, 1), lambda i: (i, 0))],
        out_shape=[jax.ShapeDtypeStruct((NPAD, F), jnp.float32),
                   jax.ShapeDtypeStruct((NPAD, 1), jnp.float32)],
    )(deg_col, x_pad)


def _tc_layer_post(parts_selfs, dinv, W, b, win):
    nh = len(parts_selfs)

    def body(*refs):
        i = pl.program_id(0)
        half_refs = refs[:2 * nh]
        dv, w_ref, b_ref, t_ref, s_ref, q_ref = refs[2 * nh:]
        dinvb = dv[...]
        cols = []
        for hh in range(nh):
            p_ref = half_refs[2 * hh]
            self_ref = half_refs[2 * hh + 1]
            cols.append(p_ref[0] + p_ref[1] + self_ref[...])
        pre = (jnp.concatenate(cols, axis=1) if nh > 1 else cols[0]) * dinvb
        h = jnp.maximum(_dot(pre, w_ref[...]) + b_ref[...], 0.0)
        t_ref[...] = h
        rows = i * BLK + lax.broadcasted_iota(jnp.int32, (BLK, 1), 0)
        hm = jnp.where(rows < N, h, 0.0)

        @pl.when(i == 0)
        def _():
            s_ref[...] = jnp.zeros_like(s_ref)
            q_ref[...] = jnp.zeros_like(q_ref)
        s_ref[...] += jnp.sum(hm, axis=0, keepdims=True)
        q_ref[...] += jnp.sum(hm * hm, axis=0, keepdims=True)

    in_specs = []
    args = []
    for p, sf in parts_selfs:
        in_specs.append(pl.BlockSpec((NCORES, BLK, 128), lambda i: (0, i, 0)))
        in_specs.append(pl.BlockSpec((BLK, 128), lambda i: (i, 0)))
        args += [p, sf]
    in_specs += [pl.BlockSpec((BLK, 1), lambda i: (i, 0)),
                 pl.BlockSpec((win, H), lambda i: (0, 0)),
                 pl.BlockSpec((1, H), lambda i: (0, 0))]
    args += [dinv, W, b]

    return pl.pallas_call(
        body,
        grid=(NBLK,),
        in_specs=in_specs,
        out_specs=[pl.BlockSpec((BLK, H), lambda i: (i, 0)),
                   pl.BlockSpec((1, H), lambda i: (0, 0)),
                   pl.BlockSpec((1, H), lambda i: (0, 0))],
        out_shape=[jax.ShapeDtypeStruct((NPAD, H), jnp.float32),
                   jax.ShapeDtypeStruct((1, H), jnp.float32),
                   jax.ShapeDtypeStruct((1, H), jnp.float32)],
    )(*args)


def _tc_bn_split(t, s, q, dinv, g, bb):
    def body(t_ref, s_ref, q_ref, dv, g_ref, b_ref, lo_ref, hi_ref):
        m = s_ref[...] / N
        v = q_ref[...] / N - m * m
        scale = lax.rsqrt(v + 1e-5) * g_ref[...]
        h1b = (t_ref[...] - m) * scale + b_ref[...]
        h1s = h1b * dv[...]
        lo_ref[...] = h1s[:, :128]
        hi_ref[...] = jnp.concatenate(
            [h1s[:, 128:], jnp.zeros((BLK, HPAD - H), jnp.float32)], axis=1)

    return pl.pallas_call(
        body,
        grid=(NBLK,),
        in_specs=[pl.BlockSpec((BLK, H), lambda i: (i, 0)),
                  pl.BlockSpec((1, H), lambda i: (0, 0)),
                  pl.BlockSpec((1, H), lambda i: (0, 0)),
                  pl.BlockSpec((BLK, 1), lambda i: (i, 0)),
                  pl.BlockSpec((1, H), lambda i: (0, 0)),
                  pl.BlockSpec((1, H), lambda i: (0, 0))],
        out_specs=[pl.BlockSpec((BLK, 128), lambda i: (i, 0)),
                   pl.BlockSpec((BLK, 128), lambda i: (i, 0))],
        out_shape=[jax.ShapeDtypeStruct((NPAD, 128), jnp.float32),
                   jax.ShapeDtypeStruct((NPAD, 128), jnp.float32)],
    )(t, s, q, dinv, g, bb)


def _tc_bn_pool(t, s, q, g, bb, batch2d):
    def body(t_ref, s_ref, q_ref, g_ref, b_ref, bt_ref,
             ms_ref, mx_ref, cnt_ref):
        i = pl.program_id(0)
        m = s_ref[...] / N
        v = q_ref[...] / N - m * m
        scale = lax.rsqrt(v + 1e-5) * g_ref[...]
        h2 = (t_ref[...] - m) * scale + b_ref[...]
        rows = i * BLK + lax.broadcasted_iota(jnp.int32, (BLK, 1), 0)
        valid = rows < N
        bt = bt_ref[...]
        gids = lax.broadcasted_iota(jnp.int32, (1, G), 1)
        onehot = jnp.where(
            jnp.logical_and(bt == gids, valid), 1.0, 0.0)

        @pl.when(i == 0)
        def _():
            ms_ref[...] = jnp.zeros_like(ms_ref)
            cnt_ref[...] = jnp.zeros_like(cnt_ref)
            mx_ref[...] = jnp.full_like(mx_ref, -jnp.inf)
        ms_ref[...] += _dot(onehot.T, h2)
        cnt_ref[...] += jnp.sum(onehot, axis=0)[:, None]

        hm = jnp.where(valid, h2, -jnp.inf)
        parts = []
        for gg in range(G):
            sel = jnp.where(bt == gg, hm, -jnp.inf)
            parts.append(jnp.max(sel, axis=0, keepdims=True))
        mx_ref[...] = jnp.maximum(mx_ref[...], jnp.concatenate(parts, axis=0))

    return pl.pallas_call(
        body,
        grid=(NBLK,),
        in_specs=[pl.BlockSpec((BLK, H), lambda i: (i, 0)),
                  pl.BlockSpec((1, H), lambda i: (0, 0)),
                  pl.BlockSpec((1, H), lambda i: (0, 0)),
                  pl.BlockSpec((1, H), lambda i: (0, 0)),
                  pl.BlockSpec((1, H), lambda i: (0, 0)),
                  pl.BlockSpec((BLK, 1), lambda i: (i, 0))],
        out_specs=[pl.BlockSpec((G, H), lambda i: (0, 0)),
                   pl.BlockSpec((G, H), lambda i: (0, 0)),
                   pl.BlockSpec((G, 1), lambda i: (0, 0))],
        out_shape=[jax.ShapeDtypeStruct((G, H), jnp.float32),
                   jax.ShapeDtypeStruct((G, H), jnp.float32),
                   jax.ShapeDtypeStruct((G, 1), jnp.float32)],
    )(t, s, q, g, bb, batch2d)


def _tc_head(ms, mx, cnt, fc1_W, fc1_b, fc2_W, fc2_b):
    def body(ms_ref, mx_ref, cnt_ref, w1, b1, w2, b2, out_ref):
        c = jnp.maximum(cnt_ref[...], 1.0)
        meanp = ms_ref[...] / c
        mxv = mx_ref[...]
        maxp = jnp.where(jnp.isfinite(mxv), mxv, 0.0)
        z = jnp.concatenate([meanp, maxp], axis=1)
        y = jnp.maximum(_dot(z, w1[...]) + b1[...], 0.0)
        o = _dot(y, w2[...]) + b2[...]
        o = o - jnp.max(o, axis=1, keepdims=True)
        out_ref[...] = o - jnp.log(jnp.sum(jnp.exp(o), axis=1, keepdims=True))

    return pl.pallas_call(
        body,
        out_shape=jax.ShapeDtypeStruct((G, 2), jnp.float32),
    )(ms, mx, cnt, fc1_W, fc1_b, fc2_W, fc2_b)


@jax.jit
def _run(x, edge_index, batch, W1, b1, W2, b2, bn1_g, bn1_b, bn2_g, bn2_b,
         fc1_W, fc1_b, fc2_W, fc2_b):
    src = edge_index[0]
    dst = edge_index[1]
    padi = jnp.full((EPAD - E,), N, jnp.int32)
    src2d = jnp.concatenate([src, padi]).reshape(IDXROWS, EB)
    dst2d = jnp.concatenate([dst, padi]).reshape(IDXROWS, EB)
    x_pad = jnp.pad(x, ((0, NPAD - N), (0, 0)))
    batch2d = jnp.pad(batch, (0, NPAD - N)).reshape(NPAD, 1)
    W2pad = jnp.pad(W2, ((0, HPAD - H), (0, 0)))

    degc = _tc_degree(dst.reshape(E, 1))
    xs, dinv = _tc_scale(x_pad, degc.reshape(NPAD, 1))
    p1 = _sc_partial_aggregate(xs, src2d, dst2d)
    t1, s1, q1 = _tc_layer_post([(p1, xs)], dinv, W1, b1.reshape(1, H), F)
    h1lo, h1hi = _tc_bn_split(t1, s1, q1, dinv,
                              bn1_g.reshape(1, H), bn1_b.reshape(1, H))
    p2a = _sc_partial_aggregate(h1lo, src2d, dst2d)
    p2b = _sc_partial_aggregate(h1hi, src2d, dst2d)
    t2, s2, q2 = _tc_layer_post([(p2a, h1lo), (p2b, h1hi)], dinv,
                                W2pad, b2.reshape(1, H), HPAD)
    ms, mx, cnt = _tc_bn_pool(t2, s2, q2, bn2_g.reshape(1, H),
                              bn2_b.reshape(1, H), batch2d)
    return _tc_head(ms, mx, cnt, fc1_W, fc1_b.reshape(1, 100),
                    fc2_W, fc2_b.reshape(1, 2))


def kernel(x, edge_index, batch, W1, b1, W2, b2, bn1_g, bn1_b, bn2_g, bn2_b,
           fc1_W, fc1_b, fc2_W, fc2_b):
    return _run(x, edge_index, batch, W1, b1, W2, b2, bn1_g, bn1_b,
                bn2_g, bn2_b, fc1_W, fc1_b, fc2_W, fc2_b)

# --- scband reference (transcript-rebuilt; emitter-appended) ---
"""Pipeline reference for scband-gcn-net-64991445123413 (READ-ONLY COPY).

The authoritative reference and input builder live on the scoring server;
editing this copy changes nothing except your own understanding.
"""

import jax, jax.numpy as jnp
import numpy as np

N = 10000
E = 320000
F_IN = 128
H = 200
G = 64


def setup_inputs(seed: int = 0) -> dict:
    key = jax.random.key(seed)
    ks = jax.random.split(key, 16)
    x = jax.random.normal(ks[0], (N, F_IN), dtype=jnp.float32)
    edge_index = jax.random.randint(ks[1], (2, E), 0, N, dtype=jnp.int32)
    batch = jnp.sort(jax.random.randint(ks[2], (N,), 0, G, dtype=jnp.int32))
    W1 = jax.random.normal(ks[3], (F_IN, H), dtype=jnp.float32) * 0.05
    b1 = jnp.zeros((H,), dtype=jnp.float32)
    W2 = jax.random.normal(ks[4], (H, H), dtype=jnp.float32) * 0.05
    b2 = jnp.zeros((H,), dtype=jnp.float32)
    bn1_g = jnp.ones((H,), dtype=jnp.float32)
    bn1_b = jnp.zeros((H,), dtype=jnp.float32)
    bn2_g = jnp.ones((H,), dtype=jnp.float32)
    bn2_b = jnp.zeros((H,), dtype=jnp.float32)
    fc1_W = jax.random.normal(ks[5], (2 * H, 100), dtype=jnp.float32) * 0.05
    fc1_b = jnp.zeros((100,), dtype=jnp.float32)
    fc2_W = jax.random.normal(ks[6], (100, 2), dtype=jnp.float32) * 0.05
    fc2_b = jnp.zeros((2,), dtype=jnp.float32)
    return {"x": x, "edge_index": edge_index, "batch": batch,
            "W1": W1, "b1": b1, "W2": W2, "b2": b2,
            "bn1_g": bn1_g, "bn1_b": bn1_b, "bn2_g": bn2_g, "bn2_b": bn2_b,
            "fc1_W": fc1_W, "fc1_b": fc1_b, "fc2_W": fc2_W, "fc2_b": fc2_b}


def gcn_conv(x, src, dst, W, b, n):
    h = x @ W
    loop = jnp.arange(n, dtype=src.dtype)
    s = jnp.concatenate([src, loop])
    d = jnp.concatenate([dst, loop])
    deg = jnp.zeros((n,), h.dtype).at[d].add(1.0)
    dinv = jnp.where(deg > 0, 1.0 / jnp.sqrt(deg), 0.0)
    coef = dinv[s] * dinv[d]
    out = jnp.zeros_like(h).at[d].add(h[s] * coef[:, None])
    return out + b


def batchnorm(x, g, b):
    m = jnp.mean(x, axis=0)
    v = jnp.var(x, axis=0)
    return (x - m) / jnp.sqrt(v + 1e-5) * g + b


def reference(x, edge_index, batch, W1, b1, W2, b2, bn1_g, bn1_b, bn2_g, bn2_b, fc1_W, fc1_b, fc2_W, fc2_b):
    src, dst = edge_index[0], edge_index[1]
    h = jax.nn.relu(gcn_conv(x, src, dst, W1, b1, N))
    h = batchnorm(h, bn1_g, bn1_b)
    h = jax.nn.relu(gcn_conv(h, src, dst, W2, b2, N))
    h = batchnorm(h, bn2_g, bn2_b)
    cnt = jax.ops.segment_sum(jnp.ones((N,), h.dtype), batch, num_segments=G)
    meanp = jax.ops.segment_sum(h, batch, num_segments=G) / jnp.maximum(cnt, 1.0)[:, None]
    maxp = jax.ops.segment_max(h, batch, num_segments=G)
    maxp = jnp.where(jnp.isfinite(maxp), maxp, 0.0)
    z = jnp.concatenate([meanp, maxp], axis=1)
    z = jax.nn.relu(z @ fc1_W + fc1_b)
    return jax.nn.log_softmax(z @ fc2_W + fc2_b, axis=1)

if __name__ == "__main__":
    import jax
    _d = setup_inputs()
    print(jax.jit(kernel)(*tuple(_d.values())))

</pallas_src>

<mosaic_0001>
#map = affine_map<(d0, d1) -> (0, 0)>
#map1 = affine_map<(d0, d1) -> (0, 0, 0)>
module attributes {stable_mosaic.version = 14 : i64} {
  func.func @k(%arg0: i32, %arg1: i32, %arg2: memref<10240x128xf32, #tpu.memory_space<hbm>>, %arg3: memref<5120x64xi32, #tpu.memory_space<hbm>>, %arg4: memref<5120x64xi32, #tpu.memory_space<hbm>>, %arg5: memref<2x10240x128xf32, #tpu.memory_space<hbm>>, %arg6: memref<40x64xi32, #tpu.memory_space<vmem>>, %arg7: memref<40x64xi32, #tpu.memory_space<vmem>>, %arg8: memref<64x128xf32, #tpu.memory_space<vmem>>, %arg9: memref<64x128xf32, #tpu.memory_space<vmem>>, %arg10: memref<64x128xf32, #tpu.memory_space<vmem>>, %arg11: memref<64x128xf32, #tpu.memory_space<vmem>>, %arg12: memref<10240x128xf32, #tpu.memory_space<vmem_shared>>, %arg13: memref<!tpu.dma_semaphore, #tpu.memory_space<semaphore_mem>>, %arg14: memref<!tpu.dma_semaphore, #tpu.memory_space<semaphore_mem>>, %arg15: memref<!tpu.dma_semaphore, #tpu.memory_space<semaphore_mem>>, %arg16: memref<!tpu.dma_semaphore, #tpu.memory_space<semaphore_mem>>) attributes {dimension_semantics = [#tpu.dimension_semantics<core_parallel>, #tpu.dimension_semantics<subcore_parallel>], iteration_bounds = array<i64: 2, 16>, scalar_prefetch = 0 : i64, scratch_operands = 11 : i64, tpu.core_type = #tpu.core_type<sc_vector_subcore>, window_params = [{transform_indices = #map}, {transform_indices = #map}, {transform_indices = #map}, {transform_indices = #map1}]} {
    %broadcast_in_dim3A = arith.constant 0.000000e+00 : f32
    %broadcast_in_dim3A_0 = vector.broadcast %broadcast_in_dim3A : f32 to vector<16xf32>
    %scan3A = arith.constant 0 : i32
    %scan3A_1 = arith.constant 0 : i32
    %scan3A_2 = arith.constant 512 : i32
    %scan3A_3 = arith.addi %scan3A_1, %scan3A_2 : i32
    %scan3A_4 = arith.constant 1 : i32
    %scan3A_5 = scf.for %scan3A_179 = %scan3A_1 to %scan3A_3 step %scan3A_4 iter_args(%scan3A_180 = %scan3A) -> (i32)  : i32 {
      %jit3A = arith.constant 8 : i32
      %div3A = arith.divsi %scan3A_179, %jit3A : i32
      %sign3A = arith.constant 0 : i32
      %sign3A_181 = arith.cmpi sgt, %scan3A_179, %sign3A : i32
      %sign3A_182 = arith.extui %sign3A_181 : i1 to i32
      %sign3A_183 = arith.constant 0 : i32
      %sign3A_184 = arith.cmpi slt, %scan3A_179, %sign3A_183 : i32
      %sign3A_185 = arith.extui %sign3A_184 : i1 to i32
      %sign3A_186 = arith.subi %sign3A_182, %sign3A_185 : i32
      %sign3A_187 = arith.constant 0 : i32
      %sign3A_188 = arith.cmpi sgt, %jit3A, %sign3A_187 : i32
      %sign3A_189 = arith.extui %sign3A_188 : i1 to i32
      %sign3A_190 = arith.constant 0 : i32
      %sign3A_191 = arith.cmpi slt, %jit3A, %sign3A_190 : i32
      %sign3A_192 = arith.extui %sign3A_191 : i1 to i32
      %sign3A_193 = arith.subi %sign3A_189, %sign3A_192 : i32
      %ne3A = arith.cmpi ne, %sign3A_186, %sign3A_193 : i32
      %rem3A = arith.remsi %scan3A_179, %jit3A : i32
      %ne3A_194 = arith.constant 0 : i32
      %ne3A_195 = arith.cmpi ne, %rem3A, %ne3A_194 : i32
      %and3A = arith.andi %ne3A, %ne3A_195 : i1
      %sub3A = arith.constant 1 : i32
      %sub3A_196 = arith.subi %div3A, %sub3A : i32
      %select_n3A = arith.select %and3A, %sub3A_196, %div3A : i32
      %jit3A_197 = arith.constant 8 : i32
      %eq3A = arith.constant 0 : i32
      %eq3A_198 = arith.cmpi eq, %jit3A_197, %eq3A : i32
      %jit3A_199 = arith.constant 1 : i32
      %select_n3A_200 = arith.select %eq3A_198, %jit3A_199, %jit3A_197 : i32
      %rem3A_201 = arith.remsi %scan3A_179, %select_n3A_200 : i32
      %ne3A_202 = arith.constant 0 : i32
      %ne3A_203 = arith.cmpi ne, %rem3A_201, %ne3A_202 : i32
      %lt3A = arith.constant 0 : i32
      %lt3A_204 = arith.cmpi slt, %rem3A_201, %lt3A : i32
      %lt3A_205 = arith.constant 0 : i32
      %lt3A_206 = arith.cmpi slt, %select_n3A_200, %lt3A_205 : i32
      %ne3A_207 = arith.xori %lt3A_204, %lt3A_206 : i1
      %and3A_208 = arith.andi %ne3A_207, %ne3A_203 : i1
      %add3A_209 = arith.addi %rem3A_201, %select_n3A_200 : i32
      %select_n3A_210 = arith.select %and3A_208, %add3A_209, %rem3A_201 : i32
      %mul3A_211 = arith.constant 16 : i32
      %mul3A_212 = arith.muli %select_n3A_210, %mul3A_211 : i32
      %swap3A = arith.index_cast %select_n3A : i32 to index
      %swap3A_213 = arith.index_cast %mul3A_212 : i32 to index
      %swap3A_214 = tpu.vector_load %arg8[%swap3A, %swap3A_213] {strides = array<i32>} : memref<64x128xf32, #tpu.memory_space<vmem>>, vector<1x16xf32>,
      %swap3A_215 = vector.shape_cast %swap3A_214 : vector<1x16xf32> to vector<16xf32>
      %swap3A_216 = vector.shape_cast %broadcast_in_dim3A_0 : vector<16xf32> to vector<1x16xf32>
      tpu.vector_store %arg8[%swap3A, %swap3A_213], %swap3A_216 {strides = array<i32>} : memref<64x128xf32, #tpu.memory_space<vmem>>, vector<1x16xf32>,
      %scan3A_217 = arith.constant 0 : i32
      scf.yield %scan3A_217 : i32
    }
    %scan3A_6 = arith.constant 512 : i32
    %mul3A = arith.constant 640 : i32
    %mul3A_7 = arith.muli %arg1, %mul3A : i32
    %add3A = arith.constant 0 : i32
    %add3A_8 = arith.addi %mul3A_7, %add3A : i32
    %dma_start3A = arith.constant 0 : i32
    %dma_start3A_9 = tpu.memref_slice %arg12[%add3A_8, %dma_start3A] : memref<10240x128xf32, #tpu.memory_space<vmem_shared>> -> memref<64x128xf32, #tpu.memory_space<vmem_shared>>
    %dma_start3A_10 = arith.constant 0 : i32
    %dma_start3A_11 = tpu.memref_slice %arg12[%add3A_8, %dma_start3A_10] : memref<10240x128xf32, #tpu.memory_space<vmem_shared>> -> memref<64x128xf32, #tpu.memory_space<vmem_shared>>
    tpu.enqueue_dma source(%arg8 : memref<64x128xf32, #tpu.memory_space<vmem>>) target(%dma_start3A_11 : memref<64x128xf32, #tpu.memory_space<vmem_shared>>) target_semaphore(%arg13 : memref<!tpu.dma_semaphore, #tpu.memory_space<semaphore_mem>>)
    %mul3A_12 = arith.constant 640 : i32
    %mul3A_13 = arith.muli %arg1, %mul3A_12 : i32
    %add3A_14 = arith.constant 64 : i32
    %add3A_15 = arith.addi %mul3A_13, %add3A_14 : i32
    %dma_start3A_16 = arith.constant 0 : i32
    %dma_start3A_17 = tpu.memref_slice %arg12[%add3A_15, %dma_start3A_16] : memref<10240x128xf32, #tpu.memory_space<vmem_shared>> -> memref<64x128xf32, #tpu.memory_space<vmem_shared>>
    %dma_start3A_18 = arith.constant 0 : i32
    %dma_start3A_19 = tpu.memref_slice %arg12[%add3A_15, %dma_start3A_18] : memref<10240x128xf32, #tpu.memory_space<vmem_shared>> -> memref<64x128xf32, #tpu.memory_space<vmem_shared>>
    tpu.enqueue_dma source(%arg8 : memref<64x128xf32, #tpu.memory_space<vmem>>) target(%dma_start3A_19 : memref<64x128xf32, #tpu.memory_space<vmem_shared>>) target_semaphore(%arg14 : memref<!tpu.dma_semaphore, #tpu.memory_space<semaphore_mem>>)
    %mul3A_20 = arith.constant 640 : i32
    %mul3A_21 = arith.muli %arg1, %mul3A_20 : i32
    %add3A_22 = arith.constant 128 : i32
    %add3A_23 = arith.addi %mul3A_21, %add3A_22 : i32
    %dma_start3A_24 = arith.constant 0 : i32
    %dma_start3A_25 = tpu.memref_slice %arg12[%add3A_23, %dma_start3A_24] : memref<10240x128xf32, #tpu.memory_space<vmem_shared>> -> memref<64x128xf32, #tpu.memory_space<vmem_shared>>
    %dma_start3A_26 = arith.constant 0 : i32
    %dma_start3A_27 = tpu.memref_slice %arg12[%add3A_23, %dma_start3A_26] : memref<10240x128xf32, #tpu.memory_space<vmem_shared>> -> memref<64x128xf32, #tpu.memory_space<vmem_shared>>
    tpu.enqueue_dma source(%arg8 : memref<64x128xf32, #tpu.memory_space<vmem>>) target(%dma_start3A_27 : memref<64x128xf32, #tpu.memory_space<vmem_shared>>) target_semaphore(%arg15 : memref<!tpu.dma_semaphore, #tpu.memory_space<semaphore_mem>>)
    %mul3A_28 = arith.constant 640 : i32
    %mul3A_29 = arith.muli %arg1, %mul3A_28 : i32
    %add3A_30 = arith.constant 192 : i32
    %add3A_31 = arith.addi %mul3A_29, %add3A_30 : i32
    %dma_start3A_32 = arith.constant 0 : i32
    %dma_start3A_33 = tpu.memref_slice %arg12[%add3A_31, %dma_start3A_32] : memref<10240x128xf32, #tpu.memory_space<vmem_shared>> -> memref<64x128xf32, #tpu.memory_space<vmem_shared>>
    %dma_start3A_34 = arith.constant 0 : i32
    %dma_start3A_35 = tpu.memref_slice %arg12[%add3A_31, %dma_start3A_34] : memref<10240x128xf32, #tpu.memory_space<vmem_shared>> -> memref<64x128xf32, #tpu.memory_space<vmem_shared>>
    tpu.enqueue_dma source(%arg8 : memref<64x128xf32, #tpu.memory_space<vmem>>) target(%dma_start3A_35 : memref<64x128xf32, #tpu.memory_space<vmem_shared>>) target_semaphore(%arg16 : memref<!tpu.dma_semaphore, #tpu.memory_space<semaphore_mem>>)
    %mul3A_36 = arith.constant 640 : i32
    %mul3A_37 = arith.muli %arg1, %mul3A_36 : i32
    %add3A_38 = arith.constant 256 : i32
    %add3A_39 = arith.addi %mul3A_37, %add3A_38 : i32
    %dma_start3A_40 = arith.constant 0 : i32
    %dma_start3A_41 = tpu.memref_slice %arg12[%add3A_39, %dma_start3A_40] : memref<10240x128xf32, #tpu.memory_space<vmem_shared>> -> memref<64x128xf32, #tpu.memory_space<vmem_shared>>
    %dma_start3A_42 = arith.constant 0 : i32
    %dma_start3A_43 = tpu.memref_slice %arg12[%add3A_39, %dma_start3A_42] : memref<10240x128xf32, #tpu.memory_space<vmem_shared>> -> memref<64x128xf32, #tpu.memory_space<vmem_shared>>
    tpu.enqueue_dma source(%arg8 : memref<64x128xf32, #tpu.memory_space<vmem>>) target(%dma_start3A_43 : memref<64x128xf32, #tpu.memory_space<vmem_shared>>) target_semaphore(%arg13 : memref<!tpu.dma_semaphore, #tpu.memory_space<semaphore_mem>>)
    %mul3A_44 = arith.constant 640 : i32
    %mul3A_45 = arith.muli %arg1, %mul3A_44 : i32
    %add3A_46 = arith.constant 320 : i32
    %add3A_47 = arith.addi %mul3A_45, %add3A_46 : i32
    %dma_start3A_48 = arith.constant 0 : i32
    %dma_start3A_49 = tpu.memref_slice %arg12[%add3A_47, %dma_start3A_48] : memref<10240x128xf32, #tpu.memory_space<vmem_shared>> -> memref<64x128xf32, #tpu.memory_space<vmem_shared>>
    %dma_start3A_50 = arith.constant 0 : i32
    %dma_start3A_51 = tpu.memref_slice %arg12[%add3A_47, %dma_start3A_50] : memref<10240x128xf32, #tpu.memory_space<vmem_shared>> -> memref<64x128xf32, #tpu.memory_space<vmem_shared>>
    tpu.enqueue_dma source(%arg8 : memref<64x128xf32, #tpu.memory_space<vmem>>) target(%dma_start3A_51 : memref<64x128xf32, #tpu.memory_space<vmem_shared>>) target_semaphore(%arg14 : memref<!tpu.dma_semaphore, #tpu.memory_space<semaphore_mem>>)
    %mul3A_52 = arith.constant 640 : i32
    %mul3A_53 = arith.muli %arg1, %mul3A_52 : i32
    %add3A_54 = arith.constant 384 : i32
    %add3A_55 = arith.addi %mul3A_53, %add3A_54 : i32
    %dma_start3A_56 = arith.constant 0 : i32
    %dma_start3A_57 = tpu.memref_slice %arg12[%add3A_55, %dma_start3A_56] : memref<10240x128xf32, #tpu.memory_space<vmem_shared>> -> memref<64x128xf32, #tpu.memory_space<vmem_shared>>
    %dma_start3A_58 = arith.constant 0 : i32
    %dma_start3A_59 = tpu.memref_slice %arg12[%add3A_55, %dma_start3A_58] : memref<10240x128xf32, #tpu.memory_space<vmem_shared>> -> memref<64x128xf32, #tpu.memory_space<vmem_shared>>
    tpu.enqueue_dma source(%arg8 : memref<64x128xf32, #tpu.memory_space<vmem>>) target(%dma_start3A_59 : memref<64x128xf32, #tpu.memory_space<vmem_shared>>) target_semaphore(%arg15 : memref<!tpu.dma_semaphore, #tpu.memory_space<semaphore_mem>>)
    %mul3A_60 = arith.constant 640 : i32
    %mul3A_61 = arith.muli %arg1, %mul3A_60 : i32
    %add3A_62 = arith.constant 448 : i32
    %add3A_63 = arith.addi %mul3A_61, %add3A_62 : i32
    %dma_start3A_64 = arith.constant 0 : i32
    %dma_start3A_65 = tpu.memref_slice %arg12[%add3A_63, %dma_start3A_64] : memref<10240x128xf32, #tpu.memory_space<vmem_shared>> -> memref<64x128xf32, #tpu.memory_space<vmem_shared>>
    %dma_start3A_66 = arith.constant 0 : i32
    %dma_start3A_67 = tpu.memref_slice %arg12[%add3A_63, %dma_start3A_66] : memref<10240x128xf32, #tpu.memory_space<vmem_shared>> -> memref<64x128xf32, #tpu.memory_space<vmem_shared>>
    tpu.enqueue_dma source(%arg8 : memref<64x128xf32, #tpu.memory_space<vmem>>) target(%dma_start3A_67 : memref<64x128xf32, #tpu.memory_space<vmem_shared>>) target_semaphore(%arg16 : memref<!tpu.dma_semaphore, #tpu.memory_space<semaphore_mem>>)
    %mul3A_68 = arith.constant 640 : i32
    %mul3A_69 = arith.muli %arg1, %mul3A_68 : i32
    %add3A_70 = arith.constant 512 : i32
    %add3A_71 = arith.addi %mul3A_69, %add3A_70 : i32
    %dma_start3A_72 = arith.constant 0 : i32
    %dma_start3A_73 = tpu.memref_slice %arg12[%add3A_71, %dma_start3A_72] : memref<10240x128xf32, #tpu.memory_space<vmem_shared>> -> memref<64x128xf32, #tpu.memory_space<vmem_shared>>
    %dma_start3A_74 = arith.constant 0 : i32
    %dma_start3A_75 = tpu.memref_slice %arg12[%add3A_71, %dma_start3A_74] : memref<10240x128xf32, #tpu.memory_space<vmem_shared>> -> memref<64x128xf32, #tpu.memory_space<vmem_shared>>
    tpu.enqueue_dma source(%arg8 : memref<64x128xf32, #tpu.memory_space<vmem>>) target(%dma_start3A_75 : memref<64x128xf32, #tpu.memory_space<vmem_shared>>) target_semaphore(%arg13 : memref<!tpu.dma_semaphore, #tpu.memory_space<semaphore_mem>>)
    %mul3A_76 = arith.constant 640 : i32
    %mul3A_77 = arith.muli %arg1, %mul3A_76 : i32
    %add3A_78 = arith.constant 576 : i32
    %add3A_79 = arith.addi %mul3A_77, %add3A_78 : i32
    %dma_start3A_80 = arith.constant 0 : i32
    %dma_start3A_81 = tpu.memref_slice %arg12[%add3A_79, %dma_start3A_80] : memref<10240x128xf32, #tpu.memory_space<vmem_shared>> -> memref<64x128xf32, #tpu.memory_space<vmem_shared>>
    %dma_start3A_82 = arith.constant 0 : i32
    %dma_start3A_83 = tpu.memref_slice %arg12[%add3A_79, %dma_start3A_82] : memref<10240x128xf32, #tpu.memory_space<vmem_shared>> -> memref<64x128xf32, #tpu.memory_space<vmem_shared>>
    tpu.enqueue_dma source(%arg8 : memref<64x128xf32, #tpu.memory_space<vmem>>) target(%dma_start3A_83 : memref<64x128xf32, #tpu.memory_space<vmem_shared>>) target_semaphore(%arg14 : memref<!tpu.dma_semaphore, #tpu.memory_space<semaphore_mem>>)
    %mul3A_84 = arith.constant 640 : i32
    %mul3A_85 = arith.muli %arg1, %mul3A_84 : i32
    %add3A_86 = arith.constant 0 : i32
    %add3A_87 = arith.addi %mul3A_85, %add3A_86 : i32
    %dma_wait3A = arith.constant 0 : i32
    %dma_wait3A_88 = tpu.memref_slice %arg12[%add3A_87, %dma_wait3A] : memref<10240x128xf32, #tpu.memory_space<vmem_shared>> -> memref<64x128xf32, #tpu.memory_space<vmem_shared>>
    %dma_wait3A_89 = arith.constant 0 : i32
    %dma_wait3A_90 = tpu.memref_slice %arg12[%add3A_87, %dma_wait3A_89] : memref<10240x128xf32, #tpu.memory_space<vmem_shared>> -> memref<64x128xf32, #tpu.memory_space<vmem_shared>>
    tpu.wait_dma2 semaphore(%arg13 : memref<!tpu.dma_semaphore, #tpu.memory_space<semaphore_mem>>) src(%arg8 : memref<64x128xf32, #tpu.memory_space<vmem>>) dst(%dma_wait3A_90 : memref<64x128xf32, #tpu.memory_space<vmem_shared>>)
    %mul3A_91 = arith.constant 640 : i32
    %mul3A_92 = arith.muli %arg1, %mul3A_91 : i32
    %add3A_93 = arith.constant 64 : i32
    %add3A_94 = arith.addi %mul3A_92, %add3A_93 : i32
    %dma_wait3A_95 = arith.constant 0 : i32
    %dma_wait3A_96 = tpu.memref_slice %arg12[%add3A_94, %dma_wait3A_95] : memref<10240x128xf32, #tpu.memory_space<vmem_shared>> -> memref<64x128xf32, #tpu.memory_space<vmem_shared>>
    %dma_wait3A_97 = arith.constant 0 : i32
    %dma_wait3A_98 = tpu.memref_slice %arg12[%add3A_94, %dma_wait3A_97] : memref<10240x128xf32, #tpu.memory_space<vmem_shared>> -> memref<64x128xf32, #tpu.memory_space<vmem_shared>>
    tpu.wait_dma2 semaphore(%arg14 : memref<!tpu.dma_semaphore, #tpu.memory_space<semaphore_mem>>) src(%arg8 : memref<64x128xf32, #tpu.memory_space<vmem>>) dst(%dma_wait3A_98 : memref<64x128xf32, #tpu.memory_space<vmem_shared>>)
    %mul3A_99 = arith.constant 640 : i32
    %mul3A_100 = arith.muli %arg1, %mul3A_99 : i32
    %add3A_101 = arith.constant 128 : i32
    %add3A_102 = arith.addi %mul3A_100, %add3A_101 : i32
    %dma_wait3A_103 = arith.constant 0 : i32
    %dma_wait3A_104 = tpu.memref_slice %arg12[%add3A_102, %dma_wait3A_103] : memref<10240x128xf32, #tpu.memory_space<vmem_shared>> -> memref<64x128xf32, #tpu.memory_space<vmem_shared>>
    %dma_wait3A_105 = arith.constant 0 : i32
    %dma_wait3A_106 = tpu.memref_slice %arg12[%add3A_102, %dma_wait3A_105] : memref<10240x128xf32, #tpu.memory_space<vmem_shared>> -> memref<64x128xf32, #tpu.memory_space<vmem_shared>>
    tpu.wait_dma2 semaphore(%arg15 : memref<!tpu.dma_semaphore, #tpu.memory_space<semaphore_mem>>) src(%arg8 : memref<64x128xf32, #tpu.memory_space<vmem>>) dst(%dma_wait3A_106 : memref<64x128xf32, #tpu.memory_space<vmem_shared>>)
    %mul3A_107 = arith.constant 640 : i32
    %mul3A_108 = arith.muli %arg1, %mul3A_107 : i32
    %add3A_109 = arith.constant 192 : i32
    %add3A_110 = arith.addi %mul3A_108, %add3A_109 : i32
    %dma_wait3A_111 = arith.constant 0 : i32
    %dma_wait3A_112 = tpu.memref_slice %arg12[%add3A_110, %dma_wait3A_111] : memref<10240x128xf32, #tpu.memory_space<vmem_shared>> -> memref<64x128xf32, #tpu.memory_space<vmem_shared>>
    %dma_wait3A_113 = arith.constant 0 : i32
    %dma_wait3A_114 = tpu.memref_slice %arg12[%add3A_110, %dma_wait3A_113] : memref<10240x128xf32, #tpu.memory_space<vmem_shared>> -> memref<64x128xf32, #tpu.memory_space<vmem_shared>>
    tpu.wait_dma2 semaphore(%arg16 : memref<!tpu.dma_semaphore, #tpu.memory_space<semaphore_mem>>) src(%arg8 : memref<64x128xf32, #tpu.memory_space<vmem>>) dst(%dma_wait3A_114 : memref<64x128xf32, #tpu.memory_space<vmem_shared>>)
    %mul3A_115 = arith.constant 640 : i32
    %mul3A_116 = arith.muli %arg1, %mul3A_115 : i32
    %add3A_117 = arith.constant 256 : i32
    %add3A_118 = arith.addi %mul3A_116, %add3A_117 : i32
    %dma_wait3A_119 = arith.constant 0 : i32
    %dma_wait3A_120 = tpu.memref_slice %arg12[%add3A_118, %dma_wait3A_119] : memref<10240x128xf32, #tpu.memory_space<vmem_shared>> -> memref<64x128xf32, #tpu.memory_space<vmem_shared>>
    %dma_wait3A_121 = arith.constant 0 : i32
    %dma_wait3A_122 = tpu.memref_slice %arg12[%add3A_118, %dma_wait3A_121] : memref<10240x128xf32, #tpu.memory_space<vmem_shared>> -> memref<64x128xf32, #tpu.memory_space<vmem_shared>>
    tpu.wait_dma2 semaphore(%arg13 : memref<!tpu.dma_semaphore, #tpu.memory_space<semaphore_mem>>) src(%arg8 : memref<64x128xf32, #tpu.memory_space<vmem>>) dst(%dma_wait3A_122 : memref<64x128xf32, #tpu.memory_space<vmem_shared>>)
    %mul3A_123 = arith.constant 640 : i32
    %mul3A_124 = arith.muli %arg1, %mul3A_123 : i32
    %add3A_125 = arith.constant 320 : i32
    %add3A_126 = arith.addi %mul3A_124, %add3A_125 : i32
    %dma_wait3A_127 = arith.constant 0 : i32
    %dma_wait3A_128 = tpu.memref_slice %arg12[%add3A_126, %dma_wait3A_127] : memref<10240x128xf32, #tpu.memory_space<vmem_shared>> -> memref<64x128xf32, #tpu.memory_space<vmem_shared>>
    %dma_wait3A_129 = arith.constant 0 : i32
    %dma_wait3A_130 = tpu.memref_slice %arg12[%add3A_126, %dma_wait3A_129] : memref<10240x128xf32, #tpu.memory_space<vmem_shared>> -> memref<64x128xf32, #tpu.memory_space<vmem_shared>>
    tpu.wait_dma2 semaphore(%arg14 : memref<!tpu.dma_semaphore, #tpu.memory_space<semaphore_mem>>) src(%arg8 : memref<64x128xf32, #tpu.memory_space<vmem>>) dst(%dma_wait3A_130 : memref<64x128xf32, #tpu.memory_space<vmem_shared>>)
    %mul3A_131 = arith.constant 640 : i32
    %mul3A_132 = arith.muli %arg1, %mul3A_131 : i32
    %add3A_133 = arith.constant 384 : i32
    %add3A_134 = arith.addi %mul3A_132, %add3A_133 : i32
    %dma_wait3A_135 = arith.constant 0 : i32
    %dma_wait3A_136 = tpu.memref_slice %arg12[%add3A_134, %dma_wait3A_135] : memref<10240x128xf32, #tpu.memory_space<vmem_shared>> -> memref<64x128xf32, #tpu.memory_space<vmem_shared>>
    %dma_wait3A_137 = arith.constant 0 : i32
    %dma_wait3A_138 = tpu.memref_slice %arg12[%add3A_134, %dma_wait3A_137] : memref<10240x128xf32, #tpu.memory_space<vmem_shared>> -> memref<64x128xf32, #tpu.memory_space<vmem_shared>>
    tpu.wait_dma2 semaphore(%arg15 : memref<!tpu.dma_semaphore, #tpu.memory_space<semaphore_mem>>) src(%arg8 : memref<64x128xf32, #tpu.memory_space<vmem>>) dst(%dma_wait3A_138 : memref<64x128xf32, #tpu.memory_space<vmem_shared>>)
    %mul3A_139 = arith.constant 640 : i32
    %mul3A_140 = arith.muli %arg1, %mul3A_139 : i32
    %add3A_141 = arith.constant 448 : i32
    %add3A_142 = arith.addi %mul3A_140, %add3A_141 : i32
    %dma_wait3A_143 = arith.constant 0 : i32
    %dma_wait3A_144 = tpu.memref_slice %arg12[%add3A_142, %dma_wait3A_143] : memref<10240x128xf32, #tpu.memory_space<vmem_shared>> -> memref<64x128xf32, #tpu.memory_space<vmem_shared>>
    %dma_wait3A_145 = arith.constant 0 : i32
    %dma_wait3A_146 = tpu.memref_slice %arg12[%add3A_142, %dma_wait3A_145] : memref<10240x128xf32, #tpu.memory_space<vmem_shared>> -> memref<64x128xf32, #tpu.memory_space<vmem_shared>>
    tpu.wait_dma2 semaphore(%arg16 : memref<!tpu.dma_semaphore, #tpu.memory_space<semaphore_mem>>) src(%arg8 : memref<64x128xf32, #tpu.memory_space<vmem>>) dst(%dma_wait3A_146 : memref<64x128xf32, #tpu.memory_space<vmem_shared>>)
    %mul3A_147 = arith.constant 640 : i32
    %mul3A_148 = arith.muli %arg1, %mul3A_147 : i32
    %add3A_149 = arith.constant 512 : i32
    %add3A_150 = arith.addi %mul3A_148, %add3A_149 : i32
    %dma_wait3A_151 = arith.constant 0 : i32
    %dma_wait3A_152 = tpu.memref_slice %arg12[%add3A_150, %dma_wait3A_151] : memref<10240x128xf32, #tpu.memory_space<vmem_shared>> -> memref<64x128xf32, #tpu.memory_space<vmem_shared>>
    %dma_wait3A_153 = arith.constant 0 : i32
    %dma_wait3A_154 = tpu.memref_slice %arg12[%add3A_150, %dma_wait3A_153] : memref<10240x128xf32, #tpu.memory_space<vmem_shared>> -> memref<64x128xf32, #tpu.memory_space<vmem_shared>>
    tpu.wait_dma2 semaphore(%arg13 : memref<!tpu.dma_semaphore, #tpu.memory_space<semaphore_mem>>) src(%arg8 : memref<64x128xf32, #tpu.memory_space<vmem>>) dst(%dma_wait3A_154 : memref<64x128xf32, #tpu.memory_space<vmem_shared>>)
    %mul3A_155 = arith.constant 640 : i32
    %mul3A_156 = arith.muli %arg1, %mul3A_155 : i32
    %add3A_157 = arith.constant 576 : i32
    %add3A_158 = arith.addi %mul3A_156, %add3A_157 : i32
    %dma_wait3A_159 = arith.constant 0 : i32
    %dma_wait3A_160 = tpu.memref_slice %arg12[%add3A_158, %dma_wait3A_159] : memref<10240x128xf32, #tpu.memory_space<vmem_shared>> -> memref<64x128xf32, #tpu.memory_space<vmem_shared>>
    %dma_wait3A_161 = arith.constant 0 : i32
    %dma_wait3A_162 = tpu.memref_slice %arg12[%add3A_158, %dma_wait3A_161] : memref<10240x128xf32, #tpu.memory_space<vmem_shared>> -> memref<64x128xf32, #tpu.memory_space<vmem_shared>>
    tpu.wait_dma2 semaphore(%arg14 : memref<!tpu.dma_semaphore, #tpu.memory_space<semaphore_mem>>) src(%arg8 : memref<64x128xf32, #tpu.memory_space<vmem>>) dst(%dma_wait3A_162 : memref<64x128xf32, #tpu.memory_space<vmem_shared>>)
    %barrier3A = arith.constant 0 : index
    tpu.barrier barrier_id(%barrier3A)
    %mul3A_163 = arith.constant 16 : i32
    %mul3A_164 = arith.muli %arg0, %mul3A_163 : i32
    %mul3A_165 = arith.constant 160 : i32
    %mul3A_166 = arith.muli %mul3A_164, %mul3A_165 : i32
    %scan3A_167 = arith.constant 0 : i32
    %scan3A_168 = arith.constant 0 : i32
    %scan3A_169 = arith.constant 4 : i32
    %scan3A_170 = arith.addi %scan3A_168, %scan3A_169 : i32
    %scan3A_171 = arith.constant 1 : i32
    %scan3A_172 = scf.for %scan3A_179 = %scan3A_168 to %scan3A_170 step %scan3A_171 iter_args(%scan3A_180 = %scan3A_167) -> (i32)  : i32 {
      %mul3A_181 = arith.constant 160 : i32
      %mul3A_182 = arith.muli %arg1, %mul3A_181 : i32
      %add3A_183 = arith.addi %mul3A_166, %mul3A_182 : i32
      %mul3A_184 = arith.constant 40 : i32
      %mul3A_185 = arith.muli %scan3A_179, %mul3A_184 : i32
      %add3A_186 = arith.addi %add3A_183, %mul3A_185 : i32
      "tpu.region"() ({
        %run_scoped3A = tpu.sem_alloc : memref<!tpu.dma_semaphore, #tpu.memory_space<semaphore_mem>>
        %dma_start3A_223 = arith.constant 0 : i32
        %dma_start3A_224 = arith.constant 0 : i32
        %dma_start3A_225 = tpu.memref_slice %arg6[%dma_start3A_223, %dma_start3A_224] : memref<40x64xi32, #tpu.memory_space<vmem>> -> memref<40x64xi32, #tpu.memory_space<vmem>>
        %dma_start3A_226 = arith.constant 0 : i32
        %dma_start3A_227 = tpu.memref_slice %arg3[%add3A_186, %dma_start3A_226] : memref<5120x64xi32, #tpu.memory_space<hbm>> -> memref<40x64xi32, #tpu.memory_space<hbm>>
        %dma_start3A_228 = arith.constant 0 : i32
        %dma_start3A_229 = arith.constant 0 : i32
        %dma_start3A_230 = tpu.memref_slice %arg6[%dma_start3A_228, %dma_start3A_229] : memref<40x64xi32, #tpu.memory_space<vmem>> -> memref<40x64xi32, #tpu.memory_space<vmem>>
        %dma_start3A_231 = arith.constant 0 : i32
        %dma_start3A_232 = tpu.memref_slice %arg3[%add3A_186, %dma_start3A_231] : memref<5120x64xi32, #tpu.memory_space<hbm>> -> memref<40x64xi32, #tpu.memory_space<hbm>>
        tpu.enqueue_dma source(%dma_start3A_232 : memref<40x64xi32, #tpu.memory_space<hbm>>) target(%dma_start3A_230 : memref<40x64xi32, #tpu.memory_space<vmem>>) target_semaphore(%run_scoped3A : memref<!tpu.dma_semaphore, #tpu.memory_space<semaphore_mem>>)
        %dma_wait3A_233 = arith.constant 0 : i32
        %dma_wait3A_234 = arith.constant 0 : i32
        %dma_wait3A_235 = tpu.memref_slice %arg6[%dma_wait3A_233, %dma_wait3A_234] : memref<40x64xi32, #tpu.memory_space<vmem>> -> memref<40x64xi32, #tpu.memory_space<vmem>>
        %dma_wait3A_236 = arith.constant 0 : i32
        %dma_wait3A_237 = tpu.memref_slice %arg3[%add3A_186, %dma_wait3A_236] : memref<5120x64xi32, #tpu.memory_space<hbm>> -> memref<40x64xi32, #tpu.memory_space<hbm>>
        %dma_wait3A_238 = arith.constant 0 : i32
        %dma_wait3A_239 = arith.constant 0 : i32
        %dma_wait3A_240 = tpu.memref_slice %arg6[%dma_wait3A_238, %dma_wait3A_239] : memref<40x64xi32, #tpu.memory_space<vmem>> -> memref<40x64xi32, #tpu.memory_space<vmem>>
        %dma_wait3A_241 = arith.constant 0 : i32
        %dma_wait3A_242 = tpu.memref_slice %arg3[%add3A_186, %dma_wait3A_241] : memref<5120x64xi32, #tpu.memory_space<hbm>> -> memref<40x64xi32, #tpu.memory_space<hbm>>
        tpu.wait_dma2 semaphore(%run_scoped3A : memref<!tpu.dma_semaphore, #tpu.memory_space<semaphore_mem>>) src(%dma_wait3A_242 : memref<40x64xi32, #tpu.memory_space<hbm>>) dst(%dma_wait3A_240 : memref<40x64xi32, #tpu.memory_space<vmem>>)
        tpu.yield
      }) : () -> ()
      "tpu.region"() ({
        %run_scoped3A = tpu.sem_alloc : memref<!tpu.dma_semaphore, #tpu.memory_space<semaphore_mem>>
        %dma_start3A_223 = arith.constant 0 : i32
        %dma_start3A_224 = arith.constant 0 : i32
        %dma_start3A_225 = tpu.memref_slice %arg7[%dma_start3A_223, %dma_start3A_224] : memref<40x64xi32, #tpu.memory_space<vmem>> -> memref<40x64xi32, #tpu.memory_space<vmem>>
        %dma_start3A_226 = arith.constant 0 : i32
        %dma_start3A_227 = tpu.memref_slice %arg4[%add3A_186, %dma_start3A_226] : memref<5120x64xi32, #tpu.memory_space<hbm>> -> memref<40x64xi32, #tpu.memory_space<hbm>>
        %dma_start3A_228 = arith.constant 0 : i32
        %dma_start3A_229 = arith.constant 0 : i32
        %dma_start3A_230 = tpu.memref_slice %arg7[%dma_start3A_228, %dma_start3A_229] : memref<40x64xi32, #tpu.memory_space<vmem>> -> memref<40x64xi32, #tpu.memory_space<vmem>>
        %dma_start3A_231 = arith.constant 0 : i32
        %dma_start3A_232 = tpu.memref_slice %arg4[%add3A_186, %dma_start3A_231] : memref<5120x64xi32, #tpu.memory_space<hbm>> -> memref<40x64xi32, #tpu.memory_space<hbm>>
        tpu.enqueue_dma source(%dma_start3A_232 : memref<40x64xi32, #tpu.memory_space<hbm>>) target(%dma_start3A_230 : memref<40x64xi32, #tpu.memory_space<vmem>>) target_semaphore(%run_scoped3A : memref<!tpu.dma_semaphore, #tpu.memory_space<semaphore_mem>>)
        %dma_wait3A_233 = arith.constant 0 : i32
        %dma_wait3A_234 = arith.constant 0 : i32
        %dma_wait3A_235 = tpu.memref_slice %arg7[%dma_wait3A_233, %dma_wait3A_234] : memref<40x64xi32, #tpu.memory_space<vmem>> -> memref<40x64xi32, #tpu.memory_space<vmem>>
        %dma_wait3A_236 = arith.constant 0 : i32
        %dma_wait3A_237 = tpu.memref_slice %arg4[%add3A_186, %dma_wait3A_236] : memref<5120x64xi32, #tpu.memory_space<hbm>> -> memref<40x64xi32, #tpu.memory_space<hbm>>
        %dma_wait3A_238 = arith.constant 0 : i32
        %dma_wait3A_239 = arith.constant 0 : i32
        %dma_wait3A_240 = tpu.memref_slice %arg7[%dma_wait3A_238, %dma_wait3A_239] : memref<40x64xi32, #tpu.memory_space<vmem>> -> memref<40x64xi32, #tpu.memory_space<vmem>>
        %dma_wait3A_241 = arith.constant 0 : i32
        %dma_wait3A_242 = tpu.memref_slice %arg4[%add3A_186, %dma_wait3A_241] : memref<5120x64xi32, #tpu.memory_space<hbm>> -> memref<40x64xi32, #tpu.memory_space<hbm>>
        tpu.wait_dma2 semaphore(%run_scoped3A : memref<!tpu.dma_semaphore, #tpu.memory_space<semaphore_mem>>) src(%dma_wait3A_242 : memref<40x64xi32, #tpu.memory_space<hbm>>) dst(%dma_wait3A_240 : memref<40x64xi32, #tpu.memory_space<vmem>>)
        tpu.yield
      }) : () -> ()
      %dma_start3A_187 = arith.constant 0 : i32
      %dma_start3A_188 = arith.constant 0 : i32
      %dma_start3A_189 = tpu.memref_slice %arg6[%dma_start3A_187, %dma_start3A_188] : memref<40x64xi32, #tpu.memory_space<vmem>> -> memref<1x64xi32, #tpu.memory_space<vmem>>
      %dma_start3A_190 = tpu.memref_squeeze %dma_start3A_189 : memref<1x64xi32, #tpu.memory_space<vmem>> -> memref<64xi32, #tpu.memory_space<vmem>>
      %dma_start3A_191 = arith.constant 0 : i32
      %dma_start3A_192 = arith.constant 0 : i32
      %dma_start3A_193 = tpu.memref_slice %arg2[%dma_start3A_191, %dma_start3A_192] : memref<10240x128xf32, #tpu.memory_space<hbm>> -> memref<10240x128xf32, #tpu.memory_space<hbm>>
      tpu.enqueue_indirect_dma source(%dma_start3A_193 : memref<10240x128xf32, #tpu.memory_space<hbm>>) target(%arg8 : memref<64x128xf32, #tpu.memory_space<vmem>>) offsets(%dma_start3A_190 : memref<64xi32, #tpu.memory_space<vmem>>) semaphore(%arg13 : memref<!tpu.dma_semaphore, #tpu.memory_space<semaphore_mem>>)
      %dma_start3A_194 = arith.constant 1 : i32
      %dma_start3A_195 = arith.constant 0 : i32
      %dma_start3A_196 = tpu.memref_slice %arg6[%dma_start3A_194, %dma_start3A_195] : memref<40x64xi32, #tpu.memory_space<vmem>> -> memref<1x64xi32, #tpu.memory_space<vmem>>
      %dma_start3A_197 = tpu.memref_squeeze %dma_start3A_196 : memref<1x64xi32, #tpu.memory_space<vmem>> -> memref<64xi32, #tpu.memory_space<vmem>>
      %dma_start3A_198 = arith.constant 0 : i32
      %dma_start3A_199 = arith.constant 0 : i32
      %dma_start3A_200 = tpu.memref_slice %arg2[%dma_start3A_198, %dma_start3A_199] : memref<10240x128xf32, #tpu.memory_space<hbm>> -> memref<10240x128xf32, #tpu.memory_space<hbm>>
      tpu.enqueue_indirect_dma source(%dma_start3A_200 : memref<10240x128xf32, #tpu.memory_space<hbm>>) target(%arg9 : memref<64x128xf32, #tpu.memory_space<vmem>>) offsets(%dma_start3A_197 : memref<64xi32, #tpu.memory_space<vmem>>) semaphore(%arg14 : memref<!tpu.dma_semaphore, #tpu.memory_space<semaphore_mem>>)
      %dma_start3A_201 = arith.constant 2 : i32
      %dma_start3A_202 = arith.constant 0 : i32
      %dma_start3A_203 = tpu.memref_slice %arg6[%dma_start3A_201, %dma_start3A_202] : memref<40x64xi32, #tpu.memory_space<vmem>> -> memref<1x64xi32, #tpu.memory_space<vmem>>
      %dma_start3A_204 = tpu.memref_squeeze %dma_start3A_203 : memref<1x64xi32, #tpu.memory_space<vmem>> -> memref<64xi32, #tpu.memory_space<vmem>>
      %dma_start3A_205 = arith.constant 0 : i32
      %dma_start3A_206 = arith.constant 0 : i32
      %dma_start3A_207 = tpu.memref_slice %arg2[%dma_start3A_205, %dma_start3A_206] : memref<10240x128xf32, #tpu.memory_space<hbm>> -> memref<10240x128xf32, #tpu.memory_space<hbm>>
      tpu.enqueue_indirect_dma source(%dma_start3A_207 : memref<10240x128xf32, #tpu.memory_space<hbm>>) target(%arg10 : memref<64x128xf32, #tpu.memory_space<vmem>>) offsets(%dma_start3A_204 : memref<64xi32, #tpu.memory_space<vmem>>) semaphore(%arg15 : memref<!tpu.dma_semaphore, #tpu.memory_space<semaphore_mem>>)
      %dma_start3A_208 = arith.constant 3 : i32
      %dma_start3A_209 = arith.constant 0 : i32
      %dma_start3A_210 = tpu.memref_slice %arg6[%dma_start3A_208, %dma_start3A_209] : memref<40x64xi32, #tpu.memory_space<vmem>> -> memref<1x64xi32, #tpu.memory_space<vmem>>
      %dma_start3A_211 = tpu.memref_squeeze %dma_start3A_210 : memref<1x64xi32, #tpu.memory_space<vmem>> -> memref<64xi32, #tpu.memory_space<vmem>>
      %dma_start3A_212 = arith.constant 0 : i32
      %dma_start3A_213 = arith.constant 0 : i32
      %dma_start3A_214 = tpu.memref_slice %arg2[%dma_start3A_212, %dma_start3A_213] : memref<10240x128xf32, #tpu.memory_space<hbm>> -> memref<10240x128xf32, #tpu.memory_space<hbm>>
      tpu.enqueue_indirect_dma source(%dma_start3A_214 : memref<10240x128xf32, #tpu.memory_space<hbm>>) target(%arg11 : memref<64x128xf32, #tpu.memory_space<vmem>>) offsets(%dma_start3A_211 : memref<64xi32, #tpu.memory_space<vmem>>) semaphore(%arg16 : memref<!tpu.dma_semaphore, #tpu.memory_space<semaphore_mem>>)
      %scan3A_215 = arith.constant 0 : i32
      %scan3A_216 = arith.constant 0 : i32
      %scan3A_217 = arith.constant 10 : i32
      %scan3A_218 = arith.addi %scan3A_216, %scan3A_217 : i32
      %scan3A_219 = arith.constant 1 : i32
      %scan3A_220 = scf.for %scan3A_223 = %scan3A_216 to %scan3A_218 step %scan3A_219 iter_args(%scan3A_224 = %scan3A_215) -> (i32)  : i32 {
        %mul3A_225 = arith.constant 4 : i32
        %mul3A_226 = arith.muli %mul3A_225, %scan3A_223 : i32
        %add3A_227 = arith.constant 0 : i32
        %add3A_228 = arith.addi %mul3A_226, %add3A_227 : i32
        %dma_wait3A_229 = arith.constant 0 : i32
        %dma_wait3A_230 = tpu.memref_slice %arg6[%add3A_228, %dma_wait3A_229] : memref<40x64xi32, #tpu.memory_space<vmem>> -> memref<1x64xi32, #tpu.memory_space<vmem>>
        %dma_wait3A_231 = tpu.memref_squeeze %dma_wait3A_230 : memref<1x64xi32, #tpu.memory_space<vmem>> -> memref<64xi32, #tpu.memory_space<vmem>>
        %dma_wait3A_232 = arith.constant 0 : i32
        %dma_wait3A_233 = arith.constant 0 : i32
        %dma_wait3A_234 = tpu.memref_slice %arg2[%dma_wait3A_232, %dma_wait3A_233] : memref<10240x128xf32, #tpu.memory_space<hbm>> -> memref<10240x128xf32, #tpu.memory_space<hbm>>
        tpu.wait_indirect_dma semaphore(%arg13 : memref<!tpu.dma_semaphore, #tpu.memory_space<semaphore_mem>>) src(%dma_wait3A_234 : memref<10240x128xf32, #tpu.memory_space<hbm>>) dst(%arg8 : memref<64x128xf32, #tpu.memory_space<vmem>>)
        "tpu.region"() ({
          %run_scoped3A = tpu.sem_alloc : memref<!tpu.dma_semaphore, #tpu.memory_space<semaphore_mem>>
          %dma_start3A_291 = arith.constant 0 : i32
          %dma_start3A_292 = tpu.memref_slice %arg7[%add3A_228, %dma_start3A_291] : memref<40x64xi32, #tpu.memory_space<vmem>> -> memref<1x64xi32, #tpu.memory_space<vmem>>
          %dma_start3A_293 = tpu.memref_squeeze %dma_start3A_292 : memref<1x64xi32, #tpu.memory_space<vmem>> -> memref<64xi32, #tpu.memory_space<vmem>>
          %dma_start3A_294 = arith.constant 0 : i32
          %dma_start3A_295 = arith.constant 0 : i32
          %dma_start3A_296 = tpu.memref_slice %arg12[%dma_start3A_294, %dma_start3A_295] : memref<10240x128xf32, #tpu.memory_space<vmem_shared>> -> memref<10240x128xf32, #tpu.memory_space<vmem_shared>>
          tpu.enqueue_indirect_dma source(%arg8 : memref<64x128xf32, #tpu.memory_space<vmem>>) target(%dma_start3A_296 : memref<10240x128xf32, #tpu.memory_space<vmem_shared>>) offsets(%dma_start3A_293 : memref<64xi32, #tpu.memory_space<vmem>>) semaphore(%run_scoped3A : memref<!tpu.dma_semaphore, #tpu.memory_space<semaphore_mem>>) {add = true}
          %dma_wait3A_297 = arith.constant 0 : i32
          %dma_wait3A_298 = tpu.memref_slice %arg7[%add3A_228, %dma_wait3A_297] : memref<40x64xi32, #tpu.memory_space<vmem>> -> memref<1x64xi32, #tpu.memory_space<vmem>>
          %dma_wait3A_299 = tpu.memref_squeeze %dma_wait3A_298 : memref<1x64xi32, #tpu.memory_space<vmem>> -> memref<64xi32, #tpu.memory_space<vmem>>
          %dma_wait3A_300 = arith.constant 0 : i32
          %dma_wait3A_301 = arith.constant 0 : i32
          %dma_wait3A_302 = tpu.memref_slice %arg12[%dma_wait3A_300, %dma_wait3A_301] : memref<10240x128xf32, #tpu.memory_space<vmem_shared>> -> memref<10240x128xf32, #tpu.memory_space<vmem_shared>>
          tpu.wait_indirect_dma semaphore(%run_scoped3A : memref<!tpu.dma_semaphore, #tpu.memory_space<semaphore_mem>>) src(%arg8 : memref<64x128xf32, #tpu.memory_space<vmem>>) dst(%dma_wait3A_302 : memref<10240x128xf32, #tpu.memory_space<vmem_shared>>)
          tpu.yield
        }) : () -> ()
        %add3A_235 = arith.constant 4 : i32
        %add3A_236 = arith.addi %add3A_228, %add3A_235 : i32
        %lt3A = arith.constant 40 : i32
        %lt3A_237 = arith.cmpi slt, %add3A_236, %lt3A : i32
        %convert_element_type3A = arith.extui %lt3A_237 : i1 to i32
        %cond3A = arith.constant 0 : i32
        %cond3A_238 = arith.cmpi ne, %convert_element_type3A, %cond3A : i32
        scf.if %cond3A_238 {
          %add3A_291 = arith.constant 4 : i32
          %add3A_292 = arith.addi %add3A_228, %add3A_291 : i32
          %dma_start3A_293 = arith.constant 0 : i32
          %dma_start3A_294 = tpu.memref_slice %arg6[%add3A_292, %dma_start3A_293] : memref<40x64xi32, #tpu.memory_space<vmem>> -> memref<1x64xi32, #tpu.memory_space<vmem>>
          %dma_start3A_295 = tpu.memref_squeeze %dma_start3A_294 : memref<1x64xi32, #tpu.memory_space<vmem>> -> memref<64xi32, #tpu.memory_space<vmem>>
          %dma_start3A_296 = arith.constant 0 : i32
          %dma_start3A_297 = arith.constant 0 : i32
          %dma_start3A_298 = tpu.memref_slice %arg2[%dma_start3A_296, %dma_start3A_297] : memref<10240x128xf32, #tpu.memory_space<hbm>> -> memref<10240x128xf32, #tpu.memory_space<hbm>>
          tpu.enqueue_indirect_dma source(%dma_start3A_298 : memref<10240x128xf32, #tpu.memory_space<hbm>>) target(%arg8 : memref<64x128xf32, #tpu.memory_space<vmem>>) offsets(%dma_start3A_295 : memref<64xi32, #tpu.memory_space<vmem>>) semaphore(%arg13 : memref<!tpu.dma_semaphore, #tpu.memory_space<semaphore_mem>>)
        } else {
        }
        %mul3A_239 = arith.constant 4 : i32
        %mul3A_240 = arith.muli %mul3A_239, %scan3A_223 : i32
        %add3A_241 = arith.constant 1 : i32
        %add3A_242 = arith.addi %mul3A_240, %add3A_241 : i32
        %dma_wait3A_243 = arith.constant 0 : i32
        %dma_wait3A_244 = tpu.memref_slice %arg6[%add3A_242, %dma_wait3A_243] : memref<40x64xi32, #tpu.memory_space<vmem>> -> memref<1x64xi32, #tpu.memory_space<vmem>>
        %dma_wait3A_245 = tpu.memref_squeeze %dma_wait3A_244 : memref<1x64xi32, #tpu.memory_space<vmem>> -> memref<64xi32, #tpu.memory_space<vmem>>
        %dma_wait3A_246 = arith.constant 0 : i32
        %dma_wait3A_247 = arith.constant 0 : i32
        %dma_wait3A_248 = tpu.memref_slice %arg2[%dma_wait3A_246, %dma_wait3A_247] : memref<10240x128xf32, #tpu.memory_space<hbm>> -> memref<10240x128xf32, #tpu.memory_space<hbm>>
        tpu.wait_indirect_dma semaphore(%arg14 : memref<!tpu.dma_semaphore, #tpu.memory_space<semaphore_mem>>) src(%dma_wait3A_248 : memref<10240x128xf32, #tpu.memory_space<hbm>>) dst(%arg9 : memref<64x128xf32, #tpu.memory_space<vmem>>)
        "tpu.region"() ({
          %run_scoped3A = tpu.sem_alloc : memref<!tpu.dma_semaphore, #tpu.memory_space<semaphore_mem>>
          %dma_start3A_291 = arith.constant 0 : i32
          %dma_start3A_292 = tpu.memref_slice %arg7[%add3A_242, %dma_start3A_291] : memref<40x64xi32, #tpu.memory_space<vmem>> -> memref<1x64xi32, #tpu.memory_space<vmem>>
          %dma_start3A_293 = tpu.memref_squeeze %dma_start3A_292 : memref<1x64xi32, #tpu.memory_space<vmem>> -> memref<64xi32, #tpu.memory_space<vmem>>
          %dma_start3A_294 = arith.constant 0 : i32
          %dma_start3A_295 = arith.constant 0 : i32
          %dma_start3A_296 = tpu.memref_slice %arg12[%dma_start3A_294, %dma_start3A_295] : memref<10240x128xf32, #tpu.memory_space<vmem_shared>> -> memref<10240x128xf32, #tpu.memory_space<vmem_shared>>
          tpu.enqueue_indirect_dma source(%arg9 : memref<64x128xf32, #tpu.memory_space<vmem>>) target(%dma_start3A_296 : memref<10240x128xf32, #tpu.memory_space<vmem_shared>>) offsets(%dma_start3A_293 : memref<64xi32, #tpu.memory_space<vmem>>) semaphore(%run_scoped3A : memref<!tpu.dma_semaphore, #tpu.memory_space<semaphore_mem>>) {add = true}
          %dma_wait3A_297 = arith.constant 0 : i32
          %dma_wait3A_298 = tpu.memref_slice %arg7[%add3A_242, %dma_wait3A_297] : memref<40x64xi32, #tpu.memory_space<vmem>> -> memref<1x64xi32, #tpu.memory_space<vmem>>
          %dma_wait3A_299 = tpu.memref_squeeze %dma_wait3A_298 : memref<1x64xi32, #tpu.memory_space<vmem>> -> memref<64xi32, #tpu.memory_space<vmem>>
          %dma_wait3A_300 = arith.constant 0 : i32
          %dma_wait3A_301 = arith.constant 0 : i32
          %dma_wait3A_302 = tpu.memref_slice %arg12[%dma_wait3A_300, %dma_wait3A_301] : memref<10240x128xf32, #tpu.memory_space<vmem_shared>> -> memref<10240x128xf32, #tpu.memory_space<vmem_shared>>
          tpu.wait_indirect_dma semaphore(%run_scoped3A : memref<!tpu.dma_semaphore, #tpu.memory_space<semaphore_mem>>) src(%arg9 : memref<64x128xf32, #tpu.memory_space<vmem>>) dst(%dma_wait3A_302 : memref<10240x128xf32, #tpu.memory_space<vmem_shared>>)
          tpu.yield
        }) : () -> ()
        %add3A_249 = arith.constant 4 : i32
        %add3A_250 = arith.addi %add3A_242, %add3A_249 : i32
        %lt3A_251 = arith.constant 40 : i32
        %lt3A_252 = arith.cmpi slt, %add3A_250, %lt3A_251 : i32
        %convert_element_type3A_253 = arith.extui %lt3A_252 : i1 to i32
        %cond3A_254 = arith.constant 0 : i32
        %cond3A_255 = arith.cmpi ne, %convert_element_type3A_253, %cond3A_254 : i32
        scf.if %cond3A_255 {
          %add3A_291 = arith.constant 4 : i32
          %add3A_292 = arith.addi %add3A_242, %add3A_291 : i32
          %dma_start3A_293 = arith.constant 0 : i32
          %dma_start3A_294 = tpu.memref_slice %arg6[%add3A_292, %dma_start3A_293] : memref<40x64xi32, #tpu.memory_space<vmem>> -> memref<1x64xi32, #tpu.memory_space<vmem>>
          %dma_start3A_295 = tpu.memref_squeeze %dma_start3A_294 : memref<1x64xi32, #tpu.memory_space<vmem>> -> memref<64xi32, #tpu.memory_space<vmem>>
          %dma_start3A_296 = arith.constant 0 : i32
          %dma_start3A_297 = arith.constant 0 : i32
          %dma_start3A_298 = tpu.memref_slice %arg2[%dma_start3A_296, %dma_start3A_297] : memref<10240x128xf32, #tpu.memory_space<hbm>> -> memref<10240x128xf32, #tpu.memory_space<hbm>>
          tpu.enqueue_indirect_dma source(%dma_start3A_298 : memref<10240x128xf32, #tpu.memory_space<hbm>>) target(%arg9 : memref<64x128xf32, #tpu.memory_space<vmem>>) offsets(%dma_start3A_295 : memref<64xi32, #tpu.memory_space<vmem>>) semaphore(%arg14 : memref<!tpu.dma_semaphore, #tpu.memory_space<semaphore_mem>>)
        } else {
        }
        %mul3A_256 = arith.constant 4 : i32
        %mul3A_257 = arith.muli %mul3A_256, %scan3A_223 : i32
        %add3A_258 = arith.constant 2 : i32
        %add3A_259 = arith.addi %mul3A_257, %add3A_258 : i32
        %dma_wait3A_260 = arith.constant 0 : i32
        %dma_wait3A_261 = tpu.memref_slice %arg6[%add3A_259, %dma_wait3A_260] : memref<40x64xi32, #tpu.memory_space<vmem>> -> memref<1x64xi32, #tpu.memory_space<vmem>>
        %dma_wait3A_262 = tpu.memref_squeeze %dma_wait3A_261 : memref<1x64xi32, #tpu.memory_space<vmem>> -> memref<64xi32, #tpu.memory_space<vmem>>
        %dma_wait3A_263 = arith.constant 0 : i32
        %dma_wait3A_264 = arith.constant 0 : i32
        %dma_wait3A_265 = tpu.memref_slice %arg2[%dma_wait3A_263, %dma_wait3A_264] : memref<10240x128xf32, #tpu.memory_space<hbm>> -> memref<10240x128xf32, #tpu.memory_space<hbm>>
        tpu.wait_indirect_dma semaphore(%arg15 : memref<!tpu.dma_semaphore, #tpu.memory_space<semaphore_mem>>) src(%dma_wait3A_265 : memref<10240x128xf32, #tpu.memory_space<hbm>>) dst(%arg10 : memref<64x128xf32, #tpu.memory_space<vmem>>)
        "tpu.region"() ({
          %run_scoped3A = tpu.sem_alloc : memref<!tpu.dma_semaphore, #tpu.memory_space<semaphore_mem>>
          %dma_start3A_291 = arith.constant 0 : i32
          %dma_start3A_292 = tpu.memref_slice %arg7[%add3A_259, %dma_start3A_291] : memref<40x64xi32, #tpu.memory_space<vmem>> -> memref<1x64xi32, #tpu.memory_space<vmem>>
          %dma_start3A_293 = tpu.memref_squeeze %dma_start3A_292 : memref<1x64xi32, #tpu.memory_space<vmem>> -> memref<64xi32, #tpu.memory_space<vmem>>
          %dma_start3A_294 = arith.constant 0 : i32
          %dma_start3A_295 = arith.constant 0 : i32
          %dma_start3A_296 = tpu.memref_slice %arg12[%dma_start3A_294, %dma_start3A_295] : memref<10240x128xf32, #tpu.memory_space<vmem_shared>> -> memref<10240x128xf32, #tpu.memory_space<vmem_shared>>
          tpu.enqueue_indirect_dma source(%arg10 : memref<64x128xf32, #tpu.memory_space<vmem>>) target(%dma_start3A_296 : memref<10240x128xf32, #tpu.memory_space<vmem_shared>>) offsets(%dma_start3A_293 : memref<64xi32, #tpu.memory_space<vmem>>) semaphore(%run_scoped3A : memref<!tpu.dma_semaphore, #tpu.memory_space<semaphore_mem>>) {add = true}
          %dma_wait3A_297 = arith.constant 0 : i32
          %dma_wait3A_298 = tpu.memref_slice %arg7[%add3A_259, %dma_wait3A_297] : memref<40x64xi32, #tpu.memory_space<vmem>> -> memref<1x64xi32, #tpu.memory_space<vmem>>
          %dma_wait3A_299 = tpu.memref_squeeze %dma_wait3A_298 : memref<1x64xi32, #tpu.memory_space<vmem>> -> memref<64xi32, #tpu.memory_space<vmem>>
          %dma_wait3A_300 = arith.constant 0 : i32
          %dma_wait3A_301 = arith.constant 0 : i32
          %dma_wait3A_302 = tpu.memref_slice %arg12[%dma_wait3A_300, %dma_wait3A_301] : memref<10240x128xf32, #tpu.memory_space<vmem_shared>> -> memref<10240x128xf32, #tpu.memory_space<vmem_shared>>
          tpu.wait_indirect_dma semaphore(%run_scoped3A : memref<!tpu.dma_semaphore, #tpu.memory_space<semaphore_mem>>) src(%arg10 : memref<64x128xf32, #tpu.memory_space<vmem>>) dst(%dma_wait3A_302 : memref<10240x128xf32, #tpu.memory_space<vmem_shared>>)
          tpu.yield
        }) : () -> ()
        %add3A_266 = arith.constant 4 : i32
        %add3A_267 = arith.addi %add3A_259, %add3A_266 : i32
        %lt3A_268 = arith.constant 40 : i32
        %lt3A_269 = arith.cmpi slt, %add3A_267, %lt3A_268 : i32
        %convert_element_type3A_270 = arith.extui %lt3A_269 : i1 to i32
        %cond3A_271 = arith.constant 0 : i32
        %cond3A_272 = arith.cmpi ne, %convert_element_type3A_270, %cond3A_271 : i32
        scf.if %cond3A_272 {
          %add3A_291 = arith.constant 4 : i32
          %add3A_292 = arith.addi %add3A_259, %add3A_291 : i32
          %dma_start3A_293 = arith.constant 0 : i32
          %dma_start3A_294 = tpu.memref_slice %arg6[%add3A_292, %dma_start3A_293] : memref<40x64xi32, #tpu.memory_space<vmem>> -> memref<1x64xi32, #tpu.memory_space<vmem>>
          %dma_start3A_295 = tpu.memref_squeeze %dma_start3A_294 : memref<1x64xi32, #tpu.memory_space<vmem>> -> memref<64xi32, #tpu.memory_space<vmem>>
          %dma_start3A_296 = arith.constant 0 : i32
          %dma_start3A_297 = arith.constant 0 : i32
          %dma_start3A_298 = tpu.memref_slice %arg2[%dma_start3A_296, %dma_start3A_297] : memref<10240x128xf32, #tpu.memory_space<hbm>> -> memref<10240x128xf32, #tpu.memory_space<hbm>>
          tpu.enqueue_indirect_dma source(%dma_start3A_298 : memref<10240x128xf32, #tpu.memory_space<hbm>>) target(%arg10 : memref<64x128xf32, #tpu.memory_space<vmem>>) offsets(%dma_start3A_295 : memref<64xi32, #tpu.memory_space<vmem>>) semaphore(%arg15 : memref<!tpu.dma_semaphore, #tpu.memory_space<semaphore_mem>>)
        } else {
        }
        %mul3A_273 = arith.constant 4 : i32
        %mul3A_274 = arith.muli %mul3A_273, %scan3A_223 : i32
        %add3A_275 = arith.constant 3 : i32
        %add3A_276 = arith.addi %mul3A_274, %add3A_275 : i32
        %dma_wait3A_277 = arith.constant 0 : i32
        %dma_wait3A_278 = tpu.memref_slice %arg6[%add3A_276, %dma_wait3A_277] : memref<40x64xi32, #tpu.memory_space<vmem>> -> memref<1x64xi32, #tpu.memory_space<vmem>>
        %dma_wait3A_279 = tpu.memref_squeeze %dma_wait3A_278 : memref<1x64xi32, #tpu.memory_space<vmem>> -> memref<64xi32, #tpu.memory_space<vmem>>
        %dma_wait3A_280 = arith.constant 0 : i32
        %dma_wait3A_281 = arith.constant 0 : i32
        %dma_wait3A_282 = tpu.memref_slice %arg2[%dma_wait3A_280, %dma_wait3A_281] : memref<10240x128xf32, #tpu.memory_space<hbm>> -> memref<10240x128xf32, #tpu.memory_space<hbm>>
        tpu.wait_indirect_dma semaphore(%arg16 : memref<!tpu.dma_semaphore, #tpu.memory_space<semaphore_mem>>) src(%dma_wait3A_282 : memref<10240x128xf32, #tpu.memory_space<hbm>>) dst(%arg11 : memref<64x128xf32, #tpu.memory_space<vmem>>)
        "tpu.region"() ({
          %run_scoped3A = tpu.sem_alloc : memref<!tpu.dma_semaphore, #tpu.memory_space<semaphore_mem>>
          %dma_start3A_291 = arith.constant 0 : i32
          %dma_start3A_292 = tpu.memref_slice %arg7[%add3A_276, %dma_start3A_291] : memref<40x64xi32, #tpu.memory_space<vmem>> -> memref<1x64xi32, #tpu.memory_space<vmem>>
          %dma_start3A_293 = tpu.memref_squeeze %dma_start3A_292 : memref<1x64xi32, #tpu.memory_space<vmem>> -> memref<64xi32, #tpu.memory_space<vmem>>
          %dma_start3A_294 = arith.constant 0 : i32
          %dma_start3A_295 = arith.constant 0 : i32
          %dma_start3A_296 = tpu.memref_slice %arg12[%dma_start3A_294, %dma_start3A_295] : memref<10240x128xf32, #tpu.memory_space<vmem_shared>> -> memref<10240x128xf32, #tpu.memory_space<vmem_shared>>
          tpu.enqueue_indirect_dma source(%arg11 : memref<64x128xf32, #tpu.memory_space<vmem>>) target(%dma_start3A_296 : memref<10240x128xf32, #tpu.memory_space<vmem_shared>>) offsets(%dma_start3A_293 : memref<64xi32, #tpu.memory_space<vmem>>) semaphore(%run_scoped3A : memref<!tpu.dma_semaphore, #tpu.memory_space<semaphore_mem>>) {add = true}
          %dma_wait3A_297 = arith.constant 0 : i32
          %dma_wait3A_298 = tpu.memref_slice %arg7[%add3A_276, %dma_wait3A_297] : memref<40x64xi32, #tpu.memory_space<vmem>> -> memref<1x64xi32, #tpu.memory_space<vmem>>
          %dma_wait3A_299 = tpu.memref_squeeze %dma_wait3A_298 : memref<1x64xi32, #tpu.memory_space<vmem>> -> memref<64xi32, #tpu.memory_space<vmem>>
          %dma_wait3A_300 = arith.constant 0 : i32
          %dma_wait3A_301 = arith.constant 0 : i32
          %dma_wait3A_302 = tpu.memref_slice %arg12[%dma_wait3A_300, %dma_wait3A_301] : memref<10240x128xf32, #tpu.memory_space<vmem_shared>> -> memref<10240x128xf32, #tpu.memory_space<vmem_shared>>
          tpu.wait_indirect_dma semaphore(%run_scoped3A : memref<!tpu.dma_semaphore, #tpu.memory_space<semaphore_mem>>) src(%arg11 : memref<64x128xf32, #tpu.memory_space<vmem>>) dst(%dma_wait3A_302 : memref<10240x128xf32, #tpu.memory_space<vmem_shared>>)
          tpu.yield
        }) : () -> ()
        %add3A_283 = arith.constant 4 : i32
        %add3A_284 = arith.addi %add3A_276, %add3A_283 : i32
        %lt3A_285 = arith.constant 40 : i32
        %lt3A_286 = arith.cmpi slt, %add3A_284, %lt3A_285 : i32
        %convert_element_type3A_287 = arith.extui %lt3A_286 : i1 to i32
        %cond3A_288 = arith.constant 0 : i32
        %cond3A_289 = arith.cmpi ne, %convert_element_type3A_287, %cond3A_288 : i32
        scf.if %cond3A_289 {
          %add3A_291 = arith.constant 4 : i32
          %add3A_292 = arith.addi %add3A_276, %add3A_291 : i32
          %dma_start3A_293 = arith.constant 0 : i32
          %dma_start3A_294 = tpu.memref_slice %arg6[%add3A_292, %dma_start3A_293] : memref<40x64xi32, #tpu.memory_space<vmem>> -> memref<1x64xi32, #tpu.memory_space<vmem>>
          %dma_start3A_295 = tpu.memref_squeeze %dma_start3A_294 : memref<1x64xi32, #tpu.memory_space<vmem>> -> memref<64xi32, #tpu.memory_space<vmem>>
          %dma_start3A_296 = arith.constant 0 : i32
          %dma_start3A_297 = arith.constant 0 : i32
          %dma_start3A_298 = tpu.memref_slice %arg2[%dma_start3A_296, %dma_start3A_297] : memref<10240x128xf32, #tpu.memory_space<hbm>> -> memref<10240x128xf32, #tpu.memory_space<hbm>>
          tpu.enqueue_indirect_dma source(%dma_start3A_298 : memref<10240x128xf32, #tpu.memory_space<hbm>>) target(%arg11 : memref<64x128xf32, #tpu.memory_space<vmem>>) offsets(%dma_start3A_295 : memref<64xi32, #tpu.memory_space<vmem>>) semaphore(%arg16 : memref<!tpu.dma_semaphore, #tpu.memory_space<semaphore_mem>>)
        } else {
        }
        %scan3A_290 = arith.constant 0 : i32
        scf.yield %scan3A_290 : i32
      }
      %scan3A_221 = arith.constant 10 : i32
      %scan3A_222 = arith.constant 0 : i32
      scf.yield %scan3A_222 : i32
    }
    %scan3A_173 = arith.constant 4 : i32
    %barrier3A_174 = arith.constant 0 : index
    tpu.barrier barrier_id(%barrier3A_174)
    %mul3A_175 = arith.constant 640 : i32
    %mul3A_176 = arith.muli %arg1, %mul3A_175 : i32
    %mul3A_177 = arith.constant 640 : i32
    %mul3A_178 = arith.muli %arg1, %mul3A_177 : i32
    "tpu.region"() ({
      %run_scoped3A = tpu.sem_alloc : memref<!tpu.dma_semaphore, #tpu.memory_space<semaphore_mem>>
      %dma_start3A_179 = arith.constant 0 : i32
      %dma_start3A_180 = tpu.memref_slice %arg5[%arg0, %mul3A_178, %dma_start3A_179] : memref<2x10240x128xf32, #tpu.memory_space<hbm>> -> memref<1x640x128xf32, #tpu.memory_space<hbm>>
      %dma_start3A_181 = tpu.memref_squeeze %dma_start3A_180 : memref<1x640x128xf32, #tpu.memory_space<hbm>> -> memref<640x128xf32, #tpu.memory_space<hbm>>
      %dma_start3A_182 = arith.constant 0 : i32
      %dma_start3A_183 = tpu.memref_slice %arg12[%mul3A_176, %dma_start3A_182] : memref<10240x128xf32, #tpu.memory_space<vmem_shared>> -> memref<640x128xf32, #tpu.memory_space<vmem_shared>>
      tpu.enqueue_dma source(%dma_start3A_183 : memref<640x128xf32, #tpu.memory_space<vmem_shared>>) target(%dma_start3A_181 : memref<640x128xf32, #tpu.memory_space<hbm>>) target_semaphore(%run_scoped3A : memref<!tpu.dma_semaphore, #tpu.memory_space<semaphore_mem>>)
      %dma_wait3A_184 = arith.constant 0 : i32
      %dma_wait3A_185 = tpu.memref_slice %arg5[%arg0, %mul3A_178, %dma_wait3A_184] : memref<2x10240x128xf32, #tpu.memory_space<hbm>> -> memref<1x640x128xf32, #tpu.memory_space<hbm>>
      %dma_wait3A_186 = tpu.memref_squeeze %dma_wait3A_185 : memref<1x640x128xf32, #tpu.memory_space<hbm>> -> memref<640x128xf32, #tpu.memory_space<hbm>>
      %dma_wait3A_187 = arith.constant 0 : i32
      %dma_wait3A_188 = tpu.memref_slice %arg12[%mul3A_176, %dma_wait3A_187] : memref<10240x128xf32, #tpu.memory_space<vmem_shared>> -> memref<640x128xf32, #tpu.memory_space<vmem_shared>>
      tpu.wait_dma2 semaphore(%run_scoped3A : memref<!tpu.dma_semaphore, #tpu.memory_space<semaphore_mem>>) src(%dma_wait3A_188 : memref<640x128xf32, #tpu.memory_space<vmem_shared>>) dst(%dma_wait3A_186 : memref<640x128xf32, #tpu.memory_space<hbm>>)
      tpu.yield
    }) : () -> ()
    return
  }
}

#map = affine_map<(d0, d1) -> (0, 0)>
#map1 = affine_map<(d0, d1) -> (0, 0, 0)>
module attributes {stable_mosaic.version = 14 : i64} {
  func.func @k(%arg0: i32, %arg1: i32, %arg2: memref<10240x128xf32, #tpu.memory_space<hbm>>, %arg3: memref<5120x64xi32, #tpu.memory_space<hbm>>, %arg4: memref<5120x64xi32, #tpu.memory_space<hbm>>, %arg5: memref<2x10240x128xf32, #tpu.memory_space<hbm>>, %arg6: memref<40x64xi32, #tpu.memory_space<vmem>>, %arg7: memref<40x64xi32, #tpu.memory_space<vmem>>, %arg8: memref<64x128xf32, #tpu.memory_space<vmem>>, %arg9: memref<64x128xf32, #tpu.memory_space<vmem>>, %arg10: memref<64x128xf32, #tpu.memory_space<vmem>>, %arg11: memref<64x128xf32, #tpu.memory_space<vmem>>, %arg12: memref<10240x128xf32, #tpu.memory_space<vmem_shared>>, %arg13: memref<!tpu.dma_semaphore, #tpu.memory_space<semaphore_mem>>, %arg14: memref<!tpu.dma_semaphore, #tpu.memory_space<semaphore_mem>>, %arg15: memref<!tpu.dma_semaphore, #tpu.memory_space<semaphore_mem>>, %arg16: memref<!tpu.dma_semaphore, #tpu.memory_space<semaphore_mem>>) attributes {dimension_semantics = [#tpu.dimension_semantics<core_parallel>, #tpu.dimension_semantics<subcore_parallel>], iteration_bounds = array<i64: 2, 16>, scalar_prefetch = 0 : i64, scratch_operands = 11 : i64, tpu.core_type = #tpu.core_type<sc_vector_subcore>, window_params = [{transform_indices = #map}, {transform_indices = #map}, {transform_indices = #map}, {transform_indices = #map1}]} {
    %broadcast_in_dim3A = arith.constant 0.000000e+00 : f32
    %broadcast_in_dim3A_0 = vector.broadcast %broadcast_in_dim3A : f32 to vector<16xf32>
    %scan3A = arith.constant 0 : i32
    %scan3A_1 = arith.constant 0 : i32
    %scan3A_2 = arith.constant 512 : i32
    %scan3A_3 = arith.addi %scan3A_1, %scan3A_2 : i32
    %scan3A_4 = arith.constant 1 : i32
    %scan3A_5 = scf.for %scan3A_179 = %scan3A_1 to %scan3A_3 step %scan3A_4 iter_args(%scan3A_180 = %scan3A) -> (i32)  : i32 {
      %jit3A = arith.constant 8 : i32
      %div3A = arith.divsi %scan3A_179, %jit3A : i32
      %sign3A = arith.constant 0 : i32
      %sign3A_181 = arith.cmpi sgt, %scan3A_179, %sign3A : i32
      %sign3A_182 = arith.extui %sign3A_181 : i1 to i32
      %sign3A_183 = arith.constant 0 : i32
      %sign3A_184 = arith.cmpi slt, %scan3A_179, %sign3A_183 : i32
      %sign3A_185 = arith.extui %sign3A_184 : i1 to i32
      %sign3A_186 = arith.subi %sign3A_182, %sign3A_185 : i32
      %sign3A_187 = arith.constant 0 : i32
      %sign3A_188 = arith.cmpi sgt, %jit3A, %sign3A_187 : i32
      %sign3A_189 = arith.extui %sign3A_188 : i1 to i32
      %sign3A_190 = arith.constant 0 : i32
      %sign3A_191 = arith.cmpi slt, %jit3A, %sign3A_190 : i32
      %sign3A_192 = arith.extui %sign3A_191 : i1 to i32
      %sign3A_193 = arith.subi %sign3A_189, %sign3A_192 : i32
      %ne3A = arith.cmpi ne, %sign3A_186, %sign3A_193 : i32
      %rem3A = arith.remsi %scan3A_179, %jit3A : i32
      %ne3A_194 = arith.constant 0 : i32
      %ne3A_195 = arith.cmpi ne, %rem3A, %ne3A_194 : i32
      %and3A = arith.andi %ne3A, %ne3A_195 : i1
      %sub3A = arith.constant 1 : i32
      %sub3A_196 = arith.subi %div3A, %sub3A : i32
      %select_n3A = arith.select %and3A, %sub3A_196, %div3A : i32
      %jit3A_197 = arith.constant 8 : i32
      %eq3A = arith.constant 0 : i32
      %eq3A_198 = arith.cmpi eq, %jit3A_197, %eq3A : i32
      %jit3A_199 = arith.constant 1 : i32
      %select_n3A_200 = arith.select %eq3A_198, %jit3A_199, %jit3A_197 : i32
      %rem3A_201 = arith.remsi %scan3A_179, %select_n3A_200 : i32
      %ne3A_202 = arith.constant 0 : i32
      %ne3A_203 = arith.cmpi ne, %rem3A_201, %ne3A_202 : i32
      %lt3A = arith.constant 0 : i32
      %lt3A_204 = arith.cmpi slt, %rem3A_201, %lt3A : i32
      %lt3A_205 = arith.constant 0 : i32
      %lt3A_206 = arith.cmpi slt, %select_n3A_200, %lt3A_205 : i32
      %ne3A_207 = arith.xori %lt3A_204, %lt3A_206 : i1
      %and3A_208 = arith.andi %ne3A_207, %ne3A_203 : i1
      %add3A_209 = arith.addi %rem3A_201, %select_n3A_200 : i32
      %select_n3A_210 = arith.select %and3A_208, %add3A_209, %rem3A_201 : i32
      %mul3A_211 = arith.constant 16 : i32
      %mul3A_212 = arith.muli %select_n3A_210, %mul3A_211 : i32
      %swap3A = arith.index_cast %select_n3A : i32 to index
      %swap3A_213 = arith.index_cast %mul3A_212 : i32 to index
      %swap3A_214 = tpu.vector_load %arg8[%swap3A, %swap3A_213] {strides = array<i32>} : memref<64x128xf32, #tpu.memory_space<vmem>>, vector<1x16xf32>,
      %swap3A_215 = vector.shape_cast %swap3A_214 : vector<1x16xf32> to vector<16xf32>
      %swap3A_216 = vector.shape_cast %broadcast_in_dim3A_0 : vector<16xf32> to vector<1x16xf32>
      tpu.vector_store %arg8[%swap3A, %swap3A_213], %swap3A_216 {strides = array<i32>} : memref<64x128xf32, #tpu.memory_space<vmem>>, vector<1x16xf32>,
      %scan3A_217 = arith.constant 0 : i32
      scf.yield %scan3A_217 : i32
    }
    %scan3A_6 = arith.constant 512 : i32
    %mul3A = arith.constant 640 : i32
    %mul3A_7 = arith.muli %arg1, %mul3A : i32
    %add3A = arith.constant 0 : i32
    %add3A_8 = arith.addi %mul3A_7, %add3A : i32
    %dma_start3A = arith.constant 0 : i32
    %dma_start3A_9 = tpu.memref_slice %arg12[%add3A_8, %dma_start3A] : memref<10240x128xf32, #tpu.memory_space<vmem_shared>> -> memref<64x128xf32, #tpu.memory_space<vmem_shared>>
    %dma_start3A_10 = arith.constant 0 : i32
    %dma_start3A_11 = tpu.memref_slice %arg12[%add3A_8, %dma_start3A_10] : memref<10240x128xf32, #tpu.memory_space<vmem_shared>> -> memref<64x128xf32, #tpu.memory_space<vmem_shared>>
    tpu.enqueue_dma source(%arg8 : memref<64x128xf32, #tpu.memory_space<vmem>>) target(%dma_start3A_11 : memref<64x128xf32, #tpu.memory_space<vmem_shared>>) target_semaphore(%arg13 : memref<!tpu.dma_semaphore, #tpu.memory_space<semaphore_mem>>)
    %mul3A_12 = arith.constant 640 : i32
    %mul3A_13 = arith.muli %arg1, %mul3A_12 : i32
    %add3A_14 = arith.constant 64 : i32
    %add3A_15 = arith.addi %mul3A_13, %add3A_14 : i32
    %dma_start3A_16 = arith.constant 0 : i32
    %dma_start3A_17 = tpu.memref_slice %arg12[%add3A_15, %dma_start3A_16] : memref<10240x128xf32, #tpu.memory_space<vmem_shared>> -> memref<64x128xf32, #tpu.memory_space<vmem_shared>>
    %dma_start3A_18 = arith.constant 0 : i32
    %dma_start3A_19 = tpu.memref_slice %arg12[%add3A_15, %dma_start3A_18] : memref<10240x128xf32, #tpu.memory_space<vmem_shared>> -> memref<64x128xf32, #tpu.memory_space<vmem_shared>>
    tpu.enqueue_dma source(%arg8 : memref<64x128xf32, #tpu.memory_space<vmem>>) target(%dma_start3A_19 : memref<64x128xf32, #tpu.memory_space<vmem_shared>>) target_semaphore(%arg14 : memref<!tpu.dma_semaphore, #tpu.memory_space<semaphore_mem>>)
    %mul3A_20 = arith.constant 640 : i32
    %mul3A_21 = arith.muli %arg1, %mul3A_20 : i32
    %add3A_22 = arith.constant 128 : i32
    %add3A_23 = arith.addi %mul3A_21, %add3A_22 : i32
    %dma_start3A_24 = arith.constant 0 : i32
    %dma_start3A_25 = tpu.memref_slice %arg12[%add3A_23, %dma_start3A_24] : memref<10240x128xf32, #tpu.memory_space<vmem_shared>> -> memref<64x128xf32, #tpu.memory_space<vmem_shared>>
    %dma_start3A_26 = arith.constant 0 : i32
    %dma_start3A_27 = tpu.memref_slice %arg12[%add3A_23, %dma_start3A_26] : memref<10240x128xf32, #tpu.memory_space<vmem_shared>> -> memref<64x128xf32, #tpu.memory_space<vmem_shared>>
    tpu.enqueue_dma source(%arg8 : memref<64x128xf32, #tpu.memory_space<vmem>>) target(%dma_start3A_27 : memref<64x128xf32, #tpu.memory_space<vmem_shared>>) target_semaphore(%arg15 : memref<!tpu.dma_semaphore, #tpu.memory_space<semaphore_mem>>)
    %mul3A_28 = arith.constant 640 : i32
    %mul3A_29 = arith.muli %arg1, %mul3A_28 : i32
    %add3A_30 = arith.constant 192 : i32
    %add3A_31 = arith.addi %mul3A_29, %add3A_30 : i32
    %dma_start3A_32 = arith.constant 0 : i32
    %dma_start3A_33 = tpu.memref_slice %arg12[%add3A_31, %dma_start3A_32] : memref<10240x128xf32, #tpu.memory_space<vmem_shared>> -> memref<64x128xf32, #tpu.memory_space<vmem_shared>>
    %dma_start3A_34 = arith.constant 0 : i32
    %dma_start3A_35 = tpu.memref_slice %arg12[%add3A_31, %dma_start3A_34] : memref<10240x128xf32, #tpu.memory_space<vmem_shared>> -> memref<64x128xf32, #tpu.memory_space<vmem_shared>>
    tpu.enqueue_dma source(%arg8 : memref<64x128xf32, #tpu.memory_space<vmem>>) target(%dma_start3A_35 : memref<64x128xf32, #tpu.memory_space<vmem_shared>>) target_semaphore(%arg16 : memref<!tpu.dma_semaphore, #tpu.memory_space<semaphore_mem>>)
    %mul3A_36 = arith.constant 640 : i32
    %mul3A_37 = arith.muli %arg1, %mul3A_36 : i32
    %add3A_38 = arith.constant 256 : i32
    %add3A_39 = arith.addi %mul3A_37, %add3A_38 : i32
    %dma_start3A_40 = arith.constant 0 : i32
    %dma_start3A_41 = tpu.memref_slice %arg12[%add3A_39, %dma_start3A_40] : memref<10240x128xf32, #tpu.memory_space<vmem_shared>> -> memref<64x128xf32, #tpu.memory_space<vmem_shared>>
    %dma_start3A_42 = arith.constant 0 : i32
    %dma_start3A_43 = tpu.memref_slice %arg12[%add3A_39, %dma_start3A_42] : memref<10240x128xf32, #tpu.memory_space<vmem_shared>> -> memref<64x128xf32, #tpu.memory_space<vmem_shared>>
    tpu.enqueue_dma source(%arg8 : memref<64x128xf32, #tpu.memory_space<vmem>>) target(%dma_start3A_43 : memref<64x128xf32, #tpu.memory_space<vmem_shared>>) target_semaphore(%arg13 : memref<!tpu.dma_semaphore, #tpu.memory_space<semaphore_mem>>)
    %mul3A_44 = arith.constant 640 : i32
    %mul3A_45 = arith.muli %arg1, %mul3A_44 : i32
    %add3A_46 = arith.constant 320 : i32
    %add3A_47 = arith.addi %mul3A_45, %add3A_46 : i32
    %dma_start3A_48 = arith.constant 0 : i32
    %dma_start3A_49 = tpu.memref_slice %arg12[%add3A_47, %dma_start3A_48] : memref<10240x128xf32, #tpu.memory_space<vmem_shared>> -> memref<64x128xf32, #tpu.memory_space<vmem_shared>>
    %dma_start3A_50 = arith.constant 0 : i32
    %dma_start3A_51 = tpu.memref_slice %arg12[%add3A_47, %dma_start3A_50] : memref<10240x128xf32, #tpu.memory_space<vmem_shared>> -> memref<64x128xf32, #tpu.memory_space<vmem_shared>>
    tpu.enqueue_dma source(%arg8 : memref<64x128xf32, #tpu.memory_space<vmem>>) target(%dma_start3A_51 : memref<64x128xf32, #tpu.memory_space<vmem_shared>>) target_semaphore(%arg14 : memref<!tpu.dma_semaphore, #tpu.memory_space<semaphore_mem>>)
    %mul3A_52 = arith.constant 640 : i32
    %mul3A_53 = arith.muli %arg1, %mul3A_52 : i32
    %add3A_54 = arith.constant 384 : i32
    %add3A_55 = arith.addi %mul3A_53, %add3A_54 : i32
    %dma_start3A_56 = arith.constant 0 : i32
    %dma_start3A_57 = tpu.memref_slice %arg12[%add3A_55, %dma_start3A_56] : memref<10240x128xf32, #tpu.memory_space<vmem_shared>> -> memref<64x128xf32, #tpu.memory_space<vmem_shared>>
    %dma_start3A_58 = arith.constant 0 : i32
    %dma_start3A_59 = tpu.memref_slice %arg12[%add3A_55, %dma_start3A_58] : memref<10240x128xf32, #tpu.memory_space<vmem_shared>> -> memref<64x128xf32, #tpu.memory_space<vmem_shared>>
    tpu.enqueue_dma source(%arg8 : memref<64x128xf32, #tpu.memory_space<vmem>>) target(%dma_start3A_59 : memref<64x128xf32, #tpu.memory_space<vmem_shared>>) target_semaphore(%arg15 : memref<!tpu.dma_semaphore, #tpu.memory_space<semaphore_mem>>)
    %mul3A_60 = arith.constant 640 : i32
    %mul3A_61 = arith.muli %arg1, %mul3A_60 : i32
    %add3A_62 = arith.constant 448 : i32
    %add3A_63 = arith.addi %mul3A_61, %add3A_62 : i32
    %dma_start3A_64 = arith.constant 0 : i32
    %dma_start3A_65 = tpu.memref_slice %arg12[%add3A_63, %dma_start3A_64] : memref<10240x128xf32, #tpu.memory_space<vmem_shared>> -> memref<64x128xf32, #tpu.memory_space<vmem_shared>>
    %dma_start3A_66 = arith.constant 0 : i32
    %dma_start3A_67 = tpu.memref_slice %arg12[%add3A_63, %dma_start3A_66] : memref<10240x128xf32, #tpu.memory_space<vmem_shared>> -> memref<64x128xf32, #tpu.memory_space<vmem_shared>>
    tpu.enqueue_dma source(%arg8 : memref<64x128xf32, #tpu.memory_space<vmem>>) target(%dma_start3A_67 : memref<64x128xf32, #tpu.memory_space<vmem_shared>>) target_semaphore(%arg16 : memref<!tpu.dma_semaphore, #tpu.memory_space<semaphore_mem>>)
    %mul3A_68 = arith.constant 640 : i32
    %mul3A_69 = arith.muli %arg1, %mul3A_68 : i32
    %add3A_70 = arith.constant 512 : i32
    %add3A_71 = arith.addi %mul3A_69, %add3A_70 : i32
    %dma_start3A_72 = arith.constant 0 : i32
    %dma_start3A_73 = tpu.memref_slice %arg12[%add3A_71, %dma_start3A_72] : memref<10240x128xf32, #tpu.memory_space<vmem_shared>> -> memref<64x128xf32, #tpu.memory_space<vmem_shared>>
    %dma_start3A_74 = arith.constant 0 : i32
    %dma_start3A_75 = tpu.memref_slice %arg12[%add3A_71, %dma_start3A_74] : memref<10240x128xf32, #tpu.memory_space<vmem_shared>> -> memref<64x128xf32, #tpu.memory_space<vmem_shared>>
    tpu.enqueue_dma source(%arg8 : memref<64x128xf32, #tpu.memory_space<vmem>>) target(%dma_start3A_75 : memref<64x128xf32, #tpu.memory_space<vmem_shared>>) target_semaphore(%arg13 : memref<!tpu.dma_semaphore, #tpu.memory_space<semaphore_mem>>)
    %mul3A_76 = arith.constant 640 : i32
    %mul3A_77 = arith.muli %arg1, %mul3A_76 : i32
    %add3A_78 = arith.constant 576 : i32
    %add3A_79 = arith.addi %mul3A_77, %add3A_78 : i32
    %dma_start3A_80 = arith.constant 0 : i32
    %dma_start3A_81 = tpu.memref_slice %arg12[%add3A_79, %dma_start3A_80] : memref<10240x128xf32, #tpu.memory_space<vmem_shared>> -> memref<64x128xf32, #tpu.memory_space<vmem_shared>>
    %dma_start3A_82 = arith.constant 0 : i32
    %dma_start3A_83 = tpu.memref_slice %arg12[%add3A_79, %dma_start3A_82] : memref<10240x128xf32, #tpu.memory_space<vmem_shared>> -> memref<64x128xf32, #tpu.memory_space<vmem_shared>>
    tpu.enqueue_dma source(%arg8 : memref<64x128xf32, #tpu.memory_space<vmem>>) target(%dma_start3A_83 : memref<64x128xf32, #tpu.memory_space<vmem_shared>>) target_semaphore(%arg14 : memref<!tpu.dma_semaphore, #tpu.memory_space<semaphore_mem>>)
    %mul3A_84 = arith.constant 640 : i32
    %mul3A_85 = arith.muli %arg1, %mul3A_84 : i32
    %add3A_86 = arith.constant 0 : i32
    %add3A_87 = arith.addi %mul3A_85, %add3A_86 : i32
    %dma_wait3A = arith.constant 0 : i32
    %dma_wait3A_88 = tpu.memref_slice %arg12[%add3A_87, %dma_wait3A] : memref<10240x128xf32, #tpu.memory_space<vmem_shared>> -> memref<64x128xf32, #tpu.memory_space<vmem_shared>>
    %dma_wait3A_89 = arith.constant 0 : i32
    %dma_wait3A_90 = tpu.memref_slice %arg12[%add3A_87, %dma_wait3A_89] : memref<10240x128xf32, #tpu.memory_space<vmem_shared>> -> memref<64x128xf32, #tpu.memory_space<vmem_shared>>
    tpu.wait_dma2 semaphore(%arg13 : memref<!tpu.dma_semaphore, #tpu.memory_space<semaphore_mem>>) src(%arg8 : memref<64x128xf32, #tpu.memory_space<vmem>>) dst(%dma_wait3A_90 : memref<64x128xf32, #tpu.memory_space<vmem_shared>>)
    %mul3A_91 = arith.constant 640 : i32
    %mul3A_92 = arith.muli %arg1, %mul3A_91 : i32
    %add3A_93 = arith.constant 64 : i32
    %add3A_94 = arith.addi %mul3A_92, %add3A_93 : i32
    %dma_wait3A_95 = arith.constant 0 : i32
    %dma_wait3A_96 = tpu.memref_slice %arg12[%add3A_94, %dma_wait3A_95] : memref<10240x128xf32, #tpu.memory_space<vmem_shared>> -> memref<64x128xf32, #tpu.memory_space<vmem_shared>>
    %dma_wait3A_97 = arith.constant 0 : i32
    %dma_wait3A_98 = tpu.memref_slice %arg12[%add3A_94, %dma_wait3A_97] : memref<10240x128xf32, #tpu.memory_space<vmem_shared>> -> memref<64x128xf32, #tpu.memory_space<vmem_shared>>
    tpu.wait_dma2 semaphore(%arg14 : memref<!tpu.dma_semaphore, #tpu.memory_space<semaphore_mem>>) src(%arg8 : memref<64x128xf32, #tpu.memory_space<vmem>>) dst(%dma_wait3A_98 : memref<64x128xf32, #tpu.memory_space<vmem_shared>>)
    %mul3A_99 = arith.constant 640 : i32
    %mul3A_100 = arith.muli %arg1, %mul3A_99 : i32
    %add3A_101 = arith.constant 128 : i32
    %add3A_102 = arith.addi %mul3A_100, %add3A_101 : i32
    %dma_wait3A_103 = arith.constant 0 : i32
    %dma_wait3A_104 = tpu.memref_slice %arg12[%add3A_102, %dma_wait3A_103] : memref<10240x128xf32, #tpu.memory_space<vmem_shared>> -> memref<64x128xf32, #tpu.memory_space<vmem_shared>>
    %dma_wait3A_105 = arith.constant 0 : i32
    %dma_wait3A_106 = tpu.memref_slice %arg12[%add3A_102, %dma_wait3A_105] : memref<10240x128xf32, #tpu.memory_space<vmem_shared>> -> memref<64x128xf32, #tpu.memory_space<vmem_shared>>
    tpu.wait_dma2 semaphore(%arg15 : memref<!tpu.dma_semaphore, #tpu.memory_space<semaphore_mem>>) src(%arg8 : memref<64x128xf32, #tpu.memory_space<vmem>>) dst(%dma_wait3A_106 : memref<64x128xf32, #tpu.memory_space<vmem_shared>>)
    %mul3A_107 = arith.constant 640 : i32
    %mul3A_108 = arith.muli %arg1, %mul3A_107 : i32
    %add3A_109 = arith.constant 192 : i32
    %add3A_110 = arith.addi %mul3A_108, %add3A_109 : i32
    %dma_wait3A_111 = arith.constant 0 : i32
    %dma_wait3A_112 = tpu.memref_slice %arg12[%add3A_110, %dma_wait3A_111] : memref<10240x128xf32, #tpu.memory_space<vmem_shared>> -> memref<64x128xf32, #tpu.memory_space<vmem_shared>>
    %dma_wait3A_113 = arith.constant 0 : i32
    %dma_wait3A_114 = tpu.memref_slice %arg12[%add3A_110, %dma_wait3A_113] : memref<10240x128xf32, #tpu.memory_space<vmem_shared>> -> memref<64x128xf32, #tpu.memory_space<vmem_shared>>
    tpu.wait_dma2 semaphore(%arg16 : memref<!tpu.dma_semaphore, #tpu.memory_space<semaphore_mem>>) src(%arg8 : memref<64x128xf32, #tpu.memory_space<vmem>>) dst(%dma_wait3A_114 : memref<64x128xf32, #tpu.memory_space<vmem_shared>>)
    %mul3A_115 = arith.constant 640 : i32
    %mul3A_116 = arith.muli %arg1, %mul3A_115 : i32
    %add3A_117 = arith.constant 256 : i32
    %add3A_118 = arith.addi %mul3A_116, %add3A_117 : i32
    %dma_wait3A_119 = arith.constant 0 : i32
    %dma_wait3A_120 = tpu.memref_slice %arg12[%add3A_118, %dma_wait3A_119] : memref<10240x128xf32, #tpu.memory_space<vmem_shared>> -> memref<64x128xf32, #tpu.memory_space<vmem_shared>>
    %dma_wait3A_121 = arith.constant 0 : i32
    %dma_wait3A_122 = tpu.memref_slice %arg12[%add3A_118, %dma_wait3A_121] : memref<10240x128xf32, #tpu.memory_space<vmem_shared>> -> memref<64x128xf32, #tpu.memory_space<vmem_shared>>
    tpu.wait_dma2 semaphore(%arg13 : memref<!tpu.dma_semaphore, #tpu.memory_space<semaphore_mem>>) src(%arg8 : memref<64x128xf32, #tpu.memory_space<vmem>>) dst(%dma_wait3A_122 : memref<64x128xf32, #tpu.memory_space<vmem_shared>>)
    %mul3A_123 = arith.constant 640 : i32
    %mul3A_124 = arith.muli %arg1, %mul3A_123 : i32
    %add3A_125 = arith.constant 320 : i32
    %add3A_126 = arith.addi %mul3A_124, %add3A_125 : i32
    %dma_wait3A_127 = arith.constant 0 : i32
    %dma_wait3A_128 = tpu.memref_slice %arg12[%add3A_126, %dma_wait3A_127] : memref<10240x128xf32, #tpu.memory_space<vmem_shared>> -> memref<64x128xf32, #tpu.memory_space<vmem_shared>>
    %dma_wait3A_129 = arith.constant 0 : i32
    %dma_wait3A_130 = tpu.memref_slice %arg12[%add3A_126, %dma_wait3A_129] : memref<10240x128xf32, #tpu.memory_space<vmem_shared>> -> memref<64x128xf32, #tpu.memory_space<vmem_shared>>
    tpu.wait_dma2 semaphore(%arg14 : memref<!tpu.dma_semaphore, #tpu.memory_space<semaphore_mem>>) src(%arg8 : memref<64x128xf32, #tpu.memory_space<vmem>>) dst(%dma_wait3A_130 : memref<64x128xf32, #tpu.memory_space<vmem_shared>>)
    %mul3A_131 = arith.constant 640 : i32
    %mul3A_132 = arith.muli %arg1, %mul3A_131 : i32
    %add3A_133 = arith.constant 384 : i32
    %add3A_134 = arith.addi %mul3A_132, %add3A_133 : i32
    %dma_wait3A_135 = arith.constant 0 : i32
    %dma_wait3A_136 = tpu.memref_slice %arg12[%add3A_134, %dma_wait3A_135] : memref<10240x128xf32, #tpu.memory_space<vmem_shared>> -> memref<64x128xf32, #tpu.memory_space<vmem_shared>>
    %dma_wait3A_137 = arith.constant 0 : i32
    %dma_wait3A_138 = tpu.memref_slice %arg12[%add3A_134, %dma_wait3A_137] : memref<10240x128xf32, #tpu.memory_space<vmem_shared>> -> memref<64x128xf32, #tpu.memory_space<vmem_shared>>
    tpu.wait_dma2 semaphore(%arg15 : memref<!tpu.dma_semaphore, #tpu.memory_space<semaphore_mem>>) src(%arg8 : memref<64x128xf32, #tpu.memory_space<vmem>>) dst(%dma_wait3A_138 : memref<64x128xf32, #tpu.memory_space<vmem_shared>>)
    %mul3A_139 = arith.constant 640 : i32
    %mul3A_140 = arith.muli %arg1, %mul3A_139 : i32
    %add3A_141 = arith.constant 448 : i32
    %add3A_142 = arith.addi %mul3A_140, %add3A_141 : i32
    %dma_wait3A_143 = arith.constant 0 : i32
    %dma_wait3A_144 = tpu.memref_slice %arg12[%add3A_142, %dma_wait3A_143] : memref<10240x128xf32, #tpu.memory_space<vmem_shared>> -> memref<64x128xf32, #tpu.memory_space<vmem_shared>>
    %dma_wait3A_145 = arith.constant 0 : i32
    %dma_wait3A_146 = tpu.memref_slice %arg12[%add3A_142, %dma_wait3A_145] : memref<10240x128xf32, #tpu.memory_space<vmem_shared>> -> memref<64x128xf32, #tpu.memory_space<vmem_shared>>
    tpu.wait_dma2 semaphore(%arg16 : memref<!tpu.dma_semaphore, #tpu.memory_space<semaphore_mem>>) src(%arg8 : memref<64x128xf32, #tpu.memory_space<vmem>>) dst(%dma_wait3A_146 : memref<64x128xf32, #tpu.memory_space<vmem_shared>>)
    %mul3A_147 = arith.constant 640 : i32
    %mul3A_148 = arith.muli %arg1, %mul3A_147 : i32
    %add3A_149 = arith.constant 512 : i32
    %add3A_150 = arith.addi %mul3A_148, %add3A_149 : i32
    %dma_wait3A_151 = arith.constant 0 : i32
    %dma_wait3A_152 = tpu.memref_slice %arg12[%add3A_150, %dma_wait3A_151] : memref<10240x128xf32, #tpu.memory_space<vmem_shared>> -> memref<64x128xf32, #tpu.memory_space<vmem_shared>>
    %dma_wait3A_153 = arith.constant 0 : i32
    %dma_wait3A_154 = tpu.memref_slice %arg12[%add3A_150, %dma_wait3A_153] : memref<10240x128xf32, #tpu.memory_space<vmem_shared>> -> memref<64x128xf32, #tpu.memory_space<vmem_shared>>
    tpu.wait_dma2 semaphore(%arg13 : memref<!tpu.dma_semaphore, #tpu.memory_space<semaphore_mem>>) src(%arg8 : memref<64x128xf32, #tpu.memory_space<vmem>>) dst(%dma_wait3A_154 : memref<64x128xf32, #tpu.memory_space<vmem_shared>>)
    %mul3A_155 = arith.constant 640 : i32
    %mul3A_156 = arith.muli %arg1, %mul3A_155 : i32
    %add3A_157 = arith.constant 576 : i32
    %add3A_158 = arith.addi %mul3A_156, %add3A_157 : i32
    %dma_wait3A_159 = arith.constant 0 : i32
    %dma_wait3A_160 = tpu.memref_slice %arg12[%add3A_158, %dma_wait3A_159] : memref<10240x128xf32, #tpu.memory_space<vmem_shared>> -> memref<64x128xf32, #tpu.memory_space<vmem_shared>>
    %dma_wait3A_161 = arith.constant 0 : i32
    %dma_wait3A_162 = tpu.memref_slice %arg12[%add3A_158, %dma_wait3A_161] : memref<10240x128xf32, #tpu.memory_space<vmem_shared>> -> memref<64x128xf32, #tpu.memory_space<vmem_shared>>
    tpu.wait_dma2 semaphore(%arg14 : memref<!tpu.dma_semaphore, #tpu.memory_space<semaphore_mem>>) src(%arg8 : memref<64x128xf32, #tpu.memory_space<vmem>>) dst(%dma_wait3A_162 : memref<64x128xf32, #tpu.memory_space<vmem_shared>>)
    %barrier3A = arith.constant 0 : index
    tpu.barrier barrier_id(%barrier3A)
    %mul3A_163 = arith.constant 16 : i32
    %mul3A_164 = arith.muli %arg0, %mul3A_163 : i32
    %mul3A_165 = arith.constant 160 : i32
    %mul3A_166 = arith.muli %mul3A_164, %mul3A_165 : i32
    %scan3A_167 = arith.constant 0 : i32
    %scan3A_168 = arith.constant 0 : i32
    %scan3A_169 = arith.constant 4 : i32
    %scan3A_170 = arith.addi %scan3A_168, %scan3A_169 : i32
    %scan3A_171 = arith.constant 1 : i32
    %scan3A_172 = scf.for %scan3A_179 = %scan3A_168 to %scan3A_170 step %scan3A_171 iter_args(%scan3A_180 = %scan3A_167) -> (i32)  : i32 {
      %mul3A_181 = arith.constant 160 : i32
      %mul3A_182 = arith.muli %arg1, %mul3A_181 : i32
      %add3A_183 = arith.addi %mul3A_166, %mul3A_182 : i32
      %mul3A_184 = arith.constant 40 : i32
      %mul3A_185 = arith.muli %scan3A_179, %mul3A_184 : i32
      %add3A_186 = arith.addi %add3A_183, %mul3A_185 : i32
      "tpu.region"() ({
        %run_scoped3A = tpu.sem_alloc : memref<!tpu.dma_semaphore, #tpu.memory_space<semaphore_mem>>
        %dma_start3A_223 = arith.constant 0 : i32
        %dma_start3A_224 = arith.constant 0 : i32
        %dma_start3A_225 = tpu.memref_slice %arg6[%dma_start3A_223, %dma_start3A_224] : memref<40x64xi32, #tpu.memory_space<vmem>> -> memref<40x64xi32, #tpu.memory_space<vmem>>
        %dma_start3A_226 = arith.constant 0 : i32
        %dma_start3A_227 = tpu.memref_slice %arg3[%add3A_186, %dma_start3A_226] : memref<5120x64xi32, #tpu.memory_space<hbm>> -> memref<40x64xi32, #tpu.memory_space<hbm>>
        %dma_start3A_228 = arith.constant 0 : i32
        %dma_start3A_229 = arith.constant 0 : i32
        %dma_start3A_230 = tpu.memref_slice %arg6[%dma_start3A_228, %dma_start3A_229] : memref<40x64xi32, #tpu.memory_space<vmem>> -> memref<40x64xi32, #tpu.memory_space<vmem>>
        %dma_start3A_231 = arith.constant 0 : i32
        %dma_start3A_232 = tpu.memref_slice %arg3[%add3A_186, %dma_start3A_231] : memref<5120x64xi32, #tpu.memory_space<hbm>> -> memref<40x64xi32, #tpu.memory_space<hbm>>
        tpu.enqueue_dma source(%dma_start3A_232 : memref<40x64xi32, #tpu.memory_space<hbm>>) target(%dma_start3A_230 : memref<40x64xi32, #tpu.memory_space<vmem>>) target_semaphore(%run_scoped3A : memref<!tpu.dma_semaphore, #tpu.memory_space<semaphore_mem>>)
        %dma_wait3A_233 = arith.constant 0 : i32
        %dma_wait3A_234 = arith.constant 0 : i32
        %dma_wait3A_235 = tpu.memref_slice %arg6[%dma_wait3A_233, %dma_wait3A_234] : memref<40x64xi32, #tpu.memory_space<vmem>> -> memref<40x64xi32, #tpu.memory_space<vmem>>
        %dma_wait3A_236 = arith.constant 0 : i32
        %dma_wait3A_237 = tpu.memref_slice %arg3[%add3A_186, %dma_wait3A_236] : memref<5120x64xi32, #tpu.memory_space<hbm>> -> memref<40x64xi32, #tpu.memory_space<hbm>>
        %dma_wait3A_238 = arith.constant 0 : i32
        %dma_wait3A_239 = arith.constant 0 : i32
        %dma_wait3A_240 = tpu.memref_slice %arg6[%dma_wait3A_238, %dma_wait3A_239] : memref<40x64xi32, #tpu.memory_space<vmem>> -> memref<40x64xi32, #tpu.memory_space<vmem>>
        %dma_wait3A_241 = arith.constant 0 : i32
        %dma_wait3A_242 = tpu.memref_slice %arg3[%add3A_186, %dma_wait3A_241] : memref<5120x64xi32, #tpu.memory_space<hbm>> -> memref<40x64xi32, #tpu.memory_space<hbm>>
        tpu.wait_dma2 semaphore(%run_scoped3A : memref<!tpu.dma_semaphore, #tpu.memory_space<semaphore_mem>>) src(%dma_wait3A_242 : memref<40x64xi32, #tpu.memory_space<hbm>>) dst(%dma_wait3A_240 : memref<40x64xi32, #tpu.memory_space<vmem>>)
        tpu.yield
      }) : () -> ()
      "tpu.region"() ({
        %run_scoped3A = tpu.sem_alloc : memref<!tpu.dma_semaphore, #tpu.memory_space<semaphore_mem>>
        %dma_start3A_223 = arith.constant 0 : i32
        %dma_start3A_224 = arith.constant 0 : i32
        %dma_start3A_225 = tpu.memref_slice %arg7[%dma_start3A_223, %dma_start3A_224] : memref<40x64xi32, #tpu.memory_space<vmem>> -> memref<40x64xi32, #tpu.memory_space<vmem>>
        %dma_start3A_226 = arith.constant 0 : i32
        %dma_start3A_227 = tpu.memref_slice %arg4[%add3A_186, %dma_start3A_226] : memref<5120x64xi32, #tpu.memory_space<hbm>> -> memref<40x64xi32, #tpu.memory_space<hbm>>
        %dma_start3A_228 = arith.constant 0 : i32
        %dma_start3A_229 = arith.constant 0 : i32
        %dma_start3A_230 = tpu.memref_slice %arg7[%dma_start3A_228, %dma_start3A_229] : memref<40x64xi32, #tpu.memory_space<vmem>> -> memref<40x64xi32, #tpu.memory_space<vmem>>
        %dma_start3A_231 = arith.constant 0 : i32
        %dma_start3A_232 = tpu.memref_slice %arg4[%add3A_186, %dma_start3A_231] : memref<5120x64xi32, #tpu.memory_space<hbm>> -> memref<40x64xi32, #tpu.memory_space<hbm>>
        tpu.enqueue_dma source(%dma_start3A_232 : memref<40x64xi32, #tpu.memory_space<hbm>>) target(%dma_start3A_230 : memref<40x64xi32, #tpu.memory_space<vmem>>) target_semaphore(%run_scoped3A : memref<!tpu.dma_semaphore, #tpu.memory_space<semaphore_mem>>)
        %dma_wait3A_233 = arith.constant 0 : i32
        %dma_wait3A_234 = arith.constant 0 : i32
        %dma_wait3A_235 = tpu.memref_slice %arg7[%dma_wait3A_233, %dma_wait3A_234] : memref<40x64xi32, #tpu.memory_space<vmem>> -> memref<40x64xi32, #tpu.memory_space<vmem>>
        %dma_wait3A_236 = arith.constant 0 : i32
        %dma_wait3A_237 = tpu.memref_slice %arg4[%add3A_186, %dma_wait3A_236] : memref<5120x64xi32, #tpu.memory_space<hbm>> -> memref<40x64xi32, #tpu.memory_space<hbm>>
        %dma_wait3A_238 = arith.constant 0 : i32
        %dma_wait3A_239 = arith.constant 0 : i32
        %dma_wait3A_240 = tpu.memref_slice %arg7[%dma_wait3A_238, %dma_wait3A_239] : memref<40x64xi32, #tpu.memory_space<vmem>> -> memref<40x64xi32, #tpu.memory_space<vmem>>
        %dma_wait3A_241 = arith.constant 0 : i32
        %dma_wait3A_242 = tpu.memref_slice %arg4[%add3A_186, %dma_wait3A_241] : memref<5120x64xi32, #tpu.memory_space<hbm>> -> memref<40x64xi32, #tpu.memory_space<hbm>>
        tpu.wait_dma2 semaphore(%run_scoped3A : memref<!tpu.dma_semaphore, #tpu.memory_space<semaphore_mem>>) src(%dma_wait3A_242 : memref<40x64xi32, #tpu.memory_space<hbm>>) dst(%dma_wait3A_240 : memref<40x64xi32, #tpu.memory_space<vmem>>)
        tpu.yield
      }) : () -> ()
      %dma_start3A_187 = arith.constant 0 : i32
      %dma_start3A_188 = arith.constant 0 : i32
      %dma_start3A_189 = tpu.memref_slice %arg6[%dma_start3A_187, %dma_start3A_188] : memref<40x64xi32, #tpu.memory_space<vmem>> -> memref<1x64xi32, #tpu.memory_space<vmem>>
      %dma_start3A_190 = tpu.memref_squeeze %dma_start3A_189 : memref<1x64xi32, #tpu.memory_space<vmem>> -> memref<64xi32, #tpu.memory_space<vmem>>
      %dma_start3A_191 = arith.constant 0 : i32
      %dma_start3A_192 = arith.constant 0 : i32
      %dma_start3A_193 = tpu.memref_slice %arg2[%dma_start3A_191, %dma_start3A_192] : memref<10240x128xf32, #tpu.memory_space<hbm>> -> memref<10240x128xf32, #tpu.memory_space<hbm>>
      tpu.enqueue_indirect_dma source(%dma_start3A_193 : memref<10240x128xf32, #tpu.memory_space<hbm>>) target(%arg8 : memref<64x128xf32, #tpu.memory_space<vmem>>) offsets(%dma_start3A_190 : memref<64xi32, #tpu.memory_space<vmem>>) semaphore(%arg13 : memref<!tpu.dma_semaphore, #tpu.memory_space<semaphore_mem>>)
      %dma_start3A_194 = arith.constant 1 : i32
      %dma_start3A_195 = arith.constant 0 : i32
      %dma_start3A_196 = tpu.memref_slice %arg6[%dma_start3A_194, %dma_start3A_195] : memref<40x64xi32, #tpu.memory_space<vmem>> -> memref<1x64xi32, #tpu.memory_space<vmem>>
      %dma_start3A_197 = tpu.memref_squeeze %dma_start3A_196 : memref<1x64xi32, #tpu.memory_space<vmem>> -> memref<64xi32, #tpu.memory_space<vmem>>
      %dma_start3A_198 = arith.constant 0 : i32
      %dma_start3A_199 = arith.constant 0 : i32
      %dma_start3A_200 = tpu.memref_slice %arg2[%dma_start3A_198, %dma_start3A_199] : memref<10240x128xf32, #tpu.memory_space<hbm>> -> memref<10240x128xf32, #tpu.memory_space<hbm>>
      tpu.enqueue_indirect_dma source(%dma_start3A_200 : memref<10240x128xf32, #tpu.memory_space<hbm>>) target(%arg9 : memref<64x128xf32, #tpu.memory_space<vmem>>) offsets(%dma_start3A_197 : memref<64xi32, #tpu.memory_space<vmem>>) semaphore(%arg14 : memref<!tpu.dma_semaphore, #tpu.memory_space<semaphore_mem>>)
      %dma_start3A_201 = arith.constant 2 : i32
      %dma_start3A_202 = arith.constant 0 : i32
      %dma_start3A_203 = tpu.memref_slice %arg6[%dma_start3A_201, %dma_start3A_202] : memref<40x64xi32, #tpu.memory_space<vmem>> -> memref<1x64xi32, #tpu.memory_space<vmem>>
      %dma_start3A_204 = tpu.memref_squeeze %dma_start3A_203 : memref<1x64xi32, #tpu.memory_space<vmem>> -> memref<64xi32, #tpu.memory_space<vmem>>
      %dma_start3A_205 = arith.constant 0 : i32
      %dma_start3A_206 = arith.constant 0 : i32
      %dma_start3A_207 = tpu.memref_slice %arg2[%dma_start3A_205, %dma_start3A_206] : memref<10240x128xf32, #tpu.memory_space<hbm>> -> memref<10240x128xf32, #tpu.memory_space<hbm>>
      tpu.enqueue_indirect_dma source(%dma_start3A_207 : memref<10240x128xf32, #tpu.memory_space<hbm>>) target(%arg10 : memref<64x128xf32, #tpu.memory_space<vmem>>) offsets(%dma_start3A_204 : memref<64xi32, #tpu.memory_space<vmem>>) semaphore(%arg15 : memref<!tpu.dma_semaphore, #tpu.memory_space<semaphore_mem>>)
      %dma_start3A_208 = arith.constant 3 : i32
      %dma_start3A_209 = arith.constant 0 : i32
      %dma_start3A_210 = tpu.memref_slice %arg6[%dma_start3A_208, %dma_start3A_209] : memref<40x64xi32, #tpu.memory_space<vmem>> -> memref<1x64xi32, #tpu.memory_space<vmem>>
      %dma_start3A_211 = tpu.memref_squeeze %dma_start3A_210 : memref<1x64xi32, #tpu.memory_space<vmem>> -> memref<64xi32, #tpu.memory_space<vmem>>
      %dma_start3A_212 = arith.constant 0 : i32
      %dma_start3A_213 = arith.constant 0 : i32
      %dma_start3A_214 = tpu.memref_slice %arg2[%dma_start3A_212, %dma_start3A_213] : memref<10240x128xf32, #tpu.memory_space<hbm>> -> memref<10240x128xf32, #tpu.memory_space<hbm>>
      tpu.enqueue_indirect_dma source(%dma_start3A_214 : memref<10240x128xf32, #tpu.memory_space<hbm>>) target(%arg11 : memref<64x128xf32, #tpu.memory_space<vmem>>) offsets(%dma_start3A_211 : memref<64xi32, #tpu.memory_space<vmem>>) semaphore(%arg16 : memref<!tpu.dma_semaphore, #tpu.memory_space<semaphore_mem>>)
      %scan3A_215 = arith.constant 0 : i32
      %scan3A_216 = arith.constant 0 : i32
      %scan3A_217 = arith.constant 10 : i32
      %scan3A_218 = arith.addi %scan3A_216, %scan3A_217 : i32
      %scan3A_219 = arith.constant 1 : i32
      %scan3A_220 = scf.for %scan3A_223 = %scan3A_216 to %scan3A_218 step %scan3A_219 iter_args(%scan3A_224 = %scan3A_215) -> (i32)  : i32 {
        %mul3A_225 = arith.constant 4 : i32
        %mul3A_226 = arith.muli %mul3A_225, %scan3A_223 : i32
        %add3A_227 = arith.constant 0 : i32
        %add3A_228 = arith.addi %mul3A_226, %add3A_227 : i32
        %dma_wait3A_229 = arith.constant 0 : i32
        %dma_wait3A_230 = tpu.memref_slice %arg6[%add3A_228, %dma_wait3A_229] : memref<40x64xi32, #tpu.memory_space<vmem>> -> memref<1x64xi32, #tpu.memory_space<vmem>>
        %dma_wait3A_231 = tpu.memref_squeeze %dma_wait3A_230 : memref<1x64xi32, #tpu.memory_space<vmem>> -> memref<64xi32, #tpu.memory_space<vmem>>
        %dma_wait3A_232 = arith.constant 0 : i32
        %dma_wait3A_233 = arith.constant 0 : i32
        %dma_wait3A_234 = tpu.memref_slice %arg2[%dma_wait3A_232, %dma_wait3A_233] : memref<10240x128xf32, #tpu.memory_space<hbm>> -> memref<10240x128xf32, #tpu.memory_space<hbm>>
        tpu.wait_indirect_dma semaphore(%arg13 : memref<!tpu.dma_semaphore, #tpu.memory_space<semaphore_mem>>) src(%dma_wait3A_234 : memref<10240x128xf32, #tpu.memory_space<hbm>>) dst(%arg8 : memref<64x128xf32, #tpu.memory_space<vmem>>)
        "tpu.region"() ({
          %run_scoped3A = tpu.sem_alloc : memref<!tpu.dma_semaphore, #tpu.memory_space<semaphore_mem>>
          %dma_start3A_291 = arith.constant 0 : i32
          %dma_start3A_292 = tpu.memref_slice %arg7[%add3A_228, %dma_start3A_291] : memref<40x64xi32, #tpu.memory_space<vmem>> -> memref<1x64xi32, #tpu.memory_space<vmem>>
          %dma_start3A_293 = tpu.memref_squeeze %dma_start3A_292 : memref<1x64xi32, #tpu.memory_space<vmem>> -> memref<64xi32, #tpu.memory_space<vmem>>
          %dma_start3A_294 = arith.constant 0 : i32
          %dma_start3A_295 = arith.constant 0 : i32
          %dma_start3A_296 = tpu.memref_slice %arg12[%dma_start3A_294, %dma_start3A_295] : memref<10240x128xf32, #tpu.memory_space<vmem_shared>> -> memref<10240x128xf32, #tpu.memory_space<vmem_shared>>
          tpu.enqueue_indirect_dma source(%arg8 : memref<64x128xf32, #tpu.memory_space<vmem>>) target(%dma_start3A_296 : memref<10240x128xf32, #tpu.memory_space<vmem_shared>>) offsets(%dma_start3A_293 : memref<64xi32, #tpu.memory_space<vmem>>) semaphore(%run_scoped3A : memref<!tpu.dma_semaphore, #tpu.memory_space<semaphore_mem>>) {add = true}
          %dma_wait3A_297 = arith.constant 0 : i32
          %dma_wait3A_298 = tpu.memref_slice %arg7[%add3A_228, %dma_wait3A_297] : memref<40x64xi32, #tpu.memory_space<vmem>> -> memref<1x64xi32, #tpu.memory_space<vmem>>
          %dma_wait3A_299 = tpu.memref_squeeze %dma_wait3A_298 : memref<1x64xi32, #tpu.memory_space<vmem>> -> memref<64xi32, #tpu.memory_space<vmem>>
          %dma_wait3A_300 = arith.constant 0 : i32
          %dma_wait3A_301 = arith.constant 0 : i32
          %dma_wait3A_302 = tpu.memref_slice %arg12[%dma_wait3A_300, %dma_wait3A_301] : memref<10240x128xf32, #tpu.memory_space<vmem_shared>> -> memref<10240x128xf32, #tpu.memory_space<vmem_shared>>
          tpu.wait_indirect_dma semaphore(%run_scoped3A : memref<!tpu.dma_semaphore, #tpu.memory_space<semaphore_mem>>) src(%arg8 : memref<64x128xf32, #tpu.memory_space<vmem>>) dst(%dma_wait3A_302 : memref<10240x128xf32, #tpu.memory_space<vmem_shared>>)
          tpu.yield
        }) : () -> ()
        %add3A_235 = arith.constant 4 : i32
        %add3A_236 = arith.addi %add3A_228, %add3A_235 : i32
        %lt3A = arith.constant 40 : i32
        %lt3A_237 = arith.cmpi slt, %add3A_236, %lt3A : i32
        %convert_element_type3A = arith.extui %lt3A_237 : i1 to i32
        %cond3A = arith.constant 0 : i32
        %cond3A_238 = arith.cmpi ne, %convert_element_type3A, %cond3A : i32
        scf.if %cond3A_238 {
          %add3A_291 = arith.constant 4 : i32
          %add3A_292 = arith.addi %add3A_228, %add3A_291 : i32
          %dma_start3A_293 = arith.constant 0 : i32
          %dma_start3A_294 = tpu.memref_slice %arg6[%add3A_292, %dma_start3A_293] : memref<40x64xi32, #tpu.memory_space<vmem>> -> memref<1x64xi32, #tpu.memory_space<vmem>>
          %dma_start3A_295 = tpu.memref_squeeze %dma_start3A_294 : memref<1x64xi32, #tpu.memory_space<vmem>> -> memref<64xi32, #tpu.memory_space<vmem>>
          %dma_start3A_296 = arith.constant 0 : i32
          %dma_start3A_297 = arith.constant 0 : i32
          %dma_start3A_298 = tpu.memref_slice %arg2[%dma_start3A_296, %dma_start3A_297] : memref<10240x128xf32, #tpu.memory_space<hbm>> -> memref<10240x128xf32, #tpu.memory_space<hbm>>
          tpu.enqueue_indirect_dma source(%dma_start3A_298 : memref<10240x128xf32, #tpu.memory_space<hbm>>) target(%arg8 : memref<64x128xf32, #tpu.memory_space<vmem>>) offsets(%dma_start3A_295 : memref<64xi32, #tpu.memory_space<vmem>>) semaphore(%arg13 : memref<!tpu.dma_semaphore, #tpu.memory_space<semaphore_mem>>)
        } else {
        }
        %mul3A_239 = arith.constant 4 : i32
        %mul3A_240 = arith.muli %mul3A_239, %scan3A_223 : i32
        %add3A_241 = arith.constant 1 : i32
        %add3A_242 = arith.addi %mul3A_240, %add3A_241 : i32
        %dma_wait3A_243 = arith.constant 0 : i32
        %dma_wait3A_244 = tpu.memref_slice %arg6[%add3A_242, %dma_wait3A_243] : memref<40x64xi32, #tpu.memory_space<vmem>> -> memref<1x64xi32, #tpu.memory_space<vmem>>
        %dma_wait3A_245 = tpu.memref_squeeze %dma_wait3A_244 : memref<1x64xi32, #tpu.memory_space<vmem>> -> memref<64xi32, #tpu.memory_space<vmem>>
        %dma_wait3A_246 = arith.constant 0 : i32
        %dma_wait3A_247 = arith.constant 0 : i32
        %dma_wait3A_248 = tpu.memref_slice %arg2[%dma_wait3A_246, %dma_wait3A_247] : memref<10240x128xf32, #tpu.memory_space<hbm>> -> memref<10240x128xf32, #tpu.memory_space<hbm>>
        tpu.wait_indirect_dma semaphore(%arg14 : memref<!tpu.dma_semaphore, #tpu.memory_space<semaphore_mem>>) src(%dma_wait3A_248 : memref<10240x128xf32, #tpu.memory_space<hbm>>) dst(%arg9 : memref<64x128xf32, #tpu.memory_space<vmem>>)
        "tpu.region"() ({
          %run_scoped3A = tpu.sem_alloc : memref<!tpu.dma_semaphore, #tpu.memory_space<semaphore_mem>>
          %dma_start3A_291 = arith.constant 0 : i32
          %dma_start3A_292 = tpu.memref_slice %arg7[%add3A_242, %dma_start3A_291] : memref<40x64xi32, #tpu.memory_space<vmem>> -> memref<1x64xi32, #tpu.memory_space<vmem>>
          %dma_start3A_293 = tpu.memref_squeeze %dma_start3A_292 : memref<1x64xi32, #tpu.memory_space<vmem>> -> memref<64xi32, #tpu.memory_space<vmem>>
          %dma_start3A_294 = arith.constant 0 : i32
          %dma_start3A_295 = arith.constant 0 : i32
          %dma_start3A_296 = tpu.memref_slice %arg12[%dma_start3A_294, %dma_start3A_295] : memref<10240x128xf32, #tpu.memory_space<vmem_shared>> -> memref<10240x128xf32, #tpu.memory_space<vmem_shared>>
          tpu.enqueue_indirect_dma source(%arg9 : memref<64x128xf32, #tpu.memory_space<vmem>>) target(%dma_start3A_296 : memref<10240x128xf32, #tpu.memory_space<vmem_shared>>) offsets(%dma_start3A_293 : memref<64xi32, #tpu.memory_space<vmem>>) semaphore(%run_scoped3A : memref<!tpu.dma_semaphore, #tpu.memory_space<semaphore_mem>>) {add = true}
          %dma_wait3A_297 = arith.constant 0 : i32
          %dma_wait3A_298 = tpu.memref_slice %arg7[%add3A_242, %dma_wait3A_297] : memref<40x64xi32, #tpu.memory_space<vmem>> -> memref<1x64xi32, #tpu.memory_space<vmem>>
          %dma_wait3A_299 = tpu.memref_squeeze %dma_wait3A_298 : memref<1x64xi32, #tpu.memory_space<vmem>> -> memref<64xi32, #tpu.memory_space<vmem>>
          %dma_wait3A_300 = arith.constant 0 : i32
          %dma_wait3A_301 = arith.constant 0 : i32
          %dma_wait3A_302 = tpu.memref_slice %arg12[%dma_wait3A_300, %dma_wait3A_301] : memref<10240x128xf32, #tpu.memory_space<vmem_shared>> -> memref<10240x128xf32, #tpu.memory_space<vmem_shared>>
          tpu.wait_indirect_dma semaphore(%run_scoped3A : memref<!tpu.dma_semaphore, #tpu.memory_space<semaphore_mem>>) src(%arg9 : memref<64x128xf32, #tpu.memory_space<vmem>>) dst(%dma_wait3A_302 : memref<10240x128xf32, #tpu.memory_space<vmem_shared>>)
          tpu.yield
        }) : () -> ()
        %add3A_249 = arith.constant 4 : i32
        %add3A_250 = arith.addi %add3A_242, %add3A_249 : i32
        %lt3A_251 = arith.constant 40 : i32
        %lt3A_252 = arith.cmpi slt, %add3A_250, %lt3A_251 : i32
        %convert_element_type3A_253 = arith.extui %lt3A_252 : i1 to i32
        %cond3A_254 = arith.constant 0 : i32
        %cond3A_255 = arith.cmpi ne, %convert_element_type3A_253, %cond3A_254 : i32
        scf.if %cond3A_255 {
          %add3A_291 = arith.constant 4 : i32
          %add3A_292 = arith.addi %add3A_242, %add3A_291 : i32
          %dma_start3A_293 = arith.constant 0 : i32
          %dma_start3A_294 = tpu.memref_slice %arg6[%add3A_292, %dma_start3A_293] : memref<40x64xi32, #tpu.memory_space<vmem>> -> memref<1x64xi32, #tpu.memory_space<vmem>>
          %dma_start3A_295 = tpu.memref_squeeze %dma_start3A_294 : memref<1x64xi32, #tpu.memory_space<vmem>> -> memref<64xi32, #tpu.memory_space<vmem>>
          %dma_start3A_296 = arith.constant 0 : i32
          %dma_start3A_297 = arith.constant 0 : i32
          %dma_start3A_298 = tpu.memref_slice %arg2[%dma_start3A_296, %dma_start3A_297] : memref<10240x128xf32, #tpu.memory_space<hbm>> -> memref<10240x128xf32, #tpu.memory_space<hbm>>
          tpu.enqueue_indirect_dma source(%dma_start3A_298 : memref<10240x128xf32, #tpu.memory_space<hbm>>) target(%arg9 : memref<64x128xf32, #tpu.memory_space<vmem>>) offsets(%dma_start3A_295 : memref<64xi32, #tpu.memory_space<vmem>>) semaphore(%arg14 : memref<!tpu.dma_semaphore, #tpu.memory_space<semaphore_mem>>)
        } else {
        }
        %mul3A_256 = arith.constant 4 : i32
        %mul3A_257 = arith.muli %mul3A_256, %scan3A_223 : i32
        %add3A_258 = arith.constant 2 : i32
        %add3A_259 = arith.addi %mul3A_257, %add3A_258 : i32
        %dma_wait3A_260 = arith.constant 0 : i32
        %dma_wait3A_261 = tpu.memref_slice %arg6[%add3A_259, %dma_wait3A_260] : memref<40x64xi32, #tpu.memory_space<vmem>> -> memref<1x64xi32, #tpu.memory_space<vmem>>
        %dma_wait3A_262 = tpu.memref_squeeze %dma_wait3A_261 : memref<1x64xi32, #tpu.memory_space<vmem>> -> memref<64xi32, #tpu.memory_space<vmem>>
        %dma_wait3A_263 = arith.constant 0 : i32
        %dma_wait3A_264 = arith.constant 0 : i32
        %dma_wait3A_265 = tpu.memref_slice %arg2[%dma_wait3A_263, %dma_wait3A_264] : memref<10240x128xf32, #tpu.memory_space<hbm>> -> memref<10240x128xf32, #tpu.memory_space<hbm>>
        tpu.wait_indirect_dma semaphore(%arg15 : memref<!tpu.dma_semaphore, #tpu.memory_space<semaphore_mem>>) src(%dma_wait3A_265 : memref<10240x128xf32, #tpu.memory_space<hbm>>) dst(%arg10 : memref<64x128xf32, #tpu.memory_space<vmem>>)
        "tpu.region"() ({
          %run_scoped3A = tpu.sem_alloc : memref<!tpu.dma_semaphore, #tpu.memory_space<semaphore_mem>>
          %dma_start3A_291 = arith.constant 0 : i32
          %dma_start3A_292 = tpu.memref_slice %arg7[%add3A_259, %dma_start3A_291] : memref<40x64xi32, #tpu.memory_space<vmem>> -> memref<1x64xi32, #tpu.memory_space<vmem>>
          %dma_start3A_293 = tpu.memref_squeeze %dma_start3A_292 : memref<1x64xi32, #tpu.memory_space<vmem>> -> memref<64xi32, #tpu.memory_space<vmem>>
          %dma_start3A_294 = arith.constant 0 : i32
          %dma_start3A_295 = arith.constant 0 : i32
          %dma_start3A_296 = tpu.memref_slice %arg12[%dma_start3A_294, %dma_start3A_295] : memref<10240x128xf32, #tpu.memory_space<vmem_shared>> -> memref<10240x128xf32, #tpu.memory_space<vmem_shared>>
          tpu.enqueue_indirect_dma source(%arg10 : memref<64x128xf32, #tpu.memory_space<vmem>>) target(%dma_start3A_296 : memref<10240x128xf32, #tpu.memory_space<vmem_shared>>) offsets(%dma_start3A_293 : memref<64xi32, #tpu.memory_space<vmem>>) semaphore(%run_scoped3A : memref<!tpu.dma_semaphore, #tpu.memory_space<semaphore_mem>>) {add = true}
          %dma_wait3A_297 = arith.constant 0 : i32
          %dma_wait3A_298 = tpu.memref_slice %arg7[%add3A_259, %dma_wait3A_297] : memref<40x64xi32, #tpu.memory_space<vmem>> -> memref<1x64xi32, #tpu.memory_space<vmem>>
          %dma_wait3A_299 = tpu.memref_squeeze %dma_wait3A_298 : memref<1x64xi32, #tpu.memory_space<vmem>> -> memref<64xi32, #tpu.memory_space<vmem>>
          %dma_wait3A_300 = arith.constant 0 : i32
          %dma_wait3A_301 = arith.constant 0 : i32
          %dma_wait3A_302 = tpu.memref_slice %arg12[%dma_wait3A_300, %dma_wait3A_301] : memref<10240x128xf32, #tpu.memory_space<vmem_shared>> -> memref<10240x128xf32, #tpu.memory_space<vmem_shared>>
          tpu.wait_indirect_dma semaphore(%run_scoped3A : memref<!tpu.dma_semaphore, #tpu.memory_space<semaphore_mem>>) src(%arg10 : memref<64x128xf32, #tpu.memory_space<vmem>>) dst(%dma_wait3A_302 : memref<10240x128xf32, #tpu.memory_space<vmem_shared>>)
          tpu.yield
        }) : () -> ()
        %add3A_266 = arith.constant 4 : i32
        %add3A_267 = arith.addi %add3A_259, %add3A_266 : i32
        %lt3A_268 = arith.constant 40 : i32
        %lt3A_269 = arith.cmpi slt, %add3A_267, %lt3A_268 : i32
        %convert_element_type3A_270 = arith.extui %lt3A_269 : i1 to i32
        %cond3A_271 = arith.constant 0 : i32
        %cond3A_272 = arith.cmpi ne, %convert_element_type3A_270, %cond3A_271 : i32
        scf.if %cond3A_272 {
          %add3A_291 = arith.constant 4 : i32
          %add3A_292 = arith.addi %add3A_259, %add3A_291 : i32
          %dma_start3A_293 = arith.constant 0 : i32
          %dma_start3A_294 = tpu.memref_slice %arg6[%add3A_292, %dma_start3A_293] : memref<40x64xi32, #tpu.memory_space<vmem>> -> memref<1x64xi32, #tpu.memory_space<vmem>>
          %dma_start3A_295 = tpu.memref_squeeze %dma_start3A_294 : memref<1x64xi32, #tpu.memory_space<vmem>> -> memref<64xi32, #tpu.memory_space<vmem>>
          %dma_start3A_296 = arith.constant 0 : i32
          %dma_start3A_297 = arith.constant 0 : i32
          %dma_start3A_298 = tpu.memref_slice %arg2[%dma_start3A_296, %dma_start3A_297] : memref<10240x128xf32, #tpu.memory_space<hbm>> -> memref<10240x128xf32, #tpu.memory_space<hbm>>
          tpu.enqueue_indirect_dma source(%dma_start3A_298 : memref<10240x128xf32, #tpu.memory_space<hbm>>) target(%arg10 : memref<64x128xf32, #tpu.memory_space<vmem>>) offsets(%dma_start3A_295 : memref<64xi32, #tpu.memory_space<vmem>>) semaphore(%arg15 : memref<!tpu.dma_semaphore, #tpu.memory_space<semaphore_mem>>)
        } else {
        }
        %mul3A_273 = arith.constant 4 : i32
        %mul3A_274 = arith.muli %mul3A_273, %scan3A_223 : i32
        %add3A_275 = arith.constant 3 : i32
        %add3A_276 = arith.addi %mul3A_274, %add3A_275 : i32
        %dma_wait3A_277 = arith.constant 0 : i32
        %dma_wait3A_278 = tpu.memref_slice %arg6[%add3A_276, %dma_wait3A_277] : memref<40x64xi32, #tpu.memory_space<vmem>> -> memref<1x64xi32, #tpu.memory_space<vmem>>
        %dma_wait3A_279 = tpu.memref_squeeze %dma_wait3A_278 : memref<1x64xi32, #tpu.memory_space<vmem>> -> memref<64xi32, #tpu.memory_space<vmem>>
        %dma_wait3A_280 = arith.constant 0 : i32
        %dma_wait3A_281 = arith.constant 0 : i32
        %dma_wait3A_282 = tpu.memref_slice %arg2[%dma_wait3A_280, %dma_wait3A_281] : memref<10240x128xf32, #tpu.memory_space<hbm>> -> memref<10240x128xf32, #tpu.memory_space<hbm>>
        tpu.wait_indirect_dma semaphore(%arg16 : memref<!tpu.dma_semaphore, #tpu.memory_space<semaphore_mem>>) src(%dma_wait3A_282 : memref<10240x128xf32, #tpu.memory_space<hbm>>) dst(%arg11 : memref<64x128xf32, #tpu.memory_space<vmem>>)
        "tpu.region"() ({
          %run_scoped3A = tpu.sem_alloc : memref<!tpu.dma_semaphore, #tpu.memory_space<semaphore_mem>>
          %dma_start3A_291 = arith.constant 0 : i32
          %dma_start3A_292 = tpu.memref_slice %arg7[%add3A_276, %dma_start3A_291] : memref<40x64xi32, #tpu.memory_space<vmem>> -> memref<1x64xi32, #tpu.memory_space<vmem>>
          %dma_start3A_293 = tpu.memref_squeeze %dma_start3A_292 : memref<1x64xi32, #tpu.memory_space<vmem>> -> memref<64xi32, #tpu.memory_space<vmem>>
          %dma_start3A_294 = arith.constant 0 : i32
          %dma_start3A_295 = arith.constant 0 : i32
          %dma_start3A_296 = tpu.memref_slice %arg12[%dma_start3A_294, %dma_start3A_295] : memref<10240x128xf32, #tpu.memory_space<vmem_shared>> -> memref<10240x128xf32, #tpu.memory_space<vmem_shared>>
          tpu.enqueue_indirect_dma source(%arg11 : memref<64x128xf32, #tpu.memory_space<vmem>>) target(%dma_start3A_296 : memref<10240x128xf32, #tpu.memory_space<vmem_shared>>) offsets(%dma_start3A_293 : memref<64xi32, #tpu.memory_space<vmem>>) semaphore(%run_scoped3A : memref<!tpu.dma_semaphore, #tpu.memory_space<semaphore_mem>>) {add = true}
          %dma_wait3A_297 = arith.constant 0 : i32
          %dma_wait3A_298 = tpu.memref_slice %arg7[%add3A_276, %dma_wait3A_297] : memref<40x64xi32, #tpu.memory_space<vmem>> -> memref<1x64xi32, #tpu.memory_space<vmem>>
          %dma_wait3A_299 = tpu.memref_squeeze %dma_wait3A_298 : memref<1x64xi32, #tpu.memory_space<vmem>> -> memref<64xi32, #tpu.memory_space<vmem>>
          %dma_wait3A_300 = arith.constant 0 : i32
          %dma_wait3A_301 = arith.constant 0 : i32
          %dma_wait3A_302 = tpu.memref_slice %arg12[%dma_wait3A_300, %dma_wait3A_301] : memref<10240x128xf32, #tpu.memory_space<vmem_shared>> -> memref<10240x128xf32, #tpu.memory_space<vmem_shared>>
          tpu.wait_indirect_dma semaphore(%run_scoped3A : memref<!tpu.dma_semaphore, #tpu.memory_space<semaphore_mem>>) src(%arg11 : memref<64x128xf32, #tpu.memory_space<vmem>>) dst(%dma_wait3A_302 : memref<10240x128xf32, #tpu.memory_space<vmem_shared>>)
          tpu.yield
        }) : () -> ()
        %add3A_283 = arith.constant 4 : i32
        %add3A_284 = arith.addi %add3A_276, %add3A_283 : i32
        %lt3A_285 = arith.constant 40 : i32
        %lt3A_286 = arith.cmpi slt, %add3A_284, %lt3A_285 : i32
        %convert_element_type3A_287 = arith.extui %lt3A_286 : i1 to i32
        %cond3A_288 = arith.constant 0 : i32
        %cond3A_289 = arith.cmpi ne, %convert_element_type3A_287, %cond3A_288 : i32
        scf.if %cond3A_289 {
          %add3A_291 = arith.constant 4 : i32
          %add3A_292 = arith.addi %add3A_276, %add3A_291 : i32
          %dma_start3A_293 = arith.constant 0 : i32
          %dma_start3A_294 = tpu.memref_slice %arg6[%add3A_292, %dma_start3A_293] : memref<40x64xi32, #tpu.memory_space<vmem>> -> memref<1x64xi32, #tpu.memory_space<vmem>>
          %dma_start3A_295 = tpu.memref_squeeze %dma_start3A_294 : memref<1x64xi32, #tpu.memory_space<vmem>> -> memref<64xi32, #tpu.memory_space<vmem>>
          %dma_start3A_296 = arith.constant 0 : i32
          %dma_start3A_297 = arith.constant 0 : i32
          %dma_start3A_298 = tpu.memref_slice %arg2[%dma_start3A_296, %dma_start3A_297] : memref<10240x128xf32, #tpu.memory_space<hbm>> -> memref<10240x128xf32, #tpu.memory_space<hbm>>
          tpu.enqueue_indirect_dma source(%dma_start3A_298 : memref<10240x128xf32, #tpu.memory_space<hbm>>) target(%arg11 : memref<64x128xf32, #tpu.memory_space<vmem>>) offsets(%dma_start3A_295 : memref<64xi32, #tpu.memory_space<vmem>>) semaphore(%arg16 : memref<!tpu.dma_semaphore, #tpu.memory_space<semaphore_mem>>)
        } else {
        }
        %scan3A_290 = arith.constant 0 : i32
        scf.yield %scan3A_290 : i32
      }
      %scan3A_221 = arith.constant 10 : i32
      %scan3A_222 = arith.constant 0 : i32
      scf.yield %scan3A_222 : i32
    }
    %scan3A_173 = arith.constant 4 : i32
    %barrier3A_174 = arith.constant 0 : index
    tpu.barrier barrier_id(%barrier3A_174)
    %mul3A_175 = arith.constant 640 : i32
    %mul3A_176 = arith.muli %arg1, %mul3A_175 : i32
    %mul3A_177 = arith.constant 640 : i32
    %mul3A_178 = arith.muli %arg1, %mul3A_177 : i32
    "tpu.region"() ({
      %run_scoped3A = tpu.sem_alloc : memref<!tpu.dma_semaphore, #tpu.memory_space<semaphore_mem>>
      %dma_start3A_179 = arith.constant 0 : i32
      %dma_start3A_180 = tpu.memref_slice %arg5[%arg0, %mul3A_178, %dma_start3A_179] : memref<2x10240x128xf32, #tpu.memory_space<hbm>> -> memref<1x640x128xf32, #tpu.memory_space<hbm>>
      %dma_start3A_181 = tpu.memref_squeeze %dma_start3A_180 : memref<1x640x128xf32, #tpu.memory_space<hbm>> -> memref<640x128xf32, #tpu.memory_space<hbm>>
      %dma_start3A_182 = arith.constant 0 : i32
      %dma_start3A_183 = tpu.memref_slice %arg12[%mul3A_176, %dma_start3A_182] : memref<10240x128xf32, #tpu.memory_space<vmem_shared>> -> memref<640x128xf32, #tpu.memory_space<vmem_shared>>
      tpu.enqueue_dma source(%dma_start3A_183 : memref<640x128xf32, #tpu.memory_space<vmem_shared>>) target(%dma_start3A_181 : memref<640x128xf32, #tpu.memory_space<hbm>>) target_semaphore(%run_scoped3A : memref<!tpu.dma_semaphore, #tpu.memory_space<semaphore_mem>>)
      %dma_wait3A_184 = arith.constant 0 : i32
      %dma_wait3A_185 = tpu.memref_slice %arg5[%arg0, %mul3A_178, %dma_wait3A_184] : memref<2x10240x128xf32, #tpu.memory_space<hbm>> -> memref<1x640x128xf32, #tpu.memory_space<hbm>>
      %dma_wait3A_186 = tpu.memref_squeeze %dma_wait3A_185 : memref<1x640x128xf32, #tpu.memory_space<hbm>> -> memref<640x128xf32, #tpu.memory_space<hbm>>
      %dma_wait3A_187 = arith.constant 0 : i32
      %dma_wait3A_188 = tpu.memref_slice %arg12[%mul3A_176, %dma_wait3A_187] : memref<10240x128xf32, #tpu.memory_space<vmem_shared>> -> memref<640x128xf32, #tpu.memory_space<vmem_shared>>
      tpu.wait_dma2 semaphore(%run_scoped3A : memref<!tpu.dma_semaphore, #tpu.memory_space<semaphore_mem>>) src(%dma_wait3A_188 : memref<640x128xf32, #tpu.memory_space<vmem_shared>>) dst(%dma_wait3A_186 : memref<640x128xf32, #tpu.memory_space<hbm>>)
      tpu.yield
    }) : () -> ()
    return
  }
}

#map = affine_map<(d0, d1) -> (0, 0)>
#map1 = affine_map<(d0, d1) -> (0, 0, 0)>
module attributes {stable_mosaic.version = 14 : i64} {
  func.func @k(%arg0: i32, %arg1: i32, %arg2: memref<10240x128xf32, #tpu.memory_space<hbm>>, %arg3: memref<5120x64xi32, #tpu.memory_space<hbm>>, %arg4: memref<5120x64xi32, #tpu.memory_space<hbm>>, %arg5: memref<2x10240x128xf32, #tpu.memory_space<hbm>>, %arg6: memref<40x64xi32, #tpu.memory_space<vmem>>, %arg7: memref<40x64xi32, #tpu.memory_space<vmem>>, %arg8: memref<64x128xf32, #tpu.memory_space<vmem>>, %arg9: memref<64x128xf32, #tpu.memory_space<vmem>>, %arg10: memref<64x128xf32, #tpu.memory_space<vmem>>, %arg11: memref<64x128xf32, #tpu.memory_space<vmem>>, %arg12: memref<10240x128xf32, #tpu.memory_space<vmem_shared>>, %arg13: memref<!tpu.dma_semaphore, #tpu.memory_space<semaphore_mem>>, %arg14: memref<!tpu.dma_semaphore, #tpu.memory_space<semaphore_mem>>, %arg15: memref<!tpu.dma_semaphore, #tpu.memory_space<semaphore_mem>>, %arg16: memref<!tpu.dma_semaphore, #tpu.memory_space<semaphore_mem>>) attributes {dimension_semantics = [#tpu.dimension_semantics<core_parallel>, #tpu.dimension_semantics<subcore_parallel>], iteration_bounds = array<i64: 2, 16>, scalar_prefetch = 0 : i64, scratch_operands = 11 : i64, tpu.core_type = #tpu.core_type<sc_vector_subcore>, window_params = [{transform_indices = #map}, {transform_indices = #map}, {transform_indices = #map}, {transform_indices = #map1}]} {
    %broadcast_in_dim3A = arith.constant 0.000000e+00 : f32
    %broadcast_in_dim3A_0 = vector.broadcast %broadcast_in_dim3A : f32 to vector<16xf32>
    %scan3A = arith.constant 0 : i32
    %scan3A_1 = arith.constant 0 : i32
    %scan3A_2 = arith.constant 512 : i32
    %scan3A_3 = arith.addi %scan3A_1, %scan3A_2 : i32
    %scan3A_4 = arith.constant 1 : i32
    %scan3A_5 = scf.for %scan3A_179 = %scan3A_1 to %scan3A_3 step %scan3A_4 iter_args(%scan3A_180 = %scan3A) -> (i32)  : i32 {
      %jit3A = arith.constant 8 : i32
      %div3A = arith.divsi %scan3A_179, %jit3A : i32
      %sign3A = arith.constant 0 : i32
      %sign3A_181 = arith.cmpi sgt, %scan3A_179, %sign3A : i32
      %sign3A_182 = arith.extui %sign3A_181 : i1 to i32
      %sign3A_183 = arith.constant 0 : i32
      %sign3A_184 = arith.cmpi slt, %scan3A_179, %sign3A_183 : i32
      %sign3A_185 = arith.extui %sign3A_184 : i1 to i32
      %sign3A_186 = arith.subi %sign3A_182, %sign3A_185 : i32
      %sign3A_187 = arith.constant 0 : i32
      %sign3A_188 = arith.cmpi sgt, %jit3A, %sign3A_187 : i32
      %sign3A_189 = arith.extui %sign3A_188 : i1 to i32
      %sign3A_190 = arith.constant 0 : i32
      %sign3A_191 = arith.cmpi slt, %jit3A, %sign3A_190 : i32
      %sign3A_192 = arith.extui %sign3A_191 : i1 to i32
      %sign3A_193 = arith.subi %sign3A_189, %sign3A_192 : i32
      %ne3A = arith.cmpi ne, %sign3A_186, %sign3A_193 : i32
      %rem3A = arith.remsi %scan3A_179, %jit3A : i32
      %ne3A_194 = arith.constant 0 : i32
      %ne3A_195 = arith.cmpi ne, %rem3A, %ne3A_194 : i32
      %and3A = arith.andi %ne3A, %ne3A_195 : i1
      %sub3A = arith.constant 1 : i32
      %sub3A_196 = arith.subi %div3A, %sub3A : i32
      %select_n3A = arith.select %and3A, %sub3A_196, %div3A : i32
      %jit3A_197 = arith.constant 8 : i32
      %eq3A = arith.constant 0 : i32
      %eq3A_198 = arith.cmpi eq, %jit3A_197, %eq3A : i32
      %jit3A_199 = arith.constant 1 : i32
      %select_n3A_200 = arith.select %eq3A_198, %jit3A_199, %jit3A_197 : i32
      %rem3A_201 = arith.remsi %scan3A_179, %select_n3A_200 : i32
      %ne3A_202 = arith.constant 0 : i32
      %ne3A_203 = arith.cmpi ne, %rem3A_201, %ne3A_202 : i32
      %lt3A = arith.constant 0 : i32
      %lt3A_204 = arith.cmpi slt, %rem3A_201, %lt3A : i32
      %lt3A_205 = arith.constant 0 : i32
      %lt3A_206 = arith.cmpi slt, %select_n3A_200, %lt3A_205 : i32
      %ne3A_207 = arith.xori %lt3A_204, %lt3A_206 : i1
      %and3A_208 = arith.andi %ne3A_207, %ne3A_203 : i1
      %add3A_209 = arith.addi %rem3A_201, %select_n3A_200 : i32
      %select_n3A_210 = arith.select %and3A_208, %add3A_209, %rem3A_201 : i32
      %mul3A_211 = arith.constant 16 : i32
      %mul3A_212 = arith.muli %select_n3A_210, %mul3A_211 : i32
      %swap3A = arith.index_cast %select_n3A : i32 to index
      %swap3A_213 = arith.index_cast %mul3A_212 : i32 to index
      %swap3A_214 = tpu.vector_load %arg8[%swap3A, %swap3A_213] {strides = array<i32>} : memref<64x128xf32, #tpu.memory_space<vmem>>, vector<1x16xf32>,
      %swap3A_215 = vector.shape_cast %swap3A_214 : vector<1x16xf32> to vector<16xf32>
      %swap3A_216 = vector.shape_cast %broadcast_in_dim3A_0 : vector<16xf32> to vector<1x16xf32>
      tpu.vector_store %arg8[%swap3A, %swap3A_213], %swap3A_216 {strides = array<i32>} : memref<64x128xf32, #tpu.memory_space<vmem>>, vector<1x16xf32>,
      %scan3A_217 = arith.constant 0 : i32
      scf.yield %scan3A_217 : i32
    }
    %scan3A_6 = arith.constant 512 : i32
    %mul3A = arith.constant 640 : i32
    %mul3A_7 = arith.muli %arg1, %mul3A : i32
    %add3A = arith.constant 0 : i32
    %add3A_8 = arith.addi %mul3A_7, %add3A : i32
    %dma_start3A = arith.constant 0 : i32
    %dma_start3A_9 = tpu.memref_slice %arg12[%add3A_8, %dma_start3A] : memref<10240x128xf32, #tpu.memory_space<vmem_shared>> -> memref<64x128xf32, #tpu.memory_space<vmem_shared>>
    %dma_start3A_10 = arith.constant 0 : i32
    %dma_start3A_11 = tpu.memref_slice %arg12[%add3A_8, %dma_start3A_10] : memref<10240x128xf32, #tpu.memory_space<vmem_shared>> -> memref<64x128xf32, #tpu.memory_space<vmem_shared>>
    tpu.enqueue_dma source(%arg8 : memref<64x128xf32, #tpu.memory_space<vmem>>) target(%dma_start3A_11 : memref<64x128xf32, #tpu.memory_space<vmem_shared>>) target_semaphore(%arg13 : memref<!tpu.dma_semaphore, #tpu.memory_space<semaphore_mem>>)
    %mul3A_12 = arith.constant 640 : i32
    %mul3A_13 = arith.muli %arg1, %mul3A_12 : i32
    %add3A_14 = arith.constant 64 : i32
    %add3A_15 = arith.addi %mul3A_13, %add3A_14 : i32
    %dma_start3A_16 = arith.constant 0 : i32
    %dma_start3A_17 = tpu.memref_slice %arg12[%add3A_15, %dma_start3A_16] : memref<10240x128xf32, #tpu.memory_space<vmem_shared>> -> memref<64x128xf32, #tpu.memory_space<vmem_shared>>
    %dma_start3A_18 = arith.constant 0 : i32
    %dma_start3A_19 = tpu.memref_slice %arg12[%add3A_15, %dma_start3A_18] : memref<10240x128xf32, #tpu.memory_space<vmem_shared>> -> memref<64x128xf32, #tpu.memory_space<vmem_shared>>
    tpu.enqueue_dma source(%arg8 : memref<64x128xf32, #tpu.memory_space<vmem>>) target(%dma_start3A_19 : memref<64x128xf32, #tpu.memory_space<vmem_shared>>) target_semaphore(%arg14 : memref<!tpu.dma_semaphore, #tpu.memory_space<semaphore_mem>>)
    %mul3A_20 = arith.constant 640 : i32
    %mul3A_21 = arith.muli %arg1, %mul3A_20 : i32
    %add3A_22 = arith.constant 128 : i32
    %add3A_23 = arith.addi %mul3A_21, %add3A_22 : i32
    %dma_start3A_24 = arith.constant 0 : i32
    %dma_start3A_25 = tpu.memref_slice %arg12[%add3A_23, %dma_start3A_24] : memref<10240x128xf32, #tpu.memory_space<vmem_shared>> -> memref<64x128xf32, #tpu.memory_space<vmem_shared>>
    %dma_start3A_26 = arith.constant 0 : i32
    %dma_start3A_27 = tpu.memref_slice %arg12[%add3A_23, %dma_start3A_26] : memref<10240x128xf32, #tpu.memory_space<vmem_shared>> -> memref<64x128xf32, #tpu.memory_space<vmem_shared>>
    tpu.enqueue_dma source(%arg8 : memref<64x128xf32, #tpu.memory_space<vmem>>) target(%dma_start3A_27 : memref<64x128xf32, #tpu.memory_space<vmem_shared>>) target_semaphore(%arg15 : memref<!tpu.dma_semaphore, #tpu.memory_space<semaphore_mem>>)
    %mul3A_28 = arith.constant 640 : i32
    %mul3A_29 = arith.muli %arg1, %mul3A_28 : i32
    %add3A_30 = arith.constant 192 : i32
    %add3A_31 = arith.addi %mul3A_29, %add3A_30 : i32
    %dma_start3A_32 = arith.constant 0 : i32
    %dma_start3A_33 = tpu.memref_slice %arg12[%add3A_31, %dma_start3A_32] : memref<10240x128xf32, #tpu.memory_space<vmem_shared>> -> memref<64x128xf32, #tpu.memory_space<vmem_shared>>
    %dma_start3A_34 = arith.constant 0 : i32
    %dma_start3A_35 = tpu.memref_slice %arg12[%add3A_31, %dma_start3A_34] : memref<10240x128xf32, #tpu.memory_space<vmem_shared>> -> memref<64x128xf32, #tpu.memory_space<vmem_shared>>
    tpu.enqueue_dma source(%arg8 : memref<64x128xf32, #tpu.memory_space<vmem>>) target(%dma_start3A_35 : memref<64x128xf32, #tpu.memory_space<vmem_shared>>) target_semaphore(%arg16 : memref<!tpu.dma_semaphore, #tpu.memory_space<semaphore_mem>>)
    %mul3A_36 = arith.constant 640 : i32
    %mul3A_37 = arith.muli %arg1, %mul3A_36 : i32
    %add3A_38 = arith.constant 256 : i32
    %add3A_39 = arith.addi %mul3A_37, %add3A_38 : i32
    %dma_start3A_40 = arith.constant 0 : i32
    %dma_start3A_41 = tpu.memref_slice %arg12[%add3A_39, %dma_start3A_40] : memref<10240x128xf32, #tpu.memory_space<vmem_shared>> -> memref<64x128xf32, #tpu.memory_space<vmem_shared>>
    %dma_start3A_42 = arith.constant 0 : i32
    %dma_start3A_43 = tpu.memref_slice %arg12[%add3A_39, %dma_start3A_42] : memref<10240x128xf32, #tpu.memory_space<vmem_shared>> -> memref<64x128xf32, #tpu.memory_space<vmem_shared>>
    tpu.enqueue_dma source(%arg8 : memref<64x128xf32, #tpu.memory_space<vmem>>) target(%dma_start3A_43 : memref<64x128xf32, #tpu.memory_space<vmem_shared>>) target_semaphore(%arg13 : memref<!tpu.dma_semaphore, #tpu.memory_space<semaphore_mem>>)
    %mul3A_44 = arith.constant 640 : i32
    %mul3A_45 = arith.muli %arg1, %mul3A_44 : i32
    %add3A_46 = arith.constant 320 : i32
    %add3A_47 = arith.addi %mul3A_45, %add3A_46 : i32
    %dma_start3A_48 = arith.constant 0 : i32
    %dma_start3A_49 = tpu.memref_slice %arg12[%add3A_47, %dma_start3A_48] : memref<10240x128xf32, #tpu.memory_space<vmem_shared>> -> memref<64x128xf32, #tpu.memory_space<vmem_shared>>
    %dma_start3A_50 = arith.constant 0 : i32
    %dma_start3A_51 = tpu.memref_slice %arg12[%add3A_47, %dma_start3A_50] : memref<10240x128xf32, #tpu.memory_space<vmem_shared>> -> memref<64x128xf32, #tpu.memory_space<vmem_shared>>
    tpu.enqueue_dma source(%arg8 : memref<64x128xf32, #tpu.memory_space<vmem>>) target(%dma_start3A_51 : memref<64x128xf32, #tpu.memory_space<vmem_shared>>) target_semaphore(%arg14 : memref<!tpu.dma_semaphore, #tpu.memory_space<semaphore_mem>>)
    %mul3A_52 = arith.constant 640 : i32
    %mul3A_53 = arith.muli %arg1, %mul3A_52 : i32
    %add3A_54 = arith.constant 384 : i32
    %add3A_55 = arith.addi %mul3A_53, %add3A_54 : i32
    %dma_start3A_56 = arith.constant 0 : i32
    %dma_start3A_57 = tpu.memref_slice %arg12[%add3A_55, %dma_start3A_56] : memref<10240x128xf32, #tpu.memory_space<vmem_shared>> -> memref<64x128xf32, #tpu.memory_space<vmem_shared>>
    %dma_start3A_58 = arith.constant 0 : i32
    %dma_start3A_59 = tpu.memref_slice %arg12[%add3A_55, %dma_start3A_58] : memref<10240x128xf32, #tpu.memory_space<vmem_shared>> -> memref<64x128xf32, #tpu.memory_space<vmem_shared>>
    tpu.enqueue_dma source(%arg8 : memref<64x128xf32, #tpu.memory_space<vmem>>) target(%dma_start3A_59 : memref<64x128xf32, #tpu.memory_space<vmem_shared>>) target_semaphore(%arg15 : memref<!tpu.dma_semaphore, #tpu.memory_space<semaphore_mem>>)
    %mul3A_60 = arith.constant 640 : i32
    %mul3A_61 = arith.muli %arg1, %mul3A_60 : i32
    %add3A_62 = arith.constant 448 : i32
    %add3A_63 = arith.addi %mul3A_61, %add3A_62 : i32
    %dma_start3A_64 = arith.constant 0 : i32
    %dma_start3A_65 = tpu.memref_slice %arg12[%add3A_63, %dma_start3A_64] : memref<10240x128xf32, #tpu.memory_space<vmem_shared>> -> memref<64x128xf32, #tpu.memory_space<vmem_shared>>
    %dma_start3A_66 = arith.constant 0 : i32
    %dma_start3A_67 = tpu.memref_slice %arg12[%add3A_63, %dma_start3A_66] : memref<10240x128xf32, #tpu.memory_space<vmem_shared>> -> memref<64x128xf32, #tpu.memory_space<vmem_shared>>
    tpu.enqueue_dma source(%arg8 : memref<64x128xf32, #tpu.memory_space<vmem>>) target(%dma_start3A_67 : memref<64x128xf32, #tpu.memory_space<vmem_shared>>) target_semaphore(%arg16 : memref<!tpu.dma_semaphore, #tpu.memory_space<semaphore_mem>>)
    %mul3A_68 = arith.constant 640 : i32
    %mul3A_69 = arith.muli %arg1, %mul3A_68 : i32
    %add3A_70 = arith.constant 512 : i32
    %add3A_71 = arith.addi %mul3A_69, %add3A_70 : i32
    %dma_start3A_72 = arith.constant 0 : i32
    %dma_start3A_73 = tpu.memref_slice %arg12[%add3A_71, %dma_start3A_72] : memref<10240x128xf32, #tpu.memory_space<vmem_shared>> -> memref<64x128xf32, #tpu.memory_space<vmem_shared>>
    %dma_start3A_74 = arith.constant 0 : i32
    %dma_start3A_75 = tpu.memref_slice %arg12[%add3A_71, %dma_start3A_74] : memref<10240x128xf32, #tpu.memory_space<vmem_shared>> -> memref<64x128xf32, #tpu.memory_space<vmem_shared>>
    tpu.enqueue_dma source(%arg8 : memref<64x128xf32, #tpu.memory_space<vmem>>) target(%dma_start3A_75 : memref<64x128xf32, #tpu.memory_space<vmem_shared>>) target_semaphore(%arg13 : memref<!tpu.dma_semaphore, #tpu.memory_space<semaphore_mem>>)
    %mul3A_76 = arith.constant 640 : i32
    %mul3A_77 = arith.muli %arg1, %mul3A_76 : i32
    %add3A_78 = arith.constant 576 : i32
    %add3A_79 = arith.addi %mul3A_77, %add3A_78 : i32
    %dma_start3A_80 = arith.constant 0 : i32
    %dma_start3A_81 = tpu.memref_slice %arg12[%add3A_79, %dma_start3A_80] : memref<10240x128xf32, #tpu.memory_space<vmem_shared>> -> memref<64x128xf32, #tpu.memory_space<vmem_shared>>
    %dma_start3A_82 = arith.constant 0 : i32
    %dma_start3A_83 = tpu.memref_slice %arg12[%add3A_79, %dma_start3A_82] : memref<10240x128xf32, #tpu.memory_space<vmem_shared>> -> memref<64x128xf32, #tpu.memory_space<vmem_shared>>
    tpu.enqueue_dma source(%arg8 : memref<64x128xf32, #tpu.memory_space<vmem>>) target(%dma_start3A_83 : memref<64x128xf32, #tpu.memory_space<vmem_shared>>) target_semaphore(%arg14 : memref<!tpu.dma_semaphore, #tpu.memory_space<semaphore_mem>>)
    %mul3A_84 = arith.constant 640 : i32
    %mul3A_85 = arith.muli %arg1, %mul3A_84 : i32
    %add3A_86 = arith.constant 0 : i32
    %add3A_87 = arith.addi %mul3A_85, %add3A_86 : i32
    %dma_wait3A = arith.constant 0 : i32
    %dma_wait3A_88 = tpu.memref_slice %arg12[%add3A_87, %dma_wait3A] : memref<10240x128xf32, #tpu.memory_space<vmem_shared>> -> memref<64x128xf32, #tpu.memory_space<vmem_shared>>
    %dma_wait3A_89 = arith.constant 0 : i32
    %dma_wait3A_90 = tpu.memref_slice %arg12[%add3A_87, %dma_wait3A_89] : memref<10240x128xf32, #tpu.memory_space<vmem_shared>> -> memref<64x128xf32, #tpu.memory_space<vmem_shared>>
    tpu.wait_dma2 semaphore(%arg13 : memref<!tpu.dma_semaphore, #tpu.memory_space<semaphore_mem>>) src(%arg8 : memref<64x128xf32, #tpu.memory_space<vmem>>) dst(%dma_wait3A_90 : memref<64x128xf32, #tpu.memory_space<vmem_shared>>)
    %mul3A_91 = arith.constant 640 : i32
    %mul3A_92 = arith.muli %arg1, %mul3A_91 : i32
    %add3A_93 = arith.constant 64 : i32
    %add3A_94 = arith.addi %mul3A_92, %add3A_93 : i32
    %dma_wait3A_95 = arith.constant 0 : i32
    %dma_wait3A_96 = tpu.memref_slice %arg12[%add3A_94, %dma_wait3A_95] : memref<10240x128xf32, #tpu.memory_space<vmem_shared>> -> memref<64x128xf32, #tpu.memory_space<vmem_shared>>
    %dma_wait3A_97 = arith.constant 0 : i32
    %dma_wait3A_98 = tpu.memref_slice %arg12[%add3A_94, %dma_wait3A_97] : memref<10240x128xf32, #tpu.memory_space<vmem_shared>> -> memref<64x128xf32, #tpu.memory_space<vmem_shared>>
    tpu.wait_dma2 semaphore(%arg14 : memref<!tpu.dma_semaphore, #tpu.memory_space<semaphore_mem>>) src(%arg8 : memref<64x128xf32, #tpu.memory_space<vmem>>) dst(%dma_wait3A_98 : memref<64x128xf32, #tpu.memory_space<vmem_shared>>)
    %mul3A_99 = arith.constant 640 : i32
    %mul3A_100 = arith.muli %arg1, %mul3A_99 : i32
    %add3A_101 = arith.constant 128 : i32
    %add3A_102 = arith.addi %mul3A_100, %add3A_101 : i32
    %dma_wait3A_103 = arith.constant 0 : i32
    %dma_wait3A_104 = tpu.memref_slice %arg12[%add3A_102, %dma_wait3A_103] : memref<10240x128xf32, #tpu.memory_space<vmem_shared>> -> memref<64x128xf32, #tpu.memory_space<vmem_shared>>
    %dma_wait3A_105 = arith.constant 0 : i32
    %dma_wait3A_106 = tpu.memref_slice %arg12[%add3A_102, %dma_wait3A_105] : memref<10240x128xf32, #tpu.memory_space<vmem_shared>> -> memref<64x128xf32, #tpu.memory_space<vmem_shared>>
    tpu.wait_dma2 semaphore(%arg15 : memref<!tpu.dma_semaphore, #tpu.memory_space<semaphore_mem>>) src(%arg8 : memref<64x128xf32, #tpu.memory_space<vmem>>) dst(%dma_wait3A_106 : memref<64x128xf32, #tpu.memory_space<vmem_shared>>)
    %mul3A_107 = arith.constant 640 : i32
    %mul3A_108 = arith.muli %arg1, %mul3A_107 : i32
    %add3A_109 = arith.constant 192 : i32
    %add3A_110 = arith.addi %mul3A_108, %add3A_109 : i32
    %dma_wait3A_111 = arith.constant 0 : i32
    %dma_wait3A_112 = tpu.memref_slice %arg12[%add3A_110, %dma_wait3A_111] : memref<10240x128xf32, #tpu.memory_space<vmem_shared>> -> memref<64x128xf32, #tpu.memory_space<vmem_shared>>
    %dma_wait3A_113 = arith.constant 0 : i32
    %dma_wait3A_114 = tpu.memref_slice %arg12[%add3A_110, %dma_wait3A_113] : memref<10240x128xf32, #tpu.memory_space<vmem_shared>> -> memref<64x128xf32, #tpu.memory_space<vmem_shared>>
    tpu.wait_dma2 semaphore(%arg16 : memref<!tpu.dma_semaphore, #tpu.memory_space<semaphore_mem>>) src(%arg8 : memref<64x128xf32, #tpu.memory_space<vmem>>) dst(%dma_wait3A_114 : memref<64x128xf32, #tpu.memory_space<vmem_shared>>)
    %mul3A_115 = arith.constant 640 : i32
    %mul3A_116 = arith.muli %arg1, %mul3A_115 : i32
    %add3A_117 = arith.constant 256 : i32
    %add3A_118 = arith.addi %mul3A_116, %add3A_117 : i32
    %dma_wait3A_119 = arith.constant 0 : i32
    %dma_wait3A_120 = tpu.memref_slice %arg12[%add3A_118, %dma_wait3A_119] : memref<10240x128xf32, #tpu.memory_space<vmem_shared>> -> memref<64x128xf32, #tpu.memory_space<vmem_shared>>
    %dma_wait3A_121 = arith.constant 0 : i32
    %dma_wait3A_122 = tpu.memref_slice %arg12[%add3A_118, %dma_wait3A_121] : memref<10240x128xf32, #tpu.memory_space<vmem_shared>> -> memref<64x128xf32, #tpu.memory_space<vmem_shared>>
    tpu.wait_dma2 semaphore(%arg13 : memref<!tpu.dma_semaphore, #tpu.memory_space<semaphore_mem>>) src(%arg8 : memref<64x128xf32, #tpu.memory_space<vmem>>) dst(%dma_wait3A_122 : memref<64x128xf32, #tpu.memory_space<vmem_shared>>)
    %mul3A_123 = arith.constant 640 : i32
    %mul3A_124 = arith.muli %arg1, %mul3A_123 : i32
    %add3A_125 = arith.constant 320 : i32
    %add3A_126 = arith.addi %mul3A_124, %add3A_125 : i32
    %dma_wait3A_127 = arith.constant 0 : i32
    %dma_wait3A_128 = tpu.memref_slice %arg12[%add3A_126, %dma_wait3A_127] : memref<10240x128xf32, #tpu.memory_space<vmem_shared>> -> memref<64x128xf32, #tpu.memory_space<vmem_shared>>
    %dma_wait3A_129 = arith.constant 0 : i32
    %dma_wait3A_130 = tpu.memref_slice %arg12[%add3A_126, %dma_wait3A_129] : memref<10240x128xf32, #tpu.memory_space<vmem_shared>> -> memref<64x128xf32, #tpu.memory_space<vmem_shared>>
    tpu.wait_dma2 semaphore(%arg14 : memref<!tpu.dma_semaphore, #tpu.memory_space<semaphore_mem>>) src(%arg8 : memref<64x128xf32, #tpu.memory_space<vmem>>) dst(%dma_wait3A_130 : memref<64x128xf32, #tpu.memory_space<vmem_shared>>)
    %mul3A_131 = arith.constant 640 : i32
    %mul3A_132 = arith.muli %arg1, %mul3A_131 : i32
    %add3A_133 = arith.constant 384 : i32
    %add3A_134 = arith.addi %mul3A_132, %add3A_133 : i32
    %dma_wait3A_135 = arith.constant 0 : i32
    %dma_wait3A_136 = tpu.memref_slice %arg12[%add3A_134, %dma_wait3A_135] : memref<10240x128xf32, #tpu.memory_space<vmem_shared>> -> memref<64x128xf32, #tpu.memory_space<vmem_shared>>
    %dma_wait3A_137 = arith.constant 0 : i32
    %dma_wait3A_138 = tpu.memref_slice %arg12[%add3A_134, %dma_wait3A_137] : memref<10240x128xf32, #tpu.memory_space<vmem_shared>> -> memref<64x128xf32, #tpu.memory_space<vmem_shared>>
    tpu.wait_dma2 semaphore(%arg15 : memref<!tpu.dma_semaphore, #tpu.memory_space<semaphore_mem>>) src(%arg8 : memref<64x128xf32, #tpu.memory_space<vmem>>) dst(%dma_wait3A_138 : memref<64x128xf32, #tpu.memory_space<vmem_shared>>)
    %mul3A_139 = arith.constant 640 : i32
    %mul3A_140 = arith.muli %arg1, %mul3A_139 : i32
    %add3A_141 = arith.constant 448 : i32
    %add3A_142 = arith.addi %mul3A_140, %add3A_141 : i32
    %dma_wait3A_143 = arith.constant 0 : i32
    %dma_wait3A_144 = tpu.memref_slice %arg12[%add3A_142, %dma_wait3A_143] : memref<10240x128xf32, #tpu.memory_space<vmem_shared>> -> memref<64x128xf32, #tpu.memory_space<vmem_shared>>
    %dma_wait3A_145 = arith.constant 0 : i32
    %dma_wait3A_146 = tpu.memref_slice %arg12[%add3A_142, %dma_wait3A_145] : memref<10240x128xf32, #tpu.memory_space<vmem_shared>> -> memref<64x128xf32, #tpu.memory_space<vmem_shared>>
    tpu.wait_dma2 semaphore(%arg16 : memref<!tpu.dma_semaphore, #tpu.memory_space<semaphore_mem>>) src(%arg8 : memref<64x128xf32, #tpu.memory_space<vmem>>) dst(%dma_wait3A_146 : memref<64x128xf32, #tpu.memory_space<vmem_shared>>)
    %mul3A_147 = arith.constant 640 : i32
    %mul3A_148 = arith.muli %arg1, %mul3A_147 : i32
    %add3A_149 = arith.constant 512 : i32
    %add3A_150 = arith.addi %mul3A_148, %add3A_149 : i32
    %dma_wait3A_151 = arith.constant 0 : i32
    %dma_wait3A_152 = tpu.memref_slice %arg12[%add3A_150, %dma_wait3A_151] : memref<10240x128xf32, #tpu.memory_space<vmem_shared>> -> memref<64x128xf32, #tpu.memory_space<vmem_shared>>
    %dma_wait3A_153 = arith.constant 0 : i32
    %dma_wait3A_154 = tpu.memref_slice %arg12[%add3A_150, %dma_wait3A_153] : memref<10240x128xf32, #tpu.memory_space<vmem_shared>> -> memref<64x128xf32, #tpu.memory_space<vmem_shared>>
    tpu.wait_dma2 semaphore(%arg13 : memref<!tpu.dma_semaphore, #tpu.memory_space<semaphore_mem>>) src(%arg8 : memref<64x128xf32, #tpu.memory_space<vmem>>) dst(%dma_wait3A_154 : memref<64x128xf32, #tpu.memory_space<vmem_shared>>)
    %mul3A_155 = arith.constant 640 : i32
    %mul3A_156 = arith.muli %arg1, %mul3A_155 : i32
    %add3A_157 = arith.constant 576 : i32
    %add3A_158 = arith.addi %mul3A_156, %add3A_157 : i32
    %dma_wait3A_159 = arith.constant 0 : i32
    %dma_wait3A_160 = tpu.memref_slice %arg12[%add3A_158, %dma_wait3A_159] : memref<10240x128xf32, #tpu.memory_space<vmem_shared>> -> memref<64x128xf32, #tpu.memory_space<vmem_shared>>
    %dma_wait3A_161 = arith.constant 0 : i32
    %dma_wait3A_162 = tpu.memref_slice %arg12[%add3A_158, %dma_wait3A_161] : memref<10240x128xf32, #tpu.memory_space<vmem_shared>> -> memref<64x128xf32, #tpu.memory_space<vmem_shared>>
    tpu.wait_dma2 semaphore(%arg14 : memref<!tpu.dma_semaphore, #tpu.memory_space<semaphore_mem>>) src(%arg8 : memref<64x128xf32, #tpu.memory_space<vmem>>) dst(%dma_wait3A_162 : memref<64x128xf32, #tpu.memory_space<vmem_shared>>)
    %barrier3A = arith.constant 0 : index
    tpu.barrier barrier_id(%barrier3A)
    %mul3A_163 = arith.constant 16 : i32
    %mul3A_164 = arith.muli %arg0, %mul3A_163 : i32
    %mul3A_165 = arith.constant 160 : i32
    %mul3A_166 = arith.muli %mul3A_164, %mul3A_165 : i32
    %scan3A_167 = arith.constant 0 : i32
    %scan3A_168 = arith.constant 0 : i32
    %scan3A_169 = arith.constant 4 : i32
    %scan3A_170 = arith.addi %scan3A_168, %scan3A_169 : i32
    %scan3A_171 = arith.constant 1 : i32
    %scan3A_172 = scf.for %scan3A_179 = %scan3A_168 to %scan3A_170 step %scan3A_171 iter_args(%scan3A_180 = %scan3A_167) -> (i32)  : i32 {
      %mul3A_181 = arith.constant 160 : i32
      %mul3A_182 = arith.muli %arg1, %mul3A_181 : i32
      %add3A_183 = arith.addi %mul3A_166, %mul3A_182 : i32
      %mul3A_184 = arith.constant 40 : i32
      %mul3A_185 = arith.muli %scan3A_179, %mul3A_184 : i32
      %add3A_186 = arith.addi %add3A_183, %mul3A_185 : i32
      "tpu.region"() ({
        %run_scoped3A = tpu.sem_alloc : memref<!tpu.dma_semaphore, #tpu.memory_space<semaphore_mem>>
        %dma_start3A_223 = arith.constant 0 : i32
        %dma_start3A_224 = arith.constant 0 : i32
        %dma_start3A_225 = tpu.memref_slice %arg6[%dma_start3A_223, %dma_start3A_224] : memref<40x64xi32, #tpu.memory_space<vmem>> -> memref<40x64xi32, #tpu.memory_space<vmem>>
        %dma_start3A_226 = arith.constant 0 : i32
        %dma_start3A_227 = tpu.memref_slice %arg3[%add3A_186, %dma_start3A_226] : memref<5120x64xi32, #tpu.memory_space<hbm>> -> memref<40x64xi32, #tpu.memory_space<hbm>>
        %dma_start3A_228 = arith.constant 0 : i32
        %dma_start3A_229 = arith.constant 0 : i32
        %dma_start3A_230 = tpu.memref_slice %arg6[%dma_start3A_228, %dma_start3A_229] : memref<40x64xi32, #tpu.memory_space<vmem>> -> memref<40x64xi32, #tpu.memory_space<vmem>>
        %dma_start3A_231 = arith.constant 0 : i32
        %dma_start3A_232 = tpu.memref_slice %arg3[%add3A_186, %dma_start3A_231] : memref<5120x64xi32, #tpu.memory_space<hbm>> -> memref<40x64xi32, #tpu.memory_space<hbm>>
        tpu.enqueue_dma source(%dma_start3A_232 : memref<40x64xi32, #tpu.memory_space<hbm>>) target(%dma_start3A_230 : memref<40x64xi32, #tpu.memory_space<vmem>>) target_semaphore(%run_scoped3A : memref<!tpu.dma_semaphore, #tpu.memory_space<semaphore_mem>>)
        %dma_wait3A_233 = arith.constant 0 : i32
        %dma_wait3A_234 = arith.constant 0 : i32
        %dma_wait3A_235 = tpu.memref_slice %arg6[%dma_wait3A_233, %dma_wait3A_234] : memref<40x64xi32, #tpu.memory_space<vmem>> -> memref<40x64xi32, #tpu.memory_space<vmem>>
        %dma_wait3A_236 = arith.constant 0 : i32
        %dma_wait3A_237 = tpu.memref_slice %arg3[%add3A_186, %dma_wait3A_236] : memref<5120x64xi32, #tpu.memory_space<hbm>> -> memref<40x64xi32, #tpu.memory_space<hbm>>
        %dma_wait3A_238 = arith.constant 0 : i32
        %dma_wait3A_239 = arith.constant 0 : i32
        %dma_wait3A_240 = tpu.memref_slice %arg6[%dma_wait3A_238, %dma_wait3A_239] : memref<40x64xi32, #tpu.memory_space<vmem>> -> memref<40x64xi32, #tpu.memory_space<vmem>>
        %dma_wait3A_241 = arith.constant 0 : i32
        %dma_wait3A_242 = tpu.memref_slice %arg3[%add3A_186, %dma_wait3A_241] : memref<5120x64xi32, #tpu.memory_space<hbm>> -> memref<40x64xi32, #tpu.memory_space<hbm>>
        tpu.wait_dma2 semaphore(%run_scoped3A : memref<!tpu.dma_semaphore, #tpu.memory_space<semaphore_mem>>) src(%dma_wait3A_242 : memref<40x64xi32, #tpu.memory_space<hbm>>) dst(%dma_wait3A_240 : memref<40x64xi32, #tpu.memory_space<vmem>>)
        tpu.yield
      }) : () -> ()
      "tpu.region"() ({
        %run_scoped3A = tpu.sem_alloc : memref<!tpu.dma_semaphore, #tpu.memory_space<semaphore_mem>>
        %dma_start3A_223 = arith.constant 0 : i32
        %dma_start3A_224 = arith.constant 0 : i32
        %dma_start3A_225 = tpu.memref_slice %arg7[%dma_start3A_223, %dma_start3A_224] : memref<40x64xi32, #tpu.memory_space<vmem>> -> memref<40x64xi32, #tpu.memory_space<vmem>>
        %dma_start3A_226 = arith.constant 0 : i32
        %dma_start3A_227 = tpu.memref_slice %arg4[%add3A_186, %dma_start3A_226] : memref<5120x64xi32, #tpu.memory_space<hbm>> -> memref<40x64xi32, #tpu.memory_space<hbm>>
        %dma_start3A_228 = arith.constant 0 : i32
        %dma_start3A_229 = arith.constant 0 : i32
        %dma_start3A_230 = tpu.memref_slice %arg7[%dma_start3A_228, %dma_start3A_229] : memref<40x64xi32, #tpu.memory_space<vmem>> -> memref<40x64xi32, #tpu.memory_space<vmem>>
        %dma_start3A_231 = arith.constant 0 : i32
        %dma_start3A_232 = tpu.memref_slice %arg4[%add3A_186, %dma_start3A_231] : memref<5120x64xi32, #tpu.memory_space<hbm>> -> memref<40x64xi32, #tpu.memory_space<hbm>>
        tpu.enqueue_dma source(%dma_start3A_232 : memref<40x64xi32, #tpu.memory_space<hbm>>) target(%dma_start3A_230 : memref<40x64xi32, #tpu.memory_space<vmem>>) target_semaphore(%run_scoped3A : memref<!tpu.dma_semaphore, #tpu.memory_space<semaphore_mem>>)
        %dma_wait3A_233 = arith.constant 0 : i32
        %dma_wait3A_234 = arith.constant 0 : i32
        %dma_wait3A_235 = tpu.memref_slice %arg7[%dma_wait3A_233, %dma_wait3A_234] : memref<40x64xi32, #tpu.memory_space<vmem>> -> memref<40x64xi32, #tpu.memory_space<vmem>>
        %dma_wait3A_236 = arith.constant 0 : i32
        %dma_wait3A_237 = tpu.memref_slice %arg4[%add3A_186, %dma_wait3A_236] : memref<5120x64xi32, #tpu.memory_space<hbm>> -> memref<40x64xi32, #tpu.memory_space<hbm>>
        %dma_wait3A_238 = arith.constant 0 : i32
        %dma_wait3A_239 = arith.constant 0 : i32
        %dma_wait3A_240 = tpu.memref_slice %arg7[%dma_wait3A_238, %dma_wait3A_239] : memref<40x64xi32, #tpu.memory_space<vmem>> -> memref<40x64xi32, #tpu.memory_space<vmem>>
        %dma_wait3A_241 = arith.constant 0 : i32
        %dma_wait3A_242 = tpu.memref_slice %arg4[%add3A_186, %dma_wait3A_241] : memref<5120x64xi32, #tpu.memory_space<hbm>> -> memref<40x64xi32, #tpu.memory_space<hbm>>
        tpu.wait_dma2 semaphore(%run_scoped3A : memref<!tpu.dma_semaphore, #tpu.memory_space<semaphore_mem>>) src(%dma_wait3A_242 : memref<40x64xi32, #tpu.memory_space<hbm>>) dst(%dma_wait3A_240 : memref<40x64xi32, #tpu.memory_space<vmem>>)
        tpu.yield
      }) : () -> ()
      %dma_start3A_187 = arith.constant 0 : i32
      %dma_start3A_188 = arith.constant 0 : i32
      %dma_start3A_189 = tpu.memref_slice %arg6[%dma_start3A_187, %dma_start3A_188] : memref<40x64xi32, #tpu.memory_space<vmem>> -> memref<1x64xi32, #tpu.memory_space<vmem>>
      %dma_start3A_190 = tpu.memref_squeeze %dma_start3A_189 : memref<1x64xi32, #tpu.memory_space<vmem>> -> memref<64xi32, #tpu.memory_space<vmem>>
      %dma_start3A_191 = arith.constant 0 : i32
      %dma_start3A_192 = arith.constant 0 : i32
      %dma_start3A_193 = tpu.memref_slice %arg2[%dma_start3A_191, %dma_start3A_192] : memref<10240x128xf32, #tpu.memory_space<hbm>> -> memref<10240x128xf32, #tpu.memory_space<hbm>>
      tpu.enqueue_indirect_dma source(%dma_start3A_193 : memref<10240x128xf32, #tpu.memory_space<hbm>>) target(%arg8 : memref<64x128xf32, #tpu.memory_space<vmem>>) offsets(%dma_start3A_190 : memref<64xi32, #tpu.memory_space<vmem>>) semaphore(%arg13 : memref<!tpu.dma_semaphore, #tpu.memory_space<semaphore_mem>>)
      %dma_start3A_194 = arith.constant 1 : i32
      %dma_start3A_195 = arith.constant 0 : i32
      %dma_start3A_196 = tpu.memref_slice %arg6[%dma_start3A_194, %dma_start3A_195] : memref<40x64xi32, #tpu.memory_space<vmem>> -> memref<1x64xi32, #tpu.memory_space<vmem>>
      %dma_start3A_197 = tpu.memref_squeeze %dma_start3A_196 : memref<1x64xi32, #tpu.memory_space<vmem>> -> memref<64xi32, #tpu.memory_space<vmem>>
      %dma_start3A_198 = arith.constant 0 : i32
      %dma_start3A_199 = arith.constant 0 : i32
      %dma_start3A_200 = tpu.memref_slice %arg2[%dma_start3A_198, %dma_start3A_199] : memref<10240x128xf32, #tpu.memory_space<hbm>> -> memref<10240x128xf32, #tpu.memory_space<hbm>>
      tpu.enqueue_indirect_dma source(%dma_start3A_200 : memref<10240x128xf32, #tpu.memory_space<hbm>>) target(%arg9 : memref<64x128xf32, #tpu.memory_space<vmem>>) offsets(%dma_start3A_197 : memref<64xi32, #tpu.memory_space<vmem>>) semaphore(%arg14 : memref<!tpu.dma_semaphore, #tpu.memory_space<semaphore_mem>>)
      %dma_start3A_201 = arith.constant 2 : i32
      %dma_start3A_202 = arith.constant 0 : i32
      %dma_start3A_203 = tpu.memref_slice %arg6[%dma_start3A_201, %dma_start3A_202] : memref<40x64xi32, #tpu.memory_space<vmem>> -> memref<1x64xi32, #tpu.memory_space<vmem>>
      %dma_start3A_204 = tpu.memref_squeeze %dma_start3A_203 : memref<1x64xi32, #tpu.memory_space<vmem>> -> memref<64xi32, #tpu.memory_space<vmem>>
      %dma_start3A_205 = arith.constant 0 : i32
      %dma_start3A_206 = arith.constant 0 : i32
      %dma_start3A_207 = tpu.memref_slice %arg2[%dma_start3A_205, %dma_start3A_206] : memref<10240x128xf32, #tpu.memory_space<hbm>> -> memref<10240x128xf32, #tpu.memory_space<hbm>>
      tpu.enqueue_indirect_dma source(%dma_start3A_207 : memref<10240x128xf32, #tpu.memory_space<hbm>>) target(%arg10 : memref<64x128xf32, #tpu.memory_space<vmem>>) offsets(%dma_start3A_204 : memref<64xi32, #tpu.memory_space<vmem>>) semaphore(%arg15 : memref<!tpu.dma_semaphore, #tpu.memory_space<semaphore_mem>>)
      %dma_start3A_208 = arith.constant 3 : i32
      %dma_start3A_209 = arith.constant 0 : i32
      %dma_start3A_210 = tpu.memref_slice %arg6[%dma_start3A_208, %dma_start3A_209] : memref<40x64xi32, #tpu.memory_space<vmem>> -> memref<1x64xi32, #tpu.memory_space<vmem>>
      %dma_start3A_211 = tpu.memref_squeeze %dma_start3A_210 : memref<1x64xi32, #tpu.memory_space<vmem>> -> memref<64xi32, #tpu.memory_space<vmem>>
      %dma_start3A_212 = arith.constant 0 : i32
      %dma_start3A_213 = arith.constant 0 : i32
      %dma_start3A_214 = tpu.memref_slice %arg2[%dma_start3A_212, %dma_start3A_213] : memref<10240x128xf32, #tpu.memory_space<hbm>> -> memref<10240x128xf32, #tpu.memory_space<hbm>>
      tpu.enqueue_indirect_dma source(%dma_start3A_214 : memref<10240x128xf32, #tpu.memory_space<hbm>>) target(%arg11 : memref<64x128xf32, #tpu.memory_space<vmem>>) offsets(%dma_start3A_211 : memref<64xi32, #tpu.memory_space<vmem>>) semaphore(%arg16 : memref<!tpu.dma_semaphore, #tpu.memory_space<semaphore_mem>>)
      %scan3A_215 = arith.constant 0 : i32
      %scan3A_216 = arith.constant 0 : i32
      %scan3A_217 = arith.constant 10 : i32
      %scan3A_218 = arith.addi %scan3A_216, %scan3A_217 : i32
      %scan3A_219 = arith.constant 1 : i32
      %scan3A_220 = scf.for %scan3A_223 = %scan3A_216 to %scan3A_218 step %scan3A_219 iter_args(%scan3A_224 = %scan3A_215) -> (i32)  : i32 {
        %mul3A_225 = arith.constant 4 : i32
        %mul3A_226 = arith.muli %mul3A_225, %scan3A_223 : i32
        %add3A_227 = arith.constant 0 : i32
        %add3A_228 = arith.addi %mul3A_226, %add3A_227 : i32
        %dma_wait3A_229 = arith.constant 0 : i32
        %dma_wait3A_230 = tpu.memref_slice %arg6[%add3A_228, %dma_wait3A_229] : memref<40x64xi32, #tpu.memory_space<vmem>> -> memref<1x64xi32, #tpu.memory_space<vmem>>
        %dma_wait3A_231 = tpu.memref_squeeze %dma_wait3A_230 : memref<1x64xi32, #tpu.memory_space<vmem>> -> memref<64xi32, #tpu.memory_space<vmem>>
        %dma_wait3A_232 = arith.constant 0 : i32
        %dma_wait3A_233 = arith.constant 0 : i32
        %dma_wait3A_234 = tpu.memref_slice %arg2[%dma_wait3A_232, %dma_wait3A_233] : memref<10240x128xf32, #tpu.memory_space<hbm>> -> memref<10240x128xf32, #tpu.memory_space<hbm>>
        tpu.wait_indirect_dma semaphore(%arg13 : memref<!tpu.dma_semaphore, #tpu.memory_space<semaphore_mem>>) src(%dma_wait3A_234 : memref<10240x128xf32, #tpu.memory_space<hbm>>) dst(%arg8 : memref<64x128xf32, #tpu.memory_space<vmem>>)
        "tpu.region"() ({
          %run_scoped3A = tpu.sem_alloc : memref<!tpu.dma_semaphore, #tpu.memory_space<semaphore_mem>>
          %dma_start3A_291 = arith.constant 0 : i32
          %dma_start3A_292 = tpu.memref_slice %arg7[%add3A_228, %dma_start3A_291] : memref<40x64xi32, #tpu.memory_space<vmem>> -> memref<1x64xi32, #tpu.memory_space<vmem>>
          %dma_start3A_293 = tpu.memref_squeeze %dma_start3A_292 : memref<1x64xi32, #tpu.memory_space<vmem>> -> memref<64xi32, #tpu.memory_space<vmem>>
          %dma_start3A_294 = arith.constant 0 : i32
          %dma_start3A_295 = arith.constant 0 : i32
          %dma_start3A_296 = tpu.memref_slice %arg12[%dma_start3A_294, %dma_start3A_295] : memref<10240x128xf32, #tpu.memory_space<vmem_shared>> -> memref<10240x128xf32, #tpu.memory_space<vmem_shared>>
          tpu.enqueue_indirect_dma source(%arg8 : memref<64x128xf32, #tpu.memory_space<vmem>>) target(%dma_start3A_296 : memref<10240x128xf32, #tpu.memory_space<vmem_shared>>) offsets(%dma_start3A_293 : memref<64xi32, #tpu.memory_space<vmem>>) semaphore(%run_scoped3A : memref<!tpu.dma_semaphore, #tpu.memory_space<semaphore_mem>>) {add = true}
          %dma_wait3A_297 = arith.constant 0 : i32
          %dma_wait3A_298 = tpu.memref_slice %arg7[%add3A_228, %dma_wait3A_297] : memref<40x64xi32, #tpu.memory_space<vmem>> -> memref<1x64xi32, #tpu.memory_space<vmem>>
          %dma_wait3A_299 = tpu.memref_squeeze %dma_wait3A_298 : memref<1x64xi32, #tpu.memory_space<vmem>> -> memref<64xi32, #tpu.memory_space<vmem>>
          %dma_wait3A_300 = arith.constant 0 : i32
          %dma_wait3A_301 = arith.constant 0 : i32
          %dma_wait3A_302 = tpu.memref_slice %arg12[%dma_wait3A_300, %dma_wait3A_301] : memref<10240x128xf32, #tpu.memory_space<vmem_shared>> -> memref<10240x128xf32, #tpu.memory_space<vmem_shared>>
          tpu.wait_indirect_dma semaphore(%run_scoped3A : memref<!tpu.dma_semaphore, #tpu.memory_space<semaphore_mem>>) src(%arg8 : memref<64x128xf32, #tpu.memory_space<vmem>>) dst(%dma_wait3A_302 : memref<10240x128xf32, #tpu.memory_space<vmem_shared>>)
          tpu.yield
        }) : () -> ()
        %add3A_235 = arith.constant 4 : i32
        %add3A_236 = arith.addi %add3A_228, %add3A_235 : i32
        %lt3A = arith.constant 40 : i32
        %lt3A_237 = arith.cmpi slt, %add3A_236, %lt3A : i32
        %convert_element_type3A = arith.extui %lt3A_237 : i1 to i32
        %cond3A = arith.constant 0 : i32
        %cond3A_238 = arith.cmpi ne, %convert_element_type3A, %cond3A : i32
        scf.if %cond3A_238 {
          %add3A_291 = arith.constant 4 : i32
          %add3A_292 = arith.addi %add3A_228, %add3A_291 : i32
          %dma_start3A_293 = arith.constant 0 : i32
          %dma_start3A_294 = tpu.memref_slice %arg6[%add3A_292, %dma_start3A_293] : memref<40x64xi32, #tpu.memory_space<vmem>> -> memref<1x64xi32, #tpu.memory_space<vmem>>
          %dma_start3A_295 = tpu.memref_squeeze %dma_start3A_294 : memref<1x64xi32, #tpu.memory_space<vmem>> -> memref<64xi32, #tpu.memory_space<vmem>>
          %dma_start3A_296 = arith.constant 0 : i32
          %dma_start3A_297 = arith.constant 0 : i32
          %dma_start3A_298 = tpu.memref_slice %arg2[%dma_start3A_296, %dma_start3A_297] : memref<10240x128xf32, #tpu.memory_space<hbm>> -> memref<10240x128xf32, #tpu.memory_space<hbm>>
          tpu.enqueue_indirect_dma source(%dma_start3A_298 : memref<10240x128xf32, #tpu.memory_space<hbm>>) target(%arg8 : memref<64x128xf32, #tpu.memory_space<vmem>>) offsets(%dma_start3A_295 : memref<64xi32, #tpu.memory_space<vmem>>) semaphore(%arg13 : memref<!tpu.dma_semaphore, #tpu.memory_space<semaphore_mem>>)
        } else {
        }
        %mul3A_239 = arith.constant 4 : i32
        %mul3A_240 = arith.muli %mul3A_239, %scan3A_223 : i32
        %add3A_241 = arith.constant 1 : i32
        %add3A_242 = arith.addi %mul3A_240, %add3A_241 : i32
        %dma_wait3A_243 = arith.constant 0 : i32
        %dma_wait3A_244 = tpu.memref_slice %arg6[%add3A_242, %dma_wait3A_243] : memref<40x64xi32, #tpu.memory_space<vmem>> -> memref<1x64xi32, #tpu.memory_space<vmem>>
        %dma_wait3A_245 = tpu.memref_squeeze %dma_wait3A_244 : memref<1x64xi32, #tpu.memory_space<vmem>> -> memref<64xi32, #tpu.memory_space<vmem>>
        %dma_wait3A_246 = arith.constant 0 : i32
        %dma_wait3A_247 = arith.constant 0 : i32
        %dma_wait3A_248 = tpu.memref_slice %arg2[%dma_wait3A_246, %dma_wait3A_247] : memref<10240x128xf32, #tpu.memory_space<hbm>> -> memref<10240x128xf32, #tpu.memory_space<hbm>>
        tpu.wait_indirect_dma semaphore(%arg14 : memref<!tpu.dma_semaphore, #tpu.memory_space<semaphore_mem>>) src(%dma_wait3A_248 : memref<10240x128xf32, #tpu.memory_space<hbm>>) dst(%arg9 : memref<64x128xf32, #tpu.memory_space<vmem>>)
        "tpu.region"() ({
          %run_scoped3A = tpu.sem_alloc : memref<!tpu.dma_semaphore, #tpu.memory_space<semaphore_mem>>
          %dma_start3A_291 = arith.constant 0 : i32
          %dma_start3A_292 = tpu.memref_slice %arg7[%add3A_242, %dma_start3A_291] : memref<40x64xi32, #tpu.memory_space<vmem>> -> memref<1x64xi32, #tpu.memory_space<vmem>>
          %dma_start3A_293 = tpu.memref_squeeze %dma_start3A_292 : memref<1x64xi32, #tpu.memory_space<vmem>> -> memref<64xi32, #tpu.memory_space<vmem>>
          %dma_start3A_294 = arith.constant 0 : i32
          %dma_start3A_295 = arith.constant 0 : i32
          %dma_start3A_296 = tpu.memref_slice %arg12[%dma_start3A_294, %dma_start3A_295] : memref<10240x128xf32, #tpu.memory_space<vmem_shared>> -> memref<10240x128xf32, #tpu.memory_space<vmem_shared>>
          tpu.enqueue_indirect_dma source(%arg9 : memref<64x128xf32, #tpu.memory_space<vmem>>) target(%dma_start3A_296 : memref<10240x128xf32, #tpu.memory_space<vmem_shared>>) offsets(%dma_start3A_293 : memref<64xi32, #tpu.memory_space<vmem>>) semaphore(%run_scoped3A : memref<!tpu.dma_semaphore, #tpu.memory_space<semaphore_mem>>) {add = true}
          %dma_wait3A_297 = arith.constant 0 : i32
          %dma_wait3A_298 = tpu.memref_slice %arg7[%add3A_242, %dma_wait3A_297] : memref<40x64xi32, #tpu.memory_space<vmem>> -> memref<1x64xi32, #tpu.memory_space<vmem>>
          %dma_wait3A_299 = tpu.memref_squeeze %dma_wait3A_298 : memref<1x64xi32, #tpu.memory_space<vmem>> -> memref<64xi32, #tpu.memory_space<vmem>>
          %dma_wait3A_300 = arith.constant 0 : i32
          %dma_wait3A_301 = arith.constant 0 : i32
          %dma_wait3A_302 = tpu.memref_slice %arg12[%dma_wait3A_300, %dma_wait3A_301] : memref<10240x128xf32, #tpu.memory_space<vmem_shared>> -> memref<10240x128xf32, #tpu.memory_space<vmem_shared>>
          tpu.wait_indirect_dma semaphore(%run_scoped3A : memref<!tpu.dma_semaphore, #tpu.memory_space<semaphore_mem>>) src(%arg9 : memref<64x128xf32, #tpu.memory_space<vmem>>) dst(%dma_wait3A_302 : memref<10240x128xf32, #tpu.memory_space<vmem_shared>>)
          tpu.yield
        }) : () -> ()
        %add3A_249 = arith.constant 4 : i32
        %add3A_250 = arith.addi %add3A_242, %add3A_249 : i32
        %lt3A_251 = arith.constant 40 : i32
        %lt3A_252 = arith.cmpi slt, %add3A_250, %lt3A_251 : i32
        %convert_element_type3A_253 = arith.extui %lt3A_252 : i1 to i32
        %cond3A_254 = arith.constant 0 : i32
        %cond3A_255 = arith.cmpi ne, %convert_element_type3A_253, %cond3A_254 : i32
        scf.if %cond3A_255 {
          %add3A_291 = arith.constant 4 : i32
          %add3A_292 = arith.addi %add3A_242, %add3A_291 : i32
          %dma_start3A_293 = arith.constant 0 : i32
          %dma_start3A_294 = tpu.memref_slice %arg6[%add3A_292, %dma_start3A_293] : memref<40x64xi32, #tpu.memory_space<vmem>> -> memref<1x64xi32, #tpu.memory_space<vmem>>
          %dma_start3A_295 = tpu.memref_squeeze %dma_start3A_294 : memref<1x64xi32, #tpu.memory_space<vmem>> -> memref<64xi32, #tpu.memory_space<vmem>>
          %dma_start3A_296 = arith.constant 0 : i32
          %dma_start3A_297 = arith.constant 0 : i32
          %dma_start3A_298 = tpu.memref_slice %arg2[%dma_start3A_296, %dma_start3A_297] : memref<10240x128xf32, #tpu.memory_space<hbm>> -> memref<10240x128xf32, #tpu.memory_space<hbm>>
          tpu.enqueue_indirect_dma source(%dma_start3A_298 : memref<10240x128xf32, #tpu.memory_space<hbm>>) target(%arg9 : memref<64x128xf32, #tpu.memory_space<vmem>>) offsets(%dma_start3A_295 : memref<64xi32, #tpu.memory_space<vmem>>) semaphore(%arg14 : memref<!tpu.dma_semaphore, #tpu.memory_space<semaphore_mem>>)
        } else {
        }
        %mul3A_256 = arith.constant 4 : i32
        %mul3A_257 = arith.muli %mul3A_256, %scan3A_223 : i32
        %add3A_258 = arith.constant 2 : i32
        %add3A_259 = arith.addi %mul3A_257, %add3A_258 : i32
        %dma_wait3A_260 = arith.constant 0 : i32
        %dma_wait3A_261 = tpu.memref_slice %arg6[%add3A_259, %dma_wait3A_260] : memref<40x64xi32, #tpu.memory_space<vmem>> -> memref<1x64xi32, #tpu.memory_space<vmem>>
        %dma_wait3A_262 = tpu.memref_squeeze %dma_wait3A_261 : memref<1x64xi32, #tpu.memory_space<vmem>> -> memref<64xi32, #tpu.memory_space<vmem>>
        %dma_wait3A_263 = arith.constant 0 : i32
        %dma_wait3A_264 = arith.constant 0 : i32
        %dma_wait3A_265 = tpu.memref_slice %arg2[%dma_wait3A_263, %dma_wait3A_264] : memref<10240x128xf32, #tpu.memory_space<hbm>> -> memref<10240x128xf32, #tpu.memory_space<hbm>>
        tpu.wait_indirect_dma semaphore(%arg15 : memref<!tpu.dma_semaphore, #tpu.memory_space<semaphore_mem>>) src(%dma_wait3A_265 : memref<10240x128xf32, #tpu.memory_space<hbm>>) dst(%arg10 : memref<64x128xf32, #tpu.memory_space<vmem>>)
        "tpu.region"() ({
          %run_scoped3A = tpu.sem_alloc : memref<!tpu.dma_semaphore, #tpu.memory_space<semaphore_mem>>
          %dma_start3A_291 = arith.constant 0 : i32
          %dma_start3A_292 = tpu.memref_slice %arg7[%add3A_259, %dma_start3A_291] : memref<40x64xi32, #tpu.memory_space<vmem>> -> memref<1x64xi32, #tpu.memory_space<vmem>>
          %dma_start3A_293 = tpu.memref_squeeze %dma_start3A_292 : memref<1x64xi32, #tpu.memory_space<vmem>> -> memref<64xi32, #tpu.memory_space<vmem>>
          %dma_start3A_294 = arith.constant 0 : i32
          %dma_start3A_295 = arith.constant 0 : i32
          %dma_start3A_296 = tpu.memref_slice %arg12[%dma_start3A_294, %dma_start3A_295] : memref<10240x128xf32, #tpu.memory_space<vmem_shared>> -> memref<10240x128xf32, #tpu.memory_space<vmem_shared>>
          tpu.enqueue_indirect_dma source(%arg10 : memref<64x128xf32, #tpu.memory_space<vmem>>) target(%dma_start3A_296 : memref<10240x128xf32, #tpu.memory_space<vmem_shared>>) offsets(%dma_start3A_293 : memref<64xi32, #tpu.memory_space<vmem>>) semaphore(%run_scoped3A : memref<!tpu.dma_semaphore, #tpu.memory_space<semaphore_mem>>) {add = true}
          %dma_wait3A_297 = arith.constant 0 : i32
          %dma_wait3A_298 = tpu.memref_slice %arg7[%add3A_259, %dma_wait3A_297] : memref<40x64xi32, #tpu.memory_space<vmem>> -> memref<1x64xi32, #tpu.memory_space<vmem>>
          %dma_wait3A_299 = tpu.memref_squeeze %dma_wait3A_298 : memref<1x64xi32, #tpu.memory_space<vmem>> -> memref<64xi32, #tpu.memory_space<vmem>>
          %dma_wait3A_300 = arith.constant 0 : i32
          %dma_wait3A_301 = arith.constant 0 : i32
          %dma_wait3A_302 = tpu.memref_slice %arg12[%dma_wait3A_300, %dma_wait3A_301] : memref<10240x128xf32, #tpu.memory_space<vmem_shared>> -> memref<10240x128xf32, #tpu.memory_space<vmem_shared>>
          tpu.wait_indirect_dma semaphore(%run_scoped3A : memref<!tpu.dma_semaphore, #tpu.memory_space<semaphore_mem>>) src(%arg10 : memref<64x128xf32, #tpu.memory_space<vmem>>) dst(%dma_wait3A_302 : memref<10240x128xf32, #tpu.memory_space<vmem_shared>>)
          tpu.yield
        }) : () -> ()
        %add3A_266 = arith.constant 4 : i32
        %add3A_267 = arith.addi %add3A_259, %add3A_266 : i32
        %lt3A_268 = arith.constant 40 : i32
        %lt3A_269 = arith.cmpi slt, %add3A_267, %lt3A_268 : i32
        %convert_element_type3A_270 = arith.extui %lt3A_269 : i1 to i32
        %cond3A_271 = arith.constant 0 : i32
        %cond3A_272 = arith.cmpi ne, %convert_element_type3A_270, %cond3A_271 : i32
        scf.if %cond3A_272 {
          %add3A_291 = arith.constant 4 : i32
          %add3A_292 = arith.addi %add3A_259, %add3A_291 : i32
          %dma_start3A_293 = arith.constant 0 : i32
          %dma_start3A_294 = tpu.memref_slice %arg6[%add3A_292, %dma_start3A_293] : memref<40x64xi32, #tpu.memory_space<vmem>> -> memref<1x64xi32, #tpu.memory_space<vmem>>
          %dma_start3A_295 = tpu.memref_squeeze %dma_start3A_294 : memref<1x64xi32, #tpu.memory_space<vmem>> -> memref<64xi32, #tpu.memory_space<vmem>>
          %dma_start3A_296 = arith.constant 0 : i32
          %dma_start3A_297 = arith.constant 0 : i32
          %dma_start3A_298 = tpu.memref_slice %arg2[%dma_start3A_296, %dma_start3A_297] : memref<10240x128xf32, #tpu.memory_space<hbm>> -> memref<10240x128xf32, #tpu.memory_space<hbm>>
          tpu.enqueue_indirect_dma source(%dma_start3A_298 : memref<10240x128xf32, #tpu.memory_space<hbm>>) target(%arg10 : memref<64x128xf32, #tpu.memory_space<vmem>>) offsets(%dma_start3A_295 : memref<64xi32, #tpu.memory_space<vmem>>) semaphore(%arg15 : memref<!tpu.dma_semaphore, #tpu.memory_space<semaphore_mem>>)
        } else {
        }
        %mul3A_273 = arith.constant 4 : i32
        %mul3A_274 = arith.muli %mul3A_273, %scan3A_223 : i32
        %add3A_275 = arith.constant 3 : i32
        %add3A_276 = arith.addi %mul3A_274, %add3A_275 : i32
        %dma_wait3A_277 = arith.constant 0 : i32
        %dma_wait3A_278 = tpu.memref_slice %arg6[%add3A_276, %dma_wait3A_277] : memref<40x64xi32, #tpu.memory_space<vmem>> -> memref<1x64xi32, #tpu.memory_space<vmem>>
        %dma_wait3A_279 = tpu.memref_squeeze %dma_wait3A_278 : memref<1x64xi32, #tpu.memory_space<vmem>> -> memref<64xi32, #tpu.memory_space<vmem>>
        %dma_wait3A_280 = arith.constant 0 : i32
        %dma_wait3A_281 = arith.constant 0 : i32
        %dma_wait3A_282 = tpu.memref_slice %arg2[%dma_wait3A_280, %dma_wait3A_281] : memref<10240x128xf32, #tpu.memory_space<hbm>> -> memref<10240x128xf32, #tpu.memory_space<hbm>>
        tpu.wait_indirect_dma semaphore(%arg16 : memref<!tpu.dma_semaphore, #tpu.memory_space<semaphore_mem>>) src(%dma_wait3A_282 : memref<10240x128xf32, #tpu.memory_space<hbm>>) dst(%arg11 : memref<64x128xf32, #tpu.memory_space<vmem>>)
        "tpu.region"() ({
          %run_scoped3A = tpu.sem_alloc : memref<!tpu.dma_semaphore, #tpu.memory_space<semaphore_mem>>
          %dma_start3A_291 = arith.constant 0 : i32
          %dma_start3A_292 = tpu.memref_slice %arg7[%add3A_276, %dma_start3A_291] : memref<40x64xi32, #tpu.memory_space<vmem>> -> memref<1x64xi32, #tpu.memory_space<vmem>>
          %dma_start3A_293 = tpu.memref_squeeze %dma_start3A_292 : memref<1x64xi32, #tpu.memory_space<vmem>> -> memref<64xi32, #tpu.memory_space<vmem>>
          %dma_start3A_294 = arith.constant 0 : i32
          %dma_start3A_295 = arith.constant 0 : i32
          %dma_start3A_296 = tpu.memref_slice %arg12[%dma_start3A_294, %dma_start3A_295] : memref<10240x128xf32, #tpu.memory_space<vmem_shared>> -> memref<10240x128xf32, #tpu.memory_space<vmem_shared>>
          tpu.enqueue_indirect_dma source(%arg11 : memref<64x128xf32, #tpu.memory_space<vmem>>) target(%dma_start3A_296 : memref<10240x128xf32, #tpu.memory_space<vmem_shared>>) offsets(%dma_start3A_293 : memref<64xi32, #tpu.memory_space<vmem>>) semaphore(%run_scoped3A : memref<!tpu.dma_semaphore, #tpu.memory_space<semaphore_mem>>) {add = true}
          %dma_wait3A_297 = arith.constant 0 : i32
          %dma_wait3A_298 = tpu.memref_slice %arg7[%add3A_276, %dma_wait3A_297] : memref<40x64xi32, #tpu.memory_space<vmem>> -> memref<1x64xi32, #tpu.memory_space<vmem>>
          %dma_wait3A_299 = tpu.memref_squeeze %dma_wait3A_298 : memref<1x64xi32, #tpu.memory_space<vmem>> -> memref<64xi32, #tpu.memory_space<vmem>>
          %dma_wait3A_300 = arith.constant 0 : i32
          %dma_wait3A_301 = arith.constant 0 : i32
          %dma_wait3A_302 = tpu.memref_slice %arg12[%dma_wait3A_300, %dma_wait3A_301] : memref<10240x128xf32, #tpu.memory_space<vmem_shared>> -> memref<10240x128xf32, #tpu.memory_space<vmem_shared>>
          tpu.wait_indirect_dma semaphore(%run_scoped3A : memref<!tpu.dma_semaphore, #tpu.memory_space<semaphore_mem>>) src(%arg11 : memref<64x128xf32, #tpu.memory_space<vmem>>) dst(%dma_wait3A_302 : memref<10240x128xf32, #tpu.memory_space<vmem_shared>>)
          tpu.yield
        }) : () -> ()
        %add3A_283 = arith.constant 4 : i32
        %add3A_284 = arith.addi %add3A_276, %add3A_283 : i32
        %lt3A_285 = arith.constant 40 : i32
        %lt3A_286 = arith.cmpi slt, %add3A_284, %lt3A_285 : i32
        %convert_element_type3A_287 = arith.extui %lt3A_286 : i1 to i32
        %cond3A_288 = arith.constant 0 : i32
        %cond3A_289 = arith.cmpi ne, %convert_element_type3A_287, %cond3A_288 : i32
        scf.if %cond3A_289 {
          %add3A_291 = arith.constant 4 : i32
          %add3A_292 = arith.addi %add3A_276, %add3A_291 : i32
          %dma_start3A_293 = arith.constant 0 : i32
          %dma_start3A_294 = tpu.memref_slice %arg6[%add3A_292, %dma_start3A_293] : memref<40x64xi32, #tpu.memory_space<vmem>> -> memref<1x64xi32, #tpu.memory_space<vmem>>
          %dma_start3A_295 = tpu.memref_squeeze %dma_start3A_294 : memref<1x64xi32, #tpu.memory_space<vmem>> -> memref<64xi32, #tpu.memory_space<vmem>>
          %dma_start3A_296 = arith.constant 0 : i32
          %dma_start3A_297 = arith.constant 0 : i32
          %dma_start3A_298 = tpu.memref_slice %arg2[%dma_start3A_296, %dma_start3A_297] : memref<10240x128xf32, #tpu.memory_space<hbm>> -> memref<10240x128xf32, #tpu.memory_space<hbm>>
          tpu.enqueue_indirect_dma source(%dma_start3A_298 : memref<10240x128xf32, #tpu.memory_space<hbm>>) target(%arg11 : memref<64x128xf32, #tpu.memory_space<vmem>>) offsets(%dma_start3A_295 : memref<64xi32, #tpu.memory_space<vmem>>) semaphore(%arg16 : memref<!tpu.dma_semaphore, #tpu.memory_space<semaphore_mem>>)
        } else {
        }
        %scan3A_290 = arith.constant 0 : i32
        scf.yield %scan3A_290 : i32
      }
      %scan3A_221 = arith.constant 10 : i32
      %scan3A_222 = arith.constant 0 : i32
      scf.yield %scan3A_222 : i32
    }
    %scan3A_173 = arith.constant 4 : i32
    %barrier3A_174 = arith.constant 0 : index
    tpu.barrier barrier_id(%barrier3A_174)
    %mul3A_175 = arith.constant 640 : i32
    %mul3A_176 = arith.muli %arg1, %mul3A_175 : i32
    %mul3A_177 = arith.constant 640 : i32
    %mul3A_178 = arith.muli %arg1, %mul3A_177 : i32
    "tpu.region"() ({
      %run_scoped3A = tpu.sem_alloc : memref<!tpu.dma_semaphore, #tpu.memory_space<semaphore_mem>>
      %dma_start3A_179 = arith.constant 0 : i32
      %dma_start3A_180 = tpu.memref_slice %arg5[%arg0, %mul3A_178, %dma_start3A_179] : memref<2x10240x128xf32, #tpu.memory_space<hbm>> -> memref<1x640x128xf32, #tpu.memory_space<hbm>>
      %dma_start3A_181 = tpu.memref_squeeze %dma_start3A_180 : memref<1x640x128xf32, #tpu.memory_space<hbm>> -> memref<640x128xf32, #tpu.memory_space<hbm>>
      %dma_start3A_182 = arith.constant 0 : i32
      %dma_start3A_183 = tpu.memref_slice %arg12[%mul3A_176, %dma_start3A_182] : memref<10240x128xf32, #tpu.memory_space<vmem_shared>> -> memref<640x128xf32, #tpu.memory_space<vmem_shared>>
      tpu.enqueue_dma source(%dma_start3A_183 : memref<640x128xf32, #tpu.memory_space<vmem_shared>>) target(%dma_start3A_181 : memref<640x128xf32, #tpu.memory_space<hbm>>) target_semaphore(%run_scoped3A : memref<!tpu.dma_semaphore, #tpu.memory_space<semaphore_mem>>)
      %dma_wait3A_184 = arith.constant 0 : i32
      %dma_wait3A_185 = tpu.memref_slice %arg5[%arg0, %mul3A_178, %dma_wait3A_184] : memref<2x10240x128xf32, #tpu.memory_space<hbm>> -> memref<1x640x128xf32, #tpu.memory_space<hbm>>
      %dma_wait3A_186 = tpu.memref_squeeze %dma_wait3A_185 : memref<1x640x128xf32, #tpu.memory_space<hbm>> -> memref<640x128xf32, #tpu.memory_space<hbm>>
      %dma_wait3A_187 = arith.constant 0 : i32
      %dma_wait3A_188 = tpu.memref_slice %arg12[%mul3A_176, %dma_wait3A_187] : memref<10240x128xf32, #tpu.memory_space<vmem_shared>> -> memref<640x128xf32, #tpu.memory_space<vmem_shared>>
      tpu.wait_dma2 semaphore(%run_scoped3A : memref<!tpu.dma_semaphore, #tpu.memory_space<semaphore_mem>>) src(%dma_wait3A_188 : memref<640x128xf32, #tpu.memory_space<vmem_shared>>) dst(%dma_wait3A_186 : memref<640x128xf32, #tpu.memory_space<hbm>>)
      tpu.yield
    }) : () -> ()
    return
  }
}

module attributes {stable_mosaic.version = 14 : i64} {
  func.func @body(%arg0: i32, %arg1: memref<512x1xi32, #tpu.memory_space<vmem>>, %arg2: memref<80x128xf32, #tpu.memory_space<vmem>>) attributes {dimension_semantics = [#tpu.dimension_semantics<arbitrary>], iteration_bounds = array<i64: 625>, scalar_prefetch = 0 : i64, scratch_operands = 0 : i64, tpu.core_type = #tpu.core_type<tc>, window_params = [{transform_indices = @transform_0, window_bounds = array<i64: 512, 1>}, {pipeline_mode = #tpu.pipeline_mode<synchronous>, transform_indices = @transform_1, window_bounds = array<i64: 80, 128>}]} {
    %get3A = arith.constant 0 : index
    %get3A_0 = arith.constant 0 : index
    %get3A_1 = vector.load %arg1[%get3A, %get3A_0] : memref<512x1xi32, #tpu.memory_space<vmem>>, vector<512x1xi32>
    %jit3A = arith.constant 128 : i32
    %div3A = vector.broadcast %jit3A : i32 to vector<512x1xi32>
    %div3A_2 = arith.divsi %get3A_1, %div3A : vector<512x1xi32>
    %sign3A = arith.constant 0 : i32
    %sign3A_3 = vector.broadcast %sign3A : i32 to vector<512x1xi32>
    %sign3A_4 = arith.cmpi sgt, %get3A_1, %sign3A_3 : vector<512x1xi32>
    %sign3A_5 = arith.extui %sign3A_4 : vector<512x1xi1> to vector<512x1xi32>
    %sign3A_6 = arith.constant 0 : i32
    %sign3A_7 = vector.broadcast %sign3A_6 : i32 to vector<512x1xi32>
    %sign3A_8 = arith.cmpi slt, %get3A_1, %sign3A_7 : vector<512x1xi32>
    %sign3A_9 = arith.extui %sign3A_8 : vector<512x1xi1> to vector<512x1xi32>
    %sign3A_10 = arith.subi %sign3A_5, %sign3A_9 : vector<512x1xi32>
    %sign3A_11 = arith.constant 0 : i32
    %sign3A_12 = arith.cmpi sgt, %jit3A, %sign3A_11 : i32
    %sign3A_13 = arith.extui %sign3A_12 : i1 to i32
    %sign3A_14 = arith.constant 0 : i32
    %sign3A_15 = arith.cmpi slt, %jit3A, %sign3A_14 : i32
    %sign3A_16 = arith.extui %sign3A_15 : i1 to i32
    %sign3A_17 = arith.subi %sign3A_13, %sign3A_16 : i32
    %ne3A = vector.broadcast %sign3A_17 : i32 to vector<512x1xi32>
    %ne3A_18 = arith.cmpi ne, %sign3A_10, %ne3A : vector<512x1xi32>
    %rem3A = vector.broadcast %jit3A : i32 to vector<512x1xi32>
    %rem3A_19 = arith.remsi %get3A_1, %rem3A : vector<512x1xi32>
    %ne3A_20 = arith.constant 0 : i32
    %ne3A_21 = vector.broadcast %ne3A_20 : i32 to vector<512x1xi32>
    %ne3A_22 = arith.cmpi ne, %rem3A_19, %ne3A_21 : vector<512x1xi32>
    %and3A = arith.andi %ne3A_18, %ne3A_22 : vector<512x1xi1>
    %sub3A = arith.constant 1 : i32
    %sub3A_23 = vector.broadcast %sub3A : i32 to vector<512x1xi32>
    %sub3A_24 = arith.subi %div3A_2, %sub3A_23 : vector<512x1xi32>
    %select_n3A = arith.select %and3A, %sub3A_24, %div3A_2 : vector<512x1xi1>, vector<512x1xi32>
    %jit3A_25 = arith.constant 128 : i32
    %eq3A = arith.constant 0 : i32
    %eq3A_26 = arith.cmpi eq, %jit3A_25, %eq3A : i32
    %jit3A_27 = arith.constant 1 : i32
    %select_n3A_28 = arith.select %eq3A_26, %jit3A_27, %jit3A_25 : i32
    %rem3A_29 = vector.broadcast %select_n3A_28 : i32 to vector<512x1xi32>
    %rem3A_30 = arith.remsi %get3A_1, %rem3A_29 : vector<512x1xi32>
    %ne3A_31 = arith.constant 0 : i32
    %ne3A_32 = vector.broadcast %ne3A_31 : i32 to vector<512x1xi32>
    %ne3A_33 = arith.cmpi ne, %rem3A_30, %ne3A_32 : vector<512x1xi32>
    %lt3A = arith.constant 0 : i32
    %lt3A_34 = vector.broadcast %lt3A : i32 to vector<512x1xi32>
    %lt3A_35 = arith.cmpi slt, %rem3A_30, %lt3A_34 : vector<512x1xi32>
    %lt3A_36 = arith.constant 0 : i32
    %lt3A_37 = arith.cmpi slt, %select_n3A_28, %lt3A_36 : i32
    %ne3A_38 = vector.broadcast %lt3A_37 : i1 to vector<512x1xi1>
    %ne3A_39 = vector.broadcast %ne3A_38 : vector<512x1xi1> to vector<512x1xi1>
    %ne3A_40 = arith.xori %lt3A_35, %ne3A_39 : vector<512x1xi1>
    %and3A_41 = arith.andi %ne3A_40, %ne3A_33 : vector<512x1xi1>
    %add3A = vector.broadcast %select_n3A_28 : i32 to vector<512x1xi32>
    %add3A_42 = arith.addi %rem3A_30, %add3A : vector<512x1xi32>
    %select_n3A_43 = arith.select %and3A_41, %add3A_42, %rem3A_30 : vector<512x1xi1>, vector<512x1xi32>
    %iota3A = tpu.iota {dimensions = array<i32: 1>} : vector<1x80xi32>
    %eq3A_44 = vector.broadcast %select_n3A : vector<512x1xi32> to vector<512x80xi32>
    %eq3A_45 = vector.broadcast %iota3A : vector<1x80xi32> to vector<512x80xi32>
    %eq3A_46 = arith.cmpi eq, %eq3A_44, %eq3A_45 : vector<512x80xi32>
    %jit3A_47 = arith.constant 1.000000e+00 : f32
    %jit3A_48 = arith.constant 0.000000e+00 : f32
    %broadcast_in_dim3A = vector.broadcast %jit3A_47 : f32 to vector<512x80xf32>
    %broadcast_in_dim3A_49 = vector.broadcast %jit3A_48 : f32 to vector<512x80xf32>
    %select_n3A_50 = arith.select %eq3A_46, %broadcast_in_dim3A, %broadcast_in_dim3A_49 : vector<512x80xi1>, vector<512x80xf32>
    %iota3A_51 = tpu.iota {dimensions = array<i32: 1>} : vector<1x128xi32>
    %eq3A_52 = vector.broadcast %select_n3A_43 : vector<512x1xi32> to vector<512x128xi32>
    %eq3A_53 = vector.broadcast %iota3A_51 : vector<1x128xi32> to vector<512x128xi32>
    %eq3A_54 = arith.cmpi eq, %eq3A_52, %eq3A_53 : vector<512x128xi32>
    %jit3A_55 = arith.constant 1.000000e+00 : f32
    %jit3A_56 = arith.constant 0.000000e+00 : f32
    %broadcast_in_dim3A_57 = vector.broadcast %jit3A_55 : f32 to vector<512x128xf32>
    %broadcast_in_dim3A_58 = vector.broadcast %jit3A_56 : f32 to vector<512x128xf32>
    %select_n3A_59 = arith.select %eq3A_54, %broadcast_in_dim3A_57, %broadcast_in_dim3A_58 : vector<512x128xi1>, vector<512x128xf32>
    %eq3A_60 = arith.constant 0 : i32
    %eq3A_61 = arith.cmpi eq, %arg0, %eq3A_60 : i32
    %convert_element_type3A = arith.extui %eq3A_61 : i1 to i32
    %cond3A = arith.constant 0 : i32
    %cond3A_62 = arith.cmpi ne, %convert_element_type3A, %cond3A : i32
    scf.if %cond3A_62 {
      %broadcast_in_dim3A_70 = arith.constant 0.000000e+00 : f32
      %broadcast_in_dim3A_71 = vector.broadcast %broadcast_in_dim3A_70 : f32 to vector<80x128xf32>
      %swap3A_72 = arith.constant 0 : index
      %swap3A_73 = arith.constant 0 : index
      %swap3A_74 = vector.load %arg2[%swap3A_72, %swap3A_73] : memref<80x128xf32, #tpu.memory_space<vmem>>, vector<80x128xf32>
      tpu.vector_store %arg2[%swap3A_72, %swap3A_73], %broadcast_in_dim3A_71 {strides = array<i32>} : memref<80x128xf32, #tpu.memory_space<vmem>>, vector<80x128xf32>,
    } else {
    }
    %get3A_63 = arith.constant 0 : index
    %get3A_64 = arith.constant 0 : index
    %get3A_65 = vector.load %arg2[%get3A_63, %get3A_64] : memref<80x128xf32, #tpu.memory_space<vmem>>, vector<80x128xf32>
    %transpose3A = tpu.transpose %select_n3A_50, [1, 0] : vector<512x80xf32> -> vector<80x512xf32>
    %dot_general3A = arith.constant dense<0.000000e+00> : vector<80x128xf32>
    %dot_general3A_66 = tpu.matmul %transpose3A, %select_n3A_59, %dot_general3A {dimension_numbers = #tpu.dot_dimension_numbers<[1], [0], [0], [1], [0, 0, 1, 1], [], []>, transpose_lhs_hint = false} : vector<80x512xf32>, vector<512x128xf32>, vector<80x128xf32> -> vector<80x128xf32>
    %add3A_67 = arith.addf %get3A_65, %dot_general3A_66 : vector<80x128xf32>
    %swap3A = arith.constant 0 : index
    %swap3A_68 = arith.constant 0 : index
    %swap3A_69 = vector.load %arg2[%swap3A, %swap3A_68] : memref<80x128xf32, #tpu.memory_space<vmem>>, vector<80x128xf32>
    tpu.vector_store %arg2[%swap3A, %swap3A_68], %add3A_67 {strides = array<i32>} : memref<80x128xf32, #tpu.memory_space<vmem>>, vector<80x128xf32>,
    return
  }
  func.func @transform_0(%arg0: i32) -> (i32, i32) {
    %c0_i32 = arith.constant 0 : i32
    %c0_i32_0 = arith.constant 0 : i32
    return %arg0, %c0_i32 : i32, i32
  }
  func.func @transform_1(%arg0: i32) -> (i32, i32) {
    %c0_i32 = arith.constant 0 : i32
    %c0_i32_0 = arith.constant 0 : i32
    %c0_i32_1 = arith.constant 0 : i32
    return %c0_i32, %c0_i32_0 : i32, i32
  }
}

module attributes {stable_mosaic.version = 14 : i64} {
  func.func @body(%arg0: i32, %arg1: memref<512x1xf32, #tpu.memory_space<vmem>>, %arg2: memref<512x128xf32, #tpu.memory_space<vmem>>, %arg3: memref<512x128xf32, #tpu.memory_space<vmem>>, %arg4: memref<512x1xf32, #tpu.memory_space<vmem>>) attributes {dimension_semantics = [#tpu.dimension_semantics<arbitrary>], iteration_bounds = array<i64: 20>, scalar_prefetch = 0 : i64, scratch_operands = 0 : i64, tpu.core_type = #tpu.core_type<tc>, window_params = [{transform_indices = @transform_0, window_bounds = array<i64: 512, 1>}, {transform_indices = @transform_1, window_bounds = array<i64: 512, 128>}, {transform_indices = @transform_2, window_bounds = array<i64: 512, 128>}, {transform_indices = @transform_3, window_bounds = array<i64: 512, 1>}]} {
    %get3A = arith.constant 0 : index
    %get3A_0 = arith.constant 0 : index
    %get3A_1 = vector.load %arg1[%get3A, %get3A_0] : memref<512x1xf32, #tpu.memory_space<vmem>>, vector<512x1xf32>
    %add3A = arith.constant 1.000000e+00 : f32
    %add3A_2 = vector.broadcast %add3A : f32 to vector<512x1xf32>
    %add3A_3 = arith.addf %get3A_1, %add3A_2 : vector<512x1xf32>
    %rsqrt3A = math.rsqrt %add3A_3 : vector<512x1xf32>
    %get3A_4 = arith.constant 0 : index
    %get3A_5 = arith.constant 0 : index
    %get3A_6 = vector.load %arg2[%get3A_4, %get3A_5] : memref<512x128xf32, #tpu.memory_space<vmem>>, vector<512x128xf32>
    %mul3A = vector.broadcast %rsqrt3A : vector<512x1xf32> to vector<512x128xf32>
    %mul3A_7 = arith.mulf %get3A_6, %mul3A : vector<512x128xf32>
    %swap3A = arith.constant 0 : index
    %swap3A_8 = arith.constant 0 : index
    %swap3A_9 = vector.load %arg3[%swap3A, %swap3A_8] : memref<512x128xf32, #tpu.memory_space<vmem>>, vector<512x128xf32>
    tpu.vector_store %arg3[%swap3A, %swap3A_8], %mul3A_7 {strides = array<i32>} : memref<512x128xf32, #tpu.memory_space<vmem>>, vector<512x128xf32>,
    %swap3A_10 = arith.constant 0 : index
    %swap3A_11 = arith.constant 0 : index
    %swap3A_12 = vector.load %arg4[%swap3A_10, %swap3A_11] : memref<512x1xf32, #tpu.memory_space<vmem>>, vector<512x1xf32>
    tpu.vector_store %arg4[%swap3A_10, %swap3A_11], %rsqrt3A {strides = array<i32>} : memref<512x1xf32, #tpu.memory_space<vmem>>, vector<512x1xf32>,
    return
  }
  func.func @transform_0(%arg0: i32) -> (i32, i32) {
    %c0_i32 = arith.constant 0 : i32
    %c0_i32_0 = arith.constant 0 : i32
    return %arg0, %c0_i32 : i32, i32
  }
  func.func @transform_1(%arg0: i32) -> (i32, i32) {
    %c0_i32 = arith.constant 0 : i32
    %c0_i32_0 = arith.constant 0 : i32
    return %arg0, %c0_i32 : i32, i32
  }
  func.func @transform_2(%arg0: i32) -> (i32, i32) {
    %c0_i32 = arith.constant 0 : i32
    %c0_i32_0 = arith.constant 0 : i32
    return %arg0, %c0_i32 : i32, i32
  }
  func.func @transform_3(%arg0: i32) -> (i32, i32) {
    %c0_i32 = arith.constant 0 : i32
    %c0_i32_0 = arith.constant 0 : i32
    return %arg0, %c0_i32 : i32, i32
  }
}

module attributes {stable_mosaic.version = 14 : i64} {
  func.func @body(%arg0: i32, %arg1: memref<2x512x128xf32, #tpu.memory_space<vmem>>, %arg2: memref<512x128xf32, #tpu.memory_space<vmem>>, %arg3: memref<512x1xf32, #tpu.memory_space<vmem>>, %arg4: memref<128x200xf32, #tpu.memory_space<vmem>>, %arg5: memref<1x200xf32, #tpu.memory_space<vmem>>, %arg6: memref<512x200xf32, #tpu.memory_space<vmem>>, %arg7: memref<1x200xf32, #tpu.memory_space<vmem>>, %arg8: memref<1x200xf32, #tpu.memory_space<vmem>>) attributes {dimension_semantics = [#tpu.dimension_semantics<arbitrary>], iteration_bounds = array<i64: 20>, scalar_prefetch = 0 : i64, scratch_operands = 0 : i64, tpu.core_type = #tpu.core_type<tc>, window_params = [{transform_indices = @transform_0, window_bounds = array<i64: 2, 512, 128>}, {transform_indices = @transform_1, window_bounds = array<i64: 512, 128>}, {transform_indices = @transform_2, window_bounds = array<i64: 512, 1>}, {pipeline_mode = #tpu.pipeline_mode<synchronous>, transform_indices = @transform_3, window_bounds = array<i64: 128, 200>}, {pipeline_mode = #tpu.pipeline_mode<synchronous>, transform_indices = @transform_4, window_bounds = array<i64: 1, 200>}, {transform_indices = @transform_5, window_bounds = array<i64: 512, 200>}, {pipeline_mode = #tpu.pipeline_mode<synchronous>, transform_indices = @transform_6, window_bounds = array<i64: 1, 200>}, {pipeline_mode = #tpu.pipeline_mode<synchronous>, transform_indices = @transform_7, window_bounds = array<i64: 1, 200>}]} {
    %get3A = arith.constant 0 : index
    %get3A_0 = arith.constant 0 : index
    %get3A_1 = vector.load %arg3[%get3A, %get3A_0] : memref<512x1xf32, #tpu.memory_space<vmem>>, vector<512x1xf32>
    %get3A_2 = arith.constant 0 : index
    %get3A_3 = arith.constant 0 : index
    %get3A_4 = arith.constant 0 : index
    %get3A_5 = vector.load %arg1[%get3A_2, %get3A_3, %get3A_4] : memref<2x512x128xf32, #tpu.memory_space<vmem>>, vector<1x512x128xf32>
    %get3A_6 = vector.shape_cast %get3A_5 : vector<1x512x128xf32> to vector<512x128xf32>
    %get3A_7 = arith.constant 1 : index
    %get3A_8 = arith.constant 0 : index
    %get3A_9 = arith.constant 0 : index
    %get3A_10 = vector.load %arg1[%get3A_7, %get3A_8, %get3A_9] : memref<2x512x128xf32, #tpu.memory_space<vmem>>, vector<1x512x128xf32>
    %get3A_11 = vector.shape_cast %get3A_10 : vector<1x512x128xf32> to vector<512x128xf32>
    %add3A = arith.addf %get3A_6, %get3A_11 : vector<512x128xf32>
    %get3A_12 = arith.constant 0 : index
    %get3A_13 = arith.constant 0 : index
    %get3A_14 = vector.load %arg2[%get3A_12, %get3A_13] : memref<512x128xf32, #tpu.memory_space<vmem>>, vector<512x128xf32>
    %add3A_15 = arith.addf %add3A, %get3A_14 : vector<512x128xf32>
    %mul3A = vector.broadcast %get3A_1 : vector<512x1xf32> to vector<512x128xf32>
    %mul3A_16 = arith.mulf %add3A_15, %mul3A : vector<512x128xf32>
    %get3A_17 = arith.constant 0 : index
    %get3A_18 = arith.constant 0 : index
    %get3A_19 = vector.load %arg4[%get3A_17, %get3A_18] : memref<128x200xf32, #tpu.memory_space<vmem>>, vector<128x200xf32>
    %dot_general3A = arith.constant dense<0.000000e+00> : vector<512x200xf32>
    %dot_general3A_20 = tpu.matmul %mul3A_16, %get3A_19, %dot_general3A {dimension_numbers = #tpu.dot_dimension_numbers<[1], [0], [0], [1], [0, 0, 1, 1], [], []>, precision = #tpu.contract_precision<fp32>, transpose_lhs_hint = false} : vector<512x128xf32>, vector<128x200xf32>, vector<512x200xf32> -> vector<512x200xf32>
    %get3A_21 = arith.constant 0 : index
    %get3A_22 = arith.constant 0 : index
    %get3A_23 = vector.load %arg5[%get3A_21, %get3A_22] : memref<1x200xf32, #tpu.memory_space<vmem>>, vector<1x200xf32>
    %add3A_24 = vector.broadcast %get3A_23 : vector<1x200xf32> to vector<512x200xf32>
    %add3A_25 = arith.addf %dot_general3A_20, %add3A_24 : vector<512x200xf32>
    %max3A = arith.constant 0.000000e+00 : f32
    %max3A_26 = vector.broadcast %max3A : f32 to vector<512x200xf32>
    %max3A_27 = arith.maximumf %add3A_25, %max3A_26 : vector<512x200xf32>
    %swap3A = arith.constant 0 : index
    %swap3A_28 = arith.constant 0 : index
    %swap3A_29 = vector.load %arg6[%swap3A, %swap3A_28] : memref<512x200xf32, #tpu.memory_space<vmem>>, vector<512x200xf32>
    tpu.vector_store %arg6[%swap3A, %swap3A_28], %max3A_27 {strides = array<i32>} : memref<512x200xf32, #tpu.memory_space<vmem>>, vector<512x200xf32>,
    %mul3A_30 = arith.constant 512 : i32
    %mul3A_31 = arith.muli %arg0, %mul3A_30 : i32
    %iota3A = tpu.iota {dimensions = array<i32: 0>} : vector<512x1xi32>
    %add3A_32 = vector.broadcast %mul3A_31 : i32 to vector<512x1xi32>
    %add3A_33 = arith.addi %add3A_32, %iota3A : vector<512x1xi32>
    %lt3A = arith.constant 10000 : i32
    %lt3A_34 = vector.broadcast %lt3A : i32 to vector<512x1xi32>
    %lt3A_35 = arith.cmpi slt, %add3A_33, %lt3A_34 : vector<512x1xi32>
    %jit3A = arith.constant 0.000000e+00 : f32
    %broadcast_in_dim3A = vector.shape_cast %lt3A_35 : vector<512x1xi1> to vector<512x1xi1>
    %broadcast_in_dim3A_36 = vector.broadcast %broadcast_in_dim3A : vector<512x1xi1> to vector<512x200xi1>
    %broadcast_in_dim3A_37 = vector.broadcast %jit3A : f32 to vector<512x200xf32>
    %select_n3A = arith.select %broadcast_in_dim3A_36, %max3A_27, %broadcast_in_dim3A_37 : vector<512x200xi1>, vector<512x200xf32>
    %eq3A = arith.constant 0 : i32
    %eq3A_38 = arith.cmpi eq, %arg0, %eq3A : i32
    %convert_element_type3A = arith.extui %eq3A_38 : i1 to i32
    %cond3A = arith.constant 0 : i32
    %cond3A_39 = arith.cmpi ne, %convert_element_type3A, %cond3A : i32
    scf.if %cond3A_39 {
      %broadcast_in_dim3A_60 = arith.constant 0.000000e+00 : f32
      %broadcast_in_dim3A_61 = vector.broadcast %broadcast_in_dim3A_60 : f32 to vector<1x200xf32>
      %swap3A_62 = arith.constant 0 : index
      %swap3A_63 = arith.constant 0 : index
      %swap3A_64 = vector.load %arg7[%swap3A_62, %swap3A_63] : memref<1x200xf32, #tpu.memory_space<vmem>>, vector<1x200xf32>
      tpu.vector_store %arg7[%swap3A_62, %swap3A_63], %broadcast_in_dim3A_61 {strides = array<i32>} : memref<1x200xf32, #tpu.memory_space<vmem>>, vector<1x200xf32>,
      %broadcast_in_dim3A_65 = arith.constant 0.000000e+00 : f32
      %broadcast_in_dim3A_66 = vector.broadcast %broadcast_in_dim3A_65 : f32 to vector<1x200xf32>
      %swap3A_67 = arith.constant 0 : index
      %swap3A_68 = arith.constant 0 : index
      %swap3A_69 = vector.load %arg8[%swap3A_67, %swap3A_68] : memref<1x200xf32, #tpu.memory_space<vmem>>, vector<1x200xf32>
      tpu.vector_store %arg8[%swap3A_67, %swap3A_68], %broadcast_in_dim3A_66 {strides = array<i32>} : memref<1x200xf32, #tpu.memory_space<vmem>>, vector<1x200xf32>,
    } else {
    }
    %get3A_40 = arith.constant 0 : index
    %get3A_41 = arith.constant 0 : index
    %get3A_42 = vector.load %arg7[%get3A_40, %get3A_41] : memref<1x200xf32, #tpu.memory_space<vmem>>, vector<1x200xf32>
    %reduce_sum3A = arith.constant dense<0.000000e+00> : vector<200xf32>
    %reduce_sum3A_43 = vector.multi_reduction <add>, %select_n3A, %reduce_sum3A [0] : vector<512x200xf32> to vector<200xf32>
    %broadcast_in_dim3A_44 = vector.shape_cast %reduce_sum3A_43 : vector<200xf32> to vector<1x200xf32>
    %add3A_45 = arith.addf %get3A_42, %broadcast_in_dim3A_44 : vector<1x200xf32>
    %swap3A_46 = arith.constant 0 : index
    %swap3A_47 = arith.constant 0 : index
    %swap3A_48 = vector.load %arg7[%swap3A_46, %swap3A_47] : memref<1x200xf32, #tpu.memory_space<vmem>>, vector<1x200xf32>
    tpu.vector_store %arg7[%swap3A_46, %swap3A_47], %add3A_45 {strides = array<i32>} : memref<1x200xf32, #tpu.memory_space<vmem>>, vector<1x200xf32>,
    %get3A_49 = arith.constant 0 : index
    %get3A_50 = arith.constant 0 : index
    %get3A_51 = vector.load %arg8[%get3A_49, %get3A_50] : memref<1x200xf32, #tpu.memory_space<vmem>>, vector<1x200xf32>
    %mul3A_52 = arith.mulf %select_n3A, %select_n3A : vector<512x200xf32>
    %reduce_sum3A_53 = arith.constant dense<0.000000e+00> : vector<200xf32>
    %reduce_sum3A_54 = vector.multi_reduction <add>, %mul3A_52, %reduce_sum3A_53 [0] : vector<512x200xf32> to vector<200xf32>
    %broadcast_in_dim3A_55 = vector.shape_cast %reduce_sum3A_54 : vector<200xf32> to vector<1x200xf32>
    %add3A_56 = arith.addf %get3A_51, %broadcast_in_dim3A_55 : vector<1x200xf32>
    %swap3A_57 = arith.constant 0 : index
    %swap3A_58 = arith.constant 0 : index
    %swap3A_59 = vector.load %arg8[%swap3A_57, %swap3A_58] : memref<1x200xf32, #tpu.memory_space<vmem>>, vector<1x200xf32>
    tpu.vector_store %arg8[%swap3A_57, %swap3A_58], %add3A_56 {strides = array<i32>} : memref<1x200xf32, #tpu.memory_space<vmem>>, vector<1x200xf32>,
    return
  }
  func.func @transform_0(%arg0: i32) -> (i32, i32, i32) {
    %c0_i32 = arith.constant 0 : i32
    %c0_i32_0 = arith.constant 0 : i32
    %c0_i32_1 = arith.constant 0 : i32
    return %c0_i32, %arg0, %c0_i32_0 : i32, i32, i32
  }
  func.func @transform_1(%arg0: i32) -> (i32, i32) {
    %c0_i32 = arith.constant 0 : i32
    %c0_i32_0 = arith.constant 0 : i32
    return %arg0, %c0_i32 : i32, i32
  }
  func.func @transform_2(%arg0: i32) -> (i32, i32) {
    %c0_i32 = arith.constant 0 : i32
    %c0_i32_0 = arith.constant 0 : i32
    return %arg0, %c0_i32 : i32, i32
  }
  func.func @transform_3(%arg0: i32) -> (i32, i32) {
    %c0_i32 = arith.constant 0 : i32
    %c0_i32_0 = arith.constant 0 : i32
    %c0_i32_1 = arith.constant 0 : i32
    return %c0_i32, %c0_i32_0 : i32, i32
  }
  func.func @transform_4(%arg0: i32) -> (i32, i32) {
    %c0_i32 = arith.constant 0 : i32
    %c0_i32_0 = arith.constant 0 : i32
    %c0_i32_1 = arith.constant 0 : i32
    return %c0_i32, %c0_i32_0 : i32, i32
  }
  func.func @transform_5(%arg0: i32) -> (i32, i32) {
    %c0_i32 = arith.constant 0 : i32
    %c0_i32_0 = arith.constant 0 : i32
    return %arg0, %c0_i32 : i32, i32
  }
  func.func @transform_6(%arg0: i32) -> (i32, i32) {
    %c0_i32 = arith.constant 0 : i32
    %c0_i32_0 = arith.constant 0 : i32
    %c0_i32_1 = arith.constant 0 : i32
    return %c0_i32, %c0_i32_0 : i32, i32
  }
  func.func @transform_7(%arg0: i32) -> (i32, i32) {
    %c0_i32 = arith.constant 0 : i32
    %c0_i32_0 = arith.constant 0 : i32
    %c0_i32_1 = arith.constant 0 : i32
    return %c0_i32, %c0_i32_0 : i32, i32
  }
}

module attributes {stable_mosaic.version = 14 : i64} {
  func.func @body(%arg0: i32, %arg1: memref<512x200xf32, #tpu.memory_space<vmem>>, %arg2: memref<1x200xf32, #tpu.memory_space<vmem>>, %arg3: memref<1x200xf32, #tpu.memory_space<vmem>>, %arg4: memref<512x1xf32, #tpu.memory_space<vmem>>, %arg5: memref<1x200xf32, #tpu.memory_space<vmem>>, %arg6: memref<1x200xf32, #tpu.memory_space<vmem>>, %arg7: memref<512x128xf32, #tpu.memory_space<vmem>>, %arg8: memref<512x128xf32, #tpu.memory_space<vmem>>) attributes {dimension_semantics = [#tpu.dimension_semantics<arbitrary>], iteration_bounds = array<i64: 20>, scalar_prefetch = 0 : i64, scratch_operands = 0 : i64, tpu.core_type = #tpu.core_type<tc>, window_params = [{transform_indices = @transform_0, window_bounds = array<i64: 512, 200>}, {pipeline_mode = #tpu.pipeline_mode<synchronous>, transform_indices = @transform_1, window_bounds = array<i64: 1, 200>}, {pipeline_mode = #tpu.pipeline_mode<synchronous>, transform_indices = @transform_2, window_bounds = array<i64: 1, 200>}, {transform_indices = @transform_3, window_bounds = array<i64: 512, 1>}, {pipeline_mode = #tpu.pipeline_mode<synchronous>, transform_indices = @transform_4, window_bounds = array<i64: 1, 200>}, {pipeline_mode = #tpu.pipeline_mode<synchronous>, transform_indices = @transform_5, window_bounds = array<i64: 1, 200>}, {transform_indices = @transform_6, window_bounds = array<i64: 512, 128>}, {transform_indices = @transform_7, window_bounds = array<i64: 512, 128>}]} {
    %get3A = arith.constant 0 : index
    %get3A_0 = arith.constant 0 : index
    %get3A_1 = vector.load %arg2[%get3A, %get3A_0] : memref<1x200xf32, #tpu.memory_space<vmem>>, vector<1x200xf32>
    %div3A = arith.constant 1.000000e+04 : f32
    %div3A_2 = vector.broadcast %div3A : f32 to vector<1x200xf32>
    %div3A_3 = arith.divf %get3A_1, %div3A_2 : vector<1x200xf32>
    %get3A_4 = arith.constant 0 : index
    %get3A_5 = arith.constant 0 : index
    %get3A_6 = vector.load %arg3[%get3A_4, %get3A_5] : memref<1x200xf32, #tpu.memory_space<vmem>>, vector<1x200xf32>
    %div3A_7 = arith.constant 1.000000e+04 : f32
    %div3A_8 = vector.broadcast %div3A_7 : f32 to vector<1x200xf32>
    %div3A_9 = arith.divf %get3A_6, %div3A_8 : vector<1x200xf32>
    %mul3A = arith.mulf %div3A_3, %div3A_3 : vector<1x200xf32>
    %sub3A = arith.subf %div3A_9, %mul3A : vector<1x200xf32>
    %add3A = arith.constant 9.99999974E-6 : f32
    %add3A_10 = vector.broadcast %add3A : f32 to vector<1x200xf32>
    %add3A_11 = arith.addf %sub3A, %add3A_10 : vector<1x200xf32>
    %rsqrt3A = math.rsqrt %add3A_11 : vector<1x200xf32>
    %get3A_12 = arith.constant 0 : index
    %get3A_13 = arith.constant 0 : index
    %get3A_14 = vector.load %arg5[%get3A_12, %get3A_13] : memref<1x200xf32, #tpu.memory_space<vmem>>, vector<1x200xf32>
    %mul3A_15 = arith.mulf %rsqrt3A, %get3A_14 : vector<1x200xf32>
    %get3A_16 = arith.constant 0 : index
    %get3A_17 = arith.constant 0 : index
    %get3A_18 = vector.load %arg1[%get3A_16, %get3A_17] : memref<512x200xf32, #tpu.memory_space<vmem>>, vector<512x200xf32>
    %sub3A_19 = vector.broadcast %div3A_3 : vector<1x200xf32> to vector<512x200xf32>
    %sub3A_20 = arith.subf %get3A_18, %sub3A_19 : vector<512x200xf32>
    %mul3A_21 = vector.broadcast %mul3A_15 : vector<1x200xf32> to vector<512x200xf32>
    %mul3A_22 = arith.mulf %sub3A_20, %mul3A_21 : vector<512x200xf32>
    %get3A_23 = arith.constant 0 : index
    %get3A_24 = arith.constant 0 : index
    %get3A_25 = vector.load %arg6[%get3A_23, %get3A_24] : memref<1x200xf32, #tpu.memory_space<vmem>>, vector<1x200xf32>
    %add3A_26 = vector.broadcast %get3A_25 : vector<1x200xf32> to vector<512x200xf32>
    %add3A_27 = arith.addf %mul3A_22, %add3A_26 : vector<512x200xf32>
    %get3A_28 = arith.constant 0 : index
    %get3A_29 = arith.constant 0 : index
    %get3A_30 = vector.load %arg4[%get3A_28, %get3A_29] : memref<512x1xf32, #tpu.memory_space<vmem>>, vector<512x1xf32>
    %mul3A_31 = vector.broadcast %get3A_30 : vector<512x1xf32> to vector<512x200xf32>
    %mul3A_32 = arith.mulf %add3A_27, %mul3A_31 : vector<512x200xf32>
    %slice3A = vector.extract_strided_slice %mul3A_32 {offsets = [0, 0], sizes = [512, 128], strides = [1, 1]} : vector<512x200xf32> to vector<512x128xf32>
    %swap3A = arith.constant 0 : index
    %swap3A_33 = arith.constant 0 : index
    %swap3A_34 = vector.load %arg7[%swap3A, %swap3A_33] : memref<512x128xf32, #tpu.memory_space<vmem>>, vector<512x128xf32>
    tpu.vector_store %arg7[%swap3A, %swap3A_33], %slice3A {strides = array<i32>} : memref<512x128xf32, #tpu.memory_space<vmem>>, vector<512x128xf32>,
    %slice3A_35 = vector.extract_strided_slice %mul3A_32 {offsets = [0, 128], sizes = [512, 72], strides = [1, 1]} : vector<512x200xf32> to vector<512x72xf32>
    %broadcast_in_dim3A = arith.constant 0.000000e+00 : f32
    %broadcast_in_dim3A_36 = vector.broadcast %broadcast_in_dim3A : f32 to vector<512x56xf32>
    %concatenate3A = tpu.concatenate %slice3A_35, %broadcast_in_dim3A_36 in 1 : vector<512x72xf32>, vector<512x56xf32> -> vector<512x128xf32>
    %swap3A_37 = arith.constant 0 : index
    %swap3A_38 = arith.constant 0 : index
    %swap3A_39 = vector.load %arg8[%swap3A_37, %swap3A_38] : memref<512x128xf32, #tpu.memory_space<vmem>>, vector<512x128xf32>
    tpu.vector_store %arg8[%swap3A_37, %swap3A_38], %concatenate3A {strides = array<i32>} : memref<512x128xf32, #tpu.memory_space<vmem>>, vector<512x128xf32>,
    return
  }
  func.func @transform_0(%arg0: i32) -> (i32, i32) {
    %c0_i32 = arith.constant 0 : i32
    %c0_i32_0 = arith.constant 0 : i32
    return %arg0, %c0_i32 : i32, i32
  }
  func.func @transform_1(%arg0: i32) -> (i32, i32) {
    %c0_i32 = arith.constant 0 : i32
    %c0_i32_0 = arith.constant 0 : i32
    %c0_i32_1 = arith.constant 0 : i32
    return %c0_i32, %c0_i32_0 : i32, i32
  }
  func.func @transform_2(%arg0: i32) -> (i32, i32) {
    %c0_i32 = arith.constant 0 : i32
    %c0_i32_0 = arith.constant 0 : i32
    %c0_i32_1 = arith.constant 0 : i32
    return %c0_i32, %c0_i32_0 : i32, i32
  }
  func.func @transform_3(%arg0: i32) -> (i32, i32) {
    %c0_i32 = arith.constant 0 : i32
    %c0_i32_0 = arith.constant 0 : i32
    return %arg0, %c0_i32 : i32, i32
  }
  func.func @transform_4(%arg0: i32) -> (i32, i32) {
    %c0_i32 = arith.constant 0 : i32
    %c0_i32_0 = arith.constant 0 : i32
    %c0_i32_1 = arith.constant 0 : i32
    return %c0_i32, %c0_i32_0 : i32, i32
  }
  func.func @transform_5(%arg0: i32) -> (i32, i32) {
    %c0_i32 = arith.constant 0 : i32
    %c0_i32_0 = arith.constant 0 : i32
    %c0_i32_1 = arith.constant 0 : i32
    return %c0_i32, %c0_i32_0 : i32, i32
  }
  func.func @transform_6(%arg0: i32) -> (i32, i32) {
    %c0_i32 = arith.constant 0 : i32
    %c0_i32_0 = arith.constant 0 : i32
    return %arg0, %c0_i32 : i32, i32
  }
  func.func @transform_7(%arg0: i32) -> (i32, i32) {
    %c0_i32 = arith.constant 0 : i32
    %c0_i32_0 = arith.constant 0 : i32
    return %arg0, %c0_i32 : i32, i32
  }
}

module attributes {stable_mosaic.version = 14 : i64} {
  func.func @body(%arg0: i32, %arg1: memref<2x512x128xf32, #tpu.memory_space<vmem>>, %arg2: memref<512x128xf32, #tpu.memory_space<vmem>>, %arg3: memref<2x512x128xf32, #tpu.memory_space<vmem>>, %arg4: memref<512x128xf32, #tpu.memory_space<vmem>>, %arg5: memref<512x1xf32, #tpu.memory_space<vmem>>, %arg6: memref<256x200xf32, #tpu.memory_space<vmem>>, %arg7: memref<1x200xf32, #tpu.memory_space<vmem>>, %arg8: memref<512x200xf32, #tpu.memory_space<vmem>>, %arg9: memref<1x200xf32, #tpu.memory_space<vmem>>, %arg10: memref<1x200xf32, #tpu.memory_space<vmem>>) attributes {dimension_semantics = [#tpu.dimension_semantics<arbitrary>], iteration_bounds = array<i64: 20>, scalar_prefetch = 0 : i64, scratch_operands = 0 : i64, tpu.core_type = #tpu.core_type<tc>, window_params = [{transform_indices = @transform_0, window_bounds = array<i64: 2, 512, 128>}, {transform_indices = @transform_1, window_bounds = array<i64: 512, 128>}, {transform_indices = @transform_2, window_bounds = array<i64: 2, 512, 128>}, {transform_indices = @transform_3, window_bounds = array<i64: 512, 128>}, {transform_indices = @transform_4, window_bounds = array<i64: 512, 1>}, {pipeline_mode = #tpu.pipeline_mode<synchronous>, transform_indices = @transform_5, window_bounds = array<i64: 256, 200>}, {pipeline_mode = #tpu.pipeline_mode<synchronous>, transform_indices = @transform_6, window_bounds = array<i64: 1, 200>}, {transform_indices = @transform_7, window_bounds = array<i64: 512, 200>}, {pipeline_mode = #tpu.pipeline_mode<synchronous>, transform_indices = @transform_8, window_bounds = array<i64: 1, 200>}, {pipeline_mode = #tpu.pipeline_mode<synchronous>, transform_indices = @transform_9, window_bounds = array<i64: 1, 200>}]} {
    %get3A = arith.constant 0 : index
    %get3A_0 = arith.constant 0 : index
    %get3A_1 = vector.load %arg5[%get3A, %get3A_0] : memref<512x1xf32, #tpu.memory_space<vmem>>, vector<512x1xf32>
    %get3A_2 = arith.constant 0 : index
    %get3A_3 = arith.constant 0 : index
    %get3A_4 = arith.constant 0 : index
    %get3A_5 = vector.load %arg1[%get3A_2, %get3A_3, %get3A_4] : memref<2x512x128xf32, #tpu.memory_space<vmem>>, vector<1x512x128xf32>
    %get3A_6 = vector.shape_cast %get3A_5 : vector<1x512x128xf32> to vector<512x128xf32>
    %get3A_7 = arith.constant 1 : index
    %get3A_8 = arith.constant 0 : index
    %get3A_9 = arith.constant 0 : index
    %get3A_10 = vector.load %arg1[%get3A_7, %get3A_8, %get3A_9] : memref<2x512x128xf32, #tpu.memory_space<vmem>>, vector<1x512x128xf32>
    %get3A_11 = vector.shape_cast %get3A_10 : vector<1x512x128xf32> to vector<512x128xf32>
    %add3A = arith.addf %get3A_6, %get3A_11 : vector<512x128xf32>
    %get3A_12 = arith.constant 0 : index
    %get3A_13 = arith.constant 0 : index
    %get3A_14 = vector.load %arg2[%get3A_12, %get3A_13] : memref<512x128xf32, #tpu.memory_space<vmem>>, vector<512x128xf32>
    %add3A_15 = arith.addf %add3A, %get3A_14 : vector<512x128xf32>
    %get3A_16 = arith.constant 0 : index
    %get3A_17 = arith.constant 0 : index
    %get3A_18 = arith.constant 0 : index
    %get3A_19 = vector.load %arg3[%get3A_16, %get3A_17, %get3A_18] : memref<2x512x128xf32, #tpu.memory_space<vmem>>, vector<1x512x128xf32>
    %get3A_20 = vector.shape_cast %get3A_19 : vector<1x512x128xf32> to vector<512x128xf32>
    %get3A_21 = arith.constant 1 : index
    %get3A_22 = arith.constant 0 : index
    %get3A_23 = arith.constant 0 : index
    %get3A_24 = vector.load %arg3[%get3A_21, %get3A_22, %get3A_23] : memref<2x512x128xf32, #tpu.memory_space<vmem>>, vector<1x512x128xf32>
    %get3A_25 = vector.shape_cast %get3A_24 : vector<1x512x128xf32> to vector<512x128xf32>
    %add3A_26 = arith.addf %get3A_20, %get3A_25 : vector<512x128xf32>
    %get3A_27 = arith.constant 0 : index
    %get3A_28 = arith.constant 0 : index
    %get3A_29 = vector.load %arg4[%get3A_27, %get3A_28] : memref<512x128xf32, #tpu.memory_space<vmem>>, vector<512x128xf32>
    %add3A_30 = arith.addf %add3A_26, %get3A_29 : vector<512x128xf32>
    %concatenate3A = tpu.concatenate %add3A_15, %add3A_30 in 1 : vector<512x128xf32>, vector<512x128xf32> -> vector<512x256xf32>
    %mul3A = vector.broadcast %get3A_1 : vector<512x1xf32> to vector<512x256xf32>
    %mul3A_31 = arith.mulf %concatenate3A, %mul3A : vector<512x256xf32>
    %get3A_32 = arith.constant 0 : index
    %get3A_33 = arith.constant 0 : index
    %get3A_34 = vector.load %arg6[%get3A_32, %get3A_33] : memref<256x200xf32, #tpu.memory_space<vmem>>, vector<256x200xf32>
    %dot_general3A = arith.constant dense<0.000000e+00> : vector<512x200xf32>
    %dot_general3A_35 = tpu.matmul %mul3A_31, %get3A_34, %dot_general3A {dimension_numbers = #tpu.dot_dimension_numbers<[1], [0], [0], [1], [0, 0, 1, 1], [], []>, precision = #tpu.contract_precision<fp32>, transpose_lhs_hint = false} : vector<512x256xf32>, vector<256x200xf32>, vector<512x200xf32> -> vector<512x200xf32>
    %get3A_36 = arith.constant 0 : index
    %get3A_37 = arith.constant 0 : index
    %get3A_38 = vector.load %arg7[%get3A_36, %get3A_37] : memref<1x200xf32, #tpu.memory_space<vmem>>, vector<1x200xf32>
    %add3A_39 = vector.broadcast %get3A_38 : vector<1x200xf32> to vector<512x200xf32>
    %add3A_40 = arith.addf %dot_general3A_35, %add3A_39 : vector<512x200xf32>
    %max3A = arith.constant 0.000000e+00 : f32
    %max3A_41 = vector.broadcast %max3A : f32 to vector<512x200xf32>
    %max3A_42 = arith.maximumf %add3A_40, %max3A_41 : vector<512x200xf32>
    %swap3A = arith.constant 0 : index
    %swap3A_43 = arith.constant 0 : index
    %swap3A_44 = vector.load %arg8[%swap3A, %swap3A_43] : memref<512x200xf32, #tpu.memory_space<vmem>>, vector<512x200xf32>
    tpu.vector_store %arg8[%swap3A, %swap3A_43], %max3A_42 {strides = array<i32>} : memref<512x200xf32, #tpu.memory_space<vmem>>, vector<512x200xf32>,
    %mul3A_45 = arith.constant 512 : i32
    %mul3A_46 = arith.muli %arg0, %mul3A_45 : i32
    %iota3A = tpu.iota {dimensions = array<i32: 0>} : vector<512x1xi32>
    %add3A_47 = vector.broadcast %mul3A_46 : i32 to vector<512x1xi32>
    %add3A_48 = arith.addi %add3A_47, %iota3A : vector<512x1xi32>
    %lt3A = arith.constant 10000 : i32
    %lt3A_49 = vector.broadcast %lt3A : i32 to vector<512x1xi32>
    %lt3A_50 = arith.cmpi slt, %add3A_48, %lt3A_49 : vector<512x1xi32>
    %jit3A = arith.constant 0.000000e+00 : f32
    %broadcast_in_dim3A = vector.shape_cast %lt3A_50 : vector<512x1xi1> to vector<512x1xi1>
    %broadcast_in_dim3A_51 = vector.broadcast %broadcast_in_dim3A : vector<512x1xi1> to vector<512x200xi1>
    %broadcast_in_dim3A_52 = vector.broadcast %jit3A : f32 to vector<512x200xf32>
    %select_n3A = arith.select %broadcast_in_dim3A_51, %max3A_42, %broadcast_in_dim3A_52 : vector<512x200xi1>, vector<512x200xf32>
    %eq3A = arith.constant 0 : i32
    %eq3A_53 = arith.cmpi eq, %arg0, %eq3A : i32
    %convert_element_type3A = arith.extui %eq3A_53 : i1 to i32
    %cond3A = arith.constant 0 : i32
    %cond3A_54 = arith.cmpi ne, %convert_element_type3A, %cond3A : i32
    scf.if %cond3A_54 {
      %broadcast_in_dim3A_75 = arith.constant 0.000000e+00 : f32
      %broadcast_in_dim3A_76 = vector.broadcast %broadcast_in_dim3A_75 : f32 to vector<1x200xf32>
      %swap3A_77 = arith.constant 0 : index
      %swap3A_78 = arith.constant 0 : index
      %swap3A_79 = vector.load %arg9[%swap3A_77, %swap3A_78] : memref<1x200xf32, #tpu.memory_space<vmem>>, vector<1x200xf32>
      tpu.vector_store %arg9[%swap3A_77, %swap3A_78], %broadcast_in_dim3A_76 {strides = array<i32>} : memref<1x200xf32, #tpu.memory_space<vmem>>, vector<1x200xf32>,
      %broadcast_in_dim3A_80 = arith.constant 0.000000e+00 : f32
      %broadcast_in_dim3A_81 = vector.broadcast %broadcast_in_dim3A_80 : f32 to vector<1x200xf32>
      %swap3A_82 = arith.constant 0 : index
      %swap3A_83 = arith.constant 0 : index
      %swap3A_84 = vector.load %arg10[%swap3A_82, %swap3A_83] : memref<1x200xf32, #tpu.memory_space<vmem>>, vector<1x200xf32>
      tpu.vector_store %arg10[%swap3A_82, %swap3A_83], %broadcast_in_dim3A_81 {strides = array<i32>} : memref<1x200xf32, #tpu.memory_space<vmem>>, vector<1x200xf32>,
    } else {
    }
    %get3A_55 = arith.constant 0 : index
    %get3A_56 = arith.constant 0 : index
    %get3A_57 = vector.load %arg9[%get3A_55, %get3A_56] : memref<1x200xf32, #tpu.memory_space<vmem>>, vector<1x200xf32>
    %reduce_sum3A = arith.constant dense<0.000000e+00> : vector<200xf32>
    %reduce_sum3A_58 = vector.multi_reduction <add>, %select_n3A, %reduce_sum3A [0] : vector<512x200xf32> to vector<200xf32>
    %broadcast_in_dim3A_59 = vector.shape_cast %reduce_sum3A_58 : vector<200xf32> to vector<1x200xf32>
    %add3A_60 = arith.addf %get3A_57, %broadcast_in_dim3A_59 : vector<1x200xf32>
    %swap3A_61 = arith.constant 0 : index
    %swap3A_62 = arith.constant 0 : index
    %swap3A_63 = vector.load %arg9[%swap3A_61, %swap3A_62] : memref<1x200xf32, #tpu.memory_space<vmem>>, vector<1x200xf32>
    tpu.vector_store %arg9[%swap3A_61, %swap3A_62], %add3A_60 {strides = array<i32>} : memref<1x200xf32, #tpu.memory_space<vmem>>, vector<1x200xf32>,
    %get3A_64 = arith.constant 0 : index
    %get3A_65 = arith.constant 0 : index
    %get3A_66 = vector.load %arg10[%get3A_64, %get3A_65] : memref<1x200xf32, #tpu.memory_space<vmem>>, vector<1x200xf32>
    %mul3A_67 = arith.mulf %select_n3A, %select_n3A : vector<512x200xf32>
    %reduce_sum3A_68 = arith.constant dense<0.000000e+00> : vector<200xf32>
    %reduce_sum3A_69 = vector.multi_reduction <add>, %mul3A_67, %reduce_sum3A_68 [0] : vector<512x200xf32> to vector<200xf32>
    %broadcast_in_dim3A_70 = vector.shape_cast %reduce_sum3A_69 : vector<200xf32> to vector<1x200xf32>
    %add3A_71 = arith.addf %get3A_66, %broadcast_in_dim3A_70 : vector<1x200xf32>
    %swap3A_72 = arith.constant 0 : index
    %swap3A_73 = arith.constant 0 : index
    %swap3A_74 = vector.load %arg10[%swap3A_72, %swap3A_73] : memref<1x200xf32, #tpu.memory_space<vmem>>, vector<1x200xf32>
    tpu.vector_store %arg10[%swap3A_72, %swap3A_73], %add3A_71 {strides = array<i32>} : memref<1x200xf32, #tpu.memory_space<vmem>>, vector<1x200xf32>,
    return
  }
  func.func @transform_0(%arg0: i32) -> (i32, i32, i32) {
    %c0_i32 = arith.constant 0 : i32
    %c0_i32_0 = arith.constant 0 : i32
    %c0_i32_1 = arith.constant 0 : i32
    return %c0_i32, %arg0, %c0_i32_0 : i32, i32, i32
  }
  func.func @transform_1(%arg0: i32) -> (i32, i32) {
    %c0_i32 = arith.constant 0 : i32
    %c0_i32_0 = arith.constant 0 : i32
    return %arg0, %c0_i32 : i32, i32
  }
  func.func @transform_2(%arg0: i32) -> (i32, i32, i32) {
    %c0_i32 = arith.constant 0 : i32
    %c0_i32_0 = arith.constant 0 : i32
    %c0_i32_1 = arith.constant 0 : i32
    return %c0_i32, %arg0, %c0_i32_0 : i32, i32, i32
  }
  func.func @transform_3(%arg0: i32) -> (i32, i32) {
    %c0_i32 = arith.constant 0 : i32
    %c0_i32_0 = arith.constant 0 : i32
    return %arg0, %c0_i32 : i32, i32
  }
  func.func @transform_4(%arg0: i32) -> (i32, i32) {
    %c0_i32 = arith.constant 0 : i32
    %c0_i32_0 = arith.constant 0 : i32
    return %arg0, %c0_i32 : i32, i32
  }
  func.func @transform_5(%arg0: i32) -> (i32, i32) {
    %c0_i32 = arith.constant 0 : i32
    %c0_i32_0 = arith.constant 0 : i32
    %c0_i32_1 = arith.constant 0 : i32
    return %c0_i32, %c0_i32_0 : i32, i32
  }
  func.func @transform_6(%arg0: i32) -> (i32, i32) {
    %c0_i32 = arith.constant 0 : i32
    %c0_i32_0 = arith.constant 0 : i32
    %c0_i32_1 = arith.constant 0 : i32
    return %c0_i32, %c0_i32_0 : i32, i32
  }
  func.func @transform_7(%arg0: i32) -> (i32, i32) {
    %c0_i32 = arith.constant 0 : i32
    %c0_i32_0 = arith.constant 0 : i32
    return %arg0, %c0_i32 : i32, i32
  }
  func.func @transform_8(%arg0: i32) -> (i32, i32) {
    %c0_i32 = arith.constant 0 : i32
    %c0_i32_0 = arith.constant 0 : i32
    %c0_i32_1 = arith.constant 0 : i32
    return %c0_i32, %c0_i32_0 : i32, i32
  }
  func.func @transform_9(%arg0: i32) -> (i32, i32) {
    %c0_i32 = arith.constant 0 : i32
    %c0_i32_0 = arith.constant 0 : i32
    %c0_i32_1 = arith.constant 0 : i32
    return %c0_i32, %c0_i32_0 : i32, i32
  }
}

module attributes {stable_mosaic.version = 14 : i64} {
  func.func @body(%arg0: i32, %arg1: memref<512x200xf32, #tpu.memory_space<vmem>>, %arg2: memref<1x200xf32, #tpu.memory_space<vmem>>, %arg3: memref<1x200xf32, #tpu.memory_space<vmem>>, %arg4: memref<1x200xf32, #tpu.memory_space<vmem>>, %arg5: memref<1x200xf32, #tpu.memory_space<vmem>>, %arg6: memref<512x1xi32, #tpu.memory_space<vmem>>, %arg7: memref<64x200xf32, #tpu.memory_space<vmem>>, %arg8: memref<64x200xf32, #tpu.memory_space<vmem>>, %arg9: memref<64x1xf32, #tpu.memory_space<vmem>>) attributes {dimension_semantics = [#tpu.dimension_semantics<arbitrary>], iteration_bounds = array<i64: 20>, scalar_prefetch = 0 : i64, scratch_operands = 0 : i64, tpu.core_type = #tpu.core_type<tc>, window_params = [{transform_indices = @transform_0, window_bounds = array<i64: 512, 200>}, {pipeline_mode = #tpu.pipeline_mode<synchronous>, transform_indices = @transform_1, window_bounds = array<i64: 1, 200>}, {pipeline_mode = #tpu.pipeline_mode<synchronous>, transform_indices = @transform_2, window_bounds = array<i64: 1, 200>}, {pipeline_mode = #tpu.pipeline_mode<synchronous>, transform_indices = @transform_3, window_bounds = array<i64: 1, 200>}, {pipeline_mode = #tpu.pipeline_mode<synchronous>, transform_indices = @transform_4, window_bounds = array<i64: 1, 200>}, {transform_indices = @transform_5, window_bounds = array<i64: 512, 1>}, {pipeline_mode = #tpu.pipeline_mode<synchronous>, transform_indices = @transform_6, window_bounds = array<i64: 64, 200>}, {pipeline_mode = #tpu.pipeline_mode<synchronous>, transform_indices = @transform_7, window_bounds = array<i64: 64, 200>}, {pipeline_mode = #tpu.pipeline_mode<synchronous>, transform_indices = @transform_8, window_bounds = array<i64: 64, 1>}]} {
    %get3A = arith.constant 0 : index
    %get3A_0 = arith.constant 0 : index
    %get3A_1 = vector.load %arg2[%get3A, %get3A_0] : memref<1x200xf32, #tpu.memory_space<vmem>>, vector<1x200xf32>
    %div3A = arith.constant 1.000000e+04 : f32
    %div3A_2 = vector.broadcast %div3A : f32 to vector<1x200xf32>
    %div3A_3 = arith.divf %get3A_1, %div3A_2 : vector<1x200xf32>
    %get3A_4 = arith.constant 0 : index
    %get3A_5 = arith.constant 0 : index
    %get3A_6 = vector.load %arg3[%get3A_4, %get3A_5] : memref<1x200xf32, #tpu.memory_space<vmem>>, vector<1x200xf32>
    %div3A_7 = arith.constant 1.000000e+04 : f32
    %div3A_8 = vector.broadcast %div3A_7 : f32 to vector<1x200xf32>
    %div3A_9 = arith.divf %get3A_6, %div3A_8 : vector<1x200xf32>
    %mul3A = arith.mulf %div3A_3, %div3A_3 : vector<1x200xf32>
    %sub3A = arith.subf %div3A_9, %mul3A : vector<1x200xf32>
    %add3A = arith.constant 9.99999974E-6 : f32
    %add3A_10 = vector.broadcast %add3A : f32 to vector<1x200xf32>
    %add3A_11 = arith.addf %sub3A, %add3A_10 : vector<1x200xf32>
    %rsqrt3A = math.rsqrt %add3A_11 : vector<1x200xf32>
    %get3A_12 = arith.constant 0 : index
    %get3A_13 = arith.constant 0 : index
    %get3A_14 = vector.load %arg4[%get3A_12, %get3A_13] : memref<1x200xf32, #tpu.memory_space<vmem>>, vector<1x200xf32>
    %mul3A_15 = arith.mulf %rsqrt3A, %get3A_14 : vector<1x200xf32>
    %get3A_16 = arith.constant 0 : index
    %get3A_17 = arith.constant 0 : index
    %get3A_18 = vector.load %arg1[%get3A_16, %get3A_17] : memref<512x200xf32, #tpu.memory_space<vmem>>, vector<512x200xf32>
    %sub3A_19 = vector.broadcast %div3A_3 : vector<1x200xf32> to vector<512x200xf32>
    %sub3A_20 = arith.subf %get3A_18, %sub3A_19 : vector<512x200xf32>
    %mul3A_21 = vector.broadcast %mul3A_15 : vector<1x200xf32> to vector<512x200xf32>
    %mul3A_22 = arith.mulf %sub3A_20, %mul3A_21 : vector<512x200xf32>
    %get3A_23 = arith.constant 0 : index
    %get3A_24 = arith.constant 0 : index
    %get3A_25 = vector.load %arg5[%get3A_23, %get3A_24] : memref<1x200xf32, #tpu.memory_space<vmem>>, vector<1x200xf32>
    %add3A_26 = vector.broadcast %get3A_25 : vector<1x200xf32> to vector<512x200xf32>
    %add3A_27 = arith.addf %mul3A_22, %add3A_26 : vector<512x200xf32>
    %mul3A_28 = arith.constant 512 : i32
    %mul3A_29 = arith.muli %arg0, %mul3A_28 : i32
    %iota3A = tpu.iota {dimensions = array<i32: 0>} : vector<512x1xi32>
    %add3A_30 = vector.broadcast %mul3A_29 : i32 to vector<512x1xi32>
    %add3A_31 = arith.addi %add3A_30, %iota3A : vector<512x1xi32>
    %lt3A = arith.constant 10000 : i32
    %lt3A_32 = vector.broadcast %lt3A : i32 to vector<512x1xi32>
    %lt3A_33 = arith.cmpi slt, %add3A_31, %lt3A_32 : vector<512x1xi32>
    %get3A_34 = arith.constant 0 : index
    %get3A_35 = arith.constant 0 : index
    %get3A_36 = vector.load %arg6[%get3A_34, %get3A_35] : memref<512x1xi32, #tpu.memory_space<vmem>>, vector<512x1xi32>
    %iota3A_37 = tpu.iota {dimensions = array<i32: 1>} : vector<1x64xi32>
    %eq3A = vector.broadcast %get3A_36 : vector<512x1xi32> to vector<512x64xi32>
    %eq3A_38 = vector.broadcast %iota3A_37 : vector<1x64xi32> to vector<512x64xi32>
    %eq3A_39 = arith.cmpi eq, %eq3A, %eq3A_38 : vector<512x64xi32>
    %and3A = vector.broadcast %lt3A_33 : vector<512x1xi1> to vector<512x64xi1>
    %and3A_40 = arith.andi %eq3A_39, %and3A : vector<512x64xi1>
    %jit3A = arith.constant 1.000000e+00 : f32
    %jit3A_41 = arith.constant 0.000000e+00 : f32
    %broadcast_in_dim3A = vector.broadcast %jit3A : f32 to vector<512x64xf32>
    %broadcast_in_dim3A_42 = vector.broadcast %jit3A_41 : f32 to vector<512x64xf32>
    %select_n3A = arith.select %and3A_40, %broadcast_in_dim3A, %broadcast_in_dim3A_42 : vector<512x64xi1>, vector<512x64xf32>
    %eq3A_43 = arith.constant 0 : i32
    %eq3A_44 = arith.cmpi eq, %arg0, %eq3A_43 : i32
    %convert_element_type3A = arith.extui %eq3A_44 : i1 to i32
    %cond3A = arith.constant 0 : i32
    %cond3A_45 = arith.cmpi ne, %convert_element_type3A, %cond3A : i32
    scf.if %cond3A_45 {
      %broadcast_in_dim3A_776 = arith.constant 0.000000e+00 : f32
      %broadcast_in_dim3A_777 = vector.broadcast %broadcast_in_dim3A_776 : f32 to vector<64x200xf32>
      %swap3A_778 = arith.constant 0 : index
      %swap3A_779 = arith.constant 0 : index
      %swap3A_780 = vector.load %arg7[%swap3A_778, %swap3A_779] : memref<64x200xf32, #tpu.memory_space<vmem>>, vector<64x200xf32>
      tpu.vector_store %arg7[%swap3A_778, %swap3A_779], %broadcast_in_dim3A_777 {strides = array<i32>} : memref<64x200xf32, #tpu.memory_space<vmem>>, vector<64x200xf32>,
      %broadcast_in_dim3A_781 = arith.constant 0.000000e+00 : f32
      %broadcast_in_dim3A_782 = vector.broadcast %broadcast_in_dim3A_781 : f32 to vector<64x1xf32>
      %swap3A_783 = arith.constant 0 : index
      %swap3A_784 = arith.constant 0 : index
      %swap3A_785 = vector.load %arg9[%swap3A_783, %swap3A_784] : memref<64x1xf32, #tpu.memory_space<vmem>>, vector<64x1xf32>
      tpu.vector_store %arg9[%swap3A_783, %swap3A_784], %broadcast_in_dim3A_782 {strides = array<i32>} : memref<64x1xf32, #tpu.memory_space<vmem>>, vector<64x1xf32>,
      %broadcast_in_dim3A_786 = arith.constant 0xFF800000 : f32
      %broadcast_in_dim3A_787 = vector.broadcast %broadcast_in_dim3A_786 : f32 to vector<64x200xf32>
      %swap3A_788 = arith.constant 0 : index
      %swap3A_789 = arith.constant 0 : index
      %swap3A_790 = vector.load %arg8[%swap3A_788, %swap3A_789] : memref<64x200xf32, #tpu.memory_space<vmem>>, vector<64x200xf32>
      tpu.vector_store %arg8[%swap3A_788, %swap3A_789], %broadcast_in_dim3A_787 {strides = array<i32>} : memref<64x200xf32, #tpu.memory_space<vmem>>, vector<64x200xf32>,
    } else {
    }
    %get3A_46 = arith.constant 0 : index
    %get3A_47 = arith.constant 0 : index
    %get3A_48 = vector.load %arg7[%get3A_46, %get3A_47] : memref<64x200xf32, #tpu.memory_space<vmem>>, vector<64x200xf32>
    %transpose3A = tpu.transpose %select_n3A, [1, 0] : vector<512x64xf32> -> vector<64x512xf32>
    %dot_general3A = arith.constant dense<0.000000e+00> : vector<64x200xf32>
    %dot_general3A_49 = tpu.matmul %transpose3A, %add3A_27, %dot_general3A {dimension_numbers = #tpu.dot_dimension_numbers<[1], [0], [0], [1], [0, 0, 1, 1], [], []>, precision = #tpu.contract_precision<fp32>, transpose_lhs_hint = false} : vector<64x512xf32>, vector<512x200xf32>, vector<64x200xf32> -> vector<64x200xf32>
    %add3A_50 = arith.addf %get3A_48, %dot_general3A_49 : vector<64x200xf32>
    %swap3A = arith.constant 0 : index
    %swap3A_51 = arith.constant 0 : index
    %swap3A_52 = vector.load %arg7[%swap3A, %swap3A_51] : memref<64x200xf32, #tpu.memory_space<vmem>>, vector<64x200xf32>
    tpu.vector_store %arg7[%swap3A, %swap3A_51], %add3A_50 {strides = array<i32>} : memref<64x200xf32, #tpu.memory_space<vmem>>, vector<64x200xf32>,
    %get3A_53 = arith.constant 0 : index
    %get3A_54 = arith.constant 0 : index
    %get3A_55 = vector.load %arg9[%get3A_53, %get3A_54] : memref<64x1xf32, #tpu.memory_space<vmem>>, vector<64x1xf32>
    %reduce_sum3A = arith.constant dense<0.000000e+00> : vector<64xf32>
    %reduce_sum3A_56 = vector.multi_reduction <add>, %select_n3A, %reduce_sum3A [0] : vector<512x64xf32> to vector<64xf32>
    %broadcast_in_dim3A_57 = vector.shape_cast %reduce_sum3A_56 : vector<64xf32> to vector<64x1xf32>
    %add3A_58 = arith.addf %get3A_55, %broadcast_in_dim3A_57 : vector<64x1xf32>
    %swap3A_59 = arith.constant 0 : index
    %swap3A_60 = arith.constant 0 : index
    %swap3A_61 = vector.load %arg9[%swap3A_59, %swap3A_60] : memref<64x1xf32, #tpu.memory_space<vmem>>, vector<64x1xf32>
    tpu.vector_store %arg9[%swap3A_59, %swap3A_60], %add3A_58 {strides = array<i32>} : memref<64x1xf32, #tpu.memory_space<vmem>>, vector<64x1xf32>,
    %jit3A_62 = arith.constant 0xFF800000 : f32
    %broadcast_in_dim3A_63 = vector.shape_cast %lt3A_33 : vector<512x1xi1> to vector<512x1xi1>
    %broadcast_in_dim3A_64 = vector.broadcast %broadcast_in_dim3A_63 : vector<512x1xi1> to vector<512x200xi1>
    %broadcast_in_dim3A_65 = vector.broadcast %jit3A_62 : f32 to vector<512x200xf32>
    %select_n3A_66 = arith.select %broadcast_in_dim3A_64, %add3A_27, %broadcast_in_dim3A_65 : vector<512x200xi1>, vector<512x200xf32>
    %eq3A_67 = arith.constant 0 : i32
    %eq3A_68 = vector.broadcast %eq3A_67 : i32 to vector<512x1xi32>
    %eq3A_69 = arith.cmpi eq, %get3A_36, %eq3A_68 : vector<512x1xi32>
    %jit3A_70 = arith.constant 0xFF800000 : f32
    %broadcast_in_dim3A_71 = vector.shape_cast %eq3A_69 : vector<512x1xi1> to vector<512x1xi1>
    %broadcast_in_dim3A_72 = vector.broadcast %broadcast_in_dim3A_71 : vector<512x1xi1> to vector<512x200xi1>
    %broadcast_in_dim3A_73 = vector.broadcast %jit3A_70 : f32 to vector<512x200xf32>
    %select_n3A_74 = arith.select %broadcast_in_dim3A_72, %select_n3A_66, %broadcast_in_dim3A_73 : vector<512x200xi1>, vector<512x200xf32>
    %reduce_max3A = arith.constant dense<0xFF800000> : vector<200xf32>
    %reduce_max3A_75 = vector.multi_reduction <maximumf>, %select_n3A_74, %reduce_max3A [0] : vector<512x200xf32> to vector<200xf32>
    %broadcast_in_dim3A_76 = vector.shape_cast %reduce_max3A_75 : vector<200xf32> to vector<1x200xf32>
    %eq3A_77 = arith.constant 1 : i32
    %eq3A_78 = vector.broadcast %eq3A_77 : i32 to vector<512x1xi32>
    %eq3A_79 = arith.cmpi eq, %get3A_36, %eq3A_78 : vector<512x1xi32>
    %jit3A_80 = arith.constant 0xFF800000 : f32
    %broadcast_in_dim3A_81 = vector.shape_cast %eq3A_79 : vector<512x1xi1> to vector<512x1xi1>
    %broadcast_in_dim3A_82 = vector.broadcast %broadcast_in_dim3A_81 : vector<512x1xi1> to vector<512x200xi1>
    %broadcast_in_dim3A_83 = vector.broadcast %jit3A_80 : f32 to vector<512x200xf32>
    %select_n3A_84 = arith.select %broadcast_in_dim3A_82, %select_n3A_66, %broadcast_in_dim3A_83 : vector<512x200xi1>, vector<512x200xf32>
    %reduce_max3A_85 = arith.constant dense<0xFF800000> : vector<200xf32>
    %reduce_max3A_86 = vector.multi_reduction <maximumf>, %select_n3A_84, %reduce_max3A_85 [0] : vector<512x200xf32> to vector<200xf32>
    %broadcast_in_dim3A_87 = vector.shape_cast %reduce_max3A_86 : vector<200xf32> to vector<1x200xf32>
    %eq3A_88 = arith.constant 2 : i32
    %eq3A_89 = vector.broadcast %eq3A_88 : i32 to vector<512x1xi32>
    %eq3A_90 = arith.cmpi eq, %get3A_36, %eq3A_89 : vector<512x1xi32>
    %jit3A_91 = arith.constant 0xFF800000 : f32
    %broadcast_in_dim3A_92 = vector.shape_cast %eq3A_90 : vector<512x1xi1> to vector<512x1xi1>
    %broadcast_in_dim3A_93 = vector.broadcast %broadcast_in_dim3A_92 : vector<512x1xi1> to vector<512x200xi1>
    %broadcast_in_dim3A_94 = vector.broadcast %jit3A_91 : f32 to vector<512x200xf32>
    %select_n3A_95 = arith.select %broadcast_in_dim3A_93, %select_n3A_66, %broadcast_in_dim3A_94 : vector<512x200xi1>, vector<512x200xf32>
    %reduce_max3A_96 = arith.constant dense<0xFF800000> : vector<200xf32>
    %reduce_max3A_97 = vector.multi_reduction <maximumf>, %select_n3A_95, %reduce_max3A_96 [0] : vector<512x200xf32> to vector<200xf32>
    %broadcast_in_dim3A_98 = vector.shape_cast %reduce_max3A_97 : vector<200xf32> to vector<1x200xf32>
    %eq3A_99 = arith.constant 3 : i32
    %eq3A_100 = vector.broadcast %eq3A_99 : i32 to vector<512x1xi32>
    %eq3A_101 = arith.cmpi eq, %get3A_36, %eq3A_100 : vector<512x1xi32>
    %jit3A_102 = arith.constant 0xFF800000 : f32
    %broadcast_in_dim3A_103 = vector.shape_cast %eq3A_101 : vector<512x1xi1> to vector<512x1xi1>
    %broadcast_in_dim3A_104 = vector.broadcast %broadcast_in_dim3A_103 : vector<512x1xi1> to vector<512x200xi1>
    %broadcast_in_dim3A_105 = vector.broadcast %jit3A_102 : f32 to vector<512x200xf32>
    %select_n3A_106 = arith.select %broadcast_in_dim3A_104, %select_n3A_66, %broadcast_in_dim3A_105 : vector<512x200xi1>, vector<512x200xf32>
    %reduce_max3A_107 = arith.constant dense<0xFF800000> : vector<200xf32>
    %reduce_max3A_108 = vector.multi_reduction <maximumf>, %select_n3A_106, %reduce_max3A_107 [0] : vector<512x200xf32> to vector<200xf32>
    %broadcast_in_dim3A_109 = vector.shape_cast %reduce_max3A_108 : vector<200xf32> to vector<1x200xf32>
    %eq3A_110 = arith.constant 4 : i32
    %eq3A_111 = vector.broadcast %eq3A_110 : i32 to vector<512x1xi32>
    %eq3A_112 = arith.cmpi eq, %get3A_36, %eq3A_111 : vector<512x1xi32>
    %jit3A_113 = arith.constant 0xFF800000 : f32
    %broadcast_in_dim3A_114 = vector.shape_cast %eq3A_112 : vector<512x1xi1> to vector<512x1xi1>
    %broadcast_in_dim3A_115 = vector.broadcast %broadcast_in_dim3A_114 : vector<512x1xi1> to vector<512x200xi1>
    %broadcast_in_dim3A_116 = vector.broadcast %jit3A_113 : f32 to vector<512x200xf32>
    %select_n3A_117 = arith.select %broadcast_in_dim3A_115, %select_n3A_66, %broadcast_in_dim3A_116 : vector<512x200xi1>, vector<512x200xf32>
    %reduce_max3A_118 = arith.constant dense<0xFF800000> : vector<200xf32>
    %reduce_max3A_119 = vector.multi_reduction <maximumf>, %select_n3A_117, %reduce_max3A_118 [0] : vector<512x200xf32> to vector<200xf32>
    %broadcast_in_dim3A_120 = vector.shape_cast %reduce_max3A_119 : vector<200xf32> to vector<1x200xf32>
    %eq3A_121 = arith.constant 5 : i32
    %eq3A_122 = vector.broadcast %eq3A_121 : i32 to vector<512x1xi32>
    %eq3A_123 = arith.cmpi eq, %get3A_36, %eq3A_122 : vector<512x1xi32>
    %jit3A_124 = arith.constant 0xFF800000 : f32
    %broadcast_in_dim3A_125 = vector.shape_cast %eq3A_123 : vector<512x1xi1> to vector<512x1xi1>
    %broadcast_in_dim3A_126 = vector.broadcast %broadcast_in_dim3A_125 : vector<512x1xi1> to vector<512x200xi1>
    %broadcast_in_dim3A_127 = vector.broadcast %jit3A_124 : f32 to vector<512x200xf32>
    %select_n3A_128 = arith.select %broadcast_in_dim3A_126, %select_n3A_66, %broadcast_in_dim3A_127 : vector<512x200xi1>, vector<512x200xf32>
    %reduce_max3A_129 = arith.constant dense<0xFF800000> : vector<200xf32>
    %reduce_max3A_130 = vector.multi_reduction <maximumf>, %select_n3A_128, %reduce_max3A_129 [0] : vector<512x200xf32> to vector<200xf32>
    %broadcast_in_dim3A_131 = vector.shape_cast %reduce_max3A_130 : vector<200xf32> to vector<1x200xf32>
    %eq3A_132 = arith.constant 6 : i32
    %eq3A_133 = vector.broadcast %eq3A_132 : i32 to vector<512x1xi32>
    %eq3A_134 = arith.cmpi eq, %get3A_36, %eq3A_133 : vector<512x1xi32>
    %jit3A_135 = arith.constant 0xFF800000 : f32
    %broadcast_in_dim3A_136 = vector.shape_cast %eq3A_134 : vector<512x1xi1> to vector<512x1xi1>
    %broadcast_in_dim3A_137 = vector.broadcast %broadcast_in_dim3A_136 : vector<512x1xi1> to vector<512x200xi1>
    %broadcast_in_dim3A_138 = vector.broadcast %jit3A_135 : f32 to vector<512x200xf32>
    %select_n3A_139 = arith.select %broadcast_in_dim3A_137, %select_n3A_66, %broadcast_in_dim3A_138 : vector<512x200xi1>, vector<512x200xf32>
    %reduce_max3A_140 = arith.constant dense<0xFF800000> : vector<200xf32>
    %reduce_max3A_141 = vector.multi_reduction <maximumf>, %select_n3A_139, %reduce_max3A_140 [0] : vector<512x200xf32> to vector<200xf32>
    %broadcast_in_dim3A_142 = vector.shape_cast %reduce_max3A_141 : vector<200xf32> to vector<1x200xf32>
    %eq3A_143 = arith.constant 7 : i32
    %eq3A_144 = vector.broadcast %eq3A_143 : i32 to vector<512x1xi32>
    %eq3A_145 = arith.cmpi eq, %get3A_36, %eq3A_144 : vector<512x1xi32>
    %jit3A_146 = arith.constant 0xFF800000 : f32
    %broadcast_in_dim3A_147 = vector.shape_cast %eq3A_145 : vector<512x1xi1> to vector<512x1xi1>
    %broadcast_in_dim3A_148 = vector.broadcast %broadcast_in_dim3A_147 : vector<512x1xi1> to vector<512x200xi1>
    %broadcast_in_dim3A_149 = vector.broadcast %jit3A_146 : f32 to vector<512x200xf32>
    %select_n3A_150 = arith.select %broadcast_in_dim3A_148, %select_n3A_66, %broadcast_in_dim3A_149 : vector<512x200xi1>, vector<512x200xf32>
    %reduce_max3A_151 = arith.constant dense<0xFF800000> : vector<200xf32>
    %reduce_max3A_152 = vector.multi_reduction <maximumf>, %select_n3A_150, %reduce_max3A_151 [0] : vector<512x200xf32> to vector<200xf32>
    %broadcast_in_dim3A_153 = vector.shape_cast %reduce_max3A_152 : vector<200xf32> to vector<1x200xf32>
    %eq3A_154 = arith.constant 8 : i32
    %eq3A_155 = vector.broadcast %eq3A_154 : i32 to vector<512x1xi32>
    %eq3A_156 = arith.cmpi eq, %get3A_36, %eq3A_155 : vector<512x1xi32>
    %jit3A_157 = arith.constant 0xFF800000 : f32
    %broadcast_in_dim3A_158 = vector.shape_cast %eq3A_156 : vector<512x1xi1> to vector<512x1xi1>
    %broadcast_in_dim3A_159 = vector.broadcast %broadcast_in_dim3A_158 : vector<512x1xi1> to vector<512x200xi1>
    %broadcast_in_dim3A_160 = vector.broadcast %jit3A_157 : f32 to vector<512x200xf32>
    %select_n3A_161 = arith.select %broadcast_in_dim3A_159, %select_n3A_66, %broadcast_in_dim3A_160 : vector<512x200xi1>, vector<512x200xf32>
    %reduce_max3A_162 = arith.constant dense<0xFF800000> : vector<200xf32>
    %reduce_max3A_163 = vector.multi_reduction <maximumf>, %select_n3A_161, %reduce_max3A_162 [0] : vector<512x200xf32> to vector<200xf32>
    %broadcast_in_dim3A_164 = vector.shape_cast %reduce_max3A_163 : vector<200xf32> to vector<1x200xf32>
    %eq3A_165 = arith.constant 9 : i32
    %eq3A_166 = vector.broadcast %eq3A_165 : i32 to vector<512x1xi32>
    %eq3A_167 = arith.cmpi eq, %get3A_36, %eq3A_166 : vector<512x1xi32>
    %jit3A_168 = arith.constant 0xFF800000 : f32
    %broadcast_in_dim3A_169 = vector.shape_cast %eq3A_167 : vector<512x1xi1> to vector<512x1xi1>
    %broadcast_in_dim3A_170 = vector.broadcast %broadcast_in_dim3A_169 : vector<512x1xi1> to vector<512x200xi1>
    %broadcast_in_dim3A_171 = vector.broadcast %jit3A_168 : f32 to vector<512x200xf32>
    %select_n3A_172 = arith.select %broadcast_in_dim3A_170, %select_n3A_66, %broadcast_in_dim3A_171 : vector<512x200xi1>, vector<512x200xf32>
    %reduce_max3A_173 = arith.constant dense<0xFF800000> : vector<200xf32>
    %reduce_max3A_174 = vector.multi_reduction <maximumf>, %select_n3A_172, %reduce_max3A_173 [0] : vector<512x200xf32> to vector<200xf32>
    %broadcast_in_dim3A_175 = vector.shape_cast %reduce_max3A_174 : vector<200xf32> to vector<1x200xf32>
    %eq3A_176 = arith.constant 10 : i32
    %eq3A_177 = vector.broadcast %eq3A_176 : i32 to vector<512x1xi32>
    %eq3A_178 = arith.cmpi eq, %get3A_36, %eq3A_177 : vector<512x1xi32>
    %jit3A_179 = arith.constant 0xFF800000 : f32
    %broadcast_in_dim3A_180 = vector.shape_cast %eq3A_178 : vector<512x1xi1> to vector<512x1xi1>
    %broadcast_in_dim3A_181 = vector.broadcast %broadcast_in_dim3A_180 : vector<512x1xi1> to vector<512x200xi1>
    %broadcast_in_dim3A_182 = vector.broadcast %jit3A_179 : f32 to vector<512x200xf32>
    %select_n3A_183 = arith.select %broadcast_in_dim3A_181, %select_n3A_66, %broadcast_in_dim3A_182 : vector<512x200xi1>, vector<512x200xf32>
    %reduce_max3A_184 = arith.constant dense<0xFF800000> : vector<200xf32>
    %reduce_max3A_185 = vector.multi_reduction <maximumf>, %select_n3A_183, %reduce_max3A_184 [0] : vector<512x200xf32> to vector<200xf32>
    %broadcast_in_dim3A_186 = vector.shape_cast %reduce_max3A_185 : vector<200xf32> to vector<1x200xf32>
    %eq3A_187 = arith.constant 11 : i32
    %eq3A_188 = vector.broadcast %eq3A_187 : i32 to vector<512x1xi32>
    %eq3A_189 = arith.cmpi eq, %get3A_36, %eq3A_188 : vector<512x1xi32>
    %jit3A_190 = arith.constant 0xFF800000 : f32
    %broadcast_in_dim3A_191 = vector.shape_cast %eq3A_189 : vector<512x1xi1> to vector<512x1xi1>
    %broadcast_in_dim3A_192 = vector.broadcast %broadcast_in_dim3A_191 : vector<512x1xi1> to vector<512x200xi1>
    %broadcast_in_dim3A_193 = vector.broadcast %jit3A_190 : f32 to vector<512x200xf32>
    %select_n3A_194 = arith.select %broadcast_in_dim3A_192, %select_n3A_66, %broadcast_in_dim3A_193 : vector<512x200xi1>, vector<512x200xf32>
    %reduce_max3A_195 = arith.constant dense<0xFF800000> : vector<200xf32>
    %reduce_max3A_196 = vector.multi_reduction <maximumf>, %select_n3A_194, %reduce_max3A_195 [0] : vector<512x200xf32> to vector<200xf32>
    %broadcast_in_dim3A_197 = vector.shape_cast %reduce_max3A_196 : vector<200xf32> to vector<1x200xf32>
    %eq3A_198 = arith.constant 12 : i32
    %eq3A_199 = vector.broadcast %eq3A_198 : i32 to vector<512x1xi32>
    %eq3A_200 = arith.cmpi eq, %get3A_36, %eq3A_199 : vector<512x1xi32>
    %jit3A_201 = arith.constant 0xFF800000 : f32
    %broadcast_in_dim3A_202 = vector.shape_cast %eq3A_200 : vector<512x1xi1> to vector<512x1xi1>
    %broadcast_in_dim3A_203 = vector.broadcast %broadcast_in_dim3A_202 : vector<512x1xi1> to vector<512x200xi1>
    %broadcast_in_dim3A_204 = vector.broadcast %jit3A_201 : f32 to vector<512x200xf32>
    %select_n3A_205 = arith.select %broadcast_in_dim3A_203, %select_n3A_66, %broadcast_in_dim3A_204 : vector<512x200xi1>, vector<512x200xf32>
    %reduce_max3A_206 = arith.constant dense<0xFF800000> : vector<200xf32>
    %reduce_max3A_207 = vector.multi_reduction <maximumf>, %select_n3A_205, %reduce_max3A_206 [0] : vector<512x200xf32> to vector<200xf32>
    %broadcast_in_dim3A_208 = vector.shape_cast %reduce_max3A_207 : vector<200xf32> to vector<1x200xf32>
    %eq3A_209 = arith.constant 13 : i32
    %eq3A_210 = vector.broadcast %eq3A_209 : i32 to vector<512x1xi32>
    %eq3A_211 = arith.cmpi eq, %get3A_36, %eq3A_210 : vector<512x1xi32>
    %jit3A_212 = arith.constant 0xFF800000 : f32
    %broadcast_in_dim3A_213 = vector.shape_cast %eq3A_211 : vector<512x1xi1> to vector<512x1xi1>
    %broadcast_in_dim3A_214 = vector.broadcast %broadcast_in_dim3A_213 : vector<512x1xi1> to vector<512x200xi1>
    %broadcast_in_dim3A_215 = vector.broadcast %jit3A_212 : f32 to vector<512x200xf32>
    %select_n3A_216 = arith.select %broadcast_in_dim3A_214, %select_n3A_66, %broadcast_in_dim3A_215 : vector<512x200xi1>, vector<512x200xf32>
    %reduce_max3A_217 = arith.constant dense<0xFF800000> : vector<200xf32>
    %reduce_max3A_218 = vector.multi_reduction <maximumf>, %select_n3A_216, %reduce_max3A_217 [0] : vector<512x200xf32> to vector<200xf32>
    %broadcast_in_dim3A_219 = vector.shape_cast %reduce_max3A_218 : vector<200xf32> to vector<1x200xf32>
    %eq3A_220 = arith.constant 14 : i32
    %eq3A_221 = vector.broadcast %eq3A_220 : i32 to vector<512x1xi32>
    %eq3A_222 = arith.cmpi eq, %get3A_36, %eq3A_221 : vector<512x1xi32>
    %jit3A_223 = arith.constant 0xFF800000 : f32
    %broadcast_in_dim3A_224 = vector.shape_cast %eq3A_222 : vector<512x1xi1> to vector<512x1xi1>
    %broadcast_in_dim3A_225 = vector.broadcast %broadcast_in_dim3A_224 : vector<512x1xi1> to vector<512x200xi1>
    %broadcast_in_dim3A_226 = vector.broadcast %jit3A_223 : f32 to vector<512x200xf32>
    %select_n3A_227 = arith.select %broadcast_in_dim3A_225, %select_n3A_66, %broadcast_in_dim3A_226 : vector<512x200xi1>, vector<512x200xf32>
    %reduce_max3A_228 = arith.constant dense<0xFF800000> : vector<200xf32>
    %reduce_max3A_229 = vector.multi_reduction <maximumf>, %select_n3A_227, %reduce_max3A_228 [0] : vector<512x200xf32> to vector<200xf32>
    %broadcast_in_dim3A_230 = vector.shape_cast %reduce_max3A_229 : vector<200xf32> to vector<1x200xf32>
    %eq3A_231 = arith.constant 15 : i32
    %eq3A_232 = vector.broadcast %eq3A_231 : i32 to vector<512x1xi32>
    %eq3A_233 = arith.cmpi eq, %get3A_36, %eq3A_232 : vector<512x1xi32>
    %jit3A_234 = arith.constant 0xFF800000 : f32
    %broadcast_in_dim3A_235 = vector.shape_cast %eq3A_233 : vector<512x1xi1> to vector<512x1xi1>
    %broadcast_in_dim3A_236 = vector.broadcast %broadcast_in_dim3A_235 : vector<512x1xi1> to vector<512x200xi1>
    %broadcast_in_dim3A_237 = vector.broadcast %jit3A_234 : f32 to vector<512x200xf32>
    %select_n3A_238 = arith.select %broadcast_in_dim3A_236, %select_n3A_66, %broadcast_in_dim3A_237 : vector<512x200xi1>, vector<512x200xf32>
    %reduce_max3A_239 = arith.constant dense<0xFF800000> : vector<200xf32>
    %reduce_max3A_240 = vector.multi_reduction <maximumf>, %select_n3A_238, %reduce_max3A_239 [0] : vector<512x200xf32> to vector<200xf32>
    %broadcast_in_dim3A_241 = vector.shape_cast %reduce_max3A_240 : vector<200xf32> to vector<1x200xf32>
    %eq3A_242 = arith.constant 16 : i32
    %eq3A_243 = vector.broadcast %eq3A_242 : i32 to vector<512x1xi32>
    %eq3A_244 = arith.cmpi eq, %get3A_36, %eq3A_243 : vector<512x1xi32>
    %jit3A_245 = arith.constant 0xFF800000 : f32
    %broadcast_in_dim3A_246 = vector.shape_cast %eq3A_244 : vector<512x1xi1> to vector<512x1xi1>
    %broadcast_in_dim3A_247 = vector.broadcast %broadcast_in_dim3A_246 : vector<512x1xi1> to vector<512x200xi1>
    %broadcast_in_dim3A_248 = vector.broadcast %jit3A_245 : f32 to vector<512x200xf32>
    %select_n3A_249 = arith.select %broadcast_in_dim3A_247, %select_n3A_66, %broadcast_in_dim3A_248 : vector<512x200xi1>, vector<512x200xf32>
    %reduce_max3A_250 = arith.constant dense<0xFF800000> : vector<200xf32>
    %reduce_max3A_251 = vector.multi_reduction <maximumf>, %select_n3A_249, %reduce_max3A_250 [0] : vector<512x200xf32> to vector<200xf32>
    %broadcast_in_dim3A_252 = vector.shape_cast %reduce_max3A_251 : vector<200xf32> to vector<1x200xf32>
    %eq3A_253 = arith.constant 17 : i32
    %eq3A_254 = vector.broadcast %eq3A_253 : i32 to vector<512x1xi32>
    %eq3A_255 = arith.cmpi eq, %get3A_36, %eq3A_254 : vector<512x1xi32>
    %jit3A_256 = arith.constant 0xFF800000 : f32
    %broadcast_in_dim3A_257 = vector.shape_cast %eq3A_255 : vector<512x1xi1> to vector<512x1xi1>
    %broadcast_in_dim3A_258 = vector.broadcast %broadcast_in_dim3A_257 : vector<512x1xi1> to vector<512x200xi1>
    %broadcast_in_dim3A_259 = vector.broadcast %jit3A_256 : f32 to vector<512x200xf32>
    %select_n3A_260 = arith.select %broadcast_in_dim3A_258, %select_n3A_66, %broadcast_in_dim3A_259 : vector<512x200xi1>, vector<512x200xf32>
    %reduce_max3A_261 = arith.constant dense<0xFF800000> : vector<200xf32>
    %reduce_max3A_262 = vector.multi_reduction <maximumf>, %select_n3A_260, %reduce_max3A_261 [0] : vector<512x200xf32> to vector<200xf32>
    %broadcast_in_dim3A_263 = vector.shape_cast %reduce_max3A_262 : vector<200xf32> to vector<1x200xf32>
    %eq3A_264 = arith.constant 18 : i32
    %eq3A_265 = vector.broadcast %eq3A_264 : i32 to vector<512x1xi32>
    %eq3A_266 = arith.cmpi eq, %get3A_36, %eq3A_265 : vector<512x1xi32>
    %jit3A_267 = arith.constant 0xFF800000 : f32
    %broadcast_in_dim3A_268 = vector.shape_cast %eq3A_266 : vector<512x1xi1> to vector<512x1xi1>
    %broadcast_in_dim3A_269 = vector.broadcast %broadcast_in_dim3A_268 : vector<512x1xi1> to vector<512x200xi1>
    %broadcast_in_dim3A_270 = vector.broadcast %jit3A_267 : f32 to vector<512x200xf32>
    %select_n3A_271 = arith.select %broadcast_in_dim3A_269, %select_n3A_66, %broadcast_in_dim3A_270 : vector<512x200xi1>, vector<512x200xf32>
    %reduce_max3A_272 = arith.constant dense<0xFF800000> : vector<200xf32>
    %reduce_max3A_273 = vector.multi_reduction <maximumf>, %select_n3A_271, %reduce_max3A_272 [0] : vector<512x200xf32> to vector<200xf32>
    %broadcast_in_dim3A_274 = vector.shape_cast %reduce_max3A_273 : vector<200xf32> to vector<1x200xf32>
    %eq3A_275 = arith.constant 19 : i32
    %eq3A_276 = vector.broadcast %eq3A_275 : i32 to vector<512x1xi32>
    %eq3A_277 = arith.cmpi eq, %get3A_36, %eq3A_276 : vector<512x1xi32>
    %jit3A_278 = arith.constant 0xFF800000 : f32
    %broadcast_in_dim3A_279 = vector.shape_cast %eq3A_277 : vector<512x1xi1> to vector<512x1xi1>
    %broadcast_in_dim3A_280 = vector.broadcast %broadcast_in_dim3A_279 : vector<512x1xi1> to vector<512x200xi1>
    %broadcast_in_dim3A_281 = vector.broadcast %jit3A_278 : f32 to vector<512x200xf32>
    %select_n3A_282 = arith.select %broadcast_in_dim3A_280, %select_n3A_66, %broadcast_in_dim3A_281 : vector<512x200xi1>, vector<512x200xf32>
    %reduce_max3A_283 = arith.constant dense<0xFF800000> : vector<200xf32>
    %reduce_max3A_284 = vector.multi_reduction <maximumf>, %select_n3A_282, %reduce_max3A_283 [0] : vector<512x200xf32> to vector<200xf32>
    %broadcast_in_dim3A_285 = vector.shape_cast %reduce_max3A_284 : vector<200xf32> to vector<1x200xf32>
    %eq3A_286 = arith.constant 20 : i32
    %eq3A_287 = vector.broadcast %eq3A_286 : i32 to vector<512x1xi32>
    %eq3A_288 = arith.cmpi eq, %get3A_36, %eq3A_287 : vector<512x1xi32>
    %jit3A_289 = arith.constant 0xFF800000 : f32
    %broadcast_in_dim3A_290 = vector.shape_cast %eq3A_288 : vector<512x1xi1> to vector<512x1xi1>
    %broadcast_in_dim3A_291 = vector.broadcast %broadcast_in_dim3A_290 : vector<512x1xi1> to vector<512x200xi1>
    %broadcast_in_dim3A_292 = vector.broadcast %jit3A_289 : f32 to vector<512x200xf32>
    %select_n3A_293 = arith.select %broadcast_in_dim3A_291, %select_n3A_66, %broadcast_in_dim3A_292 : vector<512x200xi1>, vector<512x200xf32>
    %reduce_max3A_294 = arith.constant dense<0xFF800000> : vector<200xf32>
    %reduce_max3A_295 = vector.multi_reduction <maximumf>, %select_n3A_293, %reduce_max3A_294 [0] : vector<512x200xf32> to vector<200xf32>
    %broadcast_in_dim3A_296 = vector.shape_cast %reduce_max3A_295 : vector<200xf32> to vector<1x200xf32>
    %eq3A_297 = arith.constant 21 : i32
    %eq3A_298 = vector.broadcast %eq3A_297 : i32 to vector<512x1xi32>
    %eq3A_299 = arith.cmpi eq, %get3A_36, %eq3A_298 : vector<512x1xi32>
    %jit3A_300 = arith.constant 0xFF800000 : f32
    %broadcast_in_dim3A_301 = vector.shape_cast %eq3A_299 : vector<512x1xi1> to vector<512x1xi1>
    %broadcast_in_dim3A_302 = vector.broadcast %broadcast_in_dim3A_301 : vector<512x1xi1> to vector<512x200xi1>
    %broadcast_in_dim3A_303 = vector.broadcast %jit3A_300 : f32 to vector<512x200xf32>
    %select_n3A_304 = arith.select %broadcast_in_dim3A_302, %select_n3A_66, %broadcast_in_dim3A_303 : vector<512x200xi1>, vector<512x200xf32>
    %reduce_max3A_305 = arith.constant dense<0xFF800000> : vector<200xf32>
    %reduce_max3A_306 = vector.multi_reduction <maximumf>, %select_n3A_304, %reduce_max3A_305 [0] : vector<512x200xf32> to vector<200xf32>
    %broadcast_in_dim3A_307 = vector.shape_cast %reduce_max3A_306 : vector<200xf32> to vector<1x200xf32>
    %eq3A_308 = arith.constant 22 : i32
    %eq3A_309 = vector.broadcast %eq3A_308 : i32 to vector<512x1xi32>
    %eq3A_310 = arith.cmpi eq, %get3A_36, %eq3A_309 : vector<512x1xi32>
    %jit3A_311 = arith.constant 0xFF800000 : f32
    %broadcast_in_dim3A_312 = vector.shape_cast %eq3A_310 : vector<512x1xi1> to vector<512x1xi1>
    %broadcast_in_dim3A_313 = vector.broadcast %broadcast_in_dim3A_312 : vector<512x1xi1> to vector<512x200xi1>
    %broadcast_in_dim3A_314 = vector.broadcast %jit3A_311 : f32 to vector<512x200xf32>
    %select_n3A_315 = arith.select %broadcast_in_dim3A_313, %select_n3A_66, %broadcast_in_dim3A_314 : vector<512x200xi1>, vector<512x200xf32>
    %reduce_max3A_316 = arith.constant dense<0xFF800000> : vector<200xf32>
    %reduce_max3A_317 = vector.multi_reduction <maximumf>, %select_n3A_315, %reduce_max3A_316 [0] : vector<512x200xf32> to vector<200xf32>
    %broadcast_in_dim3A_318 = vector.shape_cast %reduce_max3A_317 : vector<200xf32> to vector<1x200xf32>
    %eq3A_319 = arith.constant 23 : i32
    %eq3A_320 = vector.broadcast %eq3A_319 : i32 to vector<512x1xi32>
    %eq3A_321 = arith.cmpi eq, %get3A_36, %eq3A_320 : vector<512x1xi32>
    %jit3A_322 = arith.constant 0xFF800000 : f32
    %broadcast_in_dim3A_323 = vector.shape_cast %eq3A_321 : vector<512x1xi1> to vector<512x1xi1>
    %broadcast_in_dim3A_324 = vector.broadcast %broadcast_in_dim3A_323 : vector<512x1xi1> to vector<512x200xi1>
    %broadcast_in_dim3A_325 = vector.broadcast %jit3A_322 : f32 to vector<512x200xf32>
    %select_n3A_326 = arith.select %broadcast_in_dim3A_324, %select_n3A_66, %broadcast_in_dim3A_325 : vector<512x200xi1>, vector<512x200xf32>
    %reduce_max3A_327 = arith.constant dense<0xFF800000> : vector<200xf32>
    %reduce_max3A_328 = vector.multi_reduction <maximumf>, %select_n3A_326, %reduce_max3A_327 [0] : vector<512x200xf32> to vector<200xf32>
    %broadcast_in_dim3A_329 = vector.shape_cast %reduce_max3A_328 : vector<200xf32> to vector<1x200xf32>
    %eq3A_330 = arith.constant 24 : i32
    %eq3A_331 = vector.broadcast %eq3A_330 : i32 to vector<512x1xi32>
    %eq3A_332 = arith.cmpi eq, %get3A_36, %eq3A_331 : vector<512x1xi32>
    %jit3A_333 = arith.constant 0xFF800000 : f32
    %broadcast_in_dim3A_334 = vector.shape_cast %eq3A_332 : vector<512x1xi1> to vector<512x1xi1>
    %broadcast_in_dim3A_335 = vector.broadcast %broadcast_in_dim3A_334 : vector<512x1xi1> to vector<512x200xi1>
    %broadcast_in_dim3A_336 = vector.broadcast %jit3A_333 : f32 to vector<512x200xf32>
    %select_n3A_337 = arith.select %broadcast_in_dim3A_335, %select_n3A_66, %broadcast_in_dim3A_336 : vector<512x200xi1>, vector<512x200xf32>
    %reduce_max3A_338 = arith.constant dense<0xFF800000> : vector<200xf32>
    %reduce_max3A_339 = vector.multi_reduction <maximumf>, %select_n3A_337, %reduce_max3A_338 [0] : vector<512x200xf32> to vector<200xf32>
    %broadcast_in_dim3A_340 = vector.shape_cast %reduce_max3A_339 : vector<200xf32> to vector<1x200xf32>
    %eq3A_341 = arith.constant 25 : i32
    %eq3A_342 = vector.broadcast %eq3A_341 : i32 to vector<512x1xi32>
    %eq3A_343 = arith.cmpi eq, %get3A_36, %eq3A_342 : vector<512x1xi32>
    %jit3A_344 = arith.constant 0xFF800000 : f32
    %broadcast_in_dim3A_345 = vector.shape_cast %eq3A_343 : vector<512x1xi1> to vector<512x1xi1>
    %broadcast_in_dim3A_346 = vector.broadcast %broadcast_in_dim3A_345 : vector<512x1xi1> to vector<512x200xi1>
    %broadcast_in_dim3A_347 = vector.broadcast %jit3A_344 : f32 to vector<512x200xf32>
    %select_n3A_348 = arith.select %broadcast_in_dim3A_346, %select_n3A_66, %broadcast_in_dim3A_347 : vector<512x200xi1>, vector<512x200xf32>
    %reduce_max3A_349 = arith.constant dense<0xFF800000> : vector<200xf32>
    %reduce_max3A_350 = vector.multi_reduction <maximumf>, %select_n3A_348, %reduce_max3A_349 [0] : vector<512x200xf32> to vector<200xf32>
    %broadcast_in_dim3A_351 = vector.shape_cast %reduce_max3A_350 : vector<200xf32> to vector<1x200xf32>
    %eq3A_352 = arith.constant 26 : i32
    %eq3A_353 = vector.broadcast %eq3A_352 : i32 to vector<512x1xi32>
    %eq3A_354 = arith.cmpi eq, %get3A_36, %eq3A_353 : vector<512x1xi32>
    %jit3A_355 = arith.constant 0xFF800000 : f32
    %broadcast_in_dim3A_356 = vector.shape_cast %eq3A_354 : vector<512x1xi1> to vector<512x1xi1>
    %broadcast_in_dim3A_357 = vector.broadcast %broadcast_in_dim3A_356 : vector<512x1xi1> to vector<512x200xi1>
    %broadcast_in_dim3A_358 = vector.broadcast %jit3A_355 : f32 to vector<512x200xf32>
    %select_n3A_359 = arith.select %broadcast_in_dim3A_357, %select_n3A_66, %broadcast_in_dim3A_358 : vector<512x200xi1>, vector<512x200xf32>
    %reduce_max3A_360 = arith.constant dense<0xFF800000> : vector<200xf32>
    %reduce_max3A_361 = vector.multi_reduction <maximumf>, %select_n3A_359, %reduce_max3A_360 [0] : vector<512x200xf32> to vector<200xf32>
    %broadcast_in_dim3A_362 = vector.shape_cast %reduce_max3A_361 : vector<200xf32> to vector<1x200xf32>
    %eq3A_363 = arith.constant 27 : i32
    %eq3A_364 = vector.broadcast %eq3A_363 : i32 to vector<512x1xi32>
    %eq3A_365 = arith.cmpi eq, %get3A_36, %eq3A_364 : vector<512x1xi32>
    %jit3A_366 = arith.constant 0xFF800000 : f32
    %broadcast_in_dim3A_367 = vector.shape_cast %eq3A_365 : vector<512x1xi1> to vector<512x1xi1>
    %broadcast_in_dim3A_368 = vector.broadcast %broadcast_in_dim3A_367 : vector<512x1xi1> to vector<512x200xi1>
    %broadcast_in_dim3A_369 = vector.broadcast %jit3A_366 : f32 to vector<512x200xf32>
    %select_n3A_370 = arith.select %broadcast_in_dim3A_368, %select_n3A_66, %broadcast_in_dim3A_369 : vector<512x200xi1>, vector<512x200xf32>
    %reduce_max3A_371 = arith.constant dense<0xFF800000> : vector<200xf32>
    %reduce_max3A_372 = vector.multi_reduction <maximumf>, %select_n3A_370, %reduce_max3A_371 [0] : vector<512x200xf32> to vector<200xf32>
    %broadcast_in_dim3A_373 = vector.shape_cast %reduce_max3A_372 : vector<200xf32> to vector<1x200xf32>
    %eq3A_374 = arith.constant 28 : i32
    %eq3A_375 = vector.broadcast %eq3A_374 : i32 to vector<512x1xi32>
    %eq3A_376 = arith.cmpi eq, %get3A_36, %eq3A_375 : vector<512x1xi32>
    %jit3A_377 = arith.constant 0xFF800000 : f32
    %broadcast_in_dim3A_378 = vector.shape_cast %eq3A_376 : vector<512x1xi1> to vector<512x1xi1>
    %broadcast_in_dim3A_379 = vector.broadcast %broadcast_in_dim3A_378 : vector<512x1xi1> to vector<512x200xi1>
    %broadcast_in_dim3A_380 = vector.broadcast %jit3A_377 : f32 to vector<512x200xf32>
    %select_n3A_381 = arith.select %broadcast_in_dim3A_379, %select_n3A_66, %broadcast_in_dim3A_380 : vector<512x200xi1>, vector<512x200xf32>
    %reduce_max3A_382 = arith.constant dense<0xFF800000> : vector<200xf32>
    %reduce_max3A_383 = vector.multi_reduction <maximumf>, %select_n3A_381, %reduce_max3A_382 [0] : vector<512x200xf32> to vector<200xf32>
    %broadcast_in_dim3A_384 = vector.shape_cast %reduce_max3A_383 : vector<200xf32> to vector<1x200xf32>
    %eq3A_385 = arith.constant 29 : i32
    %eq3A_386 = vector.broadcast %eq3A_385 : i32 to vector<512x1xi32>
    %eq3A_387 = arith.cmpi eq, %get3A_36, %eq3A_386 : vector<512x1xi32>
    %jit3A_388 = arith.constant 0xFF800000 : f32
    %broadcast_in_dim3A_389 = vector.shape_cast %eq3A_387 : vector<512x1xi1> to vector<512x1xi1>
    %broadcast_in_dim3A_390 = vector.broadcast %broadcast_in_dim3A_389 : vector<512x1xi1> to vector<512x200xi1>
    %broadcast_in_dim3A_391 = vector.broadcast %jit3A_388 : f32 to vector<512x200xf32>
    %select_n3A_392 = arith.select %broadcast_in_dim3A_390, %select_n3A_66, %broadcast_in_dim3A_391 : vector<512x200xi1>, vector<512x200xf32>
    %reduce_max3A_393 = arith.constant dense<0xFF800000> : vector<200xf32>
    %reduce_max3A_394 = vector.multi_reduction <maximumf>, %select_n3A_392, %reduce_max3A_393 [0] : vector<512x200xf32> to vector<200xf32>
    %broadcast_in_dim3A_395 = vector.shape_cast %reduce_max3A_394 : vector<200xf32> to vector<1x200xf32>
    %eq3A_396 = arith.constant 30 : i32
    %eq3A_397 = vector.broadcast %eq3A_396 : i32 to vector<512x1xi32>
    %eq3A_398 = arith.cmpi eq, %get3A_36, %eq3A_397 : vector<512x1xi32>
    %jit3A_399 = arith.constant 0xFF800000 : f32
    %broadcast_in_dim3A_400 = vector.shape_cast %eq3A_398 : vector<512x1xi1> to vector<512x1xi1>
    %broadcast_in_dim3A_401 = vector.broadcast %broadcast_in_dim3A_400 : vector<512x1xi1> to vector<512x200xi1>
    %broadcast_in_dim3A_402 = vector.broadcast %jit3A_399 : f32 to vector<512x200xf32>
    %select_n3A_403 = arith.select %broadcast_in_dim3A_401, %select_n3A_66, %broadcast_in_dim3A_402 : vector<512x200xi1>, vector<512x200xf32>
    %reduce_max3A_404 = arith.constant dense<0xFF800000> : vector<200xf32>
    %reduce_max3A_405 = vector.multi_reduction <maximumf>, %select_n3A_403, %reduce_max3A_404 [0] : vector<512x200xf32> to vector<200xf32>
    %broadcast_in_dim3A_406 = vector.shape_cast %reduce_max3A_405 : vector<200xf32> to vector<1x200xf32>
    %eq3A_407 = arith.constant 31 : i32
    %eq3A_408 = vector.broadcast %eq3A_407 : i32 to vector<512x1xi32>
    %eq3A_409 = arith.cmpi eq, %get3A_36, %eq3A_408 : vector<512x1xi32>
    %jit3A_410 = arith.constant 0xFF800000 : f32
    %broadcast_in_dim3A_411 = vector.shape_cast %eq3A_409 : vector<512x1xi1> to vector<512x1xi1>
    %broadcast_in_dim3A_412 = vector.broadcast %broadcast_in_dim3A_411 : vector<512x1xi1> to vector<512x200xi1>
    %broadcast_in_dim3A_413 = vector.broadcast %jit3A_410 : f32 to vector<512x200xf32>
    %select_n3A_414 = arith.select %broadcast_in_dim3A_412, %select_n3A_66, %broadcast_in_dim3A_413 : vector<512x200xi1>, vector<512x200xf32>
    %reduce_max3A_415 = arith.constant dense<0xFF800000> : vector<200xf32>
    %reduce_max3A_416 = vector.multi_reduction <maximumf>, %select_n3A_414, %reduce_max3A_415 [0] : vector<512x200xf32> to vector<200xf32>
    %broadcast_in_dim3A_417 = vector.shape_cast %reduce_max3A_416 : vector<200xf32> to vector<1x200xf32>
    %eq3A_418 = arith.constant 32 : i32
    %eq3A_419 = vector.broadcast %eq3A_418 : i32 to vector<512x1xi32>
    %eq3A_420 = arith.cmpi eq, %get3A_36, %eq3A_419 : vector<512x1xi32>
    %jit3A_421 = arith.constant 0xFF800000 : f32
    %broadcast_in_dim3A_422 = vector.shape_cast %eq3A_420 : vector<512x1xi1> to vector<512x1xi1>
    %broadcast_in_dim3A_423 = vector.broadcast %broadcast_in_dim3A_422 : vector<512x1xi1> to vector<512x200xi1>
    %broadcast_in_dim3A_424 = vector.broadcast %jit3A_421 : f32 to vector<512x200xf32>
    %select_n3A_425 = arith.select %broadcast_in_dim3A_423, %select_n3A_66, %broadcast_in_dim3A_424 : vector<512x200xi1>, vector<512x200xf32>
    %reduce_max3A_426 = arith.constant dense<0xFF800000> : vector<200xf32>
    %reduce_max3A_427 = vector.multi_reduction <maximumf>, %select_n3A_425, %reduce_max3A_426 [0] : vector<512x200xf32> to vector<200xf32>
    %broadcast_in_dim3A_428 = vector.shape_cast %reduce_max3A_427 : vector<200xf32> to vector<1x200xf32>
    %eq3A_429 = arith.constant 33 : i32
    %eq3A_430 = vector.broadcast %eq3A_429 : i32 to vector<512x1xi32>
    %eq3A_431 = arith.cmpi eq, %get3A_36, %eq3A_430 : vector<512x1xi32>
    %jit3A_432 = arith.constant 0xFF800000 : f32
    %broadcast_in_dim3A_433 = vector.shape_cast %eq3A_431 : vector<512x1xi1> to vector<512x1xi1>
    %broadcast_in_dim3A_434 = vector.broadcast %broadcast_in_dim3A_433 : vector<512x1xi1> to vector<512x200xi1>
    %broadcast_in_dim3A_435 = vector.broadcast %jit3A_432 : f32 to vector<512x200xf32>
    %select_n3A_436 = arith.select %broadcast_in_dim3A_434, %select_n3A_66, %broadcast_in_dim3A_435 : vector<512x200xi1>, vector<512x200xf32>
    %reduce_max3A_437 = arith.constant dense<0xFF800000> : vector<200xf32>
    %reduce_max3A_438 = vector.multi_reduction <maximumf>, %select_n3A_436, %reduce_max3A_437 [0] : vector<512x200xf32> to vector<200xf32>
    %broadcast_in_dim3A_439 = vector.shape_cast %reduce_max3A_438 : vector<200xf32> to vector<1x200xf32>
    %eq3A_440 = arith.constant 34 : i32
    %eq3A_441 = vector.broadcast %eq3A_440 : i32 to vector<512x1xi32>
    %eq3A_442 = arith.cmpi eq, %get3A_36, %eq3A_441 : vector<512x1xi32>
    %jit3A_443 = arith.constant 0xFF800000 : f32
    %broadcast_in_dim3A_444 = vector.shape_cast %eq3A_442 : vector<512x1xi1> to vector<512x1xi1>
    %broadcast_in_dim3A_445 = vector.broadcast %broadcast_in_dim3A_444 : vector<512x1xi1> to vector<512x200xi1>
    %broadcast_in_dim3A_446 = vector.broadcast %jit3A_443 : f32 to vector<512x200xf32>
    %select_n3A_447 = arith.select %broadcast_in_dim3A_445, %select_n3A_66, %broadcast_in_dim3A_446 : vector<512x200xi1>, vector<512x200xf32>
    %reduce_max3A_448 = arith.constant dense<0xFF800000> : vector<200xf32>
    %reduce_max3A_449 = vector.multi_reduction <maximumf>, %select_n3A_447, %reduce_max3A_448 [0] : vector<512x200xf32> to vector<200xf32>
    %broadcast_in_dim3A_450 = vector.shape_cast %reduce_max3A_449 : vector<200xf32> to vector<1x200xf32>
    %eq3A_451 = arith.constant 35 : i32
    %eq3A_452 = vector.broadcast %eq3A_451 : i32 to vector<512x1xi32>
    %eq3A_453 = arith.cmpi eq, %get3A_36, %eq3A_452 : vector<512x1xi32>
    %jit3A_454 = arith.constant 0xFF800000 : f32
    %broadcast_in_dim3A_455 = vector.shape_cast %eq3A_453 : vector<512x1xi1> to vector<512x1xi1>
    %broadcast_in_dim3A_456 = vector.broadcast %broadcast_in_dim3A_455 : vector<512x1xi1> to vector<512x200xi1>
    %broadcast_in_dim3A_457 = vector.broadcast %jit3A_454 : f32 to vector<512x200xf32>
    %select_n3A_458 = arith.select %broadcast_in_dim3A_456, %select_n3A_66, %broadcast_in_dim3A_457 : vector<512x200xi1>, vector<512x200xf32>
    %reduce_max3A_459 = arith.constant dense<0xFF800000> : vector<200xf32>
    %reduce_max3A_460 = vector.multi_reduction <maximumf>, %select_n3A_458, %reduce_max3A_459 [0] : vector<512x200xf32> to vector<200xf32>
    %broadcast_in_dim3A_461 = vector.shape_cast %reduce_max3A_460 : vector<200xf32> to vector<1x200xf32>
    %eq3A_462 = arith.constant 36 : i32
    %eq3A_463 = vector.broadcast %eq3A_462 : i32 to vector<512x1xi32>
    %eq3A_464 = arith.cmpi eq, %get3A_36, %eq3A_463 : vector<512x1xi32>
    %jit3A_465 = arith.constant 0xFF800000 : f32
    %broadcast_in_dim3A_466 = vector.shape_cast %eq3A_464 : vector<512x1xi1> to vector<512x1xi1>
    %broadcast_in_dim3A_467 = vector.broadcast %broadcast_in_dim3A_466 : vector<512x1xi1> to vector<512x200xi1>
    %broadcast_in_dim3A_468 = vector.broadcast %jit3A_465 : f32 to vector<512x200xf32>
    %select_n3A_469 = arith.select %broadcast_in_dim3A_467, %select_n3A_66, %broadcast_in_dim3A_468 : vector<512x200xi1>, vector<512x200xf32>
    %reduce_max3A_470 = arith.constant dense<0xFF800000> : vector<200xf32>
    %reduce_max3A_471 = vector.multi_reduction <maximumf>, %select_n3A_469, %reduce_max3A_470 [0] : vector<512x200xf32> to vector<200xf32>
    %broadcast_in_dim3A_472 = vector.shape_cast %reduce_max3A_471 : vector<200xf32> to vector<1x200xf32>
    %eq3A_473 = arith.constant 37 : i32
    %eq3A_474 = vector.broadcast %eq3A_473 : i32 to vector<512x1xi32>
    %eq3A_475 = arith.cmpi eq, %get3A_36, %eq3A_474 : vector<512x1xi32>
    %jit3A_476 = arith.constant 0xFF800000 : f32
    %broadcast_in_dim3A_477 = vector.shape_cast %eq3A_475 : vector<512x1xi1> to vector<512x1xi1>
    %broadcast_in_dim3A_478 = vector.broadcast %broadcast_in_dim3A_477 : vector<512x1xi1> to vector<512x200xi1>
    %broadcast_in_dim3A_479 = vector.broadcast %jit3A_476 : f32 to vector<512x200xf32>
    %select_n3A_480 = arith.select %broadcast_in_dim3A_478, %select_n3A_66, %broadcast_in_dim3A_479 : vector<512x200xi1>, vector<512x200xf32>
    %reduce_max3A_481 = arith.constant dense<0xFF800000> : vector<200xf32>
    %reduce_max3A_482 = vector.multi_reduction <maximumf>, %select_n3A_480, %reduce_max3A_481 [0] : vector<512x200xf32> to vector<200xf32>
    %broadcast_in_dim3A_483 = vector.shape_cast %reduce_max3A_482 : vector<200xf32> to vector<1x200xf32>
    %eq3A_484 = arith.constant 38 : i32
    %eq3A_485 = vector.broadcast %eq3A_484 : i32 to vector<512x1xi32>
    %eq3A_486 = arith.cmpi eq, %get3A_36, %eq3A_485 : vector<512x1xi32>
    %jit3A_487 = arith.constant 0xFF800000 : f32
    %broadcast_in_dim3A_488 = vector.shape_cast %eq3A_486 : vector<512x1xi1> to vector<512x1xi1>
    %broadcast_in_dim3A_489 = vector.broadcast %broadcast_in_dim3A_488 : vector<512x1xi1> to vector<512x200xi1>
    %broadcast_in_dim3A_490 = vector.broadcast %jit3A_487 : f32 to vector<512x200xf32>
    %select_n3A_491 = arith.select %broadcast_in_dim3A_489, %select_n3A_66, %broadcast_in_dim3A_490 : vector<512x200xi1>, vector<512x200xf32>
    %reduce_max3A_492 = arith.constant dense<0xFF800000> : vector<200xf32>
    %reduce_max3A_493 = vector.multi_reduction <maximumf>, %select_n3A_491, %reduce_max3A_492 [0] : vector<512x200xf32> to vector<200xf32>
    %broadcast_in_dim3A_494 = vector.shape_cast %reduce_max3A_493 : vector<200xf32> to vector<1x200xf32>
    %eq3A_495 = arith.constant 39 : i32
    %eq3A_496 = vector.broadcast %eq3A_495 : i32 to vector<512x1xi32>
    %eq3A_497 = arith.cmpi eq, %get3A_36, %eq3A_496 : vector<512x1xi32>
    %jit3A_498 = arith.constant 0xFF800000 : f32
    %broadcast_in_dim3A_499 = vector.shape_cast %eq3A_497 : vector<512x1xi1> to vector<512x1xi1>
    %broadcast_in_dim3A_500 = vector.broadcast %broadcast_in_dim3A_499 : vector<512x1xi1> to vector<512x200xi1>
    %broadcast_in_dim3A_501 = vector.broadcast %jit3A_498 : f32 to vector<512x200xf32>
    %select_n3A_502 = arith.select %broadcast_in_dim3A_500, %select_n3A_66, %broadcast_in_dim3A_501 : vector<512x200xi1>, vector<512x200xf32>
    %reduce_max3A_503 = arith.constant dense<0xFF800000> : vector<200xf32>
    %reduce_max3A_504 = vector.multi_reduction <maximumf>, %select_n3A_502, %reduce_max3A_503 [0] : vector<512x200xf32> to vector<200xf32>
    %broadcast_in_dim3A_505 = vector.shape_cast %reduce_max3A_504 : vector<200xf32> to vector<1x200xf32>
    %eq3A_506 = arith.constant 40 : i32
    %eq3A_507 = vector.broadcast %eq3A_506 : i32 to vector<512x1xi32>
    %eq3A_508 = arith.cmpi eq, %get3A_36, %eq3A_507 : vector<512x1xi32>
    %jit3A_509 = arith.constant 0xFF800000 : f32
    %broadcast_in_dim3A_510 = vector.shape_cast %eq3A_508 : vector<512x1xi1> to vector<512x1xi1>
    %broadcast_in_dim3A_511 = vector.broadcast %broadcast_in_dim3A_510 : vector<512x1xi1> to vector<512x200xi1>
    %broadcast_in_dim3A_512 = vector.broadcast %jit3A_509 : f32 to vector<512x200xf32>
    %select_n3A_513 = arith.select %broadcast_in_dim3A_511, %select_n3A_66, %broadcast_in_dim3A_512 : vector<512x200xi1>, vector<512x200xf32>
    %reduce_max3A_514 = arith.constant dense<0xFF800000> : vector<200xf32>
    %reduce_max3A_515 = vector.multi_reduction <maximumf>, %select_n3A_513, %reduce_max3A_514 [0] : vector<512x200xf32> to vector<200xf32>
    %broadcast_in_dim3A_516 = vector.shape_cast %reduce_max3A_515 : vector<200xf32> to vector<1x200xf32>
    %eq3A_517 = arith.constant 41 : i32
    %eq3A_518 = vector.broadcast %eq3A_517 : i32 to vector<512x1xi32>
    %eq3A_519 = arith.cmpi eq, %get3A_36, %eq3A_518 : vector<512x1xi32>
    %jit3A_520 = arith.constant 0xFF800000 : f32
    %broadcast_in_dim3A_521 = vector.shape_cast %eq3A_519 : vector<512x1xi1> to vector<512x1xi1>
    %broadcast_in_dim3A_522 = vector.broadcast %broadcast_in_dim3A_521 : vector<512x1xi1> to vector<512x200xi1>
    %broadcast_in_dim3A_523 = vector.broadcast %jit3A_520 : f32 to vector<512x200xf32>
    %select_n3A_524 = arith.select %broadcast_in_dim3A_522, %select_n3A_66, %broadcast_in_dim3A_523 : vector<512x200xi1>, vector<512x200xf32>
    %reduce_max3A_525 = arith.constant dense<0xFF800000> : vector<200xf32>
    %reduce_max3A_526 = vector.multi_reduction <maximumf>, %select_n3A_524, %reduce_max3A_525 [0] : vector<512x200xf32> to vector<200xf32>
    %broadcast_in_dim3A_527 = vector.shape_cast %reduce_max3A_526 : vector<200xf32> to vector<1x200xf32>
    %eq3A_528 = arith.constant 42 : i32
    %eq3A_529 = vector.broadcast %eq3A_528 : i32 to vector<512x1xi32>
    %eq3A_530 = arith.cmpi eq, %get3A_36, %eq3A_529 : vector<512x1xi32>
    %jit3A_531 = arith.constant 0xFF800000 : f32
    %broadcast_in_dim3A_532 = vector.shape_cast %eq3A_530 : vector<512x1xi1> to vector<512x1xi1>
    %broadcast_in_dim3A_533 = vector.broadcast %broadcast_in_dim3A_532 : vector<512x1xi1> to vector<512x200xi1>
    %broadcast_in_dim3A_534 = vector.broadcast %jit3A_531 : f32 to vector<512x200xf32>
    %select_n3A_535 = arith.select %broadcast_in_dim3A_533, %select_n3A_66, %broadcast_in_dim3A_534 : vector<512x200xi1>, vector<512x200xf32>
    %reduce_max3A_536 = arith.constant dense<0xFF800000> : vector<200xf32>
    %reduce_max3A_537 = vector.multi_reduction <maximumf>, %select_n3A_535, %reduce_max3A_536 [0] : vector<512x200xf32> to vector<200xf32>
    %broadcast_in_dim3A_538 = vector.shape_cast %reduce_max3A_537 : vector<200xf32> to vector<1x200xf32>
    %eq3A_539 = arith.constant 43 : i32
    %eq3A_540 = vector.broadcast %eq3A_539 : i32 to vector<512x1xi32>
    %eq3A_541 = arith.cmpi eq, %get3A_36, %eq3A_540 : vector<512x1xi32>
    %jit3A_542 = arith.constant 0xFF800000 : f32
    %broadcast_in_dim3A_543 = vector.shape_cast %eq3A_541 : vector<512x1xi1> to vector<512x1xi1>
    %broadcast_in_dim3A_544 = vector.broadcast %broadcast_in_dim3A_543 : vector<512x1xi1> to vector<512x200xi1>
    %broadcast_in_dim3A_545 = vector.broadcast %jit3A_542 : f32 to vector<512x200xf32>
    %select_n3A_546 = arith.select %broadcast_in_dim3A_544, %select_n3A_66, %broadcast_in_dim3A_545 : vector<512x200xi1>, vector<512x200xf32>
    %reduce_max3A_547 = arith.constant dense<0xFF800000> : vector<200xf32>
    %reduce_max3A_548 = vector.multi_reduction <maximumf>, %select_n3A_546, %reduce_max3A_547 [0] : vector<512x200xf32> to vector<200xf32>
    %broadcast_in_dim3A_549 = vector.shape_cast %reduce_max3A_548 : vector<200xf32> to vector<1x200xf32>
    %eq3A_550 = arith.constant 44 : i32
    %eq3A_551 = vector.broadcast %eq3A_550 : i32 to vector<512x1xi32>
    %eq3A_552 = arith.cmpi eq, %get3A_36, %eq3A_551 : vector<512x1xi32>
    %jit3A_553 = arith.constant 0xFF800000 : f32
    %broadcast_in_dim3A_554 = vector.shape_cast %eq3A_552 : vector<512x1xi1> to vector<512x1xi1>
    %broadcast_in_dim3A_555 = vector.broadcast %broadcast_in_dim3A_554 : vector<512x1xi1> to vector<512x200xi1>
    %broadcast_in_dim3A_556 = vector.broadcast %jit3A_553 : f32 to vector<512x200xf32>
    %select_n3A_557 = arith.select %broadcast_in_dim3A_555, %select_n3A_66, %broadcast_in_dim3A_556 : vector<512x200xi1>, vector<512x200xf32>
    %reduce_max3A_558 = arith.constant dense<0xFF800000> : vector<200xf32>
    %reduce_max3A_559 = vector.multi_reduction <maximumf>, %select_n3A_557, %reduce_max3A_558 [0] : vector<512x200xf32> to vector<200xf32>
    %broadcast_in_dim3A_560 = vector.shape_cast %reduce_max3A_559 : vector<200xf32> to vector<1x200xf32>
    %eq3A_561 = arith.constant 45 : i32
    %eq3A_562 = vector.broadcast %eq3A_561 : i32 to vector<512x1xi32>
    %eq3A_563 = arith.cmpi eq, %get3A_36, %eq3A_562 : vector<512x1xi32>
    %jit3A_564 = arith.constant 0xFF800000 : f32
    %broadcast_in_dim3A_565 = vector.shape_cast %eq3A_563 : vector<512x1xi1> to vector<512x1xi1>
    %broadcast_in_dim3A_566 = vector.broadcast %broadcast_in_dim3A_565 : vector<512x1xi1> to vector<512x200xi1>
    %broadcast_in_dim3A_567 = vector.broadcast %jit3A_564 : f32 to vector<512x200xf32>
    %select_n3A_568 = arith.select %broadcast_in_dim3A_566, %select_n3A_66, %broadcast_in_dim3A_567 : vector<512x200xi1>, vector<512x200xf32>
    %reduce_max3A_569 = arith.constant dense<0xFF800000> : vector<200xf32>
    %reduce_max3A_570 = vector.multi_reduction <maximumf>, %select_n3A_568, %reduce_max3A_569 [0] : vector<512x200xf32> to vector<200xf32>
    %broadcast_in_dim3A_571 = vector.shape_cast %reduce_max3A_570 : vector<200xf32> to vector<1x200xf32>
    %eq3A_572 = arith.constant 46 : i32
    %eq3A_573 = vector.broadcast %eq3A_572 : i32 to vector<512x1xi32>
    %eq3A_574 = arith.cmpi eq, %get3A_36, %eq3A_573 : vector<512x1xi32>
    %jit3A_575 = arith.constant 0xFF800000 : f32
    %broadcast_in_dim3A_576 = vector.shape_cast %eq3A_574 : vector<512x1xi1> to vector<512x1xi1>
    %broadcast_in_dim3A_577 = vector.broadcast %broadcast_in_dim3A_576 : vector<512x1xi1> to vector<512x200xi1>
    %broadcast_in_dim3A_578 = vector.broadcast %jit3A_575 : f32 to vector<512x200xf32>
    %select_n3A_579 = arith.select %broadcast_in_dim3A_577, %select_n3A_66, %broadcast_in_dim3A_578 : vector<512x200xi1>, vector<512x200xf32>
    %reduce_max3A_580 = arith.constant dense<0xFF800000> : vector<200xf32>
    %reduce_max3A_581 = vector.multi_reduction <maximumf>, %select_n3A_579, %reduce_max3A_580 [0] : vector<512x200xf32> to vector<200xf32>
    %broadcast_in_dim3A_582 = vector.shape_cast %reduce_max3A_581 : vector<200xf32> to vector<1x200xf32>
    %eq3A_583 = arith.constant 47 : i32
    %eq3A_584 = vector.broadcast %eq3A_583 : i32 to vector<512x1xi32>
    %eq3A_585 = arith.cmpi eq, %get3A_36, %eq3A_584 : vector<512x1xi32>
    %jit3A_586 = arith.constant 0xFF800000 : f32
    %broadcast_in_dim3A_587 = vector.shape_cast %eq3A_585 : vector<512x1xi1> to vector<512x1xi1>
    %broadcast_in_dim3A_588 = vector.broadcast %broadcast_in_dim3A_587 : vector<512x1xi1> to vector<512x200xi1>
    %broadcast_in_dim3A_589 = vector.broadcast %jit3A_586 : f32 to vector<512x200xf32>
    %select_n3A_590 = arith.select %broadcast_in_dim3A_588, %select_n3A_66, %broadcast_in_dim3A_589 : vector<512x200xi1>, vector<512x200xf32>
    %reduce_max3A_591 = arith.constant dense<0xFF800000> : vector<200xf32>
    %reduce_max3A_592 = vector.multi_reduction <maximumf>, %select_n3A_590, %reduce_max3A_591 [0] : vector<512x200xf32> to vector<200xf32>
    %broadcast_in_dim3A_593 = vector.shape_cast %reduce_max3A_592 : vector<200xf32> to vector<1x200xf32>
    %eq3A_594 = arith.constant 48 : i32
    %eq3A_595 = vector.broadcast %eq3A_594 : i32 to vector<512x1xi32>
    %eq3A_596 = arith.cmpi eq, %get3A_36, %eq3A_595 : vector<512x1xi32>
    %jit3A_597 = arith.constant 0xFF800000 : f32
    %broadcast_in_dim3A_598 = vector.shape_cast %eq3A_596 : vector<512x1xi1> to vector<512x1xi1>
    %broadcast_in_dim3A_599 = vector.broadcast %broadcast_in_dim3A_598 : vector<512x1xi1> to vector<512x200xi1>
    %broadcast_in_dim3A_600 = vector.broadcast %jit3A_597 : f32 to vector<512x200xf32>
    %select_n3A_601 = arith.select %broadcast_in_dim3A_599, %select_n3A_66, %broadcast_in_dim3A_600 : vector<512x200xi1>, vector<512x200xf32>
    %reduce_max3A_602 = arith.constant dense<0xFF800000> : vector<200xf32>
    %reduce_max3A_603 = vector.multi_reduction <maximumf>, %select_n3A_601, %reduce_max3A_602 [0] : vector<512x200xf32> to vector<200xf32>
    %broadcast_in_dim3A_604 = vector.shape_cast %reduce_max3A_603 : vector<200xf32> to vector<1x200xf32>
    %eq3A_605 = arith.constant 49 : i32
    %eq3A_606 = vector.broadcast %eq3A_605 : i32 to vector<512x1xi32>
    %eq3A_607 = arith.cmpi eq, %get3A_36, %eq3A_606 : vector<512x1xi32>
    %jit3A_608 = arith.constant 0xFF800000 : f32
    %broadcast_in_dim3A_609 = vector.shape_cast %eq3A_607 : vector<512x1xi1> to vector<512x1xi1>
    %broadcast_in_dim3A_610 = vector.broadcast %broadcast_in_dim3A_609 : vector<512x1xi1> to vector<512x200xi1>
    %broadcast_in_dim3A_611 = vector.broadcast %jit3A_608 : f32 to vector<512x200xf32>
    %select_n3A_612 = arith.select %broadcast_in_dim3A_610, %select_n3A_66, %broadcast_in_dim3A_611 : vector<512x200xi1>, vector<512x200xf32>
    %reduce_max3A_613 = arith.constant dense<0xFF800000> : vector<200xf32>
    %reduce_max3A_614 = vector.multi_reduction <maximumf>, %select_n3A_612, %reduce_max3A_613 [0] : vector<512x200xf32> to vector<200xf32>
    %broadcast_in_dim3A_615 = vector.shape_cast %reduce_max3A_614 : vector<200xf32> to vector<1x200xf32>
    %eq3A_616 = arith.constant 50 : i32
    %eq3A_617 = vector.broadcast %eq3A_616 : i32 to vector<512x1xi32>
    %eq3A_618 = arith.cmpi eq, %get3A_36, %eq3A_617 : vector<512x1xi32>
    %jit3A_619 = arith.constant 0xFF800000 : f32
    %broadcast_in_dim3A_620 = vector.shape_cast %eq3A_618 : vector<512x1xi1> to vector<512x1xi1>
    %broadcast_in_dim3A_621 = vector.broadcast %broadcast_in_dim3A_620 : vector<512x1xi1> to vector<512x200xi1>
    %broadcast_in_dim3A_622 = vector.broadcast %jit3A_619 : f32 to vector<512x200xf32>
    %select_n3A_623 = arith.select %broadcast_in_dim3A_621, %select_n3A_66, %broadcast_in_dim3A_622 : vector<512x200xi1>, vector<512x200xf32>
    %reduce_max3A_624 = arith.constant dense<0xFF800000> : vector<200xf32>
    %reduce_max3A_625 = vector.multi_reduction <maximumf>, %select_n3A_623, %reduce_max3A_624 [0] : vector<512x200xf32> to vector<200xf32>
    %broadcast_in_dim3A_626 = vector.shape_cast %reduce_max3A_625 : vector<200xf32> to vector<1x200xf32>
    %eq3A_627 = arith.constant 51 : i32
    %eq3A_628 = vector.broadcast %eq3A_627 : i32 to vector<512x1xi32>
    %eq3A_629 = arith.cmpi eq, %get3A_36, %eq3A_628 : vector<512x1xi32>
    %jit3A_630 = arith.constant 0xFF800000 : f32
    %broadcast_in_dim3A_631 = vector.shape_cast %eq3A_629 : vector<512x1xi1> to vector<512x1xi1>
    %broadcast_in_dim3A_632 = vector.broadcast %broadcast_in_dim3A_631 : vector<512x1xi1> to vector<512x200xi1>
    %broadcast_in_dim3A_633 = vector.broadcast %jit3A_630 : f32 to vector<512x200xf32>
    %select_n3A_634 = arith.select %broadcast_in_dim3A_632, %select_n3A_66, %broadcast_in_dim3A_633 : vector<512x200xi1>, vector<512x200xf32>
    %reduce_max3A_635 = arith.constant dense<0xFF800000> : vector<200xf32>
    %reduce_max3A_636 = vector.multi_reduction <maximumf>, %select_n3A_634, %reduce_max3A_635 [0] : vector<512x200xf32> to vector<200xf32>
    %broadcast_in_dim3A_637 = vector.shape_cast %reduce_max3A_636 : vector<200xf32> to vector<1x200xf32>
    %eq3A_638 = arith.constant 52 : i32
    %eq3A_639 = vector.broadcast %eq3A_638 : i32 to vector<512x1xi32>
    %eq3A_640 = arith.cmpi eq, %get3A_36, %eq3A_639 : vector<512x1xi32>
    %jit3A_641 = arith.constant 0xFF800000 : f32
    %broadcast_in_dim3A_642 = vector.shape_cast %eq3A_640 : vector<512x1xi1> to vector<512x1xi1>
    %broadcast_in_dim3A_643 = vector.broadcast %broadcast_in_dim3A_642 : vector<512x1xi1> to vector<512x200xi1>
    %broadcast_in_dim3A_644 = vector.broadcast %jit3A_641 : f32 to vector<512x200xf32>
    %select_n3A_645 = arith.select %broadcast_in_dim3A_643, %select_n3A_66, %broadcast_in_dim3A_644 : vector<512x200xi1>, vector<512x200xf32>
    %reduce_max3A_646 = arith.constant dense<0xFF800000> : vector<200xf32>
    %reduce_max3A_647 = vector.multi_reduction <maximumf>, %select_n3A_645, %reduce_max3A_646 [0] : vector<512x200xf32> to vector<200xf32>
    %broadcast_in_dim3A_648 = vector.shape_cast %reduce_max3A_647 : vector<200xf32> to vector<1x200xf32>
    %eq3A_649 = arith.constant 53 : i32
    %eq3A_650 = vector.broadcast %eq3A_649 : i32 to vector<512x1xi32>
    %eq3A_651 = arith.cmpi eq, %get3A_36, %eq3A_650 : vector<512x1xi32>
    %jit3A_652 = arith.constant 0xFF800000 : f32
    %broadcast_in_dim3A_653 = vector.shape_cast %eq3A_651 : vector<512x1xi1> to vector<512x1xi1>
    %broadcast_in_dim3A_654 = vector.broadcast %broadcast_in_dim3A_653 : vector<512x1xi1> to vector<512x200xi1>
    %broadcast_in_dim3A_655 = vector.broadcast %jit3A_652 : f32 to vector<512x200xf32>
    %select_n3A_656 = arith.select %broadcast_in_dim3A_654, %select_n3A_66, %broadcast_in_dim3A_655 : vector<512x200xi1>, vector<512x200xf32>
    %reduce_max3A_657 = arith.constant dense<0xFF800000> : vector<200xf32>
    %reduce_max3A_658 = vector.multi_reduction <maximumf>, %select_n3A_656, %reduce_max3A_657 [0] : vector<512x200xf32> to vector<200xf32>
    %broadcast_in_dim3A_659 = vector.shape_cast %reduce_max3A_658 : vector<200xf32> to vector<1x200xf32>
    %eq3A_660 = arith.constant 54 : i32
    %eq3A_661 = vector.broadcast %eq3A_660 : i32 to vector<512x1xi32>
    %eq3A_662 = arith.cmpi eq, %get3A_36, %eq3A_661 : vector<512x1xi32>
    %jit3A_663 = arith.constant 0xFF800000 : f32
    %broadcast_in_dim3A_664 = vector.shape_cast %eq3A_662 : vector<512x1xi1> to vector<512x1xi1>
    %broadcast_in_dim3A_665 = vector.broadcast %broadcast_in_dim3A_664 : vector<512x1xi1> to vector<512x200xi1>
    %broadcast_in_dim3A_666 = vector.broadcast %jit3A_663 : f32 to vector<512x200xf32>
    %select_n3A_667 = arith.select %broadcast_in_dim3A_665, %select_n3A_66, %broadcast_in_dim3A_666 : vector<512x200xi1>, vector<512x200xf32>
    %reduce_max3A_668 = arith.constant dense<0xFF800000> : vector<200xf32>
    %reduce_max3A_669 = vector.multi_reduction <maximumf>, %select_n3A_667, %reduce_max3A_668 [0] : vector<512x200xf32> to vector<200xf32>
    %broadcast_in_dim3A_670 = vector.shape_cast %reduce_max3A_669 : vector<200xf32> to vector<1x200xf32>
    %eq3A_671 = arith.constant 55 : i32
    %eq3A_672 = vector.broadcast %eq3A_671 : i32 to vector<512x1xi32>
    %eq3A_673 = arith.cmpi eq, %get3A_36, %eq3A_672 : vector<512x1xi32>
    %jit3A_674 = arith.constant 0xFF800000 : f32
    %broadcast_in_dim3A_675 = vector.shape_cast %eq3A_673 : vector<512x1xi1> to vector<512x1xi1>
    %broadcast_in_dim3A_676 = vector.broadcast %broadcast_in_dim3A_675 : vector<512x1xi1> to vector<512x200xi1>
    %broadcast_in_dim3A_677 = vector.broadcast %jit3A_674 : f32 to vector<512x200xf32>
    %select_n3A_678 = arith.select %broadcast_in_dim3A_676, %select_n3A_66, %broadcast_in_dim3A_677 : vector<512x200xi1>, vector<512x200xf32>
    %reduce_max3A_679 = arith.constant dense<0xFF800000> : vector<200xf32>
    %reduce_max3A_680 = vector.multi_reduction <maximumf>, %select_n3A_678, %reduce_max3A_679 [0] : vector<512x200xf32> to vector<200xf32>
    %broadcast_in_dim3A_681 = vector.shape_cast %reduce_max3A_680 : vector<200xf32> to vector<1x200xf32>
    %eq3A_682 = arith.constant 56 : i32
    %eq3A_683 = vector.broadcast %eq3A_682 : i32 to vector<512x1xi32>
    %eq3A_684 = arith.cmpi eq, %get3A_36, %eq3A_683 : vector<512x1xi32>
    %jit3A_685 = arith.constant 0xFF800000 : f32
    %broadcast_in_dim3A_686 = vector.shape_cast %eq3A_684 : vector<512x1xi1> to vector<512x1xi1>
    %broadcast_in_dim3A_687 = vector.broadcast %broadcast_in_dim3A_686 : vector<512x1xi1> to vector<512x200xi1>
    %broadcast_in_dim3A_688 = vector.broadcast %jit3A_685 : f32 to vector<512x200xf32>
    %select_n3A_689 = arith.select %broadcast_in_dim3A_687, %select_n3A_66, %broadcast_in_dim3A_688 : vector<512x200xi1>, vector<512x200xf32>
    %reduce_max3A_690 = arith.constant dense<0xFF800000> : vector<200xf32>
    %reduce_max3A_691 = vector.multi_reduction <maximumf>, %select_n3A_689, %reduce_max3A_690 [0] : vector<512x200xf32> to vector<200xf32>
    %broadcast_in_dim3A_692 = vector.shape_cast %reduce_max3A_691 : vector<200xf32> to vector<1x200xf32>
    %eq3A_693 = arith.constant 57 : i32
    %eq3A_694 = vector.broadcast %eq3A_693 : i32 to vector<512x1xi32>
    %eq3A_695 = arith.cmpi eq, %get3A_36, %eq3A_694 : vector<512x1xi32>
    %jit3A_696 = arith.constant 0xFF800000 : f32
    %broadcast_in_dim3A_697 = vector.shape_cast %eq3A_695 : vector<512x1xi1> to vector<512x1xi1>
    %broadcast_in_dim3A_698 = vector.broadcast %broadcast_in_dim3A_697 : vector<512x1xi1> to vector<512x200xi1>
    %broadcast_in_dim3A_699 = vector.broadcast %jit3A_696 : f32 to vector<512x200xf32>
    %select_n3A_700 = arith.select %broadcast_in_dim3A_698, %select_n3A_66, %broadcast_in_dim3A_699 : vector<512x200xi1>, vector<512x200xf32>
    %reduce_max3A_701 = arith.constant dense<0xFF800000> : vector<200xf32>
    %reduce_max3A_702 = vector.multi_reduction <maximumf>, %select_n3A_700, %reduce_max3A_701 [0] : vector<512x200xf32> to vector<200xf32>
    %broadcast_in_dim3A_703 = vector.shape_cast %reduce_max3A_702 : vector<200xf32> to vector<1x200xf32>
    %eq3A_704 = arith.constant 58 : i32
    %eq3A_705 = vector.broadcast %eq3A_704 : i32 to vector<512x1xi32>
    %eq3A_706 = arith.cmpi eq, %get3A_36, %eq3A_705 : vector<512x1xi32>
    %jit3A_707 = arith.constant 0xFF800000 : f32
    %broadcast_in_dim3A_708 = vector.shape_cast %eq3A_706 : vector<512x1xi1> to vector<512x1xi1>
    %broadcast_in_dim3A_709 = vector.broadcast %broadcast_in_dim3A_708 : vector<512x1xi1> to vector<512x200xi1>
    %broadcast_in_dim3A_710 = vector.broadcast %jit3A_707 : f32 to vector<512x200xf32>
    %select_n3A_711 = arith.select %broadcast_in_dim3A_709, %select_n3A_66, %broadcast_in_dim3A_710 : vector<512x200xi1>, vector<512x200xf32>
    %reduce_max3A_712 = arith.constant dense<0xFF800000> : vector<200xf32>
    %reduce_max3A_713 = vector.multi_reduction <maximumf>, %select_n3A_711, %reduce_max3A_712 [0] : vector<512x200xf32> to vector<200xf32>
    %broadcast_in_dim3A_714 = vector.shape_cast %reduce_max3A_713 : vector<200xf32> to vector<1x200xf32>
    %eq3A_715 = arith.constant 59 : i32
    %eq3A_716 = vector.broadcast %eq3A_715 : i32 to vector<512x1xi32>
    %eq3A_717 = arith.cmpi eq, %get3A_36, %eq3A_716 : vector<512x1xi32>
    %jit3A_718 = arith.constant 0xFF800000 : f32
    %broadcast_in_dim3A_719 = vector.shape_cast %eq3A_717 : vector<512x1xi1> to vector<512x1xi1>
    %broadcast_in_dim3A_720 = vector.broadcast %broadcast_in_dim3A_719 : vector<512x1xi1> to vector<512x200xi1>
    %broadcast_in_dim3A_721 = vector.broadcast %jit3A_718 : f32 to vector<512x200xf32>
    %select_n3A_722 = arith.select %broadcast_in_dim3A_720, %select_n3A_66, %broadcast_in_dim3A_721 : vector<512x200xi1>, vector<512x200xf32>
    %reduce_max3A_723 = arith.constant dense<0xFF800000> : vector<200xf32>
    %reduce_max3A_724 = vector.multi_reduction <maximumf>, %select_n3A_722, %reduce_max3A_723 [0] : vector<512x200xf32> to vector<200xf32>
    %broadcast_in_dim3A_725 = vector.shape_cast %reduce_max3A_724 : vector<200xf32> to vector<1x200xf32>
    %eq3A_726 = arith.constant 60 : i32
    %eq3A_727 = vector.broadcast %eq3A_726 : i32 to vector<512x1xi32>
    %eq3A_728 = arith.cmpi eq, %get3A_36, %eq3A_727 : vector<512x1xi32>
    %jit3A_729 = arith.constant 0xFF800000 : f32
    %broadcast_in_dim3A_730 = vector.shape_cast %eq3A_728 : vector<512x1xi1> to vector<512x1xi1>
    %broadcast_in_dim3A_731 = vector.broadcast %broadcast_in_dim3A_730 : vector<512x1xi1> to vector<512x200xi1>
    %broadcast_in_dim3A_732 = vector.broadcast %jit3A_729 : f32 to vector<512x200xf32>
    %select_n3A_733 = arith.select %broadcast_in_dim3A_731, %select_n3A_66, %broadcast_in_dim3A_732 : vector<512x200xi1>, vector<512x200xf32>
    %reduce_max3A_734 = arith.constant dense<0xFF800000> : vector<200xf32>
    %reduce_max3A_735 = vector.multi_reduction <maximumf>, %select_n3A_733, %reduce_max3A_734 [0] : vector<512x200xf32> to vector<200xf32>
    %broadcast_in_dim3A_736 = vector.shape_cast %reduce_max3A_735 : vector<200xf32> to vector<1x200xf32>
    %eq3A_737 = arith.constant 61 : i32
    %eq3A_738 = vector.broadcast %eq3A_737 : i32 to vector<512x1xi32>
    %eq3A_739 = arith.cmpi eq, %get3A_36, %eq3A_738 : vector<512x1xi32>
    %jit3A_740 = arith.constant 0xFF800000 : f32
    %broadcast_in_dim3A_741 = vector.shape_cast %eq3A_739 : vector<512x1xi1> to vector<512x1xi1>
    %broadcast_in_dim3A_742 = vector.broadcast %broadcast_in_dim3A_741 : vector<512x1xi1> to vector<512x200xi1>
    %broadcast_in_dim3A_743 = vector.broadcast %jit3A_740 : f32 to vector<512x200xf32>
    %select_n3A_744 = arith.select %broadcast_in_dim3A_742, %select_n3A_66, %broadcast_in_dim3A_743 : vector<512x200xi1>, vector<512x200xf32>
    %reduce_max3A_745 = arith.constant dense<0xFF800000> : vector<200xf32>
    %reduce_max3A_746 = vector.multi_reduction <maximumf>, %select_n3A_744, %reduce_max3A_745 [0] : vector<512x200xf32> to vector<200xf32>
    %broadcast_in_dim3A_747 = vector.shape_cast %reduce_max3A_746 : vector<200xf32> to vector<1x200xf32>
    %eq3A_748 = arith.constant 62 : i32
    %eq3A_749 = vector.broadcast %eq3A_748 : i32 to vector<512x1xi32>
    %eq3A_750 = arith.cmpi eq, %get3A_36, %eq3A_749 : vector<512x1xi32>
    %jit3A_751 = arith.constant 0xFF800000 : f32
    %broadcast_in_dim3A_752 = vector.shape_cast %eq3A_750 : vector<512x1xi1> to vector<512x1xi1>
    %broadcast_in_dim3A_753 = vector.broadcast %broadcast_in_dim3A_752 : vector<512x1xi1> to vector<512x200xi1>
    %broadcast_in_dim3A_754 = vector.broadcast %jit3A_751 : f32 to vector<512x200xf32>
    %select_n3A_755 = arith.select %broadcast_in_dim3A_753, %select_n3A_66, %broadcast_in_dim3A_754 : vector<512x200xi1>, vector<512x200xf32>
    %reduce_max3A_756 = arith.constant dense<0xFF800000> : vector<200xf32>
    %reduce_max3A_757 = vector.multi_reduction <maximumf>, %select_n3A_755, %reduce_max3A_756 [0] : vector<512x200xf32> to vector<200xf32>
    %broadcast_in_dim3A_758 = vector.shape_cast %reduce_max3A_757 : vector<200xf32> to vector<1x200xf32>
    %eq3A_759 = arith.constant 63 : i32
    %eq3A_760 = vector.broadcast %eq3A_759 : i32 to vector<512x1xi32>
    %eq3A_761 = arith.cmpi eq, %get3A_36, %eq3A_760 : vector<512x1xi32>
    %jit3A_762 = arith.constant 0xFF800000 : f32
    %broadcast_in_dim3A_763 = vector.shape_cast %eq3A_761 : vector<512x1xi1> to vector<512x1xi1>
    %broadcast_in_dim3A_764 = vector.broadcast %broadcast_in_dim3A_763 : vector<512x1xi1> to vector<512x200xi1>
    %broadcast_in_dim3A_765 = vector.broadcast %jit3A_762 : f32 to vector<512x200xf32>
    %select_n3A_766 = arith.select %broadcast_in_dim3A_764, %select_n3A_66, %broadcast_in_dim3A_765 : vector<512x200xi1>, vector<512x200xf32>
    %reduce_max3A_767 = arith.constant dense<0xFF800000> : vector<200xf32>
    %reduce_max3A_768 = vector.multi_reduction <maximumf>, %select_n3A_766, %reduce_max3A_767 [0] : vector<512x200xf32> to vector<200xf32>
    %broadcast_in_dim3A_769 = vector.shape_cast %reduce_max3A_768 : vector<200xf32> to vector<1x200xf32>
    %get3A_770 = arith.constant 0 : index
    %get3A_771 = arith.constant 0 : index
    %get3A_772 = vector.load %arg8[%get3A_770, %get3A_771] : memref<64x200xf32, #tpu.memory_space<vmem>>, vector<64x200xf32>
    %concatenate3A = tpu.concatenate %broadcast_in_dim3A_76, %broadcast_in_dim3A_87, %broadcast_in_dim3A_98, %broadcast_in_dim3A_109, %broadcast_in_dim3A_120, %broadcast_in_dim3A_131, %broadcast_in_dim3A_142, %broadcast_in_dim3A_153, %broadcast_in_dim3A_164, %broadcast_in_dim3A_175, %broadcast_in_dim3A_186, %broadcast_in_dim3A_197, %broadcast_in_dim3A_208, %broadcast_in_dim3A_219, %broadcast_in_dim3A_230, %broadcast_in_dim3A_241, %broadcast_in_dim3A_252, %broadcast_in_dim3A_263, %broadcast_in_dim3A_274, %broadcast_in_dim3A_285, %broadcast_in_dim3A_296, %broadcast_in_dim3A_307, %broadcast_in_dim3A_318, %broadcast_in_dim3A_329, %broadcast_in_dim3A_340, %broadcast_in_dim3A_351, %broadcast_in_dim3A_362, %broadcast_in_dim3A_373, %broadcast_in_dim3A_384, %broadcast_in_dim3A_395, %broadcast_in_dim3A_406, %broadcast_in_dim3A_417, %broadcast_in_dim3A_428, %broadcast_in_dim3A_439, %broadcast_in_dim3A_450, %broadcast_in_dim3A_461, %broadcast_in_dim3A_472, %broadcast_in_dim3A_483, %broadcast_in_dim3A_494, %broadcast_in_dim3A_505, %broadcast_in_dim3A_516, %broadcast_in_dim3A_527, %broadcast_in_dim3A_538, %broadcast_in_dim3A_549, %broadcast_in_dim3A_560, %broadcast_in_dim3A_571, %broadcast_in_dim3A_582, %broadcast_in_dim3A_593, %broadcast_in_dim3A_604, %broadcast_in_dim3A_615, %broadcast_in_dim3A_626, %broadcast_in_dim3A_637, %broadcast_in_dim3A_648, %broadcast_in_dim3A_659, %broadcast_in_dim3A_670, %broadcast_in_dim3A_681, %broadcast_in_dim3A_692, %broadcast_in_dim3A_703, %broadcast_in_dim3A_714, %broadcast_in_dim3A_725, %broadcast_in_dim3A_736, %broadcast_in_dim3A_747, %broadcast_in_dim3A_758, %broadcast_in_dim3A_769 in 0 : vector<1x200xf32>, vector<1x200xf32>, vector<1x200xf32>, vector<1x200xf32>, vector<1x200xf32>, vector<1x200xf32>, vector<1x200xf32>, vector<1x200xf32>, vector<1x200xf32>, vector<1x200xf32>, vector<1x200xf32>, vector<1x200xf32>, vector<1x200xf32>, vector<1x200xf32>, vector<1x200xf32>, vector<1x200xf32>, vector<1x200xf32>, vector<1x200xf32>, vector<1x200xf32>, vector<1x200xf32>, vector<1x200xf32>, vector<1x200xf32>, vector<1x200xf32>, vector<1x200xf32>, vector<1x200xf32>, vector<1x200xf32>, vector<1x200xf32>, vector<1x200xf32>, vector<1x200xf32>, vector<1x200xf32>, vector<1x200xf32>, vector<1x200xf32>, vector<1x200xf32>, vector<1x200xf32>, vector<1x200xf32>, vector<1x200xf32>, vector<1x200xf32>, vector<1x200xf32>, vector<1x200xf32>, vector<1x200xf32>, vector<1x200xf32>, vector<1x200xf32>, vector<1x200xf32>, vector<1x200xf32>, vector<1x200xf32>, vector<1x200xf32>, vector<1x200xf32>, vector<1x200xf32>, vector<1x200xf32>, vector<1x200xf32>, vector<1x200xf32>, vector<1x200xf32>, vector<1x200xf32>, vector<1x200xf32>, vector<1x200xf32>, vector<1x200xf32>, vector<1x200xf32>, vector<1x200xf32>, vector<1x200xf32>, vector<1x200xf32>, vector<1x200xf32>, vector<1x200xf32>, vector<1x200xf32>, vector<1x200xf32> -> vector<64x200xf32>
    %max3A = arith.maximumf %get3A_772, %concatenate3A : vector<64x200xf32>
    %swap3A_773 = arith.constant 0 : index
    %swap3A_774 = arith.constant 0 : index
    %swap3A_775 = vector.load %arg8[%swap3A_773, %swap3A_774] : memref<64x200xf32, #tpu.memory_space<vmem>>, vector<64x200xf32>
    tpu.vector_store %arg8[%swap3A_773, %swap3A_774], %max3A {strides = array<i32>} : memref<64x200xf32, #tpu.memory_space<vmem>>, vector<64x200xf32>,
    return
  }
  func.func @transform_0(%arg0: i32) -> (i32, i32) {
    %c0_i32 = arith.constant 0 : i32
    %c0_i32_0 = arith.constant 0 : i32
    return %arg0, %c0_i32 : i32, i32
  }
  func.func @transform_1(%arg0: i32) -> (i32, i32) {
    %c0_i32 = arith.constant 0 : i32
    %c0_i32_0 = arith.constant 0 : i32
    %c0_i32_1 = arith.constant 0 : i32
    return %c0_i32, %c0_i32_0 : i32, i32
  }
  func.func @transform_2(%arg0: i32) -> (i32, i32) {
    %c0_i32 = arith.constant 0 : i32
    %c0_i32_0 = arith.constant 0 : i32
    %c0_i32_1 = arith.constant 0 : i32
    return %c0_i32, %c0_i32_0 : i32, i32
  }
  func.func @transform_3(%arg0: i32) -> (i32, i32) {
    %c0_i32 = arith.constant 0 : i32
    %c0_i32_0 = arith.constant 0 : i32
    %c0_i32_1 = arith.constant 0 : i32
    return %c0_i32, %c0_i32_0 : i32, i32
  }
  func.func @transform_4(%arg0: i32) -> (i32, i32) {
    %c0_i32 = arith.constant 0 : i32
    %c0_i32_0 = arith.constant 0 : i32
    %c0_i32_1 = arith.constant 0 : i32
    return %c0_i32, %c0_i32_0 : i32, i32
  }
  func.func @transform_5(%arg0: i32) -> (i32, i32) {
    %c0_i32 = arith.constant 0 : i32
    %c0_i32_0 = arith.constant 0 : i32
    return %arg0, %c0_i32 : i32, i32
  }
  func.func @transform_6(%arg0: i32) -> (i32, i32) {
    %c0_i32 = arith.constant 0 : i32
    %c0_i32_0 = arith.constant 0 : i32
    %c0_i32_1 = arith.constant 0 : i32
    return %c0_i32, %c0_i32_0 : i32, i32
  }
  func.func @transform_7(%arg0: i32) -> (i32, i32) {
    %c0_i32 = arith.constant 0 : i32
    %c0_i32_0 = arith.constant 0 : i32
    %c0_i32_1 = arith.constant 0 : i32
    return %c0_i32, %c0_i32_0 : i32, i32
  }
  func.func @transform_8(%arg0: i32) -> (i32, i32) {
    %c0_i32 = arith.constant 0 : i32
    %c0_i32_0 = arith.constant 0 : i32
    %c0_i32_1 = arith.constant 0 : i32
    return %c0_i32, %c0_i32_0 : i32, i32
  }
}

module attributes {stable_mosaic.version = 14 : i64} {
  func.func @body(%arg0: memref<64x200xf32, #tpu.memory_space<vmem>>, %arg1: memref<64x200xf32, #tpu.memory_space<vmem>>, %arg2: memref<64x1xf32, #tpu.memory_space<vmem>>, %arg3: memref<400x100xf32, #tpu.memory_space<vmem>>, %arg4: memref<1x100xf32, #tpu.memory_space<vmem>>, %arg5: memref<100x2xf32, #tpu.memory_space<vmem>>, %arg6: memref<1x2xf32, #tpu.memory_space<vmem>>, %arg7: memref<64x2xf32, #tpu.memory_space<vmem>>) attributes {dimension_semantics = [], scalar_prefetch = 0 : i64, scratch_operands = 0 : i64, tpu.core_type = #tpu.core_type<tc>} {
    %get3A = arith.constant 0 : index
    %get3A_0 = arith.constant 0 : index
    %get3A_1 = vector.load %arg2[%get3A, %get3A_0] : memref<64x1xf32, #tpu.memory_space<vmem>>, vector<64x1xf32>
    %max3A = arith.constant 1.000000e+00 : f32
    %max3A_2 = vector.broadcast %max3A : f32 to vector<64x1xf32>
    %max3A_3 = arith.maximumf %get3A_1, %max3A_2 : vector<64x1xf32>
    %get3A_4 = arith.constant 0 : index
    %get3A_5 = arith.constant 0 : index
    %get3A_6 = vector.load %arg0[%get3A_4, %get3A_5] : memref<64x200xf32, #tpu.memory_space<vmem>>, vector<64x200xf32>
    %div3A = vector.broadcast %max3A_3 : vector<64x1xf32> to vector<64x200xf32>
    %div3A_7 = arith.divf %get3A_6, %div3A : vector<64x200xf32>
    %get3A_8 = arith.constant 0 : index
    %get3A_9 = arith.constant 0 : index
    %get3A_10 = vector.load %arg1[%get3A_8, %get3A_9] : memref<64x200xf32, #tpu.memory_space<vmem>>, vector<64x200xf32>
    %is_finite3A = tpu.weird %get3A_10 : vector<64x200xf32> -> vector<64x200xi1>
    %is_finite3A_11 = arith.constant dense<true> : vector<64x200xi1>
    %is_finite3A_12 = arith.xori %is_finite3A, %is_finite3A_11 : vector<64x200xi1>
    %jit3A = arith.constant 0.000000e+00 : f32
    %broadcast_in_dim3A = vector.broadcast %jit3A : f32 to vector<64x200xf32>
    %select_n3A = arith.select %is_finite3A_12, %get3A_10, %broadcast_in_dim3A : vector<64x200xi1>, vector<64x200xf32>
    %concatenate3A = tpu.concatenate %div3A_7, %select_n3A in 1 : vector<64x200xf32>, vector<64x200xf32> -> vector<64x400xf32>
    %get3A_13 = arith.constant 0 : index
    %get3A_14 = arith.constant 0 : index
    %get3A_15 = vector.load %arg3[%get3A_13, %get3A_14] : memref<400x100xf32, #tpu.memory_space<vmem>>, vector<400x100xf32>
    %dot_general3A = arith.constant dense<0.000000e+00> : vector<64x100xf32>
    %dot_general3A_16 = tpu.matmul %concatenate3A, %get3A_15, %dot_general3A {dimension_numbers = #tpu.dot_dimension_numbers<[1], [0], [0], [1], [0, 0, 1, 1], [], []>, precision = #tpu.contract_precision<fp32>, transpose_lhs_hint = false} : vector<64x400xf32>, vector<400x100xf32>, vector<64x100xf32> -> vector<64x100xf32>
    %get3A_17 = arith.constant 0 : index
    %get3A_18 = arith.constant 0 : index
    %get3A_19 = vector.load %arg4[%get3A_17, %get3A_18] : memref<1x100xf32, #tpu.memory_space<vmem>>, vector<1x100xf32>
    %add3A = vector.broadcast %get3A_19 : vector<1x100xf32> to vector<64x100xf32>
    %add3A_20 = arith.addf %dot_general3A_16, %add3A : vector<64x100xf32>
    %max3A_21 = arith.constant 0.000000e+00 : f32
    %max3A_22 = vector.broadcast %max3A_21 : f32 to vector<64x100xf32>
    %max3A_23 = arith.maximumf %add3A_20, %max3A_22 : vector<64x100xf32>
    %get3A_24 = arith.constant 0 : index
    %get3A_25 = arith.constant 0 : index
    %get3A_26 = vector.load %arg5[%get3A_24, %get3A_25] : memref<100x2xf32, #tpu.memory_space<vmem>>, vector<100x2xf32>
    %dot_general3A_27 = arith.constant dense<0.000000e+00> : vector<64x2xf32>
    %dot_general3A_28 = tpu.matmul %max3A_23, %get3A_26, %dot_general3A_27 {dimension_numbers = #tpu.dot_dimension_numbers<[1], [0], [0], [1], [0, 0, 1, 1], [], []>, precision = #tpu.contract_precision<fp32>, transpose_lhs_hint = false} : vector<64x100xf32>, vector<100x2xf32>, vector<64x2xf32> -> vector<64x2xf32>
    %get3A_29 = arith.constant 0 : index
    %get3A_30 = arith.constant 0 : index
    %get3A_31 = vector.load %arg6[%get3A_29, %get3A_30] : memref<1x2xf32, #tpu.memory_space<vmem>>, vector<1x2xf32>
    %add3A_32 = vector.broadcast %get3A_31 : vector<1x2xf32> to vector<64x2xf32>
    %add3A_33 = arith.addf %dot_general3A_28, %add3A_32 : vector<64x2xf32>
    %reduce_max3A = arith.constant dense<0xFF800000> : vector<64xf32>
    %reduce_max3A_34 = vector.multi_reduction <maximumf>, %add3A_33, %reduce_max3A [1] : vector<64x2xf32> to vector<64xf32>
    %broadcast_in_dim3A_35 = vector.shape_cast %reduce_max3A_34 : vector<64xf32> to vector<64x1xf32>
    %sub3A = vector.broadcast %broadcast_in_dim3A_35 : vector<64x1xf32> to vector<64x2xf32>
    %sub3A_36 = arith.subf %add3A_33, %sub3A : vector<64x2xf32>
    %exp3A = math.exp %sub3A_36 : vector<64x2xf32>
    %reduce_sum3A = arith.constant dense<0.000000e+00> : vector<64xf32>
    %reduce_sum3A_37 = vector.multi_reduction <add>, %exp3A, %reduce_sum3A [1] : vector<64x2xf32> to vector<64xf32>
    %broadcast_in_dim3A_38 = vector.shape_cast %reduce_sum3A_37 : vector<64xf32> to vector<64x1xf32>
    %log3A = math.log %broadcast_in_dim3A_38 : vector<64x1xf32>
    %sub3A_39 = vector.broadcast %log3A : vector<64x1xf32> to vector<64x2xf32>
    %sub3A_40 = arith.subf %sub3A_36, %sub3A_39 : vector<64x2xf32>
    %swap3A = arith.constant 0 : index
    %swap3A_41 = arith.constant 0 : index
    %swap3A_42 = vector.load %arg7[%swap3A, %swap3A_41] : memref<64x2xf32, #tpu.memory_space<vmem>>, vector<64x2xf32>
    tpu.vector_store %arg7[%swap3A, %swap3A_41], %sub3A_40 {strides = array<i32>} : memref<64x2xf32, #tpu.memory_space<vmem>>, vector<64x2xf32>,
    return
  }
}

</mosaic_0001>

<sc_bundles>
// kernel: _run.12.cloned.1.call-start
scs
__scs_entry_jumppad:
0x0: {  	(pc) =	sbr.rel $0x88, $3  }
0x1: {  	(tag) =	ssettag $0x0;
	lr =	simm.s32 $0x1  }
0x2: {  	[smem:$0x3F92] =	sst lr;
	_ =	strace $0xD0000000  }
0x3: {  	_ = 	snop  }
0x4: {  	_ = 	snop  }
0x5: {  	_ = 	snop  }
0x6: {  	_ = 	snop  }
0x7: {  	_ = 	snop  }
__scs_overlays_trampoline_lowered:
0x8: {  	[smem:$0x3FA1] =	sst s0  }
0x9: {  	[smem:$0x3FA2] =	sst s1  }
0xa: {  	[smem:$0x3FA3] =	sst s2  }
0xb: {  	[smem:$0x3FA4] =	sst s3  }
0xc: {  	[smem:$0x3FA5] =	sst s4  }
0xd: {  	[smem:$0x3FA6] =	sst s5  }
0xe: {  	[smem:$0x3FA7] =	sst s6  }
0xf: {  	[smem:$0x3FA8] =	sst s7  }
0x10: {  	[smem:$0x3FA9] =	sst s8  }
0x11: {  	[smem:$0x3FAA] =	sst s9;
	s0 =	simm.s32 @!p0 $0x0  }
0x12: {  	s1 =	sld [smem:$0x3F90];
	s0 =	simm.s32 @p0 $0x1  }
0x13: {  	[smem:$0x3FAB] =	sst s0;
	s0 =	simm.s32 @!p1 $0x0  }
0x14: {  	s2 =	sld [smem:$0x3F8F];
	s0 =	simm.s32 @p1 $0x1  }
0x15: {  	[smem:$0x3FAC] =	sst s0;
	s0 =	simm.s32 @!p2 $0x0  }
0x16: {  	s3 =	sld [smem:$0x3FDB];
	s0 =	simm.s32 @p2 $0x1  }
0x17: {  	s4 =	simm.s32 $0x1BF5;
	[smem:$0x3FAE] =	sst s0  }
0x18: {  	s0 =	sld [smem:$0x3F91];
	_ =	swait.ge [sflag:s4], $0x0  }
0x19: {  	s7 =	sld [smem:$0x3F92]  }
0x1a: {  	s8 =	sadd.s32 $0xFFFFE003, lr  }
0x1b: {  	s9 =	sadd.s32 $0xFFFFFEF7, lr;
	s5 =	simm.s32 $0xFFFFFFFF;
	p2 =	slt.u32 s8, $0xFFFFF086  }
0x1c: {  	p1 =	slt.u32 s9, $0xF7A;
	s5 =	simm.s32 @!p2 $0x0  }
0x1d: {  	s5 =	simm.s32 @p1 $0x1;
	p0 =	seq.s32 s7, s2  }
0x1e: {  	s7 =	smul.u32 @!p0 $0xF7A, s2;
	p2 =	seq.s32 @!p0 s5, $0x0  }
0x1f: {  	s9 =	smul.u32 $0xF7A, s1;
	s8 =	simm.s32 @!p0 $0x1BF5;
	p2 =	por !p2, p0  }
0x20: {  	[sflag:s8] =	ssyncset.s32 @!p0 $0xFFFFF086;
	s6 =	sadd.s32 @!p0 s3, s7;
	s7 =	simm.s32 @!p0 $0x108  }
0x21: {  	s3 =	sadd.s32 s3, s9;
	s6 =	sadd.s32 @!p0 $0x88, s6;
	s7 =	simm.s32 @p2 $0x1082  }
0x22: {  	[simem:s7], [sflag:s8] =	dma.local @!p0 [hbm:s6], $0xF7A  }
0x23: {  	s9 =	sor.u32 $0xD0000000, s2;
	s6 =	simm.s32 $0x108;
	_ =	swait.ge @!p0 [sflag:s8], $0x0  }
0x24: {  	s3 =	sadd.s32 $0x88, s3;
	s6 =	simm.s32 @!p1 $0x1082;
	[sflag:s4] =	ssyncset.s32 $0xFFFFF086  }
0x25: {  	[simem:s6], [sflag:s4] =	dma.local [hbm:s3], $0xF7A  }
0x26: {  	[smem:$0x3F92] =	sst s1;
	(tag) =	ssettag s2;
	_ =	strace s9  }
0x27: {  	s1 =	sld [smem:$0x3FA2]  }
0x28: {  	s2 =	sld [smem:$0x3FA3]  }
0x29: {  	s4 =	sld [smem:$0x3FA5]  }
0x2a: {  	p0 =	seq.s32 s5, $0x0;
	s5 =	sld [smem:$0x3FA6]  }
0x2b: {  	s6 =	sld [smem:$0x3FA7]  }
0x2c: {  	s7 =	sld [smem:$0x3FA8]  }
0x2d: {  	s3 =	simm.s32 $0x108;
	s8 =	sld [smem:$0x3FA9]  }
0x2e: {  	s3 =	simm.s32 @!p0 $0x1082;
	s9 =	sld [smem:$0x3FAA]  }
0x2f: {  	lr =	sadd.s32 s0, s3;
	s0 =	sld [smem:$0x3FA1]  }
0x30: {  	s3 =	sld [smem:$0x3FA4]  }
0x31: {  	[smem:$0x3FAD] =	sst s10  }
0x32: {  	s10 =	sld [smem:$0x3FAB];
	_ =	sdelay $0x3  }
0x33: {  	p0 =	seq.s32 s10, $0x1;
	s10 =	sld [smem:$0x3FAD];
	_ =	sdelay $0x3  }
0x34: {  	[smem:$0x3FAD] =	sst s10  }
0x35: {  	s10 =	sld [smem:$0x3FAC];
	_ =	sdelay $0x3  }
0x36: {  	p1 =	seq.s32 s10, $0x1;
	s10 =	sld [smem:$0x3FAD];
	_ =	sdelay $0x3  }
0x37: {  	[smem:$0x3FAD] =	sst s10  }
0x38: {  	s10 =	sld [smem:$0x3FAE]  }
0x39: {  	_ = 	snop;
	(pc) =	sbr.ind lr, $3  }
0x3a: {  	_ = 	snop  }
0x3b: {  	_ = 	snop  }
0x3c: {  	p2 =	seq.s32 s10, $0x1;
	s10 =	sld [smem:$0x3FAD]  }
0x3d: {  	_ =	shalt  }
0x3e: {  	_ =	shalt  }
0x3f: {  	_ =	shalt  }
0x40: {  	_ =	shalt  }
0x41: {  	_ =	shalt  }
0x42: {  	_ =	shalt  }
0x43: {  	_ =	shalt  }
0x44: {  	_ =	shalt  }
0x45: {  	_ =	shalt  }
0x46: {  	_ =	shalt  }
0x47: {  	_ =	shalt  }
0x48: {  	_ =	shalt  }
0x49: {  	_ =	shalt  }
0x4a: {  	_ =	shalt  }
0x4b: {  	_ =	shalt  }
0x4c: {  	_ =	shalt  }
0x4d: {  	_ =	shalt  }
0x4e: {  	_ =	shalt  }
0x4f: {  	_ =	shalt  }
0x50: {  	_ =	shalt  }
0x51: {  	_ =	shalt  }
0x52: {  	_ =	shalt  }
0x53: {  	_ =	shalt  }
0x54: {  	_ =	shalt  }
0x55: {  	_ =	shalt  }
0x56: {  	_ =	shalt  }
0x57: {  	_ =	shalt  }
0x58: {  	_ =	shalt  }
0x59: {  	_ =	shalt  }
0x5a: {  	_ =	shalt  }
0x5b: {  	_ =	shalt  }
0x5c: {  	_ =	shalt  }
0x5d: {  	_ =	shalt  }
0x5e: {  	_ =	shalt  }
0x5f: {  	_ =	shalt  }
0x60: {  	_ =	shalt  }
0x61: {  	_ =	shalt  }
0x62: {  	_ =	shalt  }
0x63: {  	_ =	shalt  }
0x64: {  	_ =	shalt  }
0x65: {  	_ =	shalt  }
0x66: {  	_ =	shalt  }
0x67: {  	_ =	shalt  }
0x68: {  	_ =	shalt  }
0x69: {  	_ =	shalt  }
0x6a: {  	_ =	shalt  }
0x6b: {  	_ =	shalt  }
0x6c: {  	_ =	shalt  }
0x6d: {  	_ =	shalt  }
0x6e: {  	_ =	shalt  }
0x6f: {  	_ =	shalt  }
0x70: {  	_ =	shalt  }
0x71: {  	_ =	shalt  }
0x72: {  	_ =	shalt  }
0x73: {  	_ =	shalt  }
0x74: {  	_ =	shalt  }
0x75: {  	_ =	shalt  }
0x76: {  	_ =	shalt  }
0x77: {  	_ =	shalt  }
0x78: {  	_ =	shalt  }
0x79: {  	_ =	shalt  }
0x7a: {  	_ =	shalt  }
0x7b: {  	_ =	shalt  }
0x7c: {  	_ =	shalt  }
0x7d: {  	_ =	shalt  }
0x7e: {  	_ =	shalt  }
0x7f: {  	_ =	shalt  }
0x80: {  	_ =	shalt  }
0x81: {  	_ =	shalt  }
0x82: {  	_ =	shalt  }
0x83: {  	_ =	shalt  }
0x84: {  	_ =	shalt  }
0x85: {  	_ =	shalt  }
0x86: {  	_ =	shalt  }
0x87: {  	_ =	shalt  }
.Lfunc_end0:
.L_simem_size_0:
called_computation_lowered:
.L_overlay_start_0:
0x88: {  	s2 =	sld [smem:$0x3FD9]  }
0x89: {  	s3 =	sld [smem:$0x3FFE];
	_ =	sdelay $0x1  }
0x8a: {  	s1 =	srdreg.scid  }
0x8b: {  	s0 =	sand.u32 $0x1, s1  }
0x8c: {  	s16 =	sshll.u32 s0, $0xA;
	s2 =	sadd.s32 s3, s2  }
0x8d: {  	s2 =	sadd.s32 s2, s16  }
0x8e: {  	[smem:$0x3FB9] =	sst s2  }
0x8f: {  	_ = 	snop  }
0x90: {  	(tm) =	ssettm $0x1  }
0x91: {  	s17 =	sld [smem:$0x3FFB];
	_ =	sdelay $0x3  }
0x92: {  	_ =	strace s17  }
0x93: {  	s2 =	sld [smem:$0x3FFC];
	_ =	sdelay $0x3  }
0x94: {  	_ =	strace s2  }
0x95: {  	s2 =	sld [smem:$0x3FFD];
	_ =	sdelay $0x3  }
0x96: {  	_ =	strace s2  }
0x97: {  	_ =	strace $0x8FFFFFFF  }
0x98: {  	s18 =	sld [smem:$0x3FDB];
	_ =	sdelay $0x1  }
0x99: {  	s19 =	simm.s32 $_scs_section_size  }
0x9a: {  	s4 =	simm.s32 $_size__tile_overlayer_lowered;
	s5 =	simm.s32 $_tile_overlayer_lowered  }
0x9b: {  	s22 =	simm.s32 $0x1BFF;
	s21 =	sshll.u32 s5, $0x1;
	s2 =	sadd.s32 s19, s18  }
0x9c: {  	s6 =	simm.s32 $0x0;
	s20 =	sshll.u32 s4, $0x1;
	s4 =	sadd.s32 s21, s2  }
0x9d: {  	[timem:s6], [sflag:s22] =	dma.local [hbm:s4], s20  }
0x9e: {  	_ =	swait.ge [sflag:s22], s20  }
0x9f: {  	s3 =	ssub.s32 $0x0, s20;
	[sflag:s22] =	ssyncset.done $0x0  }
0xa0: {  	[sflag:s22] =	ssyncadd.s32 s3;
	_ =	sdelay $0x1  }
0xa1: {  	s23 =	simm.s32 $0x1B8B  }
0xa2: {  	_ =	swait.ge [sflag:s23], $0x1  }
0xa3: {  	[sflag:s23] =	ssyncset.done $0x0  }
0xa4: {  	s25 =	simm.s32 $0x1B8E;
	s24 =	sld [smem:$0x3FFE];
	[sflag:s23] =	ssyncadd.s32 $0xFFFFFFFF  }
0xa5: {  	s26 =	simm.s32 $execute0_lowered;
	[smem:$0x3FD2] =	sst s25  }
0xa6: {  	s4 =	sshll.u32 s26, $0x1;
	_ =	strace $0x80000046;
	[dreg:$0x1] =	wrdreg $0xFFFFFFFF  }
0xa7: {  	s28 =	simm.s32 $_size_execute0_lowered;
	s2 =	sadd.s32 s2, s4;
	[dreg:$0x0] =	wrdreg $0x0  }
0xa8: {  	s4 =	sshll.u32 s28, $0x1;
	[dreg:$0x2] =	wrdreg s2  }
0xa9: {  	[dreg:$0x3] =	wrdreg s4  }
0xaa: {  	[dreg:$0x4] =	wrdreg $0xC0  }
0xab: {  	_ =	task [dreg:s6], $0x5FFFF  }
0xac: {  	[dreg:$0x1] =	wrdreg $0xFFFFFFFF  }
0xad: {  	[dreg:$0x0] =	wrdreg $0x60  }
0xae: {  	[dreg:$0x2] =	wrdreg s24  }
0xaf: {  	[dreg:$0x3] =	wrdreg $0x94000  }
0xb0: {  	[dreg:$0x4] =	wrdreg $0x9  }
0xb1: {  	_ =	task.clear_ibuf [dreg:s6], $0x5FFFF;
	_ =	strace $0x90000046  }
0xb2: {  	s29 =	simm.s32 $0x9;
	_ =	strace $0x80000048  }
0xb3: {  	_ =	swait.ge [sflag:s29], $0x1  }
0xb4: {  	[sflag:s29] =	ssyncadd.s32 $0xFFFFFFFF  }
0xb5: {  	_ =	strace $0x90000048  }
0xb6: {  	_ =	sfence  }
0xb7: {  	s30 =	sld [smem:$0x0];
	_ =	sdelay $0x2  }
0xb8: {  	s31 =	sshll.u32 s1, $0xD;
	s1 =	sshrl.u32 s1, $0x2  }
0xb9: {  	s3 =	sand.u32 $0x4000, s31;
	s1 =	sadd.s32 s1, s30  }
0xba: {  	s0 =	sor.u32 s3, s0;
	s1 =	sshll.u32 s1, $0x11  }
0xbb: {  	s0 =	sor.u32 s1, s0  }
0xbc: {  	s0 =	sadd.s32 $0x8F2B, s0  }
0xbd: {  	[sflag:s0] =	ssyncadd.remote.s32 $0x1  }
0xbe: {  	_ =	sfence.sel $0xFFFF  }
0xbf: {  	[dreg:$0x0] =	wrdreg $0xFFFFFFFF;
	(pc) =	sbr.abs _section_cstart, $3  }
0xc0: {  	[dreg:$0x1] =	wrdreg $0xFFFFFFFF  }
0xc1: {  	_ =	task.clear_ibuf [dreg:s6], $0x2FFFF;
	_ =	strace $0x9FFFFFFF  }
0xc2: {  	(tm) =	ssettm $0x7FFFFFFF  }
0xc3: {  	_ =	shalt  }
tec
execute0_lowered:
.L_overlay_start_1:
0x0: {  	(tag) =	ssettag $0x1  }
0x1: {  	s0 =	rddreg [dreg:$0x0]  }
0x2: {  	s2 =	rddreg [dreg:$0x1];
	s3 =	simm.s32 $0x0;
	s1 =	srdreg.scid  }
0x3: {  	s11 =	stileid.u32;
	s28 =	simm.s32 $0x40;
	s29 =	simm.s32 $0x3400  }
0x4: {  	s30 =	simm.s32 $0x80;
	s31 =	simm.s32 $0x5400;
	s17 =	smul.u32 $0x14000, s11  }
0x5: {  	[smem:$0x7FF] =	sst s3;
	s1 =	sand.u32 $0x1, s1;
	s8 =	smul.u32 $0x50000, s11  }
0x6: {  	s4 =	sadd.s32 $0x18C00, s0;
	s5 =	sadd.s32 $0x4C00, s0;
	s6 =	sadd.s32 $0xEC00, s0  }
0x7: {  	s24 =	smul.u32 $0xA0, s11;
	s3 =	simm.s32 $0x1300;
	s8 =	sshrl.u32 s8, $0x2  }
0x8: {  	s11 =	simm.s32 $0x0;
	_ =	strace $0x80000047;
	s8 =	sadd.s32 s8, s2  }
0x9: {  	s7 =	smul.u32 $0x140000, s1;
	s9 =	ssub.s32 $0x2, s1;
	s18 =	sadd.s32 $0x2000, s8  }
0xa: {  	s1 =	smul.u32 $0xA00, s1;
	s19 =	sadd.s32 $0x4000, s8;
	[dreg:$0x3] =	wrdreg s18  }
0xb: {  	s10 =	sshrl.u32 s9, $0x1;
	s20 =	sadd.s32 $0x6000, s8;
	[dreg:$0x4] =	wrdreg s19  }
0xc: {  	s7 =	sadd.s32 s17, s7;
	s21 =	sadd.s32 $0x8000, s8;
	[dreg:$0x5] =	wrdreg s20  }
0xd: {  	s9 =	ssub.s32 s9, s10;
	s22 =	sadd.s32 $0xA000, s8;
	[dreg:$0x6] =	wrdreg s21  }
0xe: {  	s10 =	simm.s32 $0x13C0;
	s23 =	sadd.s32 $0xC000, s8;
	[dreg:$0x7] =	wrdreg s22  }
0xf: {  	s7 =	sshrl.u32 s7, $0x3;
	s25 =	sadd.s32 $0xE000, s8;
	[dreg:$0x8] =	wrdreg s23  }
0x10: {  	s26 =	sadd.s32 $0x10000, s8;
	s8 =	sadd.s32 $0x12000, s8;
	[dreg:$0x9] =	wrdreg s25  }
0x11: {  	s0 =	sadd.s32 s7, s0;
	s7 =	sadd.s32 s17, s2;
	[dreg:$0xa] =	wrdreg s26  }
0x12: {  	[dreg:$0xb] =	wrdreg s8;
	s17 =	sadd.s32 s24, s1;
	s19 =	smax.u32 s9, $0x1  }
0x13: {  	s20 =	simm.s32 $0x1400;
	s21 =	simm.s32 $0x1;
	s22 =	simm.s32 $0x2  }
0x14: {  	s23 =	simm.s32 $0x3;
	s24 =	simm.s32 $0x4;
	s25 =	simm.s32 $0x5  }
0x15: {  	s26 =	simm.s32 $0xA00;
	s1 =	simm.s32 $0x7400;
	s8 =	simm.s32 $0x1340  }
0x16: {  	v0 =	vimm.f32 $0.0e+00;
	s9 =	simm.s32 $0x1380;
	s18 =	sadd.s32 $0x40C00, s0;
	s0 =	simm.s32 $0xC0  }
.LBB2_1:
0x17: {  	s13 =	simm.s32 $0x0  }
0x18: {  	s12 =	sand.u32 $0x7E00, s13  }
0x19: {  	s13 =	sand.u32 $0x70, s13;
	s14 =	sshrl.u32 s12, $0x2  }
0x1a: {  	s12 =	simm.s32 $0x40;
	s14 =	sor.u32 s13, s14;
	s13 =	simm.s32 $0x0  }
.LBB2_2:
0x1b: {  	p0 =	sne.s32 s12, $0x7FC0  }
0x1c: {  	[tilespmem:s14+$0x1400] =	vst v0;
	s13 =	sadd.s32 $0x10, s13;
	s14 =	smov.u32 s12;
	s12 =	sadd.s32 $0x40, s12  }
.Ltmp0:
0x1d: {  	(pc) =	sbr.rel @p0 .LBB2_2-.Ltmp0, $4  }
0x1e: {  	_ = 	snop  }
0x1f: {  	s14 =	sand.u32 $0x7E00, s14  }
0x20: {  	s15 =	sand.u32 $0x70, s13;
	s14 =	sshrl.u32 s14, $0x2  }
0x21: {  	s14 =	sor.u32 s15, s14  }
0x22: {  	[tilespmem:s14+$0x1400] =	vst v0  }
0x23: {  	[spmem:s7] =	stream.linear.scatter [tilespmem:s20], [sflag:$0x1], $0x2000, $0x38;
	[tilespmem:$0x1D400] =	vst v63  }
0x24: {  	s12 =	rddreg [dreg:$0x3]  }
0x25: {  	[spmem:s12] =	stream.linear.scatter [tilespmem:s20], [sflag:$0x2], $0x2000, $0x38;
	[tilespmem:$0x1D400] =	vst v63  }
0x26: {  	s13 =	rddreg [dreg:$0x4]  }
0x27: {  	[spmem:s13] =	stream.linear.scatter [tilespmem:s20], [sflag:$0x3], $0x2000, $0x38;
	[tilespmem:$0x1D400] =	vst v63  }
0x28: {  	s14 =	rddreg [dreg:$0x5]  }
0x29: {  	[spmem:s14] =	stream.linear.scatter [tilespmem:s20], [sflag:$0x4], $0x2000, $0x38;
	[tilespmem:$0x1D400] =	vst v63  }
0x2a: {  	s15 =	rddreg [dreg:$0x6]  }
0x2b: {  	[spmem:s15] =	stream.linear.scatter [tilespmem:s20], [sflag:$0x1], $0x2000, $0x38;
	[tilespmem:$0x1D400] =	vst v63  }
0x2c: {  	s16 =	rddreg [dreg:$0x7]  }
0x2d: {  	[spmem:s16] =	stream.linear.scatter [tilespmem:s20], [sflag:$0x2], $0x2000, $0x38;
	[tilespmem:$0x1D400] =	vst v63  }
0x2e: {  	s13 =	rddreg [dreg:$0x8]  }
0x2f: {  	[spmem:s13] =	stream.linear.scatter [tilespmem:s20], [sflag:$0x3], $0x2000, $0x38;
	[tilespmem:$0x1D400] =	vst v63  }
0x30: {  	s14 =	rddreg [dreg:$0x9]  }
0x31: {  	[spmem:s14] =	stream.linear.scatter [tilespmem:s20], [sflag:$0x4], $0x2000, $0x38;
	[tilespmem:$0x1D400] =	vst v63  }
0x32: {  	s15 =	rddreg [dreg:$0xa]  }
0x33: {  	[spmem:s15] =	stream.linear.scatter [tilespmem:s20], [sflag:$0x1], $0x2000, $0x38;
	[tilespmem:$0x1D400] =	vst v63  }
0x34: {  	s16 =	rddreg [dreg:$0xb]  }
0x35: {  	[spmem:s16] =	stream.linear.scatter [tilespmem:s20], [sflag:$0x2], $0x2000, $0x38;
	[tilespmem:$0x1D400] =	vst v63  }
0x36: {  	_ =	swait.ge [sflag:s21], $0x2000  }
0x37: {  	[sflag:s21] =	ssyncset.done $0x0  }
0x38: {  	[sflag:s21] =	ssyncadd.s32 $0xFFFFE000  }
0x39: {  	_ =	swait.ge [sflag:s22], $0x2000  }
0x3a: {  	[sflag:s22] =	ssyncset.done $0x0  }
0x3b: {  	[sflag:s22] =	ssyncadd.s32 $0xFFFFE000  }
0x3c: {  	_ =	swait.ge [sflag:s23], $0x2000  }
0x3d: {  	[sflag:s23] =	ssyncset.done $0x0  }
0x3e: {  	[sflag:s23] =	ssyncadd.s32 $0xFFFFE000  }
0x3f: {  	_ =	swait.ge [sflag:s24], $0x2000  }
0x40: {  	[sflag:s24] =	ssyncset.done $0x0  }
0x41: {  	[sflag:s24] =	ssyncadd.s32 $0xFFFFE000  }
0x42: {  	_ =	swait.ge [sflag:s21], $0x2000  }
0x43: {  	[sflag:s21] =	ssyncset.done $0x0  }
0x44: {  	[sflag:s21] =	ssyncadd.s32 $0xFFFFE000  }
0x45: {  	_ =	swait.ge [sflag:s22], $0x2000  }
0x46: {  	[sflag:s22] =	ssyncset.done $0x0  }
0x47: {  	[sflag:s22] =	ssyncadd.s32 $0xFFFFE000  }
0x48: {  	_ =	swait.ge [sflag:s23], $0x2000  }
0x49: {  	[sflag:s23] =	ssyncset.done $0x0  }
0x4a: {  	[sflag:s23] =	ssyncadd.s32 $0xFFFFE000  }
0x4b: {  	_ =	swait.ge [sflag:s24], $0x2000  }
0x4c: {  	[sflag:s24] =	ssyncset.done $0x0  }
0x4d: {  	[sflag:s24] =	ssyncadd.s32 $0xFFFFE000  }
0x4e: {  	_ =	swait.ge [sflag:s21], $0x2000  }
0x4f: {  	[sflag:s21] =	ssyncset.done $0x0  }
0x50: {  	[sflag:s21] =	ssyncadd.s32 $0xFFFFE000  }
0x51: {  	_ =	swait.ge [sflag:s22], $0x2000  }
0x52: {  	[sflag:s22] =	ssyncset.done $0x0  }
0x53: {  	[sflag:s22] =	ssyncadd.s32 $0xFFFFE000  }
0x54: {  	s12 =	simm.s32 $0x0;
	s13 =	simm.s32 $0x0;
	[bflag:$0x0] =	sbarrier.arrive $0xFFFF  }
.LBB2_4:
0x55: {  	s14 =	smul.u32 $0x28, s13;
	_ =	sdelay $0x1  }
0x56: {  	s14 =	sadd.s32 s14, s17  }
0x57: {  	s14 =	sshll.u32 s14, $0x3  }
0x58: {  	s15 =	sadd.s32 s5, s14  }
0x59: {  	[tilespmem:s12], [sflag:$0x5] =	stream.linear.gather [hbm4b:s15+s12], $0xA00, $0x38;
	[tilespmem:$0x1D400] =	vst v63  }
0x5a: {  	_ =	swait.ge [sflag:s25], $0xA00  }
0x5b: {  	[sflag:s25] =	ssyncset.done $0x0  }
0x5c: {  	s14 =	sadd.s32 s6, s14;
	[sflag:s25] =	ssyncadd.s32 $0xFFFFF600  }
0x5d: {  	[tilespmem:s26], [sflag:$0x5] =	stream.linear.gather [hbm4b:s14+s12], $0xA00, $0x38;
	[tilespmem:$0x1D400] =	vst v63  }
0x5e: {  	_ =	swait.ge [sflag:s25], $0xA00  }
0x5f: {  	[sflag:s25] =	ssyncset.done $0x0  }
0x60: {  	[sflag:s25] =	ssyncadd.s32 $0xFFFFF600  }
0x61: {  	[tilespmem:s20], [sflag:$0x1] =	stream.indirect.gather [hbm4b:s4+s28], $0x80, s12, s28, $0xb8;
	[tilespmem:$0x1D400] =	vst v63  }
0x62: {  	_ = 	snop  }
0x63: {  	[tilespmem:s29], [sflag:$0x2] =	stream.indirect.gather [hbm4b:s4+s28], $0x80, s28, s28, $0xb8;
	[tilespmem:$0x1D400] =	vst v63  }
0x64: {  	_ = 	snop  }
0x65: {  	[tilespmem:s31], [sflag:$0x3] =	stream.indirect.gather [hbm4b:s4+s28], $0x80, s30, s28, $0xb8;
	[tilespmem:$0x1D400] =	vst v63  }
0x66: {  	_ = 	snop  }
0x67: {  	[tilespmem:s1], [sflag:$0x4] =	stream.indirect.gather [hbm4b:s4+s28], $0x80, s0, s28, $0xb8;
	[tilespmem:$0x1D400] =	vst v63  }
0x68: {  	_ =	swait.ge [sflag:s21], $0x2000  }
0x69: {  	[sflag:s21] =	ssyncset.done $0x0  }
0x6a: {  	s16 =	simm.s32 $0xA00;
	[sflag:s21] =	ssyncadd.s32 $0xFFFFE000  }
0x6b: {  	[spmem:s2] =	stream.indirect.scatter.add.f32 [tilespmem:s20], [sflag:$0x5], $0x80, s16, s28, $0xb8;
	[tilespmem:$0x1D400] =	vst v63  }
0x6c: {  	_ =	swait.ge [sflag:s25], $0x2000  }
0x6d: {  	[sflag:s25] =	ssyncset.done $0x0  }
0x6e: {  	s15 =	simm.s32 $0x100;
	[sflag:s25] =	ssyncadd.s32 $0xFFFFE000  }
0x6f: {  	[tilespmem:s20], [sflag:$0x1] =	stream.indirect.gather [hbm4b:s4+s28], $0x80, s15, s28, $0xb8;
	[tilespmem:$0x1D400] =	vst v63  }
0x70: {  	_ =	swait.ge [sflag:s22], $0x2000  }
0x71: {  	[sflag:s22] =	ssyncset.done $0x0  }
0x72: {  	s16 =	simm.s32 $0xA40;
	[sflag:s22] =	ssyncadd.s32 $0xFFFFE000  }
0x73: {  	[spmem:s2] =	stream.indirect.scatter.add.f32 [tilespmem:s29], [sflag:$0x5], $0x80, s16, s28, $0xb8;
	[tilespmem:$0x1D400] =	vst v63  }
0x74: {  	_ =	swait.ge [sflag:s25], $0x2000  }
0x75: {  	[sflag:s25] =	ssyncset.done $0x0  }
0x76: {  	s15 =	simm.s32 $0x140;
	[sflag:s25] =	ssyncadd.s32 $0xFFFFE000  }
0x77: {  	[tilespmem:s29], [sflag:$0x2] =	stream.indirect.gather [hbm4b:s4+s28], $0x80, s15, s28, $0xb8;
	[tilespmem:$0x1D400] =	vst v63  }
0x78: {  	_ =	swait.ge [sflag:s23], $0x2000  }
0x79: {  	[sflag:s23] =	ssyncset.done $0x0  }
0x7a: {  	s16 =	simm.s32 $0xA80;
	[sflag:s23] =	ssyncadd.s32 $0xFFFFE000  }
0x7b: {  	[spmem:s2] =	stream.indirect.scatter.add.f32 [tilespmem:s31], [sflag:$0x5], $0x80, s16, s28, $0xb8;
	[tilespmem:$0x1D400] =	vst v63  }
0x7c: {  	_ =	swait.ge [sflag:s25], $0x2000  }
0x7d: {  	[sflag:s25] =	ssyncset.done $0x0  }
0x7e: {  	s15 =	simm.s32 $0x180;
	[sflag:s25] =	ssyncadd.s32 $0xFFFFE000  }
0x7f: {  	[tilespmem:s31], [sflag:$0x3] =	stream.indirect.gather [hbm4b:s4+s28], $0x80, s15, s28, $0xb8;
	[tilespmem:$0x1D400] =	vst v63  }
0x80: {  	_ =	swait.ge [sflag:s24], $0x2000  }
0x81: {  	[sflag:s24] =	ssyncset.done $0x0  }
0x82: {  	s16 =	simm.s32 $0xAC0;
	[sflag:s24] =	ssyncadd.s32 $0xFFFFE000  }
0x83: {  	[spmem:s2] =	stream.indirect.scatter.add.f32 [tilespmem:s1], [sflag:$0x5], $0x80, s16, s28, $0xb8;
	[tilespmem:$0x1D400] =	vst v63  }
0x84: {  	_ =	swait.ge [sflag:s25], $0x2000  }
0x85: {  	[sflag:s25] =	ssyncset.done $0x0  }
0x86: {  	s14 =	simm.s32 $0x400;
	s15 =	simm.s32 $0x1C0;
	[sflag:s25] =	ssyncadd.s32 $0xFFFFE000  }
.LBB2_5:
0x87: {  	[tilespmem:s1], [sflag:$0x4] =	stream.indirect.gather [hbm4b:s4+s28], $0x80, s15, s28, $0xb8;
	[tilespmem:$0x1D400] =	vst v63  }
0x88: {  	s15 =	smov.u32 s14  }
0x89: {  	p0 =	sne.s32 s14, $0x2000;
	s14 =	sadd.s32 $0x400, s14;
	_ =	swait.ge [sflag:s21], $0x2000  }
0x8a: {  	s15 =	sshra.s32 s15, $0x2;
	[sflag:s21] =	ssyncset.done $0x0  }
0x8b: {  	s16 =	sadd.s32 $0xA00, s15;
	[sflag:s21] =	ssyncadd.s32 $0xFFFFE000  }
0x8c: {  	[spmem:s2] =	stream.indirect.scatter.add.f32 [tilespmem:s20], [sflag:$0x5], $0x80, s16, s28, $0xb8;
	[tilespmem:$0x1D400] =	vst v63  }
0x8d: {  	_ =	swait.ge [sflag:s25], $0x2000  }
0x8e: {  	[sflag:s25] =	ssyncset.done $0x0  }
0x8f: {  	s16 =	sadd.s32 $0x100, s15;
	[sflag:s25] =	ssyncadd.s32 $0xFFFFE000  }
0x90: {  	[tilespmem:s20], [sflag:$0x1] =	stream.indirect.gather [hbm4b:s4+s28], $0x80, s16, s28, $0xb8;
	[tilespmem:$0x1D400] =	vst v63  }
0x91: {  	_ =	swait.ge [sflag:s22], $0x2000  }
0x92: {  	[sflag:s22] =	ssyncset.done $0x0  }
0x93: {  	s16 =	sadd.s32 $0xA40, s15;
	[sflag:s22] =	ssyncadd.s32 $0xFFFFE000  }
0x94: {  	[spmem:s2] =	stream.indirect.scatter.add.f32 [tilespmem:s29], [sflag:$0x5], $0x80, s16, s28, $0xb8;
	[tilespmem:$0x1D400] =	vst v63  }
0x95: {  	_ =	swait.ge [sflag:s25], $0x2000  }
0x96: {  	[sflag:s25] =	ssyncset.done $0x0  }
0x97: {  	s16 =	sadd.s32 $0x140, s15;
	[sflag:s25] =	ssyncadd.s32 $0xFFFFE000  }
0x98: {  	[tilespmem:s29], [sflag:$0x2] =	stream.indirect.gather [hbm4b:s4+s28], $0x80, s16, s28, $0xb8;
	[tilespmem:$0x1D400] =	vst v63  }
0x99: {  	_ =	swait.ge [sflag:s23], $0x2000  }
0x9a: {  	[sflag:s23] =	ssyncset.done $0x0  }
0x9b: {  	s16 =	sadd.s32 $0xA80, s15;
	[sflag:s23] =	ssyncadd.s32 $0xFFFFE000  }
0x9c: {  	[spmem:s2] =	stream.indirect.scatter.add.f32 [tilespmem:s31], [sflag:$0x5], $0x80, s16, s28, $0xb8;
	[tilespmem:$0x1D400] =	vst v63  }
0x9d: {  	_ =	swait.ge [sflag:s25], $0x2000  }
0x9e: {  	[sflag:s25] =	ssyncset.done $0x0  }
0x9f: {  	s16 =	sadd.s32 $0x180, s15;
	[sflag:s25] =	ssyncadd.s32 $0xFFFFE000  }
0xa0: {  	[tilespmem:s31], [sflag:$0x3] =	stream.indirect.gather [hbm4b:s4+s28], $0x80, s16, s28, $0xb8;
	[tilespmem:$0x1D400] =	vst v63  }
0xa1: {  	_ =	swait.ge [sflag:s24], $0x2000  }
0xa2: {  	[sflag:s24] =	ssyncset.done $0x0  }
.Ltmp1:
0xa3: {  	s16 =	sadd.s32 $0xAC0, s15;
	[sflag:s24] =	ssyncadd.s32 $0xFFFFE000;
	(pc) =	sbr.rel @p0 .LBB2_5-.Ltmp1, $4  }
0xa4: {  	[spmem:s2] =	stream.indirect.scatter.add.f32 [tilespmem:s1], [sflag:$0x5], $0x80, s16, s28, $0xb8;
	[tilespmem:$0x1D400] =	vst v63  }
0xa5: {  	_ =	swait.ge [sflag:s25], $0x2000  }
0xa6: {  	[sflag:s25] =	ssyncset.done $0x0  }
0xa7: {  	s15 =	sadd.s32 $0x1C0, s15;
	[sflag:s25] =	ssyncadd.s32 $0xFFFFE000  }
0xa8: {  	[tilespmem:s1], [sflag:$0x4] =	stream.indirect.gather [hbm4b:s4+s28], $0x80, s15, s28, $0xb8;
	[tilespmem:$0x1D400] =	vst v63  }
0xa9: {  	_ =	swait.ge [sflag:s21], $0x2000  }
0xaa: {  	[sflag:s21] =	ssyncset.done $0x0  }
0xab: {  	[sflag:s21] =	ssyncadd.s32 $0xFFFFE000  }
0xac: {  	[spmem:s2] =	stream.indirect.scatter.add.f32 [tilespmem:s20], [sflag:$0x5], $0x80, s3, s28, $0xb8;
	[tilespmem:$0x1D400] =	vst v63  }
0xad: {  	_ =	swait.ge [sflag:s25], $0x2000  }
0xae: {  	[sflag:s25] =	ssyncset.done $0x0  }
0xaf: {  	[sflag:s25] =	ssyncadd.s32 $0xFFFFE000  }
0xb0: {  	_ =	swait.ge [sflag:s22], $0x2000  }
0xb1: {  	[sflag:s22] =	ssyncset.done $0x0  }
0xb2: {  	[sflag:s22] =	ssyncadd.s32 $0xFFFFE000  }
0xb3: {  	[spmem:s2] =	stream.indirect.scatter.add.f32 [tilespmem:s29], [sflag:$0x5], $0x80, s8, s28, $0xb8;
	[tilespmem:$0x1D400] =	vst v63  }
0xb4: {  	_ =	swait.ge [sflag:s25], $0x2000  }
0xb5: {  	[sflag:s25] =	ssyncset.done $0x0  }
0xb6: {  	[sflag:s25] =	ssyncadd.s32 $0xFFFFE000  }
0xb7: {  	_ =	swait.ge [sflag:s23], $0x2000  }
0xb8: {  	[sflag:s23] =	ssyncset.done $0x0  }
0xb9: {  	[sflag:s23] =	ssyncadd.s32 $0xFFFFE000  }
0xba: {  	[spmem:s2] =	stream.indirect.scatter.add.f32 [tilespmem:s31], [sflag:$0x5], $0x80, s9, s28, $0xb8;
	[tilespmem:$0x1D400] =	vst v63  }
0xbb: {  	_ =	swait.ge [sflag:s25], $0x2000  }
0xbc: {  	[sflag:s25] =	ssyncset.done $0x0  }
0xbd: {  	[sflag:s25] =	ssyncadd.s32 $0xFFFFE000  }
0xbe: {  	s13 =	sadd.s32 $0x1, s13;
	_ =	swait.ge [sflag:s24], $0x2000  }
0xbf: {  	p0 =	sne.s32 s13, $0x4;
	[sflag:s24] =	ssyncset.done $0x0  }
.Ltmp2:
0xc0: {  	[sflag:s24] =	ssyncadd.s32 $0xFFFFE000;
	(pc) =	sbr.rel @p0 .LBB2_4-.Ltmp2, $4  }
0xc1: {  	[spmem:s2] =	stream.indirect.scatter.add.f32 [tilespmem:s1], [sflag:$0x5], $0x80, s10, s28, $0xb8;
	[tilespmem:$0x1D400] =	vst v63  }
0xc2: {  	_ =	swait.ge [sflag:s25], $0x2000  }
0xc3: {  	[sflag:s25] =	ssyncset.done $0x0  }
0xc4: {  	[sflag:s25] =	ssyncadd.s32 $0xFFFFE000  }
0xc5: {  	s12 =	stileid.u32;
	s11 =	sadd.s32 $0x1, s11  }
0xc6: {  	[bflag:$0x0] =	sbarrier.arrive $0xFFFF;
	s12 =	sshll.u32 s12, $0x6;
	p0 =	sne.s32 s11, s19  }
.Ltmp3:
0xc7: {  	s13 =	sshrl.u32 s7, $0x3;
	s12 =	sor.u32 $0x1C05, s12;
	(pc) =	sbr.rel @p0 .LBB2_1-.Ltmp3, $4  }
0xc8: {  	[hbm:s18], [sflag:s12] =	dma.local [spmem:s13], $0x2800  }
0xc9: {  	_ =	swait.ge [sflag:s25], $0x2800  }
0xca: {  	[sflag:s25] =	ssyncset.done $0x0  }
0xcb: {  	[sflag:s25] =	ssyncadd.s32 $0xFFFFD800  }
0xcc: {  	_ =	sfence.sel $0x180000  }
0xcd: {  	[bflag:$0x0] =	sbarrier.arrive $0xFFFF  }
0xce: {  	_ =	strace $0x90000047  }
0xcf: {  	s0 =	stileid.u32;
	[bflag:$0x2] =	sbarrier.arrive $0xFFFF  }
0xd0: {  	p0 =	sne.s32 s0, $0x0;
	s0 =	rddreg [dreg:$0x2]  }
0xd1: {  	s0 =	sadd.s32 @!p0 $0x100000, s0  }
0xd2: {  	[sflag:s0] =	ssyncadd.tile.s32 @!p0 $0x1;
	_ =	shalt  }
.Lfunc_end2:
_tile_overlayer_lowered:
.L_overlay_start_2:
0xd3: {  	(tag) =	ssettag $0x2  }
0xd4: {  	s0 =	rddreg [dreg:$0x0];
	s2 =	stileid.u32  }
0xd5: {  	s1 =	rddreg [dreg:$0x1];
	p0 =	sne.s32 s2, $0x0  }
0xd6: {  	s3 =	rddreg [dreg:$0x2];
	[bflag:$0x3] =	sbarrier.arrive $0xFFFF;
	s2 =	simm.s32 @!p0 $0x1C05  }
0xd7: {  	[timem:s3], [sflag:s2] =	dma.local @!p0 [hbm:s0], s1  }
0xd8: {  	s0 =	simm.s32 @!p0 $0x5  }
0xd9: {  	_ =	swait.ge @!p0 [sflag:s0], s1  }
0xda: {  	s1 =	ssub.s32 @!p0 $0x0, s1;
	[sflag:s0] =	ssyncset.done @!p0 $0x0  }
0xdb: {  	[sflag:s0] =	ssyncadd.s32 @!p0 s1  }
0xdc: {  	[bflag:$0x3] =	sbarrier.arrive $0xFFFF  }
0xdd: {  	_ =	shalt  }

// kernel: _run.15.cloned.1.call-start
scs
__scs_entry_jumppad:
0x0: {  	(pc) =	sbr.rel $0x88, $3  }
0x1: {  	(tag) =	ssettag $0x0;
	lr =	simm.s32 $0x1  }
0x2: {  	[smem:$0x3F92] =	sst lr;
	_ =	strace $0xD0000000  }
0x3: {  	_ = 	snop  }
0x4: {  	_ = 	snop  }
0x5: {  	_ = 	snop  }
0x6: {  	_ = 	snop  }
0x7: {  	_ = 	snop  }
__scs_overlays_trampoline_lowered:
0x8: {  	[smem:$0x3FA1] =	sst s0  }
0x9: {  	[smem:$0x3FA2] =	sst s1  }
0xa: {  	[smem:$0x3FA3] =	sst s2  }
0xb: {  	[smem:$0x3FA4] =	sst s3  }
0xc: {  	[smem:$0x3FA5] =	sst s4  }
0xd: {  	[smem:$0x3FA6] =	sst s5  }
0xe: {  	[smem:$0x3FA7] =	sst s6  }
0xf: {  	[smem:$0x3FA8] =	sst s7  }
0x10: {  	[smem:$0x3FA9] =	sst s8  }
0x11: {  	[smem:$0x3FAA] =	sst s9;
	s0 =	simm.s32 @!p0 $0x0  }
0x12: {  	s1 =	sld [smem:$0x3F90];
	s0 =	simm.s32 @p0 $0x1  }
0x13: {  	[smem:$0x3FAB] =	sst s0;
	s0 =	simm.s32 @!p1 $0x0  }
0x14: {  	s2 =	sld [smem:$0x3F8F];
	s0 =	simm.s32 @p1 $0x1  }
0x15: {  	[smem:$0x3FAC] =	sst s0;
	s0 =	simm.s32 @!p2 $0x0  }
0x16: {  	s3 =	sld [smem:$0x3FDB];
	s0 =	simm.s32 @p2 $0x1  }
0x17: {  	s4 =	simm.s32 $0x1BF5;
	[smem:$0x3FAE] =	sst s0  }
0x18: {  	s0 =	sld [smem:$0x3F91];
	_ =	swait.ge [sflag:s4], $0x0  }
0x19: {  	s7 =	sld [smem:$0x3F92]  }
0x1a: {  	s8 =	sadd.s32 $0xFFFFE003, lr  }
0x1b: {  	s9 =	sadd.s32 $0xFFFFFEF7, lr;
	s5 =	simm.s32 $0xFFFFFFFF;
	p2 =	slt.u32 s8, $0xFFFFF086  }
0x1c: {  	p1 =	slt.u32 s9, $0xF7A;
	s5 =	simm.s32 @!p2 $0x0  }
0x1d: {  	s5 =	simm.s32 @p1 $0x1;
	p0 =	seq.s32 s7, s2  }
0x1e: {  	s7 =	smul.u32 @!p0 $0xF7A, s2;
	p2 =	seq.s32 @!p0 s5, $0x0  }
0x1f: {  	s9 =	smul.u32 $0xF7A, s1;
	s8 =	simm.s32 @!p0 $0x1BF5;
	p2 =	por !p2, p0  }
0x20: {  	[sflag:s8] =	ssyncset.s32 @!p0 $0xFFFFF086;
	s6 =	sadd.s32 @!p0 s3, s7;
	s7 =	simm.s32 @!p0 $0x108  }
0x21: {  	s3 =	sadd.s32 s3, s9;
	s6 =	sadd.s32 @!p0 $0x88, s6;
	s7 =	simm.s32 @p2 $0x1082  }
0x22: {  	[simem:s7], [sflag:s8] =	dma.local @!p0 [hbm:s6], $0xF7A  }
0x23: {  	s9 =	sor.u32 $0xD0000000, s2;
	s6 =	simm.s32 $0x108;
	_ =	swait.ge @!p0 [sflag:s8], $0x0  }
0x24: {  	s3 =	sadd.s32 $0x88, s3;
	s6 =	simm.s32 @!p1 $0x1082;
	[sflag:s4] =	ssyncset.s32 $0xFFFFF086  }
0x25: {  	[simem:s6], [sflag:s4] =	dma.local [hbm:s3], $0xF7A  }
0x26: {  	[smem:$0x3F92] =	sst s1;
	(tag) =	ssettag s2;
	_ =	strace s9  }
0x27: {  	s1 =	sld [smem:$0x3FA2]  }
0x28: {  	s2 =	sld [smem:$0x3FA3]  }
0x29: {  	s4 =	sld [smem:$0x3FA5]  }
0x2a: {  	p0 =	seq.s32 s5, $0x0;
	s5 =	sld [smem:$0x3FA6]  }
0x2b: {  	s6 =	sld [smem:$0x3FA7]  }
0x2c: {  	s7 =	sld [smem:$0x3FA8]  }
0x2d: {  	s3 =	simm.s32 $0x108;
	s8 =	sld [smem:$0x3FA9]  }
0x2e: {  	s3 =	simm.s32 @!p0 $0x1082;
	s9 =	sld [smem:$0x3FAA]  }
0x2f: {  	lr =	sadd.s32 s0, s3;
	s0 =	sld [smem:$0x3FA1]  }
0x30: {  	s3 =	sld [smem:$0x3FA4]  }
0x31: {  	[smem:$0x3FAD] =	sst s10  }
0x32: {  	s10 =	sld [smem:$0x3FAB];
	_ =	sdelay $0x3  }
0x33: {  	p0 =	seq.s32 s10, $0x1;
	s10 =	sld [smem:$0x3FAD];
	_ =	sdelay $0x3  }
0x34: {  	[smem:$0x3FAD] =	sst s10  }
0x35: {  	s10 =	sld [smem:$0x3FAC];
	_ =	sdelay $0x3  }
0x36: {  	p1 =	seq.s32 s10, $0x1;
	s10 =	sld [smem:$0x3FAD];
	_ =	sdelay $0x3  }
0x37: {  	[smem:$0x3FAD] =	sst s10  }
0x38: {  	s10 =	sld [smem:$0x3FAE]  }
0x39: {  	_ = 	snop;
	(pc) =	sbr.ind lr, $3  }
0x3a: {  	_ = 	snop  }
0x3b: {  	_ = 	snop  }
0x3c: {  	p2 =	seq.s32 s10, $0x1;
	s10 =	sld [smem:$0x3FAD]  }
0x3d: {  	_ =	shalt  }
0x3e: {  	_ =	shalt  }
0x3f: {  	_ =	shalt  }
0x40: {  	_ =	shalt  }
0x41: {  	_ =	shalt  }
0x42: {  	_ =	shalt  }
0x43: {  	_ =	shalt  }
0x44: {  	_ =	shalt  }
0x45: {  	_ =	shalt  }
0x46: {  	_ =	shalt  }
0x47: {  	_ =	shalt  }
0x48: {  	_ =	shalt  }
0x49: {  	_ =	shalt  }
0x4a: {  	_ =	shalt  }
0x4b: {  	_ =	shalt  }
0x4c: {  	_ =	shalt  }
0x4d: {  	_ =	shalt  }
0x4e: {  	_ =	shalt  }
0x4f: {  	_ =	shalt  }
0x50: {  	_ =	shalt  }
0x51: {  	_ =	shalt  }
0x52: {  	_ =	shalt  }
0x53: {  	_ =	shalt  }
0x54: {  	_ =	shalt  }
0x55: {  	_ =	shalt  }
0x56: {  	_ =	shalt  }
0x57: {  	_ =	shalt  }
0x58: {  	_ =	shalt  }
0x59: {  	_ =	shalt  }
0x5a: {  	_ =	shalt  }
0x5b: {  	_ =	shalt  }
0x5c: {  	_ =	shalt  }
0x5d: {  	_ =	shalt  }
0x5e: {  	_ =	shalt  }
0x5f: {  	_ =	shalt  }
0x60: {  	_ =	shalt  }
0x61: {  	_ =	shalt  }
0x62: {  	_ =	shalt  }
0x63: {  	_ =	shalt  }
0x64: {  	_ =	shalt  }
0x65: {  	_ =	shalt  }
0x66: {  	_ =	shalt  }
0x67: {  	_ =	shalt  }
0x68: {  	_ =	shalt  }
0x69: {  	_ =	shalt  }
0x6a: {  	_ =	shalt  }
0x6b: {  	_ =	shalt  }
0x6c: {  	_ =	shalt  }
0x6d: {  	_ =	shalt  }
0x6e: {  	_ =	shalt  }
0x6f: {  	_ =	shalt  }
0x70: {  	_ =	shalt  }
0x71: {  	_ =	shalt  }
0x72: {  	_ =	shalt  }
0x73: {  	_ =	shalt  }
0x74: {  	_ =	shalt  }
0x75: {  	_ =	shalt  }
0x76: {  	_ =	shalt  }
0x77: {  	_ =	shalt  }
0x78: {  	_ =	shalt  }
0x79: {  	_ =	shalt  }
0x7a: {  	_ =	shalt  }
0x7b: {  	_ =	shalt  }
0x7c: {  	_ =	shalt  }
0x7d: {  	_ =	shalt  }
0x7e: {  	_ =	shalt  }
0x7f: {  	_ =	shalt  }
0x80: {  	_ =	shalt  }
0x81: {  	_ =	shalt  }
0x82: {  	_ =	shalt  }
0x83: {  	_ =	shalt  }
0x84: {  	_ =	shalt  }
0x85: {  	_ =	shalt  }
0x86: {  	_ =	shalt  }
0x87: {  	_ =	shalt  }
.Lfunc_end0:
.L_simem_size_0:
called_computation.1_lowered:
.L_overlay_start_0:
0x88: {  	s2 =	sld [smem:$0x3FD9]  }
0x89: {  	s3 =	sld [smem:$0x3FFE];
	_ =	sdelay $0x1  }
0x8a: {  	s1 =	srdreg.scid  }
0x8b: {  	s0 =	sand.u32 $0x1, s1  }
0x8c: {  	s17 =	sshll.u32 s0, $0xA;
	s2 =	sadd.s32 s3, s2  }
0x8d: {  	s2 =	sadd.s32 s2, s17  }
0x8e: {  	[smem:$0x3FB9] =	sst s2  }
0x8f: {  	_ = 	snop  }
0x90: {  	(tm) =	ssettm $0x1  }
0x91: {  	s18 =	sld [smem:$0x3FFB];
	_ =	sdelay $0x3  }
0x92: {  	_ =	strace s18  }
0x93: {  	s2 =	sld [smem:$0x3FFC];
	_ =	sdelay $0x3  }
0x94: {  	_ =	strace s2  }
0x95: {  	s2 =	sld [smem:$0x3FFD];
	_ =	sdelay $0x3  }
0x96: {  	_ =	strace s2  }
0x97: {  	_ =	strace $0x8FFFFFFF  }
0x98: {  	s19 =	sld [smem:$0x3FDB];
	_ =	sdelay $0x1  }
0x99: {  	s20 =	simm.s32 $_scs_section_size  }
0x9a: {  	s4 =	simm.s32 $_size__tile_overlayer_lowered;
	s5 =	simm.s32 $_tile_overlayer_lowered  }
0x9b: {  	s6 =	simm.s32 $0x1BFF;
	s21 =	sshll.u32 s5, $0x1;
	s3 =	sadd.s32 s20, s19  }
0x9c: {  	s22 =	simm.s32 $0x0;
	s4 =	sshll.u32 s4, $0x1;
	s5 =	sadd.s32 s21, s3  }
0x9d: {  	[timem:s22], [sflag:s6] =	dma.local [hbm:s5], s4  }
0x9e: {  	_ =	swait.ge [sflag:s6], s4  }
0x9f: {  	s4 =	ssub.s32 $0x0, s4;
	[sflag:s6] =	ssyncset.done $0x0  }
0xa0: {  	[sflag:s6] =	ssyncadd.s32 s4;
	_ =	sdelay $0x1  }
0xa1: {  	s23 =	simm.s32 $0x1B8B  }
0xa2: {  	_ =	swait.ge [sflag:s23], $0x1  }
0xa3: {  	[sflag:s23] =	ssyncset.done $0x0  }
0xa4: {  	[sflag:s23] =	ssyncadd.s32 $0xFFFFFFFF  }
0xa5: {  	s4 =	sld [smem:$0x0]  }
0xa6: {  	s5 =	sand.u32 $0xFFFFFFFE, s1  }
0xa7: {  	p0 =	sne.s32 s1, s5  }
0xa8: {  	s5 =	sshll.u32 @p0 s5, $0xE  }
0xa9: {  	s5 =	sadd.s32 @p0 $0x11B8D, s5;
	s6 =	sshll.u32 @p0 s4, $0x11  }
0xaa: {  	s5 =	sor.u32 @p0 s6, s5  }
0xab: {  	[sflag:s5] =	ssyncadd.remote.s32 @p0 $0x1;
	_ =	sdelay $0x1  }
0xac: {  	s5 =	simm.s32 @p0 $0x1B8D  }
0xad: {  	_ =	swait.eq @p0 [sflag:s5], $0x1  }
0xae: {  	[sflag:s5] =	ssyncadd.s32 @p0 $0xFFFFFFFF  }
0xaf: {  	s6 =	sshll.u32 @!p0 s1, $0xE  }
0xb0: {  	s6 =	sor.u32 @!p0 $0x4000, s6;
	s5 =	simm.s32 @!p0 $0x1B8D  }
0xb1: {  	s4 =	sshll.u32 @!p0 s4, $0x11;
	s6 =	sadd.s32 @!p0 $0x11B8D, s6;
	_ =	swait.eq @!p0 [sflag:s5], $0x1  }
0xb2: {  	s4 =	sor.u32 @!p0 s4, s6;
	[sflag:s5] =	ssyncadd.s32 @!p0 $0xFFFFFFFF  }
0xb3: {  	s25 =	simm.s32 $0x1B8E;
	s24 =	sld [smem:$0x3FFE];
	[sflag:s4] =	ssyncadd.remote.s32 @!p0 $0x1  }
0xb4: {  	s26 =	simm.s32 $execute0_lowered;
	[smem:$0x3FD2] =	sst s25  }
0xb5: {  	s5 =	sshll.u32 s26, $0x1;
	_ =	strace $0x8000004C;
	[dreg:$0x1] =	wrdreg $0xFFFFFFFF  }
0xb6: {  	s28 =	simm.s32 $_size_execute0_lowered;
	s3 =	sadd.s32 s3, s5;
	[dreg:$0x0] =	wrdreg $0x0  }
0xb7: {  	s5 =	sshll.u32 s28, $0x1;
	[dreg:$0x2] =	wrdreg s3  }
0xb8: {  	[dreg:$0x3] =	wrdreg s5  }
0xb9: {  	[dreg:$0x4] =	wrdreg $0xC0  }
0xba: {  	_ =	task [dreg:s22], $0x5FFFF  }
0xbb: {  	[dreg:$0x1] =	wrdreg $0xFFFFFFFF  }
0xbc: {  	[dreg:$0x0] =	wrdreg $0x60  }
0xbd: {  	[dreg:$0x2] =	wrdreg s24  }
0xbe: {  	[dreg:$0x3] =	wrdreg $0x94000  }
0xbf: {  	[dreg:$0x4] =	wrdreg $0x9  }
0xc0: {  	_ =	task.clear_ibuf [dreg:s22], $0x5FFFF;
	_ =	strace $0x9000004C  }
0xc1: {  	s29 =	simm.s32 $0x9;
	_ =	strace $0x8000004E  }
0xc2: {  	_ =	swait.ge [sflag:s29], $0x1  }
0xc3: {  	[sflag:s29] =	ssyncadd.s32 $0xFFFFFFFF  }
0xc4: {  	_ =	strace $0x9000004E  }
0xc5: {  	_ =	sfence  }
0xc6: {  	s30 =	sld [smem:$0x0];
	_ =	sdelay $0x2  }
0xc7: {  	s31 =	sshll.u32 s1, $0xD;
	s1 =	sshrl.u32 s1, $0x2  }
0xc8: {  	s4 =	sand.u32 $0x4000, s31;
	s1 =	sadd.s32 s1, s30  }
0xc9: {  	s0 =	sor.u32 s4, s0;
	s1 =	sshll.u32 s1, $0x11  }
0xca: {  	s0 =	sor.u32 s1, s0  }
0xcb: {  	s0 =	sadd.s32 $0x8F2B, s0  }
0xcc: {  	[sflag:s0] =	ssyncadd.remote.s32 $0x1  }
0xcd: {  	_ =	sfence.sel $0xFFFF  }
0xce: {  	[dreg:$0x0] =	wrdreg $0xFFFFFFFF;
	(pc) =	sbr.abs _section_cstart, $3  }
0xcf: {  	[dreg:$0x1] =	wrdreg $0xFFFFFFFF  }
0xd0: {  	_ =	task.clear_ibuf [dreg:s22], $0x2FFFF;
	_ =	strace $0x9FFFFFFF  }
0xd1: {  	(tm) =	ssettm $0x7FFFFFFF  }
tec
execute0_lowered:
.L_overlay_start_1:
0x0: {  	(tag) =	ssettag $0x1  }
0x1: {  	s0 =	rddreg [dreg:$0x0]  }
0x2: {  	s2 =	rddreg [dreg:$0x1];
	s3 =	simm.s32 $0x0;
	s1 =	srdreg.scid  }
0x3: {  	s11 =	stileid.u32;
	s28 =	simm.s32 $0x40;
	s29 =	simm.s32 $0x3400  }
0x4: {  	s30 =	simm.s32 $0x80;
	s31 =	simm.s32 $0x5400;
	s17 =	smul.u32 $0x14000, s11  }
0x5: {  	[smem:$0x7FF] =	sst s3;
	s1 =	sand.u32 $0x1, s1;
	s8 =	smul.u32 $0x50000, s11  }
0x6: {  	s4 =	sadd.s32 $0x40C00, s0;
	s5 =	sadd.s32 $0x4C00, s0;
	s6 =	sadd.s32 $0xEC00, s0  }
0x7: {  	s24 =	smul.u32 $0xA0, s11;
	s3 =	simm.s32 $0x1300;
	s8 =	sshrl.u32 s8, $0x2  }
0x8: {  	s11 =	simm.s32 $0x0;
	_ =	strace $0x8000004D;
	s8 =	sadd.s32 s8, s2  }
0x9: {  	s7 =	smul.u32 $0x140000, s1;
	s9 =	ssub.s32 $0x2, s1;
	s18 =	sadd.s32 $0x2000, s8  }
0xa: {  	s1 =	smul.u32 $0xA00, s1;
	s19 =	sadd.s32 $0x4000, s8;
	[dreg:$0x3] =	wrdreg s18  }
0xb: {  	s10 =	sshrl.u32 s9, $0x1;
	s20 =	sadd.s32 $0x6000, s8;
	[dreg:$0x4] =	wrdreg s19  }
0xc: {  	s7 =	sadd.s32 s17, s7;
	s21 =	sadd.s32 $0x8000, s8;
	[dreg:$0x5] =	wrdreg s20  }
0xd: {  	s9 =	ssub.s32 s9, s10;
	s22 =	sadd.s32 $0xA000, s8;
	[dreg:$0x6] =	wrdreg s21  }
0xe: {  	s10 =	simm.s32 $0x13C0;
	s23 =	sadd.s32 $0xC000, s8;
	[dreg:$0x7] =	wrdreg s22  }
0xf: {  	s7 =	sshrl.u32 s7, $0x3;
	s25 =	sadd.s32 $0xE000, s8;
	[dreg:$0x8] =	wrdreg s23  }
0x10: {  	s26 =	sadd.s32 $0x10000, s8;
	s8 =	sadd.s32 $0x12000, s8;
	[dreg:$0x9] =	wrdreg s25  }
0x11: {  	s0 =	sadd.s32 s7, s0;
	s7 =	sadd.s32 s17, s2;
	[dreg:$0xa] =	wrdreg s26  }
0x12: {  	[dreg:$0xb] =	wrdreg s8;
	s17 =	sadd.s32 s24, s1;
	s19 =	smax.u32 s9, $0x1  }
0x13: {  	s20 =	simm.s32 $0x1400;
	s21 =	simm.s32 $0x1;
	s22 =	simm.s32 $0x2  }
0x14: {  	s23 =	simm.s32 $0x3;
	s24 =	simm.s32 $0x4;
	s25 =	simm.s32 $0x5  }
0x15: {  	s26 =	simm.s32 $0xA00;
	s1 =	simm.s32 $0x7400;
	s8 =	simm.s32 $0x1340  }
0x16: {  	v0 =	vimm.f32 $0.0e+00;
	s9 =	simm.s32 $0x1380;
	s18 =	sadd.s32 $0xB8C00, s0;
	s0 =	simm.s32 $0xC0  }
.LBB2_1:
0x17: {  	s13 =	simm.s32 $0x0  }
0x18: {  	s12 =	sand.u32 $0x7E00, s13  }
0x19: {  	s13 =	sand.u32 $0x70, s13;
	s14 =	sshrl.u32 s12, $0x2  }
0x1a: {  	s12 =	simm.s32 $0x40;
	s14 =	sor.u32 s13, s14;
	s13 =	simm.s32 $0x0  }
.LBB2_2:
0x1b: {  	p0 =	sne.s32 s12, $0x7FC0  }
0x1c: {  	[tilespmem:s14+$0x1400] =	vst v0;
	s13 =	sadd.s32 $0x10, s13;
	s14 =	smov.u32 s12;
	s12 =	sadd.s32 $0x40, s12  }
.Ltmp0:
0x1d: {  	(pc) =	sbr.rel @p0 .LBB2_2-.Ltmp0, $4  }
0x1e: {  	_ = 	snop  }
0x1f: {  	s14 =	sand.u32 $0x7E00, s14  }
0x20: {  	s15 =	sand.u32 $0x70, s13;
	s14 =	sshrl.u32 s14, $0x2  }
0x21: {  	s14 =	sor.u32 s15, s14  }
0x22: {  	[tilespmem:s14+$0x1400] =	vst v0  }
0x23: {  	[spmem:s7] =	stream.linear.scatter [tilespmem:s20], [sflag:$0x1], $0x2000, $0x38;
	[tilespmem:$0x1D400] =	vst v63  }
0x24: {  	s12 =	rddreg [dreg:$0x3]  }
0x25: {  	[spmem:s12] =	stream.linear.scatter [tilespmem:s20], [sflag:$0x2], $0x2000, $0x38;
	[tilespmem:$0x1D400] =	vst v63  }
0x26: {  	s13 =	rddreg [dreg:$0x4]  }
0x27: {  	[spmem:s13] =	stream.linear.scatter [tilespmem:s20], [sflag:$0x3], $0x2000, $0x38;
	[tilespmem:$0x1D400] =	vst v63  }
0x28: {  	s14 =	rddreg [dreg:$0x5]  }
0x29: {  	[spmem:s14] =	stream.linear.scatter [tilespmem:s20], [sflag:$0x4], $0x2000, $0x38;
	[tilespmem:$0x1D400] =	vst v63  }
0x2a: {  	s15 =	rddreg [dreg:$0x6]  }
0x2b: {  	[spmem:s15] =	stream.linear.scatter [tilespmem:s20], [sflag:$0x1], $0x2000, $0x38;
	[tilespmem:$0x1D400] =	vst v63  }
0x2c: {  	s16 =	rddreg [dreg:$0x7]  }
0x2d: {  	[spmem:s16] =	stream.linear.scatter [tilespmem:s20], [sflag:$0x2], $0x2000, $0x38;
	[tilespmem:$0x1D400] =	vst v63  }
0x2e: {  	s13 =	rddreg [dreg:$0x8]  }
0x2f: {  	[spmem:s13] =	stream.linear.scatter [tilespmem:s20], [sflag:$0x3], $0x2000, $0x38;
	[tilespmem:$0x1D400] =	vst v63  }
0x30: {  	s14 =	rddreg [dreg:$0x9]  }
0x31: {  	[spmem:s14] =	stream.linear.scatter [tilespmem:s20], [sflag:$0x4], $0x2000, $0x38;
	[tilespmem:$0x1D400] =	vst v63  }
0x32: {  	s15 =	rddreg [dreg:$0xa]  }
0x33: {  	[spmem:s15] =	stream.linear.scatter [tilespmem:s20], [sflag:$0x1], $0x2000, $0x38;
	[tilespmem:$0x1D400] =	vst v63  }
0x34: {  	s16 =	rddreg [dreg:$0xb]  }
0x35: {  	[spmem:s16] =	stream.linear.scatter [tilespmem:s20], [sflag:$0x2], $0x2000, $0x38;
	[tilespmem:$0x1D400] =	vst v63  }
0x36: {  	_ =	swait.ge [sflag:s21], $0x2000  }
0x37: {  	[sflag:s21] =	ssyncset.done $0x0  }
0x38: {  	[sflag:s21] =	ssyncadd.s32 $0xFFFFE000  }
0x39: {  	_ =	swait.ge [sflag:s22], $0x2000  }
0x3a: {  	[sflag:s22] =	ssyncset.done $0x0  }
0x3b: {  	[sflag:s22] =	ssyncadd.s32 $0xFFFFE000  }
0x3c: {  	_ =	swait.ge [sflag:s23], $0x2000  }
0x3d: {  	[sflag:s23] =	ssyncset.done $0x0  }
0x3e: {  	[sflag:s23] =	ssyncadd.s32 $0xFFFFE000  }
0x3f: {  	_ =	swait.ge [sflag:s24], $0x2000  }
0x40: {  	[sflag:s24] =	ssyncset.done $0x0  }
0x41: {  	[sflag:s24] =	ssyncadd.s32 $0xFFFFE000  }
0x42: {  	_ =	swait.ge [sflag:s21], $0x2000  }
0x43: {  	[sflag:s21] =	ssyncset.done $0x0  }
0x44: {  	[sflag:s21] =	ssyncadd.s32 $0xFFFFE000  }
0x45: {  	_ =	swait.ge [sflag:s22], $0x2000  }
0x46: {  	[sflag:s22] =	ssyncset.done $0x0  }
0x47: {  	[sflag:s22] =	ssyncadd.s32 $0xFFFFE000  }
0x48: {  	_ =	swait.ge [sflag:s23], $0x2000  }
0x49: {  	[sflag:s23] =	ssyncset.done $0x0  }
0x4a: {  	[sflag:s23] =	ssyncadd.s32 $0xFFFFE000  }
0x4b: {  	_ =	swait.ge [sflag:s24], $0x2000  }
0x4c: {  	[sflag:s24] =	ssyncset.done $0x0  }
0x4d: {  	[sflag:s24] =	ssyncadd.s32 $0xFFFFE000  }
0x4e: {  	_ =	swait.ge [sflag:s21], $0x2000  }
0x4f: {  	[sflag:s21] =	ssyncset.done $0x0  }
0x50: {  	[sflag:s21] =	ssyncadd.s32 $0xFFFFE000  }
0x51: {  	_ =	swait.ge [sflag:s22], $0x2000  }
0x52: {  	[sflag:s22] =	ssyncset.done $0x0  }
0x53: {  	[sflag:s22] =	ssyncadd.s32 $0xFFFFE000  }
0x54: {  	s12 =	simm.s32 $0x0;
	s13 =	simm.s32 $0x0;
	[bflag:$0x0] =	sbarrier.arrive $0xFFFF  }
.LBB2_4:
0x55: {  	s14 =	smul.u32 $0x28, s13;
	_ =	sdelay $0x1  }
0x56: {  	s14 =	sadd.s32 s14, s17  }
0x57: {  	s14 =	sshll.u32 s14, $0x3  }
0x58: {  	s15 =	sadd.s32 s5, s14  }
0x59: {  	[tilespmem:s12], [sflag:$0x5] =	stream.linear.gather [hbm4b:s15+s12], $0xA00, $0x38;
	[tilespmem:$0x1D400] =	vst v63  }
0x5a: {  	_ =	swait.ge [sflag:s25], $0xA00  }
0x5b: {  	[sflag:s25] =	ssyncset.done $0x0  }
0x5c: {  	s14 =	sadd.s32 s6, s14;
	[sflag:s25] =	ssyncadd.s32 $0xFFFFF600  }
0x5d: {  	[tilespmem:s26], [sflag:$0x5] =	stream.linear.gather [hbm4b:s14+s12], $0xA00, $0x38;
	[tilespmem:$0x1D400] =	vst v63  }
0x5e: {  	_ =	swait.ge [sflag:s25], $0xA00  }
0x5f: {  	[sflag:s25] =	ssyncset.done $0x0  }
0x60: {  	[sflag:s25] =	ssyncadd.s32 $0xFFFFF600  }
0x61: {  	[tilespmem:s20], [sflag:$0x1] =	stream.indirect.gather [hbm4b:s4+s28], $0x80, s12, s28, $0xb8;
	[tilespmem:$0x1D400] =	vst v63  }
0x62: {  	_ = 	snop  }
0x63: {  	[tilespmem:s29], [sflag:$0x2] =	stream.indirect.gather [hbm4b:s4+s28], $0x80, s28, s28, $0xb8;
	[tilespmem:$0x1D400] =	vst v63  }
0x64: {  	_ = 	snop  }
0x65: {  	[tilespmem:s31], [sflag:$0x3] =	stream.indirect.gather [hbm4b:s4+s28], $0x80, s30, s28, $0xb8;
	[tilespmem:$0x1D400] =	vst v63  }
0x66: {  	_ = 	snop  }
0x67: {  	[tilespmem:s1], [sflag:$0x4] =	stream.indirect.gather [hbm4b:s4+s28], $0x80, s0, s28, $0xb8;
	[tilespmem:$0x1D400] =	vst v63  }
0x68: {  	_ =	swait.ge [sflag:s21], $0x2000  }
0x69: {  	[sflag:s21] =	ssyncset.done $0x0  }
0x6a: {  	s16 =	simm.s32 $0xA00;
	[sflag:s21] =	ssyncadd.s32 $0xFFFFE000  }
0x6b: {  	[spmem:s2] =	stream.indirect.scatter.add.f32 [tilespmem:s20], [sflag:$0x5], $0x80, s16, s28, $0xb8;
	[tilespmem:$0x1D400] =	vst v63  }
0x6c: {  	_ =	swait.ge [sflag:s25], $0x2000  }
0x6d: {  	[sflag:s25] =	ssyncset.done $0x0  }
0x6e: {  	s15 =	simm.s32 $0x100;
	[sflag:s25] =	ssyncadd.s32 $0xFFFFE000  }
0x6f: {  	[tilespmem:s20], [sflag:$0x1] =	stream.indirect.gather [hbm4b:s4+s28], $0x80, s15, s28, $0xb8;
	[tilespmem:$0x1D400] =	vst v63  }
0x70: {  	_ =	swait.ge [sflag:s22], $0x2000  }
0x71: {  	[sflag:s22] =	ssyncset.done $0x0  }
0x72: {  	s16 =	simm.s32 $0xA40;
	[sflag:s22] =	ssyncadd.s32 $0xFFFFE000  }
0x73: {  	[spmem:s2] =	stream.indirect.scatter.add.f32 [tilespmem:s29], [sflag:$0x5], $0x80, s16, s28, $0xb8;
	[tilespmem:$0x1D400] =	vst v63  }
0x74: {  	_ =	swait.ge [sflag:s25], $0x2000  }
0x75: {  	[sflag:s25] =	ssyncset.done $0x0  }
0x76: {  	s15 =	simm.s32 $0x140;
	[sflag:s25] =	ssyncadd.s32 $0xFFFFE000  }
0x77: {  	[tilespmem:s29], [sflag:$0x2] =	stream.indirect.gather [hbm4b:s4+s28], $0x80, s15, s28, $0xb8;
	[tilespmem:$0x1D400] =	vst v63  }
0x78: {  	_ =	swait.ge [sflag:s23], $0x2000  }
0x79: {  	[sflag:s23] =	ssyncset.done $0x0  }
0x7a: {  	s16 =	simm.s32 $0xA80;
	[sflag:s23] =	ssyncadd.s32 $0xFFFFE000  }
0x7b: {  	[spmem:s2] =	stream.indirect.scatter.add.f32 [tilespmem:s31], [sflag:$0x5], $0x80, s16, s28, $0xb8;
	[tilespmem:$0x1D400] =	vst v63  }
0x7c: {  	_ =	swait.ge [sflag:s25], $0x2000  }
0x7d: {  	[sflag:s25] =	ssyncset.done $0x0  }
0x7e: {  	s15 =	simm.s32 $0x180;
	[sflag:s25] =	ssyncadd.s32 $0xFFFFE000  }
0x7f: {  	[tilespmem:s31], [sflag:$0x3] =	stream.indirect.gather [hbm4b:s4+s28], $0x80, s15, s28, $0xb8;
	[tilespmem:$0x1D400] =	vst v63  }
0x80: {  	_ =	swait.ge [sflag:s24], $0x2000  }
0x81: {  	[sflag:s24] =	ssyncset.done $0x0  }
0x82: {  	s16 =	simm.s32 $0xAC0;
	[sflag:s24] =	ssyncadd.s32 $0xFFFFE000  }
0x83: {  	[spmem:s2] =	stream.indirect.scatter.add.f32 [tilespmem:s1], [sflag:$0x5], $0x80, s16, s28, $0xb8;
	[tilespmem:$0x1D400] =	vst v63  }
0x84: {  	_ =	swait.ge [sflag:s25], $0x2000  }
0x85: {  	[sflag:s25] =	ssyncset.done $0x0  }
0x86: {  	s14 =	simm.s32 $0x400;
	s15 =	simm.s32 $0x1C0;
	[sflag:s25] =	ssyncadd.s32 $0xFFFFE000  }
.LBB2_5:
0x87: {  	[tilespmem:s1], [sflag:$0x4] =	stream.indirect.gather [hbm4b:s4+s28], $0x80, s15, s28, $0xb8;
	[tilespmem:$0x1D400] =	vst v63  }
0x88: {  	s15 =	smov.u32 s14  }
0x89: {  	p0 =	sne.s32 s14, $0x2000;
	s14 =	sadd.s32 $0x400, s14;
	_ =	swait.ge [sflag:s21], $0x2000  }
0x8a: {  	s15 =	sshra.s32 s15, $0x2;
	[sflag:s21] =	ssyncset.done $0x0  }
0x8b: {  	s16 =	sadd.s32 $0xA00, s15;
	[sflag:s21] =	ssyncadd.s32 $0xFFFFE000  }
0x8c: {  	[spmem:s2] =	stream.indirect.scatter.add.f32 [tilespmem:s20], [sflag:$0x5], $0x80, s16, s28, $0xb8;
	[tilespmem:$0x1D400] =	vst v63  }
0x8d: {  	_ =	swait.ge [sflag:s25], $0x2000  }
0x8e: {  	[sflag:s25] =	ssyncset.done $0x0  }
0x8f: {  	s16 =	sadd.s32 $0x100, s15;
	[sflag:s25] =	ssyncadd.s32 $0xFFFFE000  }
0x90: {  	[tilespmem:s20], [sflag:$0x1] =	stream.indirect.gather [hbm4b:s4+s28], $0x80, s16, s28, $0xb8;
	[tilespmem:$0x1D400] =	vst v63  }
0x91: {  	_ =	swait.ge [sflag:s22], $0x2000  }
0x92: {  	[sflag:s22] =	ssyncset.done $0x0  }
0x93: {  	s16 =	sadd.s32 $0xA40, s15;
	[sflag:s22] =	ssyncadd.s32 $0xFFFFE000  }
0x94: {  	[spmem:s2] =	stream.indirect.scatter.add.f32 [tilespmem:s29], [sflag:$0x5], $0x80, s16, s28, $0xb8;
	[tilespmem:$0x1D400] =	vst v63  }
0x95: {  	_ =	swait.ge [sflag:s25], $0x2000  }
0x96: {  	[sflag:s25] =	ssyncset.done $0x0  }
0x97: {  	s16 =	sadd.s32 $0x140, s15;
	[sflag:s25] =	ssyncadd.s32 $0xFFFFE000  }
0x98: {  	[tilespmem:s29], [sflag:$0x2] =	stream.indirect.gather [hbm4b:s4+s28], $0x80, s16, s28, $0xb8;
	[tilespmem:$0x1D400] =	vst v63  }
0x99: {  	_ =	swait.ge [sflag:s23], $0x2000  }
0x9a: {  	[sflag:s23] =	ssyncset.done $0x0  }
0x9b: {  	s16 =	sadd.s32 $0xA80, s15;
	[sflag:s23] =	ssyncadd.s32 $0xFFFFE000  }
0x9c: {  	[spmem:s2] =	stream.indirect.scatter.add.f32 [tilespmem:s31], [sflag:$0x5], $0x80, s16, s28, $0xb8;
	[tilespmem:$0x1D400] =	vst v63  }
0x9d: {  	_ =	swait.ge [sflag:s25], $0x2000  }
0x9e: {  	[sflag:s25] =	ssyncset.done $0x0  }
0x9f: {  	s16 =	sadd.s32 $0x180, s15;
	[sflag:s25] =	ssyncadd.s32 $0xFFFFE000  }
0xa0: {  	[tilespmem:s31], [sflag:$0x3] =	stream.indirect.gather [hbm4b:s4+s28], $0x80, s16, s28, $0xb8;
	[tilespmem:$0x1D400] =	vst v63  }
0xa1: {  	_ =	swait.ge [sflag:s24], $0x2000  }
0xa2: {  	[sflag:s24] =	ssyncset.done $0x0  }
.Ltmp1:
0xa3: {  	s16 =	sadd.s32 $0xAC0, s15;
	[sflag:s24] =	ssyncadd.s32 $0xFFFFE000;
	(pc) =	sbr.rel @p0 .LBB2_5-.Ltmp1, $4  }
0xa4: {  	[spmem:s2] =	stream.indirect.scatter.add.f32 [tilespmem:s1], [sflag:$0x5], $0x80, s16, s28, $0xb8;
	[tilespmem:$0x1D400] =	vst v63  }
0xa5: {  	_ =	swait.ge [sflag:s25], $0x2000  }
0xa6: {  	[sflag:s25] =	ssyncset.done $0x0  }
0xa7: {  	s15 =	sadd.s32 $0x1C0, s15;
	[sflag:s25] =	ssyncadd.s32 $0xFFFFE000  }
0xa8: {  	[tilespmem:s1], [sflag:$0x4] =	stream.indirect.gather [hbm4b:s4+s28], $0x80, s15, s28, $0xb8;
	[tilespmem:$0x1D400] =	vst v63  }
0xa9: {  	_ =	swait.ge [sflag:s21], $0x2000  }
0xaa: {  	[sflag:s21] =	ssyncset.done $0x0  }
0xab: {  	[sflag:s21] =	ssyncadd.s32 $0xFFFFE000  }
0xac: {  	[spmem:s2] =	stream.indirect.scatter.add.f32 [tilespmem:s20], [sflag:$0x5], $0x80, s3, s28, $0xb8;
	[tilespmem:$0x1D400] =	vst v63  }
0xad: {  	_ =	swait.ge [sflag:s25], $0x2000  }
0xae: {  	[sflag:s25] =	ssyncset.done $0x0  }
0xaf: {  	[sflag:s25] =	ssyncadd.s32 $0xFFFFE000  }
0xb0: {  	_ =	swait.ge [sflag:s22], $0x2000  }
0xb1: {  	[sflag:s22] =	ssyncset.done $0x0  }
0xb2: {  	[sflag:s22] =	ssyncadd.s32 $0xFFFFE000  }
0xb3: {  	[spmem:s2] =	stream.indirect.scatter.add.f32 [tilespmem:s29], [sflag:$0x5], $0x80, s8, s28, $0xb8;
	[tilespmem:$0x1D400] =	vst v63  }
0xb4: {  	_ =	swait.ge [sflag:s25], $0x2000  }
0xb5: {  	[sflag:s25] =	ssyncset.done $0x0  }
0xb6: {  	[sflag:s25] =	ssyncadd.s32 $0xFFFFE000  }
0xb7: {  	_ =	swait.ge [sflag:s23], $0x2000  }
0xb8: {  	[sflag:s23] =	ssyncset.done $0x0  }
0xb9: {  	[sflag:s23] =	ssyncadd.s32 $0xFFFFE000  }
0xba: {  	[spmem:s2] =	stream.indirect.scatter.add.f32 [tilespmem:s31], [sflag:$0x5], $0x80, s9, s28, $0xb8;
	[tilespmem:$0x1D400] =	vst v63  }
0xbb: {  	_ =	swait.ge [sflag:s25], $0x2000  }
0xbc: {  	[sflag:s25] =	ssyncset.done $0x0  }
0xbd: {  	[sflag:s25] =	ssyncadd.s32 $0xFFFFE000  }
0xbe: {  	s13 =	sadd.s32 $0x1, s13;
	_ =	swait.ge [sflag:s24], $0x2000  }
0xbf: {  	p0 =	sne.s32 s13, $0x4;
	[sflag:s24] =	ssyncset.done $0x0  }
.Ltmp2:
0xc0: {  	[sflag:s24] =	ssyncadd.s32 $0xFFFFE000;
	(pc) =	sbr.rel @p0 .LBB2_4-.Ltmp2, $4  }
0xc1: {  	[spmem:s2] =	stream.indirect.scatter.add.f32 [tilespmem:s1], [sflag:$0x5], $0x80, s10, s28, $0xb8;
	[tilespmem:$0x1D400] =	vst v63  }
0xc2: {  	_ =	swait.ge [sflag:s25], $0x2000  }
0xc3: {  	[sflag:s25] =	ssyncset.done $0x0  }
0xc4: {  	[sflag:s25] =	ssyncadd.s32 $0xFFFFE000  }
0xc5: {  	s12 =	stileid.u32;
	s11 =	sadd.s32 $0x1, s11  }
0xc6: {  	[bflag:$0x0] =	sbarrier.arrive $0xFFFF;
	s12 =	sshll.u32 s12, $0x6;
	p0 =	sne.s32 s11, s19  }
.Ltmp3:
0xc7: {  	s13 =	sshrl.u32 s7, $0x3;
	s12 =	sor.u32 $0x1C05, s12;
	(pc) =	sbr.rel @p0 .LBB2_1-.Ltmp3, $4  }
0xc8: {  	[hbm:s18], [sflag:s12] =	dma.local [spmem:s13], $0x2800  }
0xc9: {  	_ =	swait.ge [sflag:s25], $0x2800  }
0xca: {  	[sflag:s25] =	ssyncset.done $0x0  }
0xcb: {  	[sflag:s25] =	ssyncadd.s32 $0xFFFFD800  }
0xcc: {  	_ =	sfence.sel $0x180000  }
0xcd: {  	[bflag:$0x0] =	sbarrier.arrive $0xFFFF  }
0xce: {  	_ =	strace $0x9000004D  }
0xcf: {  	s0 =	stileid.u32;
	[bflag:$0x2] =	sbarrier.arrive $0xFFFF  }
0xd0: {  	p0 =	sne.s32 s0, $0x0;
	s0 =	rddreg [dreg:$0x2]  }
0xd1: {  	s0 =	sadd.s32 @!p0 $0x100000, s0  }
0xd2: {  	[sflag:s0] =	ssyncadd.tile.s32 @!p0 $0x1;
	_ =	shalt  }
.Lfunc_end2:
_tile_overlayer_lowered:
.L_overlay_start_2:
0xd3: {  	(tag) =	ssettag $0x2  }
0xd4: {  	s0 =	rddreg [dreg:$0x0];
	s2 =	stileid.u32  }
0xd5: {  	s1 =	rddreg [dreg:$0x1];
	p0 =	sne.s32 s2, $0x0  }
0xd6: {  	s3 =	rddreg [dreg:$0x2];
	[bflag:$0x3] =	sbarrier.arrive $0xFFFF;
	s2 =	simm.s32 @!p0 $0x1C05  }
0xd7: {  	[timem:s3], [sflag:s2] =	dma.local @!p0 [hbm:s0], s1  }
0xd8: {  	s0 =	simm.s32 @!p0 $0x5  }
0xd9: {  	_ =	swait.ge @!p0 [sflag:s0], s1  }
0xda: {  	s1 =	ssub.s32 @!p0 $0x0, s1;
	[sflag:s0] =	ssyncset.done @!p0 $0x0  }
0xdb: {  	[sflag:s0] =	ssyncadd.s32 @!p0 s1  }
0xdc: {  	[bflag:$0x3] =	sbarrier.arrive $0xFFFF  }
0xdd: {  	_ =	shalt  }

// kernel: _run.18.cloned.1.call-start
scs
__scs_entry_jumppad:
0x0: {  	(pc) =	sbr.rel $0x88, $3  }
0x1: {  	(tag) =	ssettag $0x0;
	lr =	simm.s32 $0x1  }
0x2: {  	[smem:$0x3F92] =	sst lr;
	_ =	strace $0xD0000000  }
0x3: {  	_ = 	snop  }
0x4: {  	_ = 	snop  }
0x5: {  	_ = 	snop  }
0x6: {  	_ = 	snop  }
0x7: {  	_ = 	snop  }
__scs_overlays_trampoline_lowered:
0x8: {  	[smem:$0x3FA1] =	sst s0  }
0x9: {  	[smem:$0x3FA2] =	sst s1  }
0xa: {  	[smem:$0x3FA3] =	sst s2  }
0xb: {  	[smem:$0x3FA4] =	sst s3  }
0xc: {  	[smem:$0x3FA5] =	sst s4  }
0xd: {  	[smem:$0x3FA6] =	sst s5  }
0xe: {  	[smem:$0x3FA7] =	sst s6  }
0xf: {  	[smem:$0x3FA8] =	sst s7  }
0x10: {  	[smem:$0x3FA9] =	sst s8  }
0x11: {  	[smem:$0x3FAA] =	sst s9;
	s0 =	simm.s32 @!p0 $0x0  }
0x12: {  	s1 =	sld [smem:$0x3F90];
	s0 =	simm.s32 @p0 $0x1  }
0x13: {  	[smem:$0x3FAB] =	sst s0;
	s0 =	simm.s32 @!p1 $0x0  }
0x14: {  	s2 =	sld [smem:$0x3F8F];
	s0 =	simm.s32 @p1 $0x1  }
0x15: {  	[smem:$0x3FAC] =	sst s0;
	s0 =	simm.s32 @!p2 $0x0  }
0x16: {  	s3 =	sld [smem:$0x3FDB];
	s0 =	simm.s32 @p2 $0x1  }
0x17: {  	s4 =	simm.s32 $0x1BF5;
	[smem:$0x3FAE] =	sst s0  }
0x18: {  	s0 =	sld [smem:$0x3F91];
	_ =	swait.ge [sflag:s4], $0x0  }
0x19: {  	s7 =	sld [smem:$0x3F92]  }
0x1a: {  	s8 =	sadd.s32 $0xFFFFE003, lr  }
0x1b: {  	s9 =	sadd.s32 $0xFFFFFEF7, lr;
	s5 =	simm.s32 $0xFFFFFFFF;
	p2 =	slt.u32 s8, $0xFFFFF086  }
0x1c: {  	p1 =	slt.u32 s9, $0xF7A;
	s5 =	simm.s32 @!p2 $0x0  }
0x1d: {  	s5 =	simm.s32 @p1 $0x1;
	p0 =	seq.s32 s7, s2  }
0x1e: {  	s7 =	smul.u32 @!p0 $0xF7A, s2;
	p2 =	seq.s32 @!p0 s5, $0x0  }
0x1f: {  	s9 =	smul.u32 $0xF7A, s1;
	s8 =	simm.s32 @!p0 $0x1BF5;
	p2 =	por !p2, p0  }
0x20: {  	[sflag:s8] =	ssyncset.s32 @!p0 $0xFFFFF086;
	s6 =	sadd.s32 @!p0 s3, s7;
	s7 =	simm.s32 @!p0 $0x108  }
0x21: {  	s3 =	sadd.s32 s3, s9;
	s6 =	sadd.s32 @!p0 $0x88, s6;
	s7 =	simm.s32 @p2 $0x1082  }
0x22: {  	[simem:s7], [sflag:s8] =	dma.local @!p0 [hbm:s6], $0xF7A  }
0x23: {  	s9 =	sor.u32 $0xD0000000, s2;
	s6 =	simm.s32 $0x108;
	_ =	swait.ge @!p0 [sflag:s8], $0x0  }
0x24: {  	s3 =	sadd.s32 $0x88, s3;
	s6 =	simm.s32 @!p1 $0x1082;
	[sflag:s4] =	ssyncset.s32 $0xFFFFF086  }
0x25: {  	[simem:s6], [sflag:s4] =	dma.local [hbm:s3], $0xF7A  }
0x26: {  	[smem:$0x3F92] =	sst s1;
	(tag) =	ssettag s2;
	_ =	strace s9  }
0x27: {  	s1 =	sld [smem:$0x3FA2]  }
0x28: {  	s2 =	sld [smem:$0x3FA3]  }
0x29: {  	s4 =	sld [smem:$0x3FA5]  }
0x2a: {  	p0 =	seq.s32 s5, $0x0;
	s5 =	sld [smem:$0x3FA6]  }
0x2b: {  	s6 =	sld [smem:$0x3FA7]  }
0x2c: {  	s7 =	sld [smem:$0x3FA8]  }
0x2d: {  	s3 =	simm.s32 $0x108;
	s8 =	sld [smem:$0x3FA9]  }
0x2e: {  	s3 =	simm.s32 @!p0 $0x1082;
	s9 =	sld [smem:$0x3FAA]  }
0x2f: {  	lr =	sadd.s32 s0, s3;
	s0 =	sld [smem:$0x3FA1]  }
0x30: {  	s3 =	sld [smem:$0x3FA4]  }
0x31: {  	[smem:$0x3FAD] =	sst s10  }
0x32: {  	s10 =	sld [smem:$0x3FAB];
	_ =	sdelay $0x3  }
0x33: {  	p0 =	seq.s32 s10, $0x1;
	s10 =	sld [smem:$0x3FAD];
	_ =	sdelay $0x3  }
0x34: {  	[smem:$0x3FAD] =	sst s10  }
0x35: {  	s10 =	sld [smem:$0x3FAC];
	_ =	sdelay $0x3  }
0x36: {  	p1 =	seq.s32 s10, $0x1;
	s10 =	sld [smem:$0x3FAD];
	_ =	sdelay $0x3  }
0x37: {  	[smem:$0x3FAD] =	sst s10  }
0x38: {  	s10 =	sld [smem:$0x3FAE]  }
0x39: {  	_ = 	snop;
	(pc) =	sbr.ind lr, $3  }
0x3a: {  	_ = 	snop  }
0x3b: {  	_ = 	snop  }
0x3c: {  	p2 =	seq.s32 s10, $0x1;
	s10 =	sld [smem:$0x3FAD]  }
0x3d: {  	_ =	shalt  }
0x3e: {  	_ =	shalt  }
0x3f: {  	_ =	shalt  }
0x40: {  	_ =	shalt  }
0x41: {  	_ =	shalt  }
0x42: {  	_ =	shalt  }
0x43: {  	_ =	shalt  }
0x44: {  	_ =	shalt  }
0x45: {  	_ =	shalt  }
0x46: {  	_ =	shalt  }
0x47: {  	_ =	shalt  }
0x48: {  	_ =	shalt  }
0x49: {  	_ =	shalt  }
0x4a: {  	_ =	shalt  }
0x4b: {  	_ =	shalt  }
0x4c: {  	_ =	shalt  }
0x4d: {  	_ =	shalt  }
0x4e: {  	_ =	shalt  }
0x4f: {  	_ =	shalt  }
0x50: {  	_ =	shalt  }
0x51: {  	_ =	shalt  }
0x52: {  	_ =	shalt  }
0x53: {  	_ =	shalt  }
0x54: {  	_ =	shalt  }
0x55: {  	_ =	shalt  }
0x56: {  	_ =	shalt  }
0x57: {  	_ =	shalt  }
0x58: {  	_ =	shalt  }
0x59: {  	_ =	shalt  }
0x5a: {  	_ =	shalt  }
0x5b: {  	_ =	shalt  }
0x5c: {  	_ =	shalt  }
0x5d: {  	_ =	shalt  }
0x5e: {  	_ =	shalt  }
0x5f: {  	_ =	shalt  }
0x60: {  	_ =	shalt  }
0x61: {  	_ =	shalt  }
0x62: {  	_ =	shalt  }
0x63: {  	_ =	shalt  }
0x64: {  	_ =	shalt  }
0x65: {  	_ =	shalt  }
0x66: {  	_ =	shalt  }
0x67: {  	_ =	shalt  }
0x68: {  	_ =	shalt  }
0x69: {  	_ =	shalt  }
0x6a: {  	_ =	shalt  }
0x6b: {  	_ =	shalt  }
0x6c: {  	_ =	shalt  }
0x6d: {  	_ =	shalt  }
0x6e: {  	_ =	shalt  }
0x6f: {  	_ =	shalt  }
0x70: {  	_ =	shalt  }
0x71: {  	_ =	shalt  }
0x72: {  	_ =	shalt  }
0x73: {  	_ =	shalt  }
0x74: {  	_ =	shalt  }
0x75: {  	_ =	shalt  }
0x76: {  	_ =	shalt  }
0x77: {  	_ =	shalt  }
0x78: {  	_ =	shalt  }
0x79: {  	_ =	shalt  }
0x7a: {  	_ =	shalt  }
0x7b: {  	_ =	shalt  }
0x7c: {  	_ =	shalt  }
0x7d: {  	_ =	shalt  }
0x7e: {  	_ =	shalt  }
0x7f: {  	_ =	shalt  }
0x80: {  	_ =	shalt  }
0x81: {  	_ =	shalt  }
0x82: {  	_ =	shalt  }
0x83: {  	_ =	shalt  }
0x84: {  	_ =	shalt  }
0x85: {  	_ =	shalt  }
0x86: {  	_ =	shalt  }
0x87: {  	_ =	shalt  }
.Lfunc_end0:
.L_simem_size_0:
called_computation.2_lowered:
.L_overlay_start_0:
0x88: {  	s2 =	sld [smem:$0x3FD9]  }
0x89: {  	s3 =	sld [smem:$0x3FFE];
	_ =	sdelay $0x1  }
0x8a: {  	s1 =	srdreg.scid  }
0x8b: {  	s0 =	sand.u32 $0x1, s1  }
0x8c: {  	s16 =	sshll.u32 s0, $0xA;
	s2 =	sadd.s32 s3, s2  }
0x8d: {  	s2 =	sadd.s32 s2, s16  }
0x8e: {  	[smem:$0x3FB9] =	sst s2  }
0x8f: {  	_ = 	snop  }
0x90: {  	(tm) =	ssettm $0x1  }
0x91: {  	s17 =	sld [smem:$0x3FFB];
	_ =	sdelay $0x3  }
0x92: {  	_ =	strace s17  }
0x93: {  	s2 =	sld [smem:$0x3FFC];
	_ =	sdelay $0x3  }
0x94: {  	_ =	strace s2  }
0x95: {  	s2 =	sld [smem:$0x3FFD];
	_ =	sdelay $0x3  }
0x96: {  	_ =	strace s2  }
0x97: {  	_ =	strace $0x8FFFFFFF  }
0x98: {  	s18 =	sld [smem:$0x3FDB];
	_ =	sdelay $0x1  }
0x99: {  	s19 =	simm.s32 $_scs_section_size  }
0x9a: {  	s4 =	simm.s32 $_size__tile_overlayer_lowered;
	s5 =	simm.s32 $_tile_overlayer_lowered  }
0x9b: {  	s22 =	simm.s32 $0x1BFF;
	s21 =	sshll.u32 s5, $0x1;
	s2 =	sadd.s32 s19, s18  }
0x9c: {  	s6 =	simm.s32 $0x0;
	s20 =	sshll.u32 s4, $0x1;
	s4 =	sadd.s32 s21, s2  }
0x9d: {  	[timem:s6], [sflag:s22] =	dma.local [hbm:s4], s20  }
0x9e: {  	_ =	swait.ge [sflag:s22], s20  }
0x9f: {  	s3 =	ssub.s32 $0x0, s20;
	[sflag:s22] =	ssyncset.done $0x0  }
0xa0: {  	[sflag:s22] =	ssyncadd.s32 s3;
	_ =	sdelay $0x1  }
0xa1: {  	s23 =	simm.s32 $0x1B8B  }
0xa2: {  	_ =	swait.ge [sflag:s23], $0x1  }
0xa3: {  	[sflag:s23] =	ssyncset.done $0x0  }
0xa4: {  	s25 =	simm.s32 $0x1B8E;
	s24 =	sld [smem:$0x3FFE];
	[sflag:s23] =	ssyncadd.s32 $0xFFFFFFFF  }
0xa5: {  	s26 =	simm.s32 $execute0_lowered;
	[smem:$0x3FD2] =	sst s25  }
0xa6: {  	s4 =	sshll.u32 s26, $0x1;
	_ =	strace $0x80000049;
	[dreg:$0x1] =	wrdreg $0xFFFFFFFF  }
0xa7: {  	s28 =	simm.s32 $_size_execute0_lowered;
	s2 =	sadd.s32 s2, s4;
	[dreg:$0x0] =	wrdreg $0x0  }
0xa8: {  	s4 =	sshll.u32 s28, $0x1;
	[dreg:$0x2] =	wrdreg s2  }
0xa9: {  	[dreg:$0x3] =	wrdreg s4  }
0xaa: {  	[dreg:$0x4] =	wrdreg $0xC0  }
0xab: {  	_ =	task [dreg:s6], $0x5FFFF  }
0xac: {  	[dreg:$0x1] =	wrdreg $0xFFFFFFFF  }
0xad: {  	[dreg:$0x0] =	wrdreg $0x60  }
0xae: {  	[dreg:$0x2] =	wrdreg s24  }
0xaf: {  	[dreg:$0x3] =	wrdreg $0x94000  }
0xb0: {  	[dreg:$0x4] =	wrdreg $0xA  }
0xb1: {  	_ =	task.clear_ibuf [dreg:s6], $0x5FFFF;
	_ =	strace $0x90000049  }
0xb2: {  	s29 =	simm.s32 $0xA;
	_ =	strace $0x8000004B  }
0xb3: {  	_ =	swait.ge [sflag:s29], $0x1  }
0xb4: {  	[sflag:s29] =	ssyncadd.s32 $0xFFFFFFFF  }
0xb5: {  	_ =	strace $0x9000004B  }
0xb6: {  	_ =	sfence  }
0xb7: {  	s30 =	sld [smem:$0x0];
	_ =	sdelay $0x2  }
0xb8: {  	s31 =	sshll.u32 s1, $0xD;
	s1 =	sshrl.u32 s1, $0x2  }
0xb9: {  	s3 =	sand.u32 $0x4000, s31;
	s1 =	sadd.s32 s1, s30  }
0xba: {  	s0 =	sor.u32 s3, s0;
	s1 =	sshll.u32 s1, $0x11  }
0xbb: {  	s0 =	sor.u32 s1, s0  }
0xbc: {  	s0 =	sadd.s32 $0x8F2B, s0  }
0xbd: {  	[sflag:s0] =	ssyncadd.remote.s32 $0x1  }
0xbe: {  	_ =	sfence.sel $0xFFFF  }
0xbf: {  	[dreg:$0x0] =	wrdreg $0xFFFFFFFF;
	(pc) =	sbr.abs _section_cstart, $3  }
0xc0: {  	[dreg:$0x1] =	wrdreg $0xFFFFFFFF  }
0xc1: {  	_ =	task.clear_ibuf [dreg:s6], $0x2FFFF;
	_ =	strace $0x9FFFFFFF  }
0xc2: {  	(tm) =	ssettm $0x7FFFFFFF  }
0xc3: {  	_ =	shalt  }
tec
execute0_lowered:
.L_overlay_start_1:
0x0: {  	(tag) =	ssettag $0x1  }
0x1: {  	s0 =	rddreg [dreg:$0x0]  }
0x2: {  	s2 =	rddreg [dreg:$0x1];
	s3 =	simm.s32 $0x0;
	s1 =	srdreg.scid  }
0x3: {  	s11 =	stileid.u32;
	s28 =	simm.s32 $0x40;
	s29 =	simm.s32 $0x3400  }
0x4: {  	s30 =	simm.s32 $0x80;
	s31 =	simm.s32 $0x5400;
	s17 =	smul.u32 $0x14000, s11  }
0x5: {  	[smem:$0x7FF] =	sst s3;
	s1 =	sand.u32 $0x1, s1;
	s8 =	smul.u32 $0x50000, s11  }
0x6: {  	s4 =	sadd.s32 $0x18C00, s0;
	s5 =	sadd.s32 $0x4C00, s0;
	s6 =	sadd.s32 $0xEC00, s0  }
0x7: {  	s24 =	smul.u32 $0xA0, s11;
	s3 =	simm.s32 $0x1300;
	s8 =	sshrl.u32 s8, $0x2  }
0x8: {  	s11 =	simm.s32 $0x0;
	_ =	strace $0x8000004A;
	s8 =	sadd.s32 s8, s2  }
0x9: {  	s7 =	smul.u32 $0x140000, s1;
	s9 =	ssub.s32 $0x2, s1;
	s18 =	sadd.s32 $0x2000, s8  }
0xa: {  	s1 =	smul.u32 $0xA00, s1;
	s19 =	sadd.s32 $0x4000, s8;
	[dreg:$0x3] =	wrdreg s18  }
0xb: {  	s10 =	sshrl.u32 s9, $0x1;
	s20 =	sadd.s32 $0x6000, s8;
	[dreg:$0x4] =	wrdreg s19  }
0xc: {  	s7 =	sadd.s32 s17, s7;
	s21 =	sadd.s32 $0x8000, s8;
	[dreg:$0x5] =	wrdreg s20  }
0xd: {  	s9 =	ssub.s32 s9, s10;
	s22 =	sadd.s32 $0xA000, s8;
	[dreg:$0x6] =	wrdreg s21  }
0xe: {  	s10 =	simm.s32 $0x13C0;
	s23 =	sadd.s32 $0xC000, s8;
	[dreg:$0x7] =	wrdreg s22  }
0xf: {  	s7 =	sshrl.u32 s7, $0x3;
	s25 =	sadd.s32 $0xE000, s8;
	[dreg:$0x8] =	wrdreg s23  }
0x10: {  	s26 =	sadd.s32 $0x10000, s8;
	s8 =	sadd.s32 $0x12000, s8;
	[dreg:$0x9] =	wrdreg s25  }
0x11: {  	s0 =	sadd.s32 s7, s0;
	s7 =	sadd.s32 s17, s2;
	[dreg:$0xa] =	wrdreg s26  }
0x12: {  	[dreg:$0xb] =	wrdreg s8;
	s17 =	sadd.s32 s24, s1;
	s19 =	smax.u32 s9, $0x1  }
0x13: {  	s20 =	simm.s32 $0x1400;
	s21 =	simm.s32 $0x1;
	s22 =	simm.s32 $0x2  }
0x14: {  	s23 =	simm.s32 $0x3;
	s24 =	simm.s32 $0x4;
	s25 =	simm.s32 $0x5  }
0x15: {  	s26 =	simm.s32 $0xA00;
	s1 =	simm.s32 $0x7400;
	s8 =	simm.s32 $0x1340  }
0x16: {  	v0 =	vimm.f32 $0.0e+00;
	s9 =	simm.s32 $0x1380;
	s18 =	sadd.s32 $0x68C00, s0;
	s0 =	simm.s32 $0xC0  }
.LBB2_1:
0x17: {  	s13 =	simm.s32 $0x0  }
0x18: {  	s12 =	sand.u32 $0x7E00, s13  }
0x19: {  	s13 =	sand.u32 $0x70, s13;
	s14 =	sshrl.u32 s12, $0x2  }
0x1a: {  	s12 =	simm.s32 $0x40;
	s14 =	sor.u32 s13, s14;
	s13 =	simm.s32 $0x0  }
.LBB2_2:
0x1b: {  	p0 =	sne.s32 s12, $0x7FC0  }
0x1c: {  	[tilespmem:s14+$0x1400] =	vst v0;
	s13 =	sadd.s32 $0x10, s13;
	s14 =	smov.u32 s12;
	s12 =	sadd.s32 $0x40, s12  }
.Ltmp0:
0x1d: {  	(pc) =	sbr.rel @p0 .LBB2_2-.Ltmp0, $4  }
0x1e: {  	_ = 	snop  }
0x1f: {  	s14 =	sand.u32 $0x7E00, s14  }
0x20: {  	s15 =	sand.u32 $0x70, s13;
	s14 =	sshrl.u32 s14, $0x2  }
0x21: {  	s14 =	sor.u32 s15, s14  }
0x22: {  	[tilespmem:s14+$0x1400] =	vst v0  }
0x23: {  	[spmem:s7] =	stream.linear.scatter [tilespmem:s20], [sflag:$0x1], $0x2000, $0x38;
	[tilespmem:$0x1D400] =	vst v63  }
0x24: {  	s12 =	rddreg [dreg:$0x3]  }
0x25: {  	[spmem:s12] =	stream.linear.scatter [tilespmem:s20], [sflag:$0x2], $0x2000, $0x38;
	[tilespmem:$0x1D400] =	vst v63  }
0x26: {  	s13 =	rddreg [dreg:$0x4]  }
0x27: {  	[spmem:s13] =	stream.linear.scatter [tilespmem:s20], [sflag:$0x3], $0x2000, $0x38;
	[tilespmem:$0x1D400] =	vst v63  }
0x28: {  	s14 =	rddreg [dreg:$0x5]  }
0x29: {  	[spmem:s14] =	stream.linear.scatter [tilespmem:s20], [sflag:$0x4], $0x2000, $0x38;
	[tilespmem:$0x1D400] =	vst v63  }
0x2a: {  	s15 =	rddreg [dreg:$0x6]  }
0x2b: {  	[spmem:s15] =	stream.linear.scatter [tilespmem:s20], [sflag:$0x1], $0x2000, $0x38;
	[tilespmem:$0x1D400] =	vst v63  }
0x2c: {  	s16 =	rddreg [dreg:$0x7]  }
0x2d: {  	[spmem:s16] =	stream.linear.scatter [tilespmem:s20], [sflag:$0x2], $0x2000, $0x38;
	[tilespmem:$0x1D400] =	vst v63  }
0x2e: {  	s13 =	rddreg [dreg:$0x8]  }
0x2f: {  	[spmem:s13] =	stream.linear.scatter [tilespmem:s20], [sflag:$0x3], $0x2000, $0x38;
	[tilespmem:$0x1D400] =	vst v63  }
0x30: {  	s14 =	rddreg [dreg:$0x9]  }
0x31: {  	[spmem:s14] =	stream.linear.scatter [tilespmem:s20], [sflag:$0x4], $0x2000, $0x38;
	[tilespmem:$0x1D400] =	vst v63  }
0x32: {  	s15 =	rddreg [dreg:$0xa]  }
0x33: {  	[spmem:s15] =	stream.linear.scatter [tilespmem:s20], [sflag:$0x1], $0x2000, $0x38;
	[tilespmem:$0x1D400] =	vst v63  }
0x34: {  	s16 =	rddreg [dreg:$0xb]  }
0x35: {  	[spmem:s16] =	stream.linear.scatter [tilespmem:s20], [sflag:$0x2], $0x2000, $0x38;
	[tilespmem:$0x1D400] =	vst v63  }
0x36: {  	_ =	swait.ge [sflag:s21], $0x2000  }
0x37: {  	[sflag:s21] =	ssyncset.done $0x0  }
0x38: {  	[sflag:s21] =	ssyncadd.s32 $0xFFFFE000  }
0x39: {  	_ =	swait.ge [sflag:s22], $0x2000  }
0x3a: {  	[sflag:s22] =	ssyncset.done $0x0  }
0x3b: {  	[sflag:s22] =	ssyncadd.s32 $0xFFFFE000  }
0x3c: {  	_ =	swait.ge [sflag:s23], $0x2000  }
0x3d: {  	[sflag:s23] =	ssyncset.done $0x0  }
0x3e: {  	[sflag:s23] =	ssyncadd.s32 $0xFFFFE000  }
0x3f: {  	_ =	swait.ge [sflag:s24], $0x2000  }
0x40: {  	[sflag:s24] =	ssyncset.done $0x0  }
0x41: {  	[sflag:s24] =	ssyncadd.s32 $0xFFFFE000  }
0x42: {  	_ =	swait.ge [sflag:s21], $0x2000  }
0x43: {  	[sflag:s21] =	ssyncset.done $0x0  }
0x44: {  	[sflag:s21] =	ssyncadd.s32 $0xFFFFE000  }
0x45: {  	_ =	swait.ge [sflag:s22], $0x2000  }
0x46: {  	[sflag:s22] =	ssyncset.done $0x0  }
0x47: {  	[sflag:s22] =	ssyncadd.s32 $0xFFFFE000  }
0x48: {  	_ =	swait.ge [sflag:s23], $0x2000  }
0x49: {  	[sflag:s23] =	ssyncset.done $0x0  }
0x4a: {  	[sflag:s23] =	ssyncadd.s32 $0xFFFFE000  }
0x4b: {  	_ =	swait.ge [sflag:s24], $0x2000  }
0x4c: {  	[sflag:s24] =	ssyncset.done $0x0  }
0x4d: {  	[sflag:s24] =	ssyncadd.s32 $0xFFFFE000  }
0x4e: {  	_ =	swait.ge [sflag:s21], $0x2000  }
0x4f: {  	[sflag:s21] =	ssyncset.done $0x0  }
0x50: {  	[sflag:s21] =	ssyncadd.s32 $0xFFFFE000  }
0x51: {  	_ =	swait.ge [sflag:s22], $0x2000  }
0x52: {  	[sflag:s22] =	ssyncset.done $0x0  }
0x53: {  	[sflag:s22] =	ssyncadd.s32 $0xFFFFE000  }
0x54: {  	s12 =	simm.s32 $0x0;
	s13 =	simm.s32 $0x0;
	[bflag:$0x0] =	sbarrier.arrive $0xFFFF  }
.LBB2_4:
0x55: {  	s14 =	smul.u32 $0x28, s13;
	_ =	sdelay $0x1  }
0x56: {  	s14 =	sadd.s32 s14, s17  }
0x57: {  	s14 =	sshll.u32 s14, $0x3  }
0x58: {  	s15 =	sadd.s32 s5, s14  }
0x59: {  	[tilespmem:s12], [sflag:$0x5] =	stream.linear.gather [hbm4b:s15+s12], $0xA00, $0x38;
	[tilespmem:$0x1D400] =	vst v63  }
0x5a: {  	_ =	swait.ge [sflag:s25], $0xA00  }
0x5b: {  	[sflag:s25] =	ssyncset.done $0x0  }
0x5c: {  	s14 =	sadd.s32 s6, s14;
	[sflag:s25] =	ssyncadd.s32 $0xFFFFF600  }
0x5d: {  	[tilespmem:s26], [sflag:$0x5] =	stream.linear.gather [hbm4b:s14+s12], $0xA00, $0x38;
	[tilespmem:$0x1D400] =	vst v63  }
0x5e: {  	_ =	swait.ge [sflag:s25], $0xA00  }
0x5f: {  	[sflag:s25] =	ssyncset.done $0x0  }
0x60: {  	[sflag:s25] =	ssyncadd.s32 $0xFFFFF600  }
0x61: {  	[tilespmem:s20], [sflag:$0x1] =	stream.indirect.gather [hbm4b:s4+s28], $0x80, s12, s28, $0xb8;
	[tilespmem:$0x1D400] =	vst v63  }
0x62: {  	_ = 	snop  }
0x63: {  	[tilespmem:s29], [sflag:$0x2] =	stream.indirect.gather [hbm4b:s4+s28], $0x80, s28, s28, $0xb8;
	[tilespmem:$0x1D400] =	vst v63  }
0x64: {  	_ = 	snop  }
0x65: {  	[tilespmem:s31], [sflag:$0x3] =	stream.indirect.gather [hbm4b:s4+s28], $0x80, s30, s28, $0xb8;
	[tilespmem:$0x1D400] =	vst v63  }
0x66: {  	_ = 	snop  }
0x67: {  	[tilespmem:s1], [sflag:$0x4] =	stream.indirect.gather [hbm4b:s4+s28], $0x80, s0, s28, $0xb8;
	[tilespmem:$0x1D400] =	vst v63  }
0x68: {  	_ =	swait.ge [sflag:s21], $0x2000  }
0x69: {  	[sflag:s21] =	ssyncset.done $0x0  }
0x6a: {  	s16 =	simm.s32 $0xA00;
	[sflag:s21] =	ssyncadd.s32 $0xFFFFE000  }
0x6b: {  	[spmem:s2] =	stream.indirect.scatter.add.f32 [tilespmem:s20], [sflag:$0x5], $0x80, s16, s28, $0xb8;
	[tilespmem:$0x1D400] =	vst v63  }
0x6c: {  	_ =	swait.ge [sflag:s25], $0x2000  }
0x6d: {  	[sflag:s25] =	ssyncset.done $0x0  }
0x6e: {  	s15 =	simm.s32 $0x100;
	[sflag:s25] =	ssyncadd.s32 $0xFFFFE000  }
0x6f: {  	[tilespmem:s20], [sflag:$0x1] =	stream.indirect.gather [hbm4b:s4+s28], $0x80, s15, s28, $0xb8;
	[tilespmem:$0x1D400] =	vst v63  }
0x70: {  	_ =	swait.ge [sflag:s22], $0x2000  }
0x71: {  	[sflag:s22] =	ssyncset.done $0x0  }
0x72: {  	s16 =	simm.s32 $0xA40;
	[sflag:s22] =	ssyncadd.s32 $0xFFFFE000  }
0x73: {  	[spmem:s2] =	stream.indirect.scatter.add.f32 [tilespmem:s29], [sflag:$0x5], $0x80, s16, s28, $0xb8;
	[tilespmem:$0x1D400] =	vst v63  }
0x74: {  	_ =	swait.ge [sflag:s25], $0x2000  }
0x75: {  	[sflag:s25] =	ssyncset.done $0x0  }
0x76: {  	s15 =	simm.s32 $0x140;
	[sflag:s25] =	ssyncadd.s32 $0xFFFFE000  }
0x77: {  	[tilespmem:s29], [sflag:$0x2] =	stream.indirect.gather [hbm4b:s4+s28], $0x80, s15, s28, $0xb8;
	[tilespmem:$0x1D400] =	vst v63  }
0x78: {  	_ =	swait.ge [sflag:s23], $0x2000  }
0x79: {  	[sflag:s23] =	ssyncset.done $0x0  }
0x7a: {  	s16 =	simm.s32 $0xA80;
	[sflag:s23] =	ssyncadd.s32 $0xFFFFE000  }
0x7b: {  	[spmem:s2] =	stream.indirect.scatter.add.f32 [tilespmem:s31], [sflag:$0x5], $0x80, s16, s28, $0xb8;
	[tilespmem:$0x1D400] =	vst v63  }
0x7c: {  	_ =	swait.ge [sflag:s25], $0x2000  }
0x7d: {  	[sflag:s25] =	ssyncset.done $0x0  }
0x7e: {  	s15 =	simm.s32 $0x180;
	[sflag:s25] =	ssyncadd.s32 $0xFFFFE000  }
0x7f: {  	[tilespmem:s31], [sflag:$0x3] =	stream.indirect.gather [hbm4b:s4+s28], $0x80, s15, s28, $0xb8;
	[tilespmem:$0x1D400] =	vst v63  }
0x80: {  	_ =	swait.ge [sflag:s24], $0x2000  }
0x81: {  	[sflag:s24] =	ssyncset.done $0x0  }
0x82: {  	s16 =	simm.s32 $0xAC0;
	[sflag:s24] =	ssyncadd.s32 $0xFFFFE000  }
0x83: {  	[spmem:s2] =	stream.indirect.scatter.add.f32 [tilespmem:s1], [sflag:$0x5], $0x80, s16, s28, $0xb8;
	[tilespmem:$0x1D400] =	vst v63  }
0x84: {  	_ =	swait.ge [sflag:s25], $0x2000  }
0x85: {  	[sflag:s25] =	ssyncset.done $0x0  }
0x86: {  	s14 =	simm.s32 $0x400;
	s15 =	simm.s32 $0x1C0;
	[sflag:s25] =	ssyncadd.s32 $0xFFFFE000  }
.LBB2_5:
0x87: {  	[tilespmem:s1], [sflag:$0x4] =	stream.indirect.gather [hbm4b:s4+s28], $0x80, s15, s28, $0xb8;
	[tilespmem:$0x1D400] =	vst v63  }
0x88: {  	s15 =	smov.u32 s14  }
0x89: {  	p0 =	sne.s32 s14, $0x2000;
	s14 =	sadd.s32 $0x400, s14;
	_ =	swait.ge [sflag:s21], $0x2000  }
0x8a: {  	s15 =	sshra.s32 s15, $0x2;
	[sflag:s21] =	ssyncset.done $0x0  }
0x8b: {  	s16 =	sadd.s32 $0xA00, s15;
	[sflag:s21] =	ssyncadd.s32 $0xFFFFE000  }
0x8c: {  	[spmem:s2] =	stream.indirect.scatter.add.f32 [tilespmem:s20], [sflag:$0x5], $0x80, s16, s28, $0xb8;
	[tilespmem:$0x1D400] =	vst v63  }
0x8d: {  	_ =	swait.ge [sflag:s25], $0x2000  }
0x8e: {  	[sflag:s25] =	ssyncset.done $0x0  }
0x8f: {  	s16 =	sadd.s32 $0x100, s15;
	[sflag:s25] =	ssyncadd.s32 $0xFFFFE000  }
0x90: {  	[tilespmem:s20], [sflag:$0x1] =	stream.indirect.gather [hbm4b:s4+s28], $0x80, s16, s28, $0xb8;
	[tilespmem:$0x1D400] =	vst v63  }
0x91: {  	_ =	swait.ge [sflag:s22], $0x2000  }
0x92: {  	[sflag:s22] =	ssyncset.done $0x0  }
0x93: {  	s16 =	sadd.s32 $0xA40, s15;
	[sflag:s22] =	ssyncadd.s32 $0xFFFFE000  }
0x94: {  	[spmem:s2] =	stream.indirect.scatter.add.f32 [tilespmem:s29], [sflag:$0x5], $0x80, s16, s28, $0xb8;
	[tilespmem:$0x1D400] =	vst v63  }
0x95: {  	_ =	swait.ge [sflag:s25], $0x2000  }
0x96: {  	[sflag:s25] =	ssyncset.done $0x0  }
0x97: {  	s16 =	sadd.s32 $0x140, s15;
	[sflag:s25] =	ssyncadd.s32 $0xFFFFE000  }
0x98: {  	[tilespmem:s29], [sflag:$0x2] =	stream.indirect.gather [hbm4b:s4+s28], $0x80, s16, s28, $0xb8;
	[tilespmem:$0x1D400] =	vst v63  }
0x99: {  	_ =	swait.ge [sflag:s23], $0x2000  }
0x9a: {  	[sflag:s23] =	ssyncset.done $0x0  }
0x9b: {  	s16 =	sadd.s32 $0xA80, s15;
	[sflag:s23] =	ssyncadd.s32 $0xFFFFE000  }
0x9c: {  	[spmem:s2] =	stream.indirect.scatter.add.f32 [tilespmem:s31], [sflag:$0x5], $0x80, s16, s28, $0xb8;
	[tilespmem:$0x1D400] =	vst v63  }
0x9d: {  	_ =	swait.ge [sflag:s25], $0x2000  }
0x9e: {  	[sflag:s25] =	ssyncset.done $0x0  }
0x9f: {  	s16 =	sadd.s32 $0x180, s15;
	[sflag:s25] =	ssyncadd.s32 $0xFFFFE000  }
0xa0: {  	[tilespmem:s31], [sflag:$0x3] =	stream.indirect.gather [hbm4b:s4+s28], $0x80, s16, s28, $0xb8;
	[tilespmem:$0x1D400] =	vst v63  }
0xa1: {  	_ =	swait.ge [sflag:s24], $0x2000  }
0xa2: {  	[sflag:s24] =	ssyncset.done $0x0  }
.Ltmp1:
0xa3: {  	s16 =	sadd.s32 $0xAC0, s15;
	[sflag:s24] =	ssyncadd.s32 $0xFFFFE000;
	(pc) =	sbr.rel @p0 .LBB2_5-.Ltmp1, $4  }
0xa4: {  	[spmem:s2] =	stream.indirect.scatter.add.f32 [tilespmem:s1], [sflag:$0x5], $0x80, s16, s28, $0xb8;
	[tilespmem:$0x1D400] =	vst v63  }
0xa5: {  	_ =	swait.ge [sflag:s25], $0x2000  }
0xa6: {  	[sflag:s25] =	ssyncset.done $0x0  }
0xa7: {  	s15 =	sadd.s32 $0x1C0, s15;
	[sflag:s25] =	ssyncadd.s32 $0xFFFFE000  }
0xa8: {  	[tilespmem:s1], [sflag:$0x4] =	stream.indirect.gather [hbm4b:s4+s28], $0x80, s15, s28, $0xb8;
	[tilespmem:$0x1D400] =	vst v63  }
0xa9: {  	_ =	swait.ge [sflag:s21], $0x2000  }
0xaa: {  	[sflag:s21] =	ssyncset.done $0x0  }
0xab: {  	[sflag:s21] =	ssyncadd.s32 $0xFFFFE000  }
0xac: {  	[spmem:s2] =	stream.indirect.scatter.add.f32 [tilespmem:s20], [sflag:$0x5], $0x80, s3, s28, $0xb8;
	[tilespmem:$0x1D400] =	vst v63  }
0xad: {  	_ =	swait.ge [sflag:s25], $0x2000  }
0xae: {  	[sflag:s25] =	ssyncset.done $0x0  }
0xaf: {  	[sflag:s25] =	ssyncadd.s32 $0xFFFFE000  }
0xb0: {  	_ =	swait.ge [sflag:s22], $0x2000  }
0xb1: {  	[sflag:s22] =	ssyncset.done $0x0  }
0xb2: {  	[sflag:s22] =	ssyncadd.s32 $0xFFFFE000  }
0xb3: {  	[spmem:s2] =	stream.indirect.scatter.add.f32 [tilespmem:s29], [sflag:$0x5], $0x80, s8, s28, $0xb8;
	[tilespmem:$0x1D400] =	vst v63  }
0xb4: {  	_ =	swait.ge [sflag:s25], $0x2000  }
0xb5: {  	[sflag:s25] =	ssyncset.done $0x0  }
0xb6: {  	[sflag:s25] =	ssyncadd.s32 $0xFFFFE000  }
0xb7: {  	_ =	swait.ge [sflag:s23], $0x2000  }
0xb8: {  	[sflag:s23] =	ssyncset.done $0x0  }
0xb9: {  	[sflag:s23] =	ssyncadd.s32 $0xFFFFE000  }
0xba: {  	[spmem:s2] =	stream.indirect.scatter.add.f32 [tilespmem:s31], [sflag:$0x5], $0x80, s9, s28, $0xb8;
	[tilespmem:$0x1D400] =	vst v63  }
0xbb: {  	_ =	swait.ge [sflag:s25], $0x2000  }
0xbc: {  	[sflag:s25] =	ssyncset.done $0x0  }
0xbd: {  	[sflag:s25] =	ssyncadd.s32 $0xFFFFE000  }
0xbe: {  	s13 =	sadd.s32 $0x1, s13;
	_ =	swait.ge [sflag:s24], $0x2000  }
0xbf: {  	p0 =	sne.s32 s13, $0x4;
	[sflag:s24] =	ssyncset.done $0x0  }
.Ltmp2:
0xc0: {  	[sflag:s24] =	ssyncadd.s32 $0xFFFFE000;
	(pc) =	sbr.rel @p0 .LBB2_4-.Ltmp2, $4  }
0xc1: {  	[spmem:s2] =	stream.indirect.scatter.add.f32 [tilespmem:s1], [sflag:$0x5], $0x80, s10, s28, $0xb8;
	[tilespmem:$0x1D400] =	vst v63  }
0xc2: {  	_ =	swait.ge [sflag:s25], $0x2000  }
0xc3: {  	[sflag:s25] =	ssyncset.done $0x0  }
0xc4: {  	[sflag:s25] =	ssyncadd.s32 $0xFFFFE000  }
0xc5: {  	s12 =	stileid.u32;
	s11 =	sadd.s32 $0x1, s11  }
0xc6: {  	[bflag:$0x0] =	sbarrier.arrive $0xFFFF;
	s12 =	sshll.u32 s12, $0x6;
	p0 =	sne.s32 s11, s19  }
.Ltmp3:
0xc7: {  	s13 =	sshrl.u32 s7, $0x3;
	s12 =	sor.u32 $0x1C05, s12;
	(pc) =	sbr.rel @p0 .LBB2_1-.Ltmp3, $4  }
0xc8: {  	[hbm:s18], [sflag:s12] =	dma.local [spmem:s13], $0x2800  }
0xc9: {  	_ =	swait.ge [sflag:s25], $0x2800  }
0xca: {  	[sflag:s25] =	ssyncset.done $0x0  }
0xcb: {  	[sflag:s25] =	ssyncadd.s32 $0xFFFFD800  }
0xcc: {  	_ =	sfence.sel $0x180000  }
0xcd: {  	[bflag:$0x0] =	sbarrier.arrive $0xFFFF  }
0xce: {  	_ =	strace $0x9000004A  }
0xcf: {  	s0 =	stileid.u32;
	[bflag:$0x2] =	sbarrier.arrive $0xFFFF  }
0xd0: {  	p0 =	sne.s32 s0, $0x0;
	s0 =	rddreg [dreg:$0x2]  }
0xd1: {  	s0 =	sadd.s32 @!p0 $0x100000, s0  }
0xd2: {  	[sflag:s0] =	ssyncadd.tile.s32 @!p0 $0x1;
	_ =	shalt  }
.Lfunc_end2:
_tile_overlayer_lowered:
.L_overlay_start_2:
0xd3: {  	(tag) =	ssettag $0x2  }
0xd4: {  	s0 =	rddreg [dreg:$0x0];
	s2 =	stileid.u32  }
0xd5: {  	s1 =	rddreg [dreg:$0x1];
	p0 =	sne.s32 s2, $0x0  }
0xd6: {  	s3 =	rddreg [dreg:$0x2];
	[bflag:$0x3] =	sbarrier.arrive $0xFFFF;
	s2 =	simm.s32 @!p0 $0x1C05  }
0xd7: {  	[timem:s3], [sflag:s2] =	dma.local @!p0 [hbm:s0], s1  }
0xd8: {  	s0 =	simm.s32 @!p0 $0x5  }
0xd9: {  	_ =	swait.ge @!p0 [sflag:s0], s1  }
0xda: {  	s1 =	ssub.s32 @!p0 $0x0, s1;
	[sflag:s0] =	ssyncset.done @!p0 $0x0  }
0xdb: {  	[sflag:s0] =	ssyncadd.s32 @!p0 s1  }
0xdc: {  	[bflag:$0x3] =	sbarrier.arrive $0xFFFF  }
0xdd: {  	_ =	shalt  }

</sc_bundles>
